<compile_context>
chip_gen: v7x
topology: tpu7x:2x2x1
jax: 0.10.2.dev20260603
libtpu: 0.0.44.dev20260713+nightly
codegen_flags: <defaults>
</compile_context>

<pallas_src>
import functools

import jax
import jax.numpy as jnp
from jax import lax
from jax.experimental import pallas as pl
from jax.experimental.pallas import tpu as pltpu
from jax.experimental.pallas import tpu_sc as plsc

NC = 2
NS = 16
CHUNK = 128



def _make_sc_pass(np_rows: int, nch: int, trash: int, wl: int = 80):
    nst = nch + 4
    stripe = np_rows // NS
    n_zero = stripe // CHUNK

    mesh = plsc.VectorSubcoreMesh(
        core_axis_name="c", subcore_axis_name="s", num_cores=NC,
        num_subcores=NS)

    def body(hf, hb, cf3d, cb3d, tf, tb,
             idx_v, rows_v, acc_s,
             semg0, semg1, semi0, semi1, semi2, semi3):
        c = lax.axis_index("c")
        s = lax.axis_index("s")
        base = s * stripe
        semg = (semg0, semg1)
        semi = (semi0, semi1, semi2, semi3)

        zv = jnp.zeros((16,), jnp.float32)

        def zrow(i, _):
            for j in range(wl // 16):
                rows_v[0, i, pl.ds(j * 16, 16)] = zv
            return 0
        lax.fori_loop(0, CHUNK, zrow, 0)
        for k in range(n_zero):
            pltpu.sync_copy(rows_v.at[0],
                            acc_s.at[pl.ds(base + k * CHUNK, CHUNK)])
        plsc.subcore_barrier()

        def run(htab, c3d, t_out):
            row0 = s * nst

            def fire_idx(ch, r):
                pltpu.async_copy(c3d.at[row0 + ch], idx_v.at[r], semi[r])

            def wait_idx(ch, r):
                pltpu.make_async_copy(c3d.at[row0 + ch], idx_v.at[r],
                                      semi[r]).wait()

            def fire_g(r, b):
                pltpu.async_copy(htab.at[idx_v.at[r, 0]], rows_v.at[b],
                                 semg[b])

            def wait_g(r, b):
                pltpu.make_async_copy(htab.at[idx_v.at[r, 0]], rows_v.at[b],
                                      semg[b]).wait()

            for u in range(4):
                fire_idx(u, u)
            for u in range(2):
                wait_idx(u, u)
                fire_g(u, u)

            def step(q, _):
                cb = 4 * q
                for u in range(4):
                    ch = cb + u
                    b = u % 2
                    wait_g(u, b)
                    pltpu.sync_copy(rows_v.at[b], acc_s.at[idx_v.at[u, 1]],
                                    add=True)
                    fire_idx(ch + 4, u)
                    wait_idx(ch + 2, (u + 2) % 4)
                    fire_g((u + 2) % 4, b)
                return 0
            lax.fori_loop(0, nch // 4, step, 0)
            wait_g(0, 0)
            wait_g(1, 1)
            wait_idx(nch + 2, 2)
            wait_idx(nch + 3, 3)

            plsc.subcore_barrier()
            pltpu.sync_copy(acc_s.at[pl.ds(base, stripe)],
                            t_out.at[pl.ds(base, stripe)])

        @pl.when(c == 0)
        def _():
            run(hf, cf3d, tf)

        @pl.when(c == 1)
        def _():
            run(hb, cb3d, tb)

    out = jax.ShapeDtypeStruct((np_rows, wl), jnp.float32)
    return pl.kernel(
        body,
        out_type=(out, out),
        mesh=mesh,
        compiler_params=pltpu.CompilerParams(
            needs_layout_passes=False, use_tc_tiling_on_sc=False),
        scratch_types=[
            pltpu.VMEM((4, 2, CHUNK), jnp.int32),
            pltpu.VMEM((2, CHUNK, wl), jnp.float32),
            pltpu.VMEM_SHARED((np_rows, wl), jnp.float32),
            pltpu.SemaphoreType.DMA,
            pltpu.SemaphoreType.DMA,
            pltpu.SemaphoreType.DMA,
            pltpu.SemaphoreType.DMA,
            pltpu.SemaphoreType.DMA,
            pltpu.SemaphoreType.DMA,
        ],
    )



def _stage_body(hh, t, d, w1t, w2t, bm, wir, wiz, win,
                whr, whz, whn, bir, biz, binn, bhr, bhz, bhn, out):
    hv = hh[:, :64]
    feats = t[:, :64]
    deg = d[:, 64:65]
    aggr = (jnp.dot(feats, w1t[...], preferred_element_type=jnp.float32)
            + deg * (jnp.dot(hv, w2t[...],
                             preferred_element_type=jnp.float32) + bm[...]))
    gir = jnp.dot(aggr, wir[...], preferred_element_type=jnp.float32) + bir[...]
    giz = jnp.dot(aggr, wiz[...], preferred_element_type=jnp.float32) + biz[...]
    gin = jnp.dot(aggr, win[...], preferred_element_type=jnp.float32) + binn[...]
    ghr = jnp.dot(hv, whr[...], preferred_element_type=jnp.float32) + bhr[...]
    ghz = jnp.dot(hv, whz[...], preferred_element_type=jnp.float32) + bhz[...]
    ghn = jnp.dot(hv, whn[...], preferred_element_type=jnp.float32) + bhn[...]
    r = jax.nn.sigmoid(gir + ghr)
    z = jax.nn.sigmoid(giz + ghz)
    n = jnp.tanh(gin + r * ghn)
    hn = (1.0 - z) * n + z * hv
    blk = hn.shape[0]
    out[...] = jnp.concatenate(
        [hn, jnp.ones((blk, 1), jnp.float32),
         jnp.zeros((blk, 15), jnp.float32)], axis=1)


def _make_stage(np_rows: int, blk: int = 1024):
    grid = (np_rows // blk,)
    row = lambda i: (i, 0)
    full = lambda i: (0, 0)

    def spec(shape, imap):
        return pl.BlockSpec(shape, imap)

    in_specs = [
        spec((blk, 80), row),
        spec((blk, 80), row),
        spec((blk, 80), row),
        spec((64, 128), full),
        spec((64, 128), full),
        spec((1, 128), full),
        spec((128, 64), full), spec((128, 64), full), spec((128, 64), full),
        spec((64, 64), full), spec((64, 64), full), spec((64, 64), full),
        spec((1, 64), full), spec((1, 64), full), spec((1, 64), full),
        spec((1, 64), full), spec((1, 64), full), spec((1, 64), full),
    ]
    return pl.pallas_call(
        _stage_body,
        grid=grid,
        in_specs=in_specs,
        out_specs=spec((blk, 80), row),
        out_shape=jax.ShapeDtypeStruct((np_rows, 80), jnp.float32),
    )



def _dir_weights(Wm, bm, Wih, Whh, bih, bhh, l):
    wm = Wm[l]
    w1t = wm[:, :64].T
    w2t = wm[:, 64:].T
    wih_t = Wih[l].T
    whh_t = Whh[l].T
    return (w1t, w2t, bm[l].reshape(1, 128),
            wih_t[:, :64], wih_t[:, 64:128], wih_t[:, 128:],
            whh_t[:, :64], whh_t[:, 64:128], whh_t[:, 128:],
            bih[l][:64].reshape(1, 64), bih[l][64:128].reshape(1, 64),
            bih[l][128:].reshape(1, 64),
            bhh[l][:64].reshape(1, 64), bhh[l][64:128].reshape(1, 64),
            bhh[l][128:].reshape(1, 64))


def kernel(h, edge_index, Wmsg_f, bmsg_f, Wih_f, Whh_f, bih_f, bhh_f,
           Wmsg_b, bmsg_b, Wih_b, Whh_b, bih_b, bhh_b):
    n_nodes = h.shape[0]
    e = edge_index.shape[1]
    np_rows = -(-n_nodes // 2048) * 2048

    nch = -(-e // (NS * CHUNK))
    nch = -(-nch // 4) * 4
    nst = nch + 4

    src, dst = edge_index[0], edge_index[1]
    pad = jnp.full((NS * nch * CHUNK - e,), n_nodes, jnp.int32)

    def stage_idx(x):
        x3 = jnp.concatenate([x, pad]).reshape(NS, nch, CHUNK)
        x3 = jnp.pad(x3, ((0, 0), (0, 4), (0, 0)), constant_values=n_nodes)
        return x3.reshape(NS * nst, CHUNK)

    src2d = stage_idx(src)
    dst2d = stage_idx(dst)
    comb_f = jnp.stack([src2d, dst2d], axis=1)
    comb_b = jnp.stack([dst2d, src2d], axis=1)

    def ext_table(hx):
        t = jnp.zeros((np_rows, 80), jnp.float32)
        t = t.at[:n_nodes, :64].set(hx)
        t = t.at[:n_nodes, 64].set(1.0)
        return t

    hf0 = ext_table(h[:, :64])
    hb0 = ext_table(h[:, 64:])

    sc = _make_sc_pass(np_rows, nch, n_nodes)
    stage = _make_stage(np_rows)

    t0f, t0b = sc(hf0, hb0, comb_f, comb_b)
    hf1 = stage(hf0, t0f, t0f,
                *_dir_weights(Wmsg_f, bmsg_f, Wih_f, Whh_f, bih_f, bhh_f, 0))
    hb1 = stage(hb0, t0b, t0b,
                *_dir_weights(Wmsg_b, bmsg_b, Wih_b, Whh_b, bih_b, bhh_b, 0))

    t1f, t1b = sc(hf1, hb1, comb_f, comb_b)
    hf2 = stage(hf1, t1f, t0f,
                *_dir_weights(Wmsg_f, bmsg_f, Wih_f, Whh_f, bih_f, bhh_f, 1))
    hb2 = stage(hb1, t1b, t0b,
                *_dir_weights(Wmsg_b, bmsg_b, Wih_b, Whh_b, bih_b, bhh_b, 1))

    return jnp.concatenate([hf2[:n_nodes, :64], hb2[:n_nodes, :64]], axis=1)

# --- scband reference (transcript-rebuilt; emitter-appended) ---
"""Pipeline reference for scband-gnndecoder-25563645346114 (READ-ONLY COPY).

The authoritative reference and input builder live on the scoring server;
editing this copy changes nothing except your own understanding.
"""

import jax, jax.numpy as jnp
import numpy as np

N = 10000
NDIM = 128
HD = NDIM // 2
E = 320000
L = 2


def _params(key):
    ks = jax.random.split(key, 6)
    s = 0.05
    p = {}
    p["Wmsg_f"] = jax.random.normal(ks[0], (L, NDIM, NDIM), jnp.float32) * s
    p["bmsg_f"] = jnp.zeros((L, NDIM), jnp.float32)
    p["Wih_f"] = jax.random.normal(ks[1], (L, 3 * HD, NDIM), jnp.float32) * s
    p["Whh_f"] = jax.random.normal(ks[2], (L, 3 * HD, HD), jnp.float32) * s
    p["bih_f"] = jnp.zeros((L, 3 * HD), jnp.float32)
    p["bhh_f"] = jnp.zeros((L, 3 * HD), jnp.float32)
    p["Wmsg_b"] = jax.random.normal(ks[3], (L, NDIM, NDIM), jnp.float32) * s
    p["bmsg_b"] = jnp.zeros((L, NDIM), jnp.float32)
    p["Wih_b"] = jax.random.normal(ks[4], (L, 3 * HD, NDIM), jnp.float32) * s
    p["Whh_b"] = jax.random.normal(ks[5], (L, 3 * HD, HD), jnp.float32) * s
    p["bih_b"] = jnp.zeros((L, 3 * HD), jnp.float32)
    p["bhh_b"] = jnp.zeros((L, 3 * HD), jnp.float32)
    return p


def setup_inputs(seed: int = 0):
    key = jax.random.key(seed)
    k1, k2, k3 = jax.random.split(key, 3)
    inp = {
        "h": jax.random.normal(k1, (N, NDIM), jnp.float32),
        "edge_index": jax.random.randint(k2, (2, E), 0, N, dtype=jnp.int32),
    }
    inp.update(_params(k3))
    return inp


def _gru(x, h, Wih, Whh, bih, bhh):
    # PyTorch GRUCell semantics
    gi = x @ Wih.T + bih
    gh = h @ Whh.T + bhh
    ir, iz, inn = jnp.split(gi, 3, axis=1)
    hr, hz, hn = jnp.split(gh, 3, axis=1)
    r = jax.nn.sigmoid(ir + hr)
    z = jax.nn.sigmoid(iz + hz)
    n = jnp.tanh(inn + r * hn)
    return (1.0 - z) * n + z * h


def _layer(hh, src, dst, Wm, bm, Wih, Whh, bih, bhh):
    # PyG MessagePassing(aggr='add'), flow source_to_target:
    # message: cat([h_j, h_i]) -> Linear; scatter-add into target nodes; GRU update
    m = jnp.concatenate([hh[src], hh[dst]], axis=1) @ Wm.T + bm
    aggr = jnp.zeros((hh.shape[0], m.shape[1]), m.dtype).at[dst].add(m)
    return _gru(aggr, hh, Wih, Whh, bih, bhh)


def reference(h, edge_index, Wmsg_f, bmsg_f, Wih_f, Whh_f, bih_f, bhh_f, Wmsg_b, bmsg_b, Wih_b, Whh_b, bih_b, bhh_b):
    src, dst = edge_index[0], edge_index[1]
    h_f, h_b = jnp.split(h, 2, axis=1)
    for l in range(L):
        h_f = _layer(h_f, src, dst, Wmsg_f[l], bmsg_f[l], Wih_f[l], Whh_f[l], bih_f[l], bhh_f[l])
    # backward direction: edge_index[[1, 0]]
    for l in range(L):
        h_b = _layer(h_b, dst, src, Wmsg_b[l], bmsg_b[l], Wih_b[l], Whh_b[l], bih_b[l], bhh_b[l])
    return jnp.concatenate([h_f, h_b], axis=1)

if __name__ == "__main__":
    import jax
    _d = setup_inputs()
    print(jax.jit(kernel)(*tuple(_d.values())))

</pallas_src>

<mosaic_0001>
#map = affine_map<(d0, d1) -> (0, 0)>
#map1 = affine_map<(d0, d1) -> (0, 0, 0)>
module attributes {stable_mosaic.version = 14 : i64} {
  func.func @body(%arg0: i32, %arg1: i32, %arg2: memref<10240x80xf32, #tpu.memory_space<hbm>>, %arg3: memref<10240x80xf32, #tpu.memory_space<hbm>>, %arg4: memref<2624x2x128xi32, #tpu.memory_space<hbm>>, %arg5: memref<2624x2x128xi32, #tpu.memory_space<hbm>>, %arg6: memref<10240x80xf32, #tpu.memory_space<hbm>>, %arg7: memref<10240x80xf32, #tpu.memory_space<hbm>>, %arg8: memref<4x2x128xi32, #tpu.memory_space<vmem>>, %arg9: memref<2x128x80xf32, #tpu.memory_space<vmem>>, %arg10: memref<10240x80xf32, #tpu.memory_space<vmem_shared>>, %arg11: memref<!tpu.dma_semaphore, #tpu.memory_space<semaphore_mem>>, %arg12: memref<!tpu.dma_semaphore, #tpu.memory_space<semaphore_mem>>, %arg13: memref<!tpu.dma_semaphore, #tpu.memory_space<semaphore_mem>>, %arg14: memref<!tpu.dma_semaphore, #tpu.memory_space<semaphore_mem>>, %arg15: memref<!tpu.dma_semaphore, #tpu.memory_space<semaphore_mem>>, %arg16: memref<!tpu.dma_semaphore, #tpu.memory_space<semaphore_mem>>) attributes {dimension_semantics = [#tpu.dimension_semantics<core_parallel>, #tpu.dimension_semantics<subcore_parallel>], iteration_bounds = array<i64: 2, 16>, scalar_prefetch = 0 : i64, scratch_operands = 9 : i64, tpu.core_type = #tpu.core_type<sc_vector_subcore>, window_params = [{transform_indices = #map}, {transform_indices = #map}, {transform_indices = #map1}, {transform_indices = #map1}, {transform_indices = #map}, {transform_indices = #map}]} {
    %mul3A = arith.constant 640 : i32
    %mul3A_0 = arith.muli %arg1, %mul3A : i32
    %broadcast_in_dim3A = arith.constant 0.000000e+00 : f32
    %broadcast_in_dim3A_1 = vector.broadcast %broadcast_in_dim3A : f32 to vector<16xf32>
    %scan3A = arith.constant 0 : i32
    %scan3A_2 = arith.constant 0 : i32
    %scan3A_3 = arith.constant 128 : i32
    %scan3A_4 = arith.addi %scan3A_2, %scan3A_3 : i32
    %scan3A_5 = arith.constant 1 : i32
    %scan3A_6 = scf.for %scan3A_28 = %scan3A_2 to %scan3A_4 step %scan3A_5 iter_args(%scan3A_29 = %scan3A) -> (i32)  : i32 {
      %swap3A = arith.constant 0 : i32
      %swap3A_30 = arith.index_cast %swap3A : i32 to index
      %swap3A_31 = arith.index_cast %scan3A_28 : i32 to index
      %swap3A_32 = arith.constant 0 : index
      %swap3A_33 = tpu.vector_load %arg9[%swap3A_30, %swap3A_31, %swap3A_32] {strides = array<i32>} : memref<2x128x80xf32, #tpu.memory_space<vmem>>, vector<16xf32>,
      tpu.vector_store %arg9[%swap3A_30, %swap3A_31, %swap3A_32], %broadcast_in_dim3A_1 {strides = array<i32>} : memref<2x128x80xf32, #tpu.memory_space<vmem>>, vector<16xf32>,
      %swap3A_34 = arith.constant 0 : i32
      %swap3A_35 = arith.index_cast %swap3A_34 : i32 to index
      %swap3A_36 = arith.index_cast %scan3A_28 : i32 to index
      %swap3A_37 = arith.constant 16 : index
      %swap3A_38 = tpu.vector_load %arg9[%swap3A_35, %swap3A_36, %swap3A_37] {strides = array<i32>} : memref<2x128x80xf32, #tpu.memory_space<vmem>>, vector<16xf32>,
      tpu.vector_store %arg9[%swap3A_35, %swap3A_36, %swap3A_37], %broadcast_in_dim3A_1 {strides = array<i32>} : memref<2x128x80xf32, #tpu.memory_space<vmem>>, vector<16xf32>,
      %swap3A_39 = arith.constant 0 : i32
      %swap3A_40 = arith.index_cast %swap3A_39 : i32 to index
      %swap3A_41 = arith.index_cast %scan3A_28 : i32 to index
      %swap3A_42 = arith.constant 32 : index
      %swap3A_43 = tpu.vector_load %arg9[%swap3A_40, %swap3A_41, %swap3A_42] {strides = array<i32>} : memref<2x128x80xf32, #tpu.memory_space<vmem>>, vector<16xf32>,
      tpu.vector_store %arg9[%swap3A_40, %swap3A_41, %swap3A_42], %broadcast_in_dim3A_1 {strides = array<i32>} : memref<2x128x80xf32, #tpu.memory_space<vmem>>, vector<16xf32>,
      %swap3A_44 = arith.constant 0 : i32
      %swap3A_45 = arith.index_cast %swap3A_44 : i32 to index
      %swap3A_46 = arith.index_cast %scan3A_28 : i32 to index
      %swap3A_47 = arith.constant 48 : index
      %swap3A_48 = tpu.vector_load %arg9[%swap3A_45, %swap3A_46, %swap3A_47] {strides = array<i32>} : memref<2x128x80xf32, #tpu.memory_space<vmem>>, vector<16xf32>,
      tpu.vector_store %arg9[%swap3A_45, %swap3A_46, %swap3A_47], %broadcast_in_dim3A_1 {strides = array<i32>} : memref<2x128x80xf32, #tpu.memory_space<vmem>>, vector<16xf32>,
      %swap3A_49 = arith.constant 0 : i32
      %swap3A_50 = arith.index_cast %swap3A_49 : i32 to index
      %swap3A_51 = arith.index_cast %scan3A_28 : i32 to index
      %swap3A_52 = arith.constant 64 : index
      %swap3A_53 = tpu.vector_load %arg9[%swap3A_50, %swap3A_51, %swap3A_52] {strides = array<i32>} : memref<2x128x80xf32, #tpu.memory_space<vmem>>, vector<16xf32>,
      tpu.vector_store %arg9[%swap3A_50, %swap3A_51, %swap3A_52], %broadcast_in_dim3A_1 {strides = array<i32>} : memref<2x128x80xf32, #tpu.memory_space<vmem>>, vector<16xf32>,
      %scan3A_54 = arith.constant 0 : i32
      scf.yield %scan3A_54 : i32
    }
    %scan3A_7 = arith.constant 128 : i32
    %add3A = arith.constant 0 : i32
    %add3A_8 = arith.addi %mul3A_0, %add3A : i32
    %run_scoped3A = arith.constant 0 : i32
    "tpu.region"() ({
      %run_scoped3A_28 = tpu.sem_alloc : memref<!tpu.dma_semaphore, #tpu.memory_space<semaphore_mem>>
      %dma_start3A = arith.constant 0 : i32
      %dma_start3A_29 = arith.constant 0 : i32
      %dma_start3A_30 = tpu.memref_slice %arg9[%run_scoped3A, %dma_start3A, %dma_start3A_29] : memref<2x128x80xf32, #tpu.memory_space<vmem>> -> memref<1x128x80xf32, #tpu.memory_space<vmem>>
      %dma_start3A_31 = tpu.memref_squeeze %dma_start3A_30 : memref<1x128x80xf32, #tpu.memory_space<vmem>> -> memref<128x80xf32, #tpu.memory_space<vmem>>
      %dma_start3A_32 = arith.constant 0 : i32
      %dma_start3A_33 = tpu.memref_slice %arg10[%add3A_8, %dma_start3A_32] : memref<10240x80xf32, #tpu.memory_space<vmem_shared>> -> memref<128x80xf32, #tpu.memory_space<vmem_shared>>
      %dma_start3A_34 = arith.constant 0 : i32
      %dma_start3A_35 = tpu.memref_slice %arg10[%add3A_8, %dma_start3A_34] : memref<10240x80xf32, #tpu.memory_space<vmem_shared>> -> memref<128x80xf32, #tpu.memory_space<vmem_shared>>
      %dma_start3A_36 = arith.constant 0 : i32
      %dma_start3A_37 = arith.constant 0 : i32
      %dma_start3A_38 = tpu.memref_slice %arg9[%run_scoped3A, %dma_start3A_36, %dma_start3A_37] : memref<2x128x80xf32, #tpu.memory_space<vmem>> -> memref<1x128x80xf32, #tpu.memory_space<vmem>>
      %dma_start3A_39 = tpu.memref_squeeze %dma_start3A_38 : memref<1x128x80xf32, #tpu.memory_space<vmem>> -> memref<128x80xf32, #tpu.memory_space<vmem>>
      tpu.enqueue_dma source(%dma_start3A_39 : memref<128x80xf32, #tpu.memory_space<vmem>>) target(%dma_start3A_35 : memref<128x80xf32, #tpu.memory_space<vmem_shared>>) target_semaphore(%run_scoped3A_28 : memref<!tpu.dma_semaphore, #tpu.memory_space<semaphore_mem>>)
      %dma_wait3A = arith.constant 0 : i32
      %dma_wait3A_40 = arith.constant 0 : i32
      %dma_wait3A_41 = tpu.memref_slice %arg9[%run_scoped3A, %dma_wait3A, %dma_wait3A_40] : memref<2x128x80xf32, #tpu.memory_space<vmem>> -> memref<1x128x80xf32, #tpu.memory_space<vmem>>
      %dma_wait3A_42 = tpu.memref_squeeze %dma_wait3A_41 : memref<1x128x80xf32, #tpu.memory_space<vmem>> -> memref<128x80xf32, #tpu.memory_space<vmem>>
      %dma_wait3A_43 = arith.constant 0 : i32
      %dma_wait3A_44 = tpu.memref_slice %arg10[%add3A_8, %dma_wait3A_43] : memref<10240x80xf32, #tpu.memory_space<vmem_shared>> -> memref<128x80xf32, #tpu.memory_space<vmem_shared>>
      %dma_wait3A_45 = arith.constant 0 : i32
      %dma_wait3A_46 = tpu.memref_slice %arg10[%add3A_8, %dma_wait3A_45] : memref<10240x80xf32, #tpu.memory_space<vmem_shared>> -> memref<128x80xf32, #tpu.memory_space<vmem_shared>>
      %dma_wait3A_47 = arith.constant 0 : i32
      %dma_wait3A_48 = arith.constant 0 : i32
      %dma_wait3A_49 = tpu.memref_slice %arg9[%run_scoped3A, %dma_wait3A_47, %dma_wait3A_48] : memref<2x128x80xf32, #tpu.memory_space<vmem>> -> memref<1x128x80xf32, #tpu.memory_space<vmem>>
      %dma_wait3A_50 = tpu.memref_squeeze %dma_wait3A_49 : memref<1x128x80xf32, #tpu.memory_space<vmem>> -> memref<128x80xf32, #tpu.memory_space<vmem>>
      tpu.wait_dma2 semaphore(%run_scoped3A_28 : memref<!tpu.dma_semaphore, #tpu.memory_space<semaphore_mem>>) src(%dma_wait3A_50 : memref<128x80xf32, #tpu.memory_space<vmem>>) dst(%dma_wait3A_46 : memref<128x80xf32, #tpu.memory_space<vmem_shared>>)
      tpu.yield
    }) : () -> ()
    %add3A_9 = arith.constant 128 : i32
    %add3A_10 = arith.addi %mul3A_0, %add3A_9 : i32
    %run_scoped3A_11 = arith.constant 0 : i32
    "tpu.region"() ({
      %run_scoped3A_28 = tpu.sem_alloc : memref<!tpu.dma_semaphore, #tpu.memory_space<semaphore_mem>>
      %dma_start3A = arith.constant 0 : i32
      %dma_start3A_29 = arith.constant 0 : i32
      %dma_start3A_30 = tpu.memref_slice %arg9[%run_scoped3A_11, %dma_start3A, %dma_start3A_29] : memref<2x128x80xf32, #tpu.memory_space<vmem>> -> memref<1x128x80xf32, #tpu.memory_space<vmem>>
      %dma_start3A_31 = tpu.memref_squeeze %dma_start3A_30 : memref<1x128x80xf32, #tpu.memory_space<vmem>> -> memref<128x80xf32, #tpu.memory_space<vmem>>
      %dma_start3A_32 = arith.constant 0 : i32
      %dma_start3A_33 = tpu.memref_slice %arg10[%add3A_10, %dma_start3A_32] : memref<10240x80xf32, #tpu.memory_space<vmem_shared>> -> memref<128x80xf32, #tpu.memory_space<vmem_shared>>
      %dma_start3A_34 = arith.constant 0 : i32
      %dma_start3A_35 = tpu.memref_slice %arg10[%add3A_10, %dma_start3A_34] : memref<10240x80xf32, #tpu.memory_space<vmem_shared>> -> memref<128x80xf32, #tpu.memory_space<vmem_shared>>
      %dma_start3A_36 = arith.constant 0 : i32
      %dma_start3A_37 = arith.constant 0 : i32
      %dma_start3A_38 = tpu.memref_slice %arg9[%run_scoped3A_11, %dma_start3A_36, %dma_start3A_37] : memref<2x128x80xf32, #tpu.memory_space<vmem>> -> memref<1x128x80xf32, #tpu.memory_space<vmem>>
      %dma_start3A_39 = tpu.memref_squeeze %dma_start3A_38 : memref<1x128x80xf32, #tpu.memory_space<vmem>> -> memref<128x80xf32, #tpu.memory_space<vmem>>
      tpu.enqueue_dma source(%dma_start3A_39 : memref<128x80xf32, #tpu.memory_space<vmem>>) target(%dma_start3A_35 : memref<128x80xf32, #tpu.memory_space<vmem_shared>>) target_semaphore(%run_scoped3A_28 : memref<!tpu.dma_semaphore, #tpu.memory_space<semaphore_mem>>)
      %dma_wait3A = arith.constant 0 : i32
      %dma_wait3A_40 = arith.constant 0 : i32
      %dma_wait3A_41 = tpu.memref_slice %arg9[%run_scoped3A_11, %dma_wait3A, %dma_wait3A_40] : memref<2x128x80xf32, #tpu.memory_space<vmem>> -> memref<1x128x80xf32, #tpu.memory_space<vmem>>
      %dma_wait3A_42 = tpu.memref_squeeze %dma_wait3A_41 : memref<1x128x80xf32, #tpu.memory_space<vmem>> -> memref<128x80xf32, #tpu.memory_space<vmem>>
      %dma_wait3A_43 = arith.constant 0 : i32
      %dma_wait3A_44 = tpu.memref_slice %arg10[%add3A_10, %dma_wait3A_43] : memref<10240x80xf32, #tpu.memory_space<vmem_shared>> -> memref<128x80xf32, #tpu.memory_space<vmem_shared>>
      %dma_wait3A_45 = arith.constant 0 : i32
      %dma_wait3A_46 = tpu.memref_slice %arg10[%add3A_10, %dma_wait3A_45] : memref<10240x80xf32, #tpu.memory_space<vmem_shared>> -> memref<128x80xf32, #tpu.memory_space<vmem_shared>>
      %dma_wait3A_47 = arith.constant 0 : i32
      %dma_wait3A_48 = arith.constant 0 : i32
      %dma_wait3A_49 = tpu.memref_slice %arg9[%run_scoped3A_11, %dma_wait3A_47, %dma_wait3A_48] : memref<2x128x80xf32, #tpu.memory_space<vmem>> -> memref<1x128x80xf32, #tpu.memory_space<vmem>>
      %dma_wait3A_50 = tpu.memref_squeeze %dma_wait3A_49 : memref<1x128x80xf32, #tpu.memory_space<vmem>> -> memref<128x80xf32, #tpu.memory_space<vmem>>
      tpu.wait_dma2 semaphore(%run_scoped3A_28 : memref<!tpu.dma_semaphore, #tpu.memory_space<semaphore_mem>>) src(%dma_wait3A_50 : memref<128x80xf32, #tpu.memory_space<vmem>>) dst(%dma_wait3A_46 : memref<128x80xf32, #tpu.memory_space<vmem_shared>>)
      tpu.yield
    }) : () -> ()
    %add3A_12 = arith.constant 256 : i32
    %add3A_13 = arith.addi %mul3A_0, %add3A_12 : i32
    %run_scoped3A_14 = arith.constant 0 : i32
    "tpu.region"() ({
      %run_scoped3A_28 = tpu.sem_alloc : memref<!tpu.dma_semaphore, #tpu.memory_space<semaphore_mem>>
      %dma_start3A = arith.constant 0 : i32
      %dma_start3A_29 = arith.constant 0 : i32
      %dma_start3A_30 = tpu.memref_slice %arg9[%run_scoped3A_14, %dma_start3A, %dma_start3A_29] : memref<2x128x80xf32, #tpu.memory_space<vmem>> -> memref<1x128x80xf32, #tpu.memory_space<vmem>>
      %dma_start3A_31 = tpu.memref_squeeze %dma_start3A_30 : memref<1x128x80xf32, #tpu.memory_space<vmem>> -> memref<128x80xf32, #tpu.memory_space<vmem>>
      %dma_start3A_32 = arith.constant 0 : i32
      %dma_start3A_33 = tpu.memref_slice %arg10[%add3A_13, %dma_start3A_32] : memref<10240x80xf32, #tpu.memory_space<vmem_shared>> -> memref<128x80xf32, #tpu.memory_space<vmem_shared>>
      %dma_start3A_34 = arith.constant 0 : i32
      %dma_start3A_35 = tpu.memref_slice %arg10[%add3A_13, %dma_start3A_34] : memref<10240x80xf32, #tpu.memory_space<vmem_shared>> -> memref<128x80xf32, #tpu.memory_space<vmem_shared>>
      %dma_start3A_36 = arith.constant 0 : i32
      %dma_start3A_37 = arith.constant 0 : i32
      %dma_start3A_38 = tpu.memref_slice %arg9[%run_scoped3A_14, %dma_start3A_36, %dma_start3A_37] : memref<2x128x80xf32, #tpu.memory_space<vmem>> -> memref<1x128x80xf32, #tpu.memory_space<vmem>>
      %dma_start3A_39 = tpu.memref_squeeze %dma_start3A_38 : memref<1x128x80xf32, #tpu.memory_space<vmem>> -> memref<128x80xf32, #tpu.memory_space<vmem>>
      tpu.enqueue_dma source(%dma_start3A_39 : memref<128x80xf32, #tpu.memory_space<vmem>>) target(%dma_start3A_35 : memref<128x80xf32, #tpu.memory_space<vmem_shared>>) target_semaphore(%run_scoped3A_28 : memref<!tpu.dma_semaphore, #tpu.memory_space<semaphore_mem>>)
      %dma_wait3A = arith.constant 0 : i32
      %dma_wait3A_40 = arith.constant 0 : i32
      %dma_wait3A_41 = tpu.memref_slice %arg9[%run_scoped3A_14, %dma_wait3A, %dma_wait3A_40] : memref<2x128x80xf32, #tpu.memory_space<vmem>> -> memref<1x128x80xf32, #tpu.memory_space<vmem>>
      %dma_wait3A_42 = tpu.memref_squeeze %dma_wait3A_41 : memref<1x128x80xf32, #tpu.memory_space<vmem>> -> memref<128x80xf32, #tpu.memory_space<vmem>>
      %dma_wait3A_43 = arith.constant 0 : i32
      %dma_wait3A_44 = tpu.memref_slice %arg10[%add3A_13, %dma_wait3A_43] : memref<10240x80xf32, #tpu.memory_space<vmem_shared>> -> memref<128x80xf32, #tpu.memory_space<vmem_shared>>
      %dma_wait3A_45 = arith.constant 0 : i32
      %dma_wait3A_46 = tpu.memref_slice %arg10[%add3A_13, %dma_wait3A_45] : memref<10240x80xf32, #tpu.memory_space<vmem_shared>> -> memref<128x80xf32, #tpu.memory_space<vmem_shared>>
      %dma_wait3A_47 = arith.constant 0 : i32
      %dma_wait3A_48 = arith.constant 0 : i32
      %dma_wait3A_49 = tpu.memref_slice %arg9[%run_scoped3A_14, %dma_wait3A_47, %dma_wait3A_48] : memref<2x128x80xf32, #tpu.memory_space<vmem>> -> memref<1x128x80xf32, #tpu.memory_space<vmem>>
      %dma_wait3A_50 = tpu.memref_squeeze %dma_wait3A_49 : memref<1x128x80xf32, #tpu.memory_space<vmem>> -> memref<128x80xf32, #tpu.memory_space<vmem>>
      tpu.wait_dma2 semaphore(%run_scoped3A_28 : memref<!tpu.dma_semaphore, #tpu.memory_space<semaphore_mem>>) src(%dma_wait3A_50 : memref<128x80xf32, #tpu.memory_space<vmem>>) dst(%dma_wait3A_46 : memref<128x80xf32, #tpu.memory_space<vmem_shared>>)
      tpu.yield
    }) : () -> ()
    %add3A_15 = arith.constant 384 : i32
    %add3A_16 = arith.addi %mul3A_0, %add3A_15 : i32
    %run_scoped3A_17 = arith.constant 0 : i32
    "tpu.region"() ({
      %run_scoped3A_28 = tpu.sem_alloc : memref<!tpu.dma_semaphore, #tpu.memory_space<semaphore_mem>>
      %dma_start3A = arith.constant 0 : i32
      %dma_start3A_29 = arith.constant 0 : i32
      %dma_start3A_30 = tpu.memref_slice %arg9[%run_scoped3A_17, %dma_start3A, %dma_start3A_29] : memref<2x128x80xf32, #tpu.memory_space<vmem>> -> memref<1x128x80xf32, #tpu.memory_space<vmem>>
      %dma_start3A_31 = tpu.memref_squeeze %dma_start3A_30 : memref<1x128x80xf32, #tpu.memory_space<vmem>> -> memref<128x80xf32, #tpu.memory_space<vmem>>
      %dma_start3A_32 = arith.constant 0 : i32
      %dma_start3A_33 = tpu.memref_slice %arg10[%add3A_16, %dma_start3A_32] : memref<10240x80xf32, #tpu.memory_space<vmem_shared>> -> memref<128x80xf32, #tpu.memory_space<vmem_shared>>
      %dma_start3A_34 = arith.constant 0 : i32
      %dma_start3A_35 = tpu.memref_slice %arg10[%add3A_16, %dma_start3A_34] : memref<10240x80xf32, #tpu.memory_space<vmem_shared>> -> memref<128x80xf32, #tpu.memory_space<vmem_shared>>
      %dma_start3A_36 = arith.constant 0 : i32
      %dma_start3A_37 = arith.constant 0 : i32
      %dma_start3A_38 = tpu.memref_slice %arg9[%run_scoped3A_17, %dma_start3A_36, %dma_start3A_37] : memref<2x128x80xf32, #tpu.memory_space<vmem>> -> memref<1x128x80xf32, #tpu.memory_space<vmem>>
      %dma_start3A_39 = tpu.memref_squeeze %dma_start3A_38 : memref<1x128x80xf32, #tpu.memory_space<vmem>> -> memref<128x80xf32, #tpu.memory_space<vmem>>
      tpu.enqueue_dma source(%dma_start3A_39 : memref<128x80xf32, #tpu.memory_space<vmem>>) target(%dma_start3A_35 : memref<128x80xf32, #tpu.memory_space<vmem_shared>>) target_semaphore(%run_scoped3A_28 : memref<!tpu.dma_semaphore, #tpu.memory_space<semaphore_mem>>)
      %dma_wait3A = arith.constant 0 : i32
      %dma_wait3A_40 = arith.constant 0 : i32
      %dma_wait3A_41 = tpu.memref_slice %arg9[%run_scoped3A_17, %dma_wait3A, %dma_wait3A_40] : memref<2x128x80xf32, #tpu.memory_space<vmem>> -> memref<1x128x80xf32, #tpu.memory_space<vmem>>
      %dma_wait3A_42 = tpu.memref_squeeze %dma_wait3A_41 : memref<1x128x80xf32, #tpu.memory_space<vmem>> -> memref<128x80xf32, #tpu.memory_space<vmem>>
      %dma_wait3A_43 = arith.constant 0 : i32
      %dma_wait3A_44 = tpu.memref_slice %arg10[%add3A_16, %dma_wait3A_43] : memref<10240x80xf32, #tpu.memory_space<vmem_shared>> -> memref<128x80xf32, #tpu.memory_space<vmem_shared>>
      %dma_wait3A_45 = arith.constant 0 : i32
      %dma_wait3A_46 = tpu.memref_slice %arg10[%add3A_16, %dma_wait3A_45] : memref<10240x80xf32, #tpu.memory_space<vmem_shared>> -> memref<128x80xf32, #tpu.memory_space<vmem_shared>>
      %dma_wait3A_47 = arith.constant 0 : i32
      %dma_wait3A_48 = arith.constant 0 : i32
      %dma_wait3A_49 = tpu.memref_slice %arg9[%run_scoped3A_17, %dma_wait3A_47, %dma_wait3A_48] : memref<2x128x80xf32, #tpu.memory_space<vmem>> -> memref<1x128x80xf32, #tpu.memory_space<vmem>>
      %dma_wait3A_50 = tpu.memref_squeeze %dma_wait3A_49 : memref<1x128x80xf32, #tpu.memory_space<vmem>> -> memref<128x80xf32, #tpu.memory_space<vmem>>
      tpu.wait_dma2 semaphore(%run_scoped3A_28 : memref<!tpu.dma_semaphore, #tpu.memory_space<semaphore_mem>>) src(%dma_wait3A_50 : memref<128x80xf32, #tpu.memory_space<vmem>>) dst(%dma_wait3A_46 : memref<128x80xf32, #tpu.memory_space<vmem_shared>>)
      tpu.yield
    }) : () -> ()
    %add3A_18 = arith.constant 512 : i32
    %add3A_19 = arith.addi %mul3A_0, %add3A_18 : i32
    %run_scoped3A_20 = arith.constant 0 : i32
    "tpu.region"() ({
      %run_scoped3A_28 = tpu.sem_alloc : memref<!tpu.dma_semaphore, #tpu.memory_space<semaphore_mem>>
      %dma_start3A = arith.constant 0 : i32
      %dma_start3A_29 = arith.constant 0 : i32
      %dma_start3A_30 = tpu.memref_slice %arg9[%run_scoped3A_20, %dma_start3A, %dma_start3A_29] : memref<2x128x80xf32, #tpu.memory_space<vmem>> -> memref<1x128x80xf32, #tpu.memory_space<vmem>>
      %dma_start3A_31 = tpu.memref_squeeze %dma_start3A_30 : memref<1x128x80xf32, #tpu.memory_space<vmem>> -> memref<128x80xf32, #tpu.memory_space<vmem>>
      %dma_start3A_32 = arith.constant 0 : i32
      %dma_start3A_33 = tpu.memref_slice %arg10[%add3A_19, %dma_start3A_32] : memref<10240x80xf32, #tpu.memory_space<vmem_shared>> -> memref<128x80xf32, #tpu.memory_space<vmem_shared>>
      %dma_start3A_34 = arith.constant 0 : i32
      %dma_start3A_35 = tpu.memref_slice %arg10[%add3A_19, %dma_start3A_34] : memref<10240x80xf32, #tpu.memory_space<vmem_shared>> -> memref<128x80xf32, #tpu.memory_space<vmem_shared>>
      %dma_start3A_36 = arith.constant 0 : i32
      %dma_start3A_37 = arith.constant 0 : i32
      %dma_start3A_38 = tpu.memref_slice %arg9[%run_scoped3A_20, %dma_start3A_36, %dma_start3A_37] : memref<2x128x80xf32, #tpu.memory_space<vmem>> -> memref<1x128x80xf32, #tpu.memory_space<vmem>>
      %dma_start3A_39 = tpu.memref_squeeze %dma_start3A_38 : memref<1x128x80xf32, #tpu.memory_space<vmem>> -> memref<128x80xf32, #tpu.memory_space<vmem>>
      tpu.enqueue_dma source(%dma_start3A_39 : memref<128x80xf32, #tpu.memory_space<vmem>>) target(%dma_start3A_35 : memref<128x80xf32, #tpu.memory_space<vmem_shared>>) target_semaphore(%run_scoped3A_28 : memref<!tpu.dma_semaphore, #tpu.memory_space<semaphore_mem>>)
      %dma_wait3A = arith.constant 0 : i32
      %dma_wait3A_40 = arith.constant 0 : i32
      %dma_wait3A_41 = tpu.memref_slice %arg9[%run_scoped3A_20, %dma_wait3A, %dma_wait3A_40] : memref<2x128x80xf32, #tpu.memory_space<vmem>> -> memref<1x128x80xf32, #tpu.memory_space<vmem>>
      %dma_wait3A_42 = tpu.memref_squeeze %dma_wait3A_41 : memref<1x128x80xf32, #tpu.memory_space<vmem>> -> memref<128x80xf32, #tpu.memory_space<vmem>>
      %dma_wait3A_43 = arith.constant 0 : i32
      %dma_wait3A_44 = tpu.memref_slice %arg10[%add3A_19, %dma_wait3A_43] : memref<10240x80xf32, #tpu.memory_space<vmem_shared>> -> memref<128x80xf32, #tpu.memory_space<vmem_shared>>
      %dma_wait3A_45 = arith.constant 0 : i32
      %dma_wait3A_46 = tpu.memref_slice %arg10[%add3A_19, %dma_wait3A_45] : memref<10240x80xf32, #tpu.memory_space<vmem_shared>> -> memref<128x80xf32, #tpu.memory_space<vmem_shared>>
      %dma_wait3A_47 = arith.constant 0 : i32
      %dma_wait3A_48 = arith.constant 0 : i32
      %dma_wait3A_49 = tpu.memref_slice %arg9[%run_scoped3A_20, %dma_wait3A_47, %dma_wait3A_48] : memref<2x128x80xf32, #tpu.memory_space<vmem>> -> memref<1x128x80xf32, #tpu.memory_space<vmem>>
      %dma_wait3A_50 = tpu.memref_squeeze %dma_wait3A_49 : memref<1x128x80xf32, #tpu.memory_space<vmem>> -> memref<128x80xf32, #tpu.memory_space<vmem>>
      tpu.wait_dma2 semaphore(%run_scoped3A_28 : memref<!tpu.dma_semaphore, #tpu.memory_space<semaphore_mem>>) src(%dma_wait3A_50 : memref<128x80xf32, #tpu.memory_space<vmem>>) dst(%dma_wait3A_46 : memref<128x80xf32, #tpu.memory_space<vmem_shared>>)
      tpu.yield
    }) : () -> ()
    %barrier3A = arith.constant 0 : index
    tpu.barrier barrier_id(%barrier3A)
    %eq3A = arith.constant 0 : i32
    %eq3A_21 = arith.cmpi eq, %arg0, %eq3A : i32
    %convert_element_type3A = arith.extui %eq3A_21 : i1 to i32
    %cond3A = arith.constant 0 : i32
    %cond3A_22 = arith.cmpi ne, %convert_element_type3A, %cond3A : i32
    scf.if %cond3A_22 {
      %mul3A_28 = arith.constant 164 : i32
      %mul3A_29 = arith.muli %arg1, %mul3A_28 : i32
      %add3A_30 = arith.constant 0 : i32
      %add3A_31 = arith.addi %mul3A_29, %add3A_30 : i32
      %dma_start3A = arith.constant 0 : i32
      %dma_start3A_32 = arith.constant 0 : i32
      %dma_start3A_33 = arith.constant 0 : i32
      %dma_start3A_34 = tpu.memref_slice %arg8[%dma_start3A, %dma_start3A_32, %dma_start3A_33] : memref<4x2x128xi32, #tpu.memory_space<vmem>> -> memref<1x2x128xi32, #tpu.memory_space<vmem>>
      %dma_start3A_35 = tpu.memref_squeeze %dma_start3A_34 : memref<1x2x128xi32, #tpu.memory_space<vmem>> -> memref<2x128xi32, #tpu.memory_space<vmem>>
      %dma_start3A_36 = arith.constant 0 : i32
      %dma_start3A_37 = arith.constant 0 : i32
      %dma_start3A_38 = tpu.memref_slice %arg4[%add3A_31, %dma_start3A_36, %dma_start3A_37] : memref<2624x2x128xi32, #tpu.memory_space<hbm>> -> memref<1x2x128xi32, #tpu.memory_space<hbm>>
      %dma_start3A_39 = tpu.memref_squeeze %dma_start3A_38 : memref<1x2x128xi32, #tpu.memory_space<hbm>> -> memref<2x128xi32, #tpu.memory_space<hbm>>
      %dma_start3A_40 = arith.constant 0 : i32
      %dma_start3A_41 = arith.constant 0 : i32
      %dma_start3A_42 = tpu.memref_slice %arg8[%dma_start3A, %dma_start3A_40, %dma_start3A_41] : memref<4x2x128xi32, #tpu.memory_space<vmem>> -> memref<1x2x128xi32, #tpu.memory_space<vmem>>
      %dma_start3A_43 = tpu.memref_squeeze %dma_start3A_42 : memref<1x2x128xi32, #tpu.memory_space<vmem>> -> memref<2x128xi32, #tpu.memory_space<vmem>>
      %dma_start3A_44 = arith.constant 0 : i32
      %dma_start3A_45 = arith.constant 0 : i32
      %dma_start3A_46 = tpu.memref_slice %arg4[%add3A_31, %dma_start3A_44, %dma_start3A_45] : memref<2624x2x128xi32, #tpu.memory_space<hbm>> -> memref<1x2x128xi32, #tpu.memory_space<hbm>>
      %dma_start3A_47 = tpu.memref_squeeze %dma_start3A_46 : memref<1x2x128xi32, #tpu.memory_space<hbm>> -> memref<2x128xi32, #tpu.memory_space<hbm>>
      tpu.enqueue_dma source(%dma_start3A_47 : memref<2x128xi32, #tpu.memory_space<hbm>>) target(%dma_start3A_43 : memref<2x128xi32, #tpu.memory_space<vmem>>) target_semaphore(%arg13 : memref<!tpu.dma_semaphore, #tpu.memory_space<semaphore_mem>>)
      %add3A_48 = arith.constant 1 : i32
      %add3A_49 = arith.addi %mul3A_29, %add3A_48 : i32
      %dma_start3A_50 = arith.constant 1 : i32
      %dma_start3A_51 = arith.constant 0 : i32
      %dma_start3A_52 = arith.constant 0 : i32
      %dma_start3A_53 = tpu.memref_slice %arg8[%dma_start3A_50, %dma_start3A_51, %dma_start3A_52] : memref<4x2x128xi32, #tpu.memory_space<vmem>> -> memref<1x2x128xi32, #tpu.memory_space<vmem>>
      %dma_start3A_54 = tpu.memref_squeeze %dma_start3A_53 : memref<1x2x128xi32, #tpu.memory_space<vmem>> -> memref<2x128xi32, #tpu.memory_space<vmem>>
      %dma_start3A_55 = arith.constant 0 : i32
      %dma_start3A_56 = arith.constant 0 : i32
      %dma_start3A_57 = tpu.memref_slice %arg4[%add3A_49, %dma_start3A_55, %dma_start3A_56] : memref<2624x2x128xi32, #tpu.memory_space<hbm>> -> memref<1x2x128xi32, #tpu.memory_space<hbm>>
      %dma_start3A_58 = tpu.memref_squeeze %dma_start3A_57 : memref<1x2x128xi32, #tpu.memory_space<hbm>> -> memref<2x128xi32, #tpu.memory_space<hbm>>
      %dma_start3A_59 = arith.constant 0 : i32
      %dma_start3A_60 = arith.constant 0 : i32
      %dma_start3A_61 = tpu.memref_slice %arg8[%dma_start3A_50, %dma_start3A_59, %dma_start3A_60] : memref<4x2x128xi32, #tpu.memory_space<vmem>> -> memref<1x2x128xi32, #tpu.memory_space<vmem>>
      %dma_start3A_62 = tpu.memref_squeeze %dma_start3A_61 : memref<1x2x128xi32, #tpu.memory_space<vmem>> -> memref<2x128xi32, #tpu.memory_space<vmem>>
      %dma_start3A_63 = arith.constant 0 : i32
      %dma_start3A_64 = arith.constant 0 : i32
      %dma_start3A_65 = tpu.memref_slice %arg4[%add3A_49, %dma_start3A_63, %dma_start3A_64] : memref<2624x2x128xi32, #tpu.memory_space<hbm>> -> memref<1x2x128xi32, #tpu.memory_space<hbm>>
      %dma_start3A_66 = tpu.memref_squeeze %dma_start3A_65 : memref<1x2x128xi32, #tpu.memory_space<hbm>> -> memref<2x128xi32, #tpu.memory_space<hbm>>
      tpu.enqueue_dma source(%dma_start3A_66 : memref<2x128xi32, #tpu.memory_space<hbm>>) target(%dma_start3A_62 : memref<2x128xi32, #tpu.memory_space<vmem>>) target_semaphore(%arg14 : memref<!tpu.dma_semaphore, #tpu.memory_space<semaphore_mem>>)
      %add3A_67 = arith.constant 2 : i32
      %add3A_68 = arith.addi %mul3A_29, %add3A_67 : i32
      %dma_start3A_69 = arith.constant 2 : i32
      %dma_start3A_70 = arith.constant 0 : i32
      %dma_start3A_71 = arith.constant 0 : i32
      %dma_start3A_72 = tpu.memref_slice %arg8[%dma_start3A_69, %dma_start3A_70, %dma_start3A_71] : memref<4x2x128xi32, #tpu.memory_space<vmem>> -> memref<1x2x128xi32, #tpu.memory_space<vmem>>
      %dma_start3A_73 = tpu.memref_squeeze %dma_start3A_72 : memref<1x2x128xi32, #tpu.memory_space<vmem>> -> memref<2x128xi32, #tpu.memory_space<vmem>>
      %dma_start3A_74 = arith.constant 0 : i32
      %dma_start3A_75 = arith.constant 0 : i32
      %dma_start3A_76 = tpu.memref_slice %arg4[%add3A_68, %dma_start3A_74, %dma_start3A_75] : memref<2624x2x128xi32, #tpu.memory_space<hbm>> -> memref<1x2x128xi32, #tpu.memory_space<hbm>>
      %dma_start3A_77 = tpu.memref_squeeze %dma_start3A_76 : memref<1x2x128xi32, #tpu.memory_space<hbm>> -> memref<2x128xi32, #tpu.memory_space<hbm>>
      %dma_start3A_78 = arith.constant 0 : i32
      %dma_start3A_79 = arith.constant 0 : i32
      %dma_start3A_80 = tpu.memref_slice %arg8[%dma_start3A_69, %dma_start3A_78, %dma_start3A_79] : memref<4x2x128xi32, #tpu.memory_space<vmem>> -> memref<1x2x128xi32, #tpu.memory_space<vmem>>
      %dma_start3A_81 = tpu.memref_squeeze %dma_start3A_80 : memref<1x2x128xi32, #tpu.memory_space<vmem>> -> memref<2x128xi32, #tpu.memory_space<vmem>>
      %dma_start3A_82 = arith.constant 0 : i32
      %dma_start3A_83 = arith.constant 0 : i32
      %dma_start3A_84 = tpu.memref_slice %arg4[%add3A_68, %dma_start3A_82, %dma_start3A_83] : memref<2624x2x128xi32, #tpu.memory_space<hbm>> -> memref<1x2x128xi32, #tpu.memory_space<hbm>>
      %dma_start3A_85 = tpu.memref_squeeze %dma_start3A_84 : memref<1x2x128xi32, #tpu.memory_space<hbm>> -> memref<2x128xi32, #tpu.memory_space<hbm>>
      tpu.enqueue_dma source(%dma_start3A_85 : memref<2x128xi32, #tpu.memory_space<hbm>>) target(%dma_start3A_81 : memref<2x128xi32, #tpu.memory_space<vmem>>) target_semaphore(%arg15 : memref<!tpu.dma_semaphore, #tpu.memory_space<semaphore_mem>>)
      %add3A_86 = arith.constant 3 : i32
      %add3A_87 = arith.addi %mul3A_29, %add3A_86 : i32
      %dma_start3A_88 = arith.constant 3 : i32
      %dma_start3A_89 = arith.constant 0 : i32
      %dma_start3A_90 = arith.constant 0 : i32
      %dma_start3A_91 = tpu.memref_slice %arg8[%dma_start3A_88, %dma_start3A_89, %dma_start3A_90] : memref<4x2x128xi32, #tpu.memory_space<vmem>> -> memref<1x2x128xi32, #tpu.memory_space<vmem>>
      %dma_start3A_92 = tpu.memref_squeeze %dma_start3A_91 : memref<1x2x128xi32, #tpu.memory_space<vmem>> -> memref<2x128xi32, #tpu.memory_space<vmem>>
      %dma_start3A_93 = arith.constant 0 : i32
      %dma_start3A_94 = arith.constant 0 : i32
      %dma_start3A_95 = tpu.memref_slice %arg4[%add3A_87, %dma_start3A_93, %dma_start3A_94] : memref<2624x2x128xi32, #tpu.memory_space<hbm>> -> memref<1x2x128xi32, #tpu.memory_space<hbm>>
      %dma_start3A_96 = tpu.memref_squeeze %dma_start3A_95 : memref<1x2x128xi32, #tpu.memory_space<hbm>> -> memref<2x128xi32, #tpu.memory_space<hbm>>
      %dma_start3A_97 = arith.constant 0 : i32
      %dma_start3A_98 = arith.constant 0 : i32
      %dma_start3A_99 = tpu.memref_slice %arg8[%dma_start3A_88, %dma_start3A_97, %dma_start3A_98] : memref<4x2x128xi32, #tpu.memory_space<vmem>> -> memref<1x2x128xi32, #tpu.memory_space<vmem>>
      %dma_start3A_100 = tpu.memref_squeeze %dma_start3A_99 : memref<1x2x128xi32, #tpu.memory_space<vmem>> -> memref<2x128xi32, #tpu.memory_space<vmem>>
      %dma_start3A_101 = arith.constant 0 : i32
      %dma_start3A_102 = arith.constant 0 : i32
      %dma_start3A_103 = tpu.memref_slice %arg4[%add3A_87, %dma_start3A_101, %dma_start3A_102] : memref<2624x2x128xi32, #tpu.memory_space<hbm>> -> memref<1x2x128xi32, #tpu.memory_space<hbm>>
      %dma_start3A_104 = tpu.memref_squeeze %dma_start3A_103 : memref<1x2x128xi32, #tpu.memory_space<hbm>> -> memref<2x128xi32, #tpu.memory_space<hbm>>
      tpu.enqueue_dma source(%dma_start3A_104 : memref<2x128xi32, #tpu.memory_space<hbm>>) target(%dma_start3A_100 : memref<2x128xi32, #tpu.memory_space<vmem>>) target_semaphore(%arg16 : memref<!tpu.dma_semaphore, #tpu.memory_space<semaphore_mem>>)
      %add3A_105 = arith.constant 0 : i32
      %add3A_106 = arith.addi %mul3A_29, %add3A_105 : i32
      %dma_wait3A = arith.constant 0 : i32
      %dma_wait3A_107 = arith.constant 0 : i32
      %dma_wait3A_108 = arith.constant 0 : i32
      %dma_wait3A_109 = tpu.memref_slice %arg8[%dma_wait3A, %dma_wait3A_107, %dma_wait3A_108] : memref<4x2x128xi32, #tpu.memory_space<vmem>> -> memref<1x2x128xi32, #tpu.memory_space<vmem>>
      %dma_wait3A_110 = tpu.memref_squeeze %dma_wait3A_109 : memref<1x2x128xi32, #tpu.memory_space<vmem>> -> memref<2x128xi32, #tpu.memory_space<vmem>>
      %dma_wait3A_111 = arith.constant 0 : i32
      %dma_wait3A_112 = arith.constant 0 : i32
      %dma_wait3A_113 = tpu.memref_slice %arg4[%add3A_106, %dma_wait3A_111, %dma_wait3A_112] : memref<2624x2x128xi32, #tpu.memory_space<hbm>> -> memref<1x2x128xi32, #tpu.memory_space<hbm>>
      %dma_wait3A_114 = tpu.memref_squeeze %dma_wait3A_113 : memref<1x2x128xi32, #tpu.memory_space<hbm>> -> memref<2x128xi32, #tpu.memory_space<hbm>>
      %dma_wait3A_115 = arith.constant 0 : i32
      %dma_wait3A_116 = arith.constant 0 : i32
      %dma_wait3A_117 = tpu.memref_slice %arg8[%dma_wait3A, %dma_wait3A_115, %dma_wait3A_116] : memref<4x2x128xi32, #tpu.memory_space<vmem>> -> memref<1x2x128xi32, #tpu.memory_space<vmem>>
      %dma_wait3A_118 = tpu.memref_squeeze %dma_wait3A_117 : memref<1x2x128xi32, #tpu.memory_space<vmem>> -> memref<2x128xi32, #tpu.memory_space<vmem>>
      %dma_wait3A_119 = arith.constant 0 : i32
      %dma_wait3A_120 = arith.constant 0 : i32
      %dma_wait3A_121 = tpu.memref_slice %arg4[%add3A_106, %dma_wait3A_119, %dma_wait3A_120] : memref<2624x2x128xi32, #tpu.memory_space<hbm>> -> memref<1x2x128xi32, #tpu.memory_space<hbm>>
      %dma_wait3A_122 = tpu.memref_squeeze %dma_wait3A_121 : memref<1x2x128xi32, #tpu.memory_space<hbm>> -> memref<2x128xi32, #tpu.memory_space<hbm>>
      tpu.wait_dma2 semaphore(%arg13 : memref<!tpu.dma_semaphore, #tpu.memory_space<semaphore_mem>>) src(%dma_wait3A_122 : memref<2x128xi32, #tpu.memory_space<hbm>>) dst(%dma_wait3A_118 : memref<2x128xi32, #tpu.memory_space<vmem>>)
      %dma_start3A_123 = arith.constant 0 : i32
      %dma_start3A_124 = arith.constant 0 : i32
      %dma_start3A_125 = arith.constant 0 : i32
      %dma_start3A_126 = arith.constant 0 : i32
      %dma_start3A_127 = arith.constant 0 : i32
      %dma_start3A_128 = tpu.memref_slice %arg9[%dma_start3A_125, %dma_start3A_126, %dma_start3A_127] : memref<2x128x80xf32, #tpu.memory_space<vmem>> -> memref<1x128x80xf32, #tpu.memory_space<vmem>>
      %dma_start3A_129 = tpu.memref_squeeze %dma_start3A_128 : memref<1x128x80xf32, #tpu.memory_space<vmem>> -> memref<128x80xf32, #tpu.memory_space<vmem>>
      %dma_start3A_130 = arith.constant 0 : i32
      %dma_start3A_131 = tpu.memref_slice %arg8[%dma_start3A_123, %dma_start3A_124, %dma_start3A_130] : memref<4x2x128xi32, #tpu.memory_space<vmem>> -> memref<1x1x128xi32, #tpu.memory_space<vmem>>
      %dma_start3A_132 = tpu.memref_squeeze %dma_start3A_131 : memref<1x1x128xi32, #tpu.memory_space<vmem>> -> memref<128xi32, #tpu.memory_space<vmem>>
      %dma_start3A_133 = arith.constant 0 : i32
      %dma_start3A_134 = arith.constant 0 : i32
      %dma_start3A_135 = tpu.memref_slice %arg2[%dma_start3A_133, %dma_start3A_134] : memref<10240x80xf32, #tpu.memory_space<hbm>> -> memref<10240x80xf32, #tpu.memory_space<hbm>>
      tpu.enqueue_indirect_dma source(%dma_start3A_135 : memref<10240x80xf32, #tpu.memory_space<hbm>>) target(%dma_start3A_129 : memref<128x80xf32, #tpu.memory_space<vmem>>) offsets(%dma_start3A_132 : memref<128xi32, #tpu.memory_space<vmem>>) semaphore(%arg11 : memref<!tpu.dma_semaphore, #tpu.memory_space<semaphore_mem>>)
      %add3A_136 = arith.constant 1 : i32
      %add3A_137 = arith.addi %mul3A_29, %add3A_136 : i32
      %dma_wait3A_138 = arith.constant 1 : i32
      %dma_wait3A_139 = arith.constant 0 : i32
      %dma_wait3A_140 = arith.constant 0 : i32
      %dma_wait3A_141 = tpu.memref_slice %arg8[%dma_wait3A_138, %dma_wait3A_139, %dma_wait3A_140] : memref<4x2x128xi32, #tpu.memory_space<vmem>> -> memref<1x2x128xi32, #tpu.memory_space<vmem>>
      %dma_wait3A_142 = tpu.memref_squeeze %dma_wait3A_141 : memref<1x2x128xi32, #tpu.memory_space<vmem>> -> memref<2x128xi32, #tpu.memory_space<vmem>>
      %dma_wait3A_143 = arith.constant 0 : i32
      %dma_wait3A_144 = arith.constant 0 : i32
      %dma_wait3A_145 = tpu.memref_slice %arg4[%add3A_137, %dma_wait3A_143, %dma_wait3A_144] : memref<2624x2x128xi32, #tpu.memory_space<hbm>> -> memref<1x2x128xi32, #tpu.memory_space<hbm>>
      %dma_wait3A_146 = tpu.memref_squeeze %dma_wait3A_145 : memref<1x2x128xi32, #tpu.memory_space<hbm>> -> memref<2x128xi32, #tpu.memory_space<hbm>>
      %dma_wait3A_147 = arith.constant 0 : i32
      %dma_wait3A_148 = arith.constant 0 : i32
      %dma_wait3A_149 = tpu.memref_slice %arg8[%dma_wait3A_138, %dma_wait3A_147, %dma_wait3A_148] : memref<4x2x128xi32, #tpu.memory_space<vmem>> -> memref<1x2x128xi32, #tpu.memory_space<vmem>>
      %dma_wait3A_150 = tpu.memref_squeeze %dma_wait3A_149 : memref<1x2x128xi32, #tpu.memory_space<vmem>> -> memref<2x128xi32, #tpu.memory_space<vmem>>
      %dma_wait3A_151 = arith.constant 0 : i32
      %dma_wait3A_152 = arith.constant 0 : i32
      %dma_wait3A_153 = tpu.memref_slice %arg4[%add3A_137, %dma_wait3A_151, %dma_wait3A_152] : memref<2624x2x128xi32, #tpu.memory_space<hbm>> -> memref<1x2x128xi32, #tpu.memory_space<hbm>>
      %dma_wait3A_154 = tpu.memref_squeeze %dma_wait3A_153 : memref<1x2x128xi32, #tpu.memory_space<hbm>> -> memref<2x128xi32, #tpu.memory_space<hbm>>
      tpu.wait_dma2 semaphore(%arg14 : memref<!tpu.dma_semaphore, #tpu.memory_space<semaphore_mem>>) src(%dma_wait3A_154 : memref<2x128xi32, #tpu.memory_space<hbm>>) dst(%dma_wait3A_150 : memref<2x128xi32, #tpu.memory_space<vmem>>)
      %dma_start3A_155 = arith.constant 1 : i32
      %dma_start3A_156 = arith.constant 0 : i32
      %dma_start3A_157 = arith.constant 1 : i32
      %dma_start3A_158 = arith.constant 0 : i32
      %dma_start3A_159 = arith.constant 0 : i32
      %dma_start3A_160 = tpu.memref_slice %arg9[%dma_start3A_157, %dma_start3A_158, %dma_start3A_159] : memref<2x128x80xf32, #tpu.memory_space<vmem>> -> memref<1x128x80xf32, #tpu.memory_space<vmem>>
      %dma_start3A_161 = tpu.memref_squeeze %dma_start3A_160 : memref<1x128x80xf32, #tpu.memory_space<vmem>> -> memref<128x80xf32, #tpu.memory_space<vmem>>
      %dma_start3A_162 = arith.constant 0 : i32
      %dma_start3A_163 = tpu.memref_slice %arg8[%dma_start3A_155, %dma_start3A_156, %dma_start3A_162] : memref<4x2x128xi32, #tpu.memory_space<vmem>> -> memref<1x1x128xi32, #tpu.memory_space<vmem>>
      %dma_start3A_164 = tpu.memref_squeeze %dma_start3A_163 : memref<1x1x128xi32, #tpu.memory_space<vmem>> -> memref<128xi32, #tpu.memory_space<vmem>>
      %dma_start3A_165 = arith.constant 0 : i32
      %dma_start3A_166 = arith.constant 0 : i32
      %dma_start3A_167 = tpu.memref_slice %arg2[%dma_start3A_165, %dma_start3A_166] : memref<10240x80xf32, #tpu.memory_space<hbm>> -> memref<10240x80xf32, #tpu.memory_space<hbm>>
      tpu.enqueue_indirect_dma source(%dma_start3A_167 : memref<10240x80xf32, #tpu.memory_space<hbm>>) target(%dma_start3A_161 : memref<128x80xf32, #tpu.memory_space<vmem>>) offsets(%dma_start3A_164 : memref<128xi32, #tpu.memory_space<vmem>>) semaphore(%arg12 : memref<!tpu.dma_semaphore, #tpu.memory_space<semaphore_mem>>)
      %scan3A_168 = arith.constant 0 : i32
      %scan3A_169 = arith.constant 0 : i32
      %scan3A_170 = arith.constant 40 : i32
      %scan3A_171 = arith.addi %scan3A_169, %scan3A_170 : i32
      %scan3A_172 = arith.constant 1 : i32
      %scan3A_173 = scf.for %scan3A_240 = %scan3A_169 to %scan3A_171 step %scan3A_172 iter_args(%scan3A_241 = %scan3A_168) -> (i32)  : i32 {
        %mul3A_242 = arith.constant 4 : i32
        %mul3A_243 = arith.muli %mul3A_242, %scan3A_240 : i32
        %add3A_244 = arith.constant 0 : i32
        %add3A_245 = arith.addi %mul3A_243, %add3A_244 : i32
        %dma_wait3A_246 = arith.constant 0 : i32
        %dma_wait3A_247 = arith.constant 0 : i32
        %dma_wait3A_248 = arith.constant 0 : i32
        %dma_wait3A_249 = arith.constant 0 : i32
        %dma_wait3A_250 = arith.constant 0 : i32
        %dma_wait3A_251 = tpu.memref_slice %arg9[%dma_wait3A_248, %dma_wait3A_249, %dma_wait3A_250] : memref<2x128x80xf32, #tpu.memory_space<vmem>> -> memref<1x128x80xf32, #tpu.memory_space<vmem>>
        %dma_wait3A_252 = tpu.memref_squeeze %dma_wait3A_251 : memref<1x128x80xf32, #tpu.memory_space<vmem>> -> memref<128x80xf32, #tpu.memory_space<vmem>>
        %dma_wait3A_253 = arith.constant 0 : i32
        %dma_wait3A_254 = tpu.memref_slice %arg8[%dma_wait3A_246, %dma_wait3A_247, %dma_wait3A_253] : memref<4x2x128xi32, #tpu.memory_space<vmem>> -> memref<1x1x128xi32, #tpu.memory_space<vmem>>
        %dma_wait3A_255 = tpu.memref_squeeze %dma_wait3A_254 : memref<1x1x128xi32, #tpu.memory_space<vmem>> -> memref<128xi32, #tpu.memory_space<vmem>>
        %dma_wait3A_256 = arith.constant 0 : i32
        %dma_wait3A_257 = arith.constant 0 : i32
        %dma_wait3A_258 = tpu.memref_slice %arg2[%dma_wait3A_256, %dma_wait3A_257] : memref<10240x80xf32, #tpu.memory_space<hbm>> -> memref<10240x80xf32, #tpu.memory_space<hbm>>
        tpu.wait_indirect_dma semaphore(%arg11 : memref<!tpu.dma_semaphore, #tpu.memory_space<semaphore_mem>>) src(%dma_wait3A_258 : memref<10240x80xf32, #tpu.memory_space<hbm>>) dst(%dma_wait3A_252 : memref<128x80xf32, #tpu.memory_space<vmem>>)
        %run_scoped3A_259 = arith.constant 0 : i32
        %run_scoped3A_260 = arith.constant 0 : i32
        %run_scoped3A_261 = arith.constant 1 : i32
        "tpu.region"() ({
          %run_scoped3A_529 = tpu.sem_alloc : memref<!tpu.dma_semaphore, #tpu.memory_space<semaphore_mem>>
          %dma_start3A_530 = arith.constant 0 : i32
          %dma_start3A_531 = arith.constant 0 : i32
          %dma_start3A_532 = tpu.memref_slice %arg9[%run_scoped3A_259, %dma_start3A_530, %dma_start3A_531] : memref<2x128x80xf32, #tpu.memory_space<vmem>> -> memref<1x128x80xf32, #tpu.memory_space<vmem>>
          %dma_start3A_533 = tpu.memref_squeeze %dma_start3A_532 : memref<1x128x80xf32, #tpu.memory_space<vmem>> -> memref<128x80xf32, #tpu.memory_space<vmem>>
          %dma_start3A_534 = arith.constant 0 : i32
          %dma_start3A_535 = tpu.memref_slice %arg8[%run_scoped3A_260, %run_scoped3A_261, %dma_start3A_534] : memref<4x2x128xi32, #tpu.memory_space<vmem>> -> memref<1x1x128xi32, #tpu.memory_space<vmem>>
          %dma_start3A_536 = tpu.memref_squeeze %dma_start3A_535 : memref<1x1x128xi32, #tpu.memory_space<vmem>> -> memref<128xi32, #tpu.memory_space<vmem>>
          %dma_start3A_537 = arith.constant 0 : i32
          %dma_start3A_538 = arith.constant 0 : i32
          %dma_start3A_539 = tpu.memref_slice %arg10[%dma_start3A_537, %dma_start3A_538] : memref<10240x80xf32, #tpu.memory_space<vmem_shared>> -> memref<10240x80xf32, #tpu.memory_space<vmem_shared>>
          tpu.enqueue_indirect_dma source(%dma_start3A_533 : memref<128x80xf32, #tpu.memory_space<vmem>>) target(%dma_start3A_539 : memref<10240x80xf32, #tpu.memory_space<vmem_shared>>) offsets(%dma_start3A_536 : memref<128xi32, #tpu.memory_space<vmem>>) semaphore(%run_scoped3A_529 : memref<!tpu.dma_semaphore, #tpu.memory_space<semaphore_mem>>) {add = true}
          %dma_wait3A_540 = arith.constant 0 : i32
          %dma_wait3A_541 = arith.constant 0 : i32
          %dma_wait3A_542 = tpu.memref_slice %arg9[%run_scoped3A_259, %dma_wait3A_540, %dma_wait3A_541] : memref<2x128x80xf32, #tpu.memory_space<vmem>> -> memref<1x128x80xf32, #tpu.memory_space<vmem>>
          %dma_wait3A_543 = tpu.memref_squeeze %dma_wait3A_542 : memref<1x128x80xf32, #tpu.memory_space<vmem>> -> memref<128x80xf32, #tpu.memory_space<vmem>>
          %dma_wait3A_544 = arith.constant 0 : i32
          %dma_wait3A_545 = tpu.memref_slice %arg8[%run_scoped3A_260, %run_scoped3A_261, %dma_wait3A_544] : memref<4x2x128xi32, #tpu.memory_space<vmem>> -> memref<1x1x128xi32, #tpu.memory_space<vmem>>
          %dma_wait3A_546 = tpu.memref_squeeze %dma_wait3A_545 : memref<1x1x128xi32, #tpu.memory_space<vmem>> -> memref<128xi32, #tpu.memory_space<vmem>>
          %dma_wait3A_547 = arith.constant 0 : i32
          %dma_wait3A_548 = arith.constant 0 : i32
          %dma_wait3A_549 = tpu.memref_slice %arg10[%dma_wait3A_547, %dma_wait3A_548] : memref<10240x80xf32, #tpu.memory_space<vmem_shared>> -> memref<10240x80xf32, #tpu.memory_space<vmem_shared>>
          tpu.wait_indirect_dma semaphore(%run_scoped3A_529 : memref<!tpu.dma_semaphore, #tpu.memory_space<semaphore_mem>>) src(%dma_wait3A_543 : memref<128x80xf32, #tpu.memory_space<vmem>>) dst(%dma_wait3A_549 : memref<10240x80xf32, #tpu.memory_space<vmem_shared>>)
          tpu.yield
        }) : () -> ()
        %add3A_262 = arith.constant 4 : i32
        %add3A_263 = arith.addi %add3A_245, %add3A_262 : i32
        %add3A_264 = arith.addi %mul3A_29, %add3A_263 : i32
        %dma_start3A_265 = arith.constant 0 : i32
        %dma_start3A_266 = arith.constant 0 : i32
        %dma_start3A_267 = arith.constant 0 : i32
        %dma_start3A_268 = tpu.memref_slice %arg8[%dma_start3A_265, %dma_start3A_266, %dma_start3A_267] : memref<4x2x128xi32, #tpu.memory_space<vmem>> -> memref<1x2x128xi32, #tpu.memory_space<vmem>>
        %dma_start3A_269 = tpu.memref_squeeze %dma_start3A_268 : memref<1x2x128xi32, #tpu.memory_space<vmem>> -> memref<2x128xi32, #tpu.memory_space<vmem>>
        %dma_start3A_270 = arith.constant 0 : i32
        %dma_start3A_271 = arith.constant 0 : i32
        %dma_start3A_272 = tpu.memref_slice %arg4[%add3A_264, %dma_start3A_270, %dma_start3A_271] : memref<2624x2x128xi32, #tpu.memory_space<hbm>> -> memref<1x2x128xi32, #tpu.memory_space<hbm>>
        %dma_start3A_273 = tpu.memref_squeeze %dma_start3A_272 : memref<1x2x128xi32, #tpu.memory_space<hbm>> -> memref<2x128xi32, #tpu.memory_space<hbm>>
        %dma_start3A_274 = arith.constant 0 : i32
        %dma_start3A_275 = arith.constant 0 : i32
        %dma_start3A_276 = tpu.memref_slice %arg8[%dma_start3A_265, %dma_start3A_274, %dma_start3A_275] : memref<4x2x128xi32, #tpu.memory_space<vmem>> -> memref<1x2x128xi32, #tpu.memory_space<vmem>>
        %dma_start3A_277 = tpu.memref_squeeze %dma_start3A_276 : memref<1x2x128xi32, #tpu.memory_space<vmem>> -> memref<2x128xi32, #tpu.memory_space<vmem>>
        %dma_start3A_278 = arith.constant 0 : i32
        %dma_start3A_279 = arith.constant 0 : i32
        %dma_start3A_280 = tpu.memref_slice %arg4[%add3A_264, %dma_start3A_278, %dma_start3A_279] : memref<2624x2x128xi32, #tpu.memory_space<hbm>> -> memref<1x2x128xi32, #tpu.memory_space<hbm>>
        %dma_start3A_281 = tpu.memref_squeeze %dma_start3A_280 : memref<1x2x128xi32, #tpu.memory_space<hbm>> -> memref<2x128xi32, #tpu.memory_space<hbm>>
        tpu.enqueue_dma source(%dma_start3A_281 : memref<2x128xi32, #tpu.memory_space<hbm>>) target(%dma_start3A_277 : memref<2x128xi32, #tpu.memory_space<vmem>>) target_semaphore(%arg13 : memref<!tpu.dma_semaphore, #tpu.memory_space<semaphore_mem>>)
        %add3A_282 = arith.constant 2 : i32
        %add3A_283 = arith.addi %add3A_245, %add3A_282 : i32
        %add3A_284 = arith.addi %mul3A_29, %add3A_283 : i32
        %dma_wait3A_285 = arith.constant 2 : i32
        %dma_wait3A_286 = arith.constant 0 : i32
        %dma_wait3A_287 = arith.constant 0 : i32
        %dma_wait3A_288 = tpu.memref_slice %arg8[%dma_wait3A_285, %dma_wait3A_286, %dma_wait3A_287] : memref<4x2x128xi32, #tpu.memory_space<vmem>> -> memref<1x2x128xi32, #tpu.memory_space<vmem>>
        %dma_wait3A_289 = tpu.memref_squeeze %dma_wait3A_288 : memref<1x2x128xi32, #tpu.memory_space<vmem>> -> memref<2x128xi32, #tpu.memory_space<vmem>>
        %dma_wait3A_290 = arith.constant 0 : i32
        %dma_wait3A_291 = arith.constant 0 : i32
        %dma_wait3A_292 = tpu.memref_slice %arg4[%add3A_284, %dma_wait3A_290, %dma_wait3A_291] : memref<2624x2x128xi32, #tpu.memory_space<hbm>> -> memref<1x2x128xi32, #tpu.memory_space<hbm>>
        %dma_wait3A_293 = tpu.memref_squeeze %dma_wait3A_292 : memref<1x2x128xi32, #tpu.memory_space<hbm>> -> memref<2x128xi32, #tpu.memory_space<hbm>>
        %dma_wait3A_294 = arith.constant 0 : i32
        %dma_wait3A_295 = arith.constant 0 : i32
        %dma_wait3A_296 = tpu.memref_slice %arg8[%dma_wait3A_285, %dma_wait3A_294, %dma_wait3A_295] : memref<4x2x128xi32, #tpu.memory_space<vmem>> -> memref<1x2x128xi32, #tpu.memory_space<vmem>>
        %dma_wait3A_297 = tpu.memref_squeeze %dma_wait3A_296 : memref<1x2x128xi32, #tpu.memory_space<vmem>> -> memref<2x128xi32, #tpu.memory_space<vmem>>
        %dma_wait3A_298 = arith.constant 0 : i32
        %dma_wait3A_299 = arith.constant 0 : i32
        %dma_wait3A_300 = tpu.memref_slice %arg4[%add3A_284, %dma_wait3A_298, %dma_wait3A_299] : memref<2624x2x128xi32, #tpu.memory_space<hbm>> -> memref<1x2x128xi32, #tpu.memory_space<hbm>>
        %dma_wait3A_301 = tpu.memref_squeeze %dma_wait3A_300 : memref<1x2x128xi32, #tpu.memory_space<hbm>> -> memref<2x128xi32, #tpu.memory_space<hbm>>
        tpu.wait_dma2 semaphore(%arg15 : memref<!tpu.dma_semaphore, #tpu.memory_space<semaphore_mem>>) src(%dma_wait3A_301 : memref<2x128xi32, #tpu.memory_space<hbm>>) dst(%dma_wait3A_297 : memref<2x128xi32, #tpu.memory_space<vmem>>)
        %dma_start3A_302 = arith.constant 2 : i32
        %dma_start3A_303 = arith.constant 0 : i32
        %dma_start3A_304 = arith.constant 0 : i32
        %dma_start3A_305 = arith.constant 0 : i32
        %dma_start3A_306 = arith.constant 0 : i32
        %dma_start3A_307 = tpu.memref_slice %arg9[%dma_start3A_304, %dma_start3A_305, %dma_start3A_306] : memref<2x128x80xf32, #tpu.memory_space<vmem>> -> memref<1x128x80xf32, #tpu.memory_space<vmem>>
        %dma_start3A_308 = tpu.memref_squeeze %dma_start3A_307 : memref<1x128x80xf32, #tpu.memory_space<vmem>> -> memref<128x80xf32, #tpu.memory_space<vmem>>
        %dma_start3A_309 = arith.constant 0 : i32
        %dma_start3A_310 = tpu.memref_slice %arg8[%dma_start3A_302, %dma_start3A_303, %dma_start3A_309] : memref<4x2x128xi32, #tpu.memory_space<vmem>> -> memref<1x1x128xi32, #tpu.memory_space<vmem>>
        %dma_start3A_311 = tpu.memref_squeeze %dma_start3A_310 : memref<1x1x128xi32, #tpu.memory_space<vmem>> -> memref<128xi32, #tpu.memory_space<vmem>>
        %dma_start3A_312 = arith.constant 0 : i32
        %dma_start3A_313 = arith.constant 0 : i32
        %dma_start3A_314 = tpu.memref_slice %arg2[%dma_start3A_312, %dma_start3A_313] : memref<10240x80xf32, #tpu.memory_space<hbm>> -> memref<10240x80xf32, #tpu.memory_space<hbm>>
        tpu.enqueue_indirect_dma source(%dma_start3A_314 : memref<10240x80xf32, #tpu.memory_space<hbm>>) target(%dma_start3A_308 : memref<128x80xf32, #tpu.memory_space<vmem>>) offsets(%dma_start3A_311 : memref<128xi32, #tpu.memory_space<vmem>>) semaphore(%arg11 : memref<!tpu.dma_semaphore, #tpu.memory_space<semaphore_mem>>)
        %add3A_315 = arith.constant 1 : i32
        %add3A_316 = arith.addi %mul3A_243, %add3A_315 : i32
        %dma_wait3A_317 = arith.constant 1 : i32
        %dma_wait3A_318 = arith.constant 0 : i32
        %dma_wait3A_319 = arith.constant 1 : i32
        %dma_wait3A_320 = arith.constant 0 : i32
        %dma_wait3A_321 = arith.constant 0 : i32
        %dma_wait3A_322 = tpu.memref_slice %arg9[%dma_wait3A_319, %dma_wait3A_320, %dma_wait3A_321] : memref<2x128x80xf32, #tpu.memory_space<vmem>> -> memref<1x128x80xf32, #tpu.memory_space<vmem>>
        %dma_wait3A_323 = tpu.memref_squeeze %dma_wait3A_322 : memref<1x128x80xf32, #tpu.memory_space<vmem>> -> memref<128x80xf32, #tpu.memory_space<vmem>>
        %dma_wait3A_324 = arith.constant 0 : i32
        %dma_wait3A_325 = tpu.memref_slice %arg8[%dma_wait3A_317, %dma_wait3A_318, %dma_wait3A_324] : memref<4x2x128xi32, #tpu.memory_space<vmem>> -> memref<1x1x128xi32, #tpu.memory_space<vmem>>
        %dma_wait3A_326 = tpu.memref_squeeze %dma_wait3A_325 : memref<1x1x128xi32, #tpu.memory_space<vmem>> -> memref<128xi32, #tpu.memory_space<vmem>>
        %dma_wait3A_327 = arith.constant 0 : i32
        %dma_wait3A_328 = arith.constant 0 : i32
        %dma_wait3A_329 = tpu.memref_slice %arg2[%dma_wait3A_327, %dma_wait3A_328] : memref<10240x80xf32, #tpu.memory_space<hbm>> -> memref<10240x80xf32, #tpu.memory_space<hbm>>
        tpu.wait_indirect_dma semaphore(%arg12 : memref<!tpu.dma_semaphore, #tpu.memory_space<semaphore_mem>>) src(%dma_wait3A_329 : memref<10240x80xf32, #tpu.memory_space<hbm>>) dst(%dma_wait3A_323 : memref<128x80xf32, #tpu.memory_space<vmem>>)
        %run_scoped3A_330 = arith.constant 1 : i32
        %run_scoped3A_331 = arith.constant 1 : i32
        %run_scoped3A_332 = arith.constant 1 : i32
        "tpu.region"() ({
          %run_scoped3A_529 = tpu.sem_alloc : memref<!tpu.dma_semaphore, #tpu.memory_space<semaphore_mem>>
          %dma_start3A_530 = arith.constant 0 : i32
          %dma_start3A_531 = arith.constant 0 : i32
          %dma_start3A_532 = tpu.memref_slice %arg9[%run_scoped3A_330, %dma_start3A_530, %dma_start3A_531] : memref<2x128x80xf32, #tpu.memory_space<vmem>> -> memref<1x128x80xf32, #tpu.memory_space<vmem>>
          %dma_start3A_533 = tpu.memref_squeeze %dma_start3A_532 : memref<1x128x80xf32, #tpu.memory_space<vmem>> -> memref<128x80xf32, #tpu.memory_space<vmem>>
          %dma_start3A_534 = arith.constant 0 : i32
          %dma_start3A_535 = tpu.memref_slice %arg8[%run_scoped3A_331, %run_scoped3A_332, %dma_start3A_534] : memref<4x2x128xi32, #tpu.memory_space<vmem>> -> memref<1x1x128xi32, #tpu.memory_space<vmem>>
          %dma_start3A_536 = tpu.memref_squeeze %dma_start3A_535 : memref<1x1x128xi32, #tpu.memory_space<vmem>> -> memref<128xi32, #tpu.memory_space<vmem>>
          %dma_start3A_537 = arith.constant 0 : i32
          %dma_start3A_538 = arith.constant 0 : i32
          %dma_start3A_539 = tpu.memref_slice %arg10[%dma_start3A_537, %dma_start3A_538] : memref<10240x80xf32, #tpu.memory_space<vmem_shared>> -> memref<10240x80xf32, #tpu.memory_space<vmem_shared>>
          tpu.enqueue_indirect_dma source(%dma_start3A_533 : memref<128x80xf32, #tpu.memory_space<vmem>>) target(%dma_start3A_539 : memref<10240x80xf32, #tpu.memory_space<vmem_shared>>) offsets(%dma_start3A_536 : memref<128xi32, #tpu.memory_space<vmem>>) semaphore(%run_scoped3A_529 : memref<!tpu.dma_semaphore, #tpu.memory_space<semaphore_mem>>) {add = true}
          %dma_wait3A_540 = arith.constant 0 : i32
          %dma_wait3A_541 = arith.constant 0 : i32
          %dma_wait3A_542 = tpu.memref_slice %arg9[%run_scoped3A_330, %dma_wait3A_540, %dma_wait3A_541] : memref<2x128x80xf32, #tpu.memory_space<vmem>> -> memref<1x128x80xf32, #tpu.memory_space<vmem>>
          %dma_wait3A_543 = tpu.memref_squeeze %dma_wait3A_542 : memref<1x128x80xf32, #tpu.memory_space<vmem>> -> memref<128x80xf32, #tpu.memory_space<vmem>>
          %dma_wait3A_544 = arith.constant 0 : i32
          %dma_wait3A_545 = tpu.memref_slice %arg8[%run_scoped3A_331, %run_scoped3A_332, %dma_wait3A_544] : memref<4x2x128xi32, #tpu.memory_space<vmem>> -> memref<1x1x128xi32, #tpu.memory_space<vmem>>
          %dma_wait3A_546 = tpu.memref_squeeze %dma_wait3A_545 : memref<1x1x128xi32, #tpu.memory_space<vmem>> -> memref<128xi32, #tpu.memory_space<vmem>>
          %dma_wait3A_547 = arith.constant 0 : i32
          %dma_wait3A_548 = arith.constant 0 : i32
          %dma_wait3A_549 = tpu.memref_slice %arg10[%dma_wait3A_547, %dma_wait3A_548] : memref<10240x80xf32, #tpu.memory_space<vmem_shared>> -> memref<10240x80xf32, #tpu.memory_space<vmem_shared>>
          tpu.wait_indirect_dma semaphore(%run_scoped3A_529 : memref<!tpu.dma_semaphore, #tpu.memory_space<semaphore_mem>>) src(%dma_wait3A_543 : memref<128x80xf32, #tpu.memory_space<vmem>>) dst(%dma_wait3A_549 : memref<10240x80xf32, #tpu.memory_space<vmem_shared>>)
          tpu.yield
        }) : () -> ()
        %add3A_333 = arith.constant 4 : i32
        %add3A_334 = arith.addi %add3A_316, %add3A_333 : i32
        %add3A_335 = arith.addi %mul3A_29, %add3A_334 : i32
        %dma_start3A_336 = arith.constant 1 : i32
        %dma_start3A_337 = arith.constant 0 : i32
        %dma_start3A_338 = arith.constant 0 : i32
        %dma_start3A_339 = tpu.memref_slice %arg8[%dma_start3A_336, %dma_start3A_337, %dma_start3A_338] : memref<4x2x128xi32, #tpu.memory_space<vmem>> -> memref<1x2x128xi32, #tpu.memory_space<vmem>>
        %dma_start3A_340 = tpu.memref_squeeze %dma_start3A_339 : memref<1x2x128xi32, #tpu.memory_space<vmem>> -> memref<2x128xi32, #tpu.memory_space<vmem>>
        %dma_start3A_341 = arith.constant 0 : i32
        %dma_start3A_342 = arith.constant 0 : i32
        %dma_start3A_343 = tpu.memref_slice %arg4[%add3A_335, %dma_start3A_341, %dma_start3A_342] : memref<2624x2x128xi32, #tpu.memory_space<hbm>> -> memref<1x2x128xi32, #tpu.memory_space<hbm>>
        %dma_start3A_344 = tpu.memref_squeeze %dma_start3A_343 : memref<1x2x128xi32, #tpu.memory_space<hbm>> -> memref<2x128xi32, #tpu.memory_space<hbm>>
        %dma_start3A_345 = arith.constant 0 : i32
        %dma_start3A_346 = arith.constant 0 : i32
        %dma_start3A_347 = tpu.memref_slice %arg8[%dma_start3A_336, %dma_start3A_345, %dma_start3A_346] : memref<4x2x128xi32, #tpu.memory_space<vmem>> -> memref<1x2x128xi32, #tpu.memory_space<vmem>>
        %dma_start3A_348 = tpu.memref_squeeze %dma_start3A_347 : memref<1x2x128xi32, #tpu.memory_space<vmem>> -> memref<2x128xi32, #tpu.memory_space<vmem>>
        %dma_start3A_349 = arith.constant 0 : i32
        %dma_start3A_350 = arith.constant 0 : i32
        %dma_start3A_351 = tpu.memref_slice %arg4[%add3A_335, %dma_start3A_349, %dma_start3A_350] : memref<2624x2x128xi32, #tpu.memory_space<hbm>> -> memref<1x2x128xi32, #tpu.memory_space<hbm>>
        %dma_start3A_352 = tpu.memref_squeeze %dma_start3A_351 : memref<1x2x128xi32, #tpu.memory_space<hbm>> -> memref<2x128xi32, #tpu.memory_space<hbm>>
        tpu.enqueue_dma source(%dma_start3A_352 : memref<2x128xi32, #tpu.memory_space<hbm>>) target(%dma_start3A_348 : memref<2x128xi32, #tpu.memory_space<vmem>>) target_semaphore(%arg14 : memref<!tpu.dma_semaphore, #tpu.memory_space<semaphore_mem>>)
        %add3A_353 = arith.constant 2 : i32
        %add3A_354 = arith.addi %add3A_316, %add3A_353 : i32
        %add3A_355 = arith.addi %mul3A_29, %add3A_354 : i32
        %dma_wait3A_356 = arith.constant 3 : i32
        %dma_wait3A_357 = arith.constant 0 : i32
        %dma_wait3A_358 = arith.constant 0 : i32
        %dma_wait3A_359 = tpu.memref_slice %arg8[%dma_wait3A_356, %dma_wait3A_357, %dma_wait3A_358] : memref<4x2x128xi32, #tpu.memory_space<vmem>> -> memref<1x2x128xi32, #tpu.memory_space<vmem>>
        %dma_wait3A_360 = tpu.memref_squeeze %dma_wait3A_359 : memref<1x2x128xi32, #tpu.memory_space<vmem>> -> memref<2x128xi32, #tpu.memory_space<vmem>>
        %dma_wait3A_361 = arith.constant 0 : i32
        %dma_wait3A_362 = arith.constant 0 : i32
        %dma_wait3A_363 = tpu.memref_slice %arg4[%add3A_355, %dma_wait3A_361, %dma_wait3A_362] : memref<2624x2x128xi32, #tpu.memory_space<hbm>> -> memref<1x2x128xi32, #tpu.memory_space<hbm>>
        %dma_wait3A_364 = tpu.memref_squeeze %dma_wait3A_363 : memref<1x2x128xi32, #tpu.memory_space<hbm>> -> memref<2x128xi32, #tpu.memory_space<hbm>>
        %dma_wait3A_365 = arith.constant 0 : i32
        %dma_wait3A_366 = arith.constant 0 : i32
        %dma_wait3A_367 = tpu.memref_slice %arg8[%dma_wait3A_356, %dma_wait3A_365, %dma_wait3A_366] : memref<4x2x128xi32, #tpu.memory_space<vmem>> -> memref<1x2x128xi32, #tpu.memory_space<vmem>>
        %dma_wait3A_368 = tpu.memref_squeeze %dma_wait3A_367 : memref<1x2x128xi32, #tpu.memory_space<vmem>> -> memref<2x128xi32, #tpu.memory_space<vmem>>
        %dma_wait3A_369 = arith.constant 0 : i32
        %dma_wait3A_370 = arith.constant 0 : i32
        %dma_wait3A_371 = tpu.memref_slice %arg4[%add3A_355, %dma_wait3A_369, %dma_wait3A_370] : memref<2624x2x128xi32, #tpu.memory_space<hbm>> -> memref<1x2x128xi32, #tpu.memory_space<hbm>>
        %dma_wait3A_372 = tpu.memref_squeeze %dma_wait3A_371 : memref<1x2x128xi32, #tpu.memory_space<hbm>> -> memref<2x128xi32, #tpu.memory_space<hbm>>
        tpu.wait_dma2 semaphore(%arg16 : memref<!tpu.dma_semaphore, #tpu.memory_space<semaphore_mem>>) src(%dma_wait3A_372 : memref<2x128xi32, #tpu.memory_space<hbm>>) dst(%dma_wait3A_368 : memref<2x128xi32, #tpu.memory_space<vmem>>)
        %dma_start3A_373 = arith.constant 3 : i32
        %dma_start3A_374 = arith.constant 0 : i32
        %dma_start3A_375 = arith.constant 1 : i32
        %dma_start3A_376 = arith.constant 0 : i32
        %dma_start3A_377 = arith.constant 0 : i32
        %dma_start3A_378 = tpu.memref_slice %arg9[%dma_start3A_375, %dma_start3A_376, %dma_start3A_377] : memref<2x128x80xf32, #tpu.memory_space<vmem>> -> memref<1x128x80xf32, #tpu.memory_space<vmem>>
        %dma_start3A_379 = tpu.memref_squeeze %dma_start3A_378 : memref<1x128x80xf32, #tpu.memory_space<vmem>> -> memref<128x80xf32, #tpu.memory_space<vmem>>
        %dma_start3A_380 = arith.constant 0 : i32
        %dma_start3A_381 = tpu.memref_slice %arg8[%dma_start3A_373, %dma_start3A_374, %dma_start3A_380] : memref<4x2x128xi32, #tpu.memory_space<vmem>> -> memref<1x1x128xi32, #tpu.memory_space<vmem>>
        %dma_start3A_382 = tpu.memref_squeeze %dma_start3A_381 : memref<1x1x128xi32, #tpu.memory_space<vmem>> -> memref<128xi32, #tpu.memory_space<vmem>>
        %dma_start3A_383 = arith.constant 0 : i32
        %dma_start3A_384 = arith.constant 0 : i32
        %dma_start3A_385 = tpu.memref_slice %arg2[%dma_start3A_383, %dma_start3A_384] : memref<10240x80xf32, #tpu.memory_space<hbm>> -> memref<10240x80xf32, #tpu.memory_space<hbm>>
        tpu.enqueue_indirect_dma source(%dma_start3A_385 : memref<10240x80xf32, #tpu.memory_space<hbm>>) target(%dma_start3A_379 : memref<128x80xf32, #tpu.memory_space<vmem>>) offsets(%dma_start3A_382 : memref<128xi32, #tpu.memory_space<vmem>>) semaphore(%arg12 : memref<!tpu.dma_semaphore, #tpu.memory_space<semaphore_mem>>)
        %add3A_386 = arith.constant 2 : i32
        %add3A_387 = arith.addi %mul3A_243, %add3A_386 : i32
        %dma_wait3A_388 = arith.constant 2 : i32
        %dma_wait3A_389 = arith.constant 0 : i32
        %dma_wait3A_390 = arith.constant 0 : i32
        %dma_wait3A_391 = arith.constant 0 : i32
        %dma_wait3A_392 = arith.constant 0 : i32
        %dma_wait3A_393 = tpu.memref_slice %arg9[%dma_wait3A_390, %dma_wait3A_391, %dma_wait3A_392] : memref<2x128x80xf32, #tpu.memory_space<vmem>> -> memref<1x128x80xf32, #tpu.memory_space<vmem>>
        %dma_wait3A_394 = tpu.memref_squeeze %dma_wait3A_393 : memref<1x128x80xf32, #tpu.memory_space<vmem>> -> memref<128x80xf32, #tpu.memory_space<vmem>>
        %dma_wait3A_395 = arith.constant 0 : i32
        %dma_wait3A_396 = tpu.memref_slice %arg8[%dma_wait3A_388, %dma_wait3A_389, %dma_wait3A_395] : memref<4x2x128xi32, #tpu.memory_space<vmem>> -> memref<1x1x128xi32, #tpu.memory_space<vmem>>
        %dma_wait3A_397 = tpu.memref_squeeze %dma_wait3A_396 : memref<1x1x128xi32, #tpu.memory_space<vmem>> -> memref<128xi32, #tpu.memory_space<vmem>>
        %dma_wait3A_398 = arith.constant 0 : i32
        %dma_wait3A_399 = arith.constant 0 : i32
        %dma_wait3A_400 = tpu.memref_slice %arg2[%dma_wait3A_398, %dma_wait3A_399] : memref<10240x80xf32, #tpu.memory_space<hbm>> -> memref<10240x80xf32, #tpu.memory_space<hbm>>
        tpu.wait_indirect_dma semaphore(%arg11 : memref<!tpu.dma_semaphore, #tpu.memory_space<semaphore_mem>>) src(%dma_wait3A_400 : memref<10240x80xf32, #tpu.memory_space<hbm>>) dst(%dma_wait3A_394 : memref<128x80xf32, #tpu.memory_space<vmem>>)
        %run_scoped3A_401 = arith.constant 0 : i32
        %run_scoped3A_402 = arith.constant 2 : i32
        %run_scoped3A_403 = arith.constant 1 : i32
        "tpu.region"() ({
          %run_scoped3A_529 = tpu.sem_alloc : memref<!tpu.dma_semaphore, #tpu.memory_space<semaphore_mem>>
          %dma_start3A_530 = arith.constant 0 : i32
          %dma_start3A_531 = arith.constant 0 : i32
          %dma_start3A_532 = tpu.memref_slice %arg9[%run_scoped3A_401, %dma_start3A_530, %dma_start3A_531] : memref<2x128x80xf32, #tpu.memory_space<vmem>> -> memref<1x128x80xf32, #tpu.memory_space<vmem>>
          %dma_start3A_533 = tpu.memref_squeeze %dma_start3A_532 : memref<1x128x80xf32, #tpu.memory_space<vmem>> -> memref<128x80xf32, #tpu.memory_space<vmem>>
          %dma_start3A_534 = arith.constant 0 : i32
          %dma_start3A_535 = tpu.memref_slice %arg8[%run_scoped3A_402, %run_scoped3A_403, %dma_start3A_534] : memref<4x2x128xi32, #tpu.memory_space<vmem>> -> memref<1x1x128xi32, #tpu.memory_space<vmem>>
          %dma_start3A_536 = tpu.memref_squeeze %dma_start3A_535 : memref<1x1x128xi32, #tpu.memory_space<vmem>> -> memref<128xi32, #tpu.memory_space<vmem>>
          %dma_start3A_537 = arith.constant 0 : i32
          %dma_start3A_538 = arith.constant 0 : i32
          %dma_start3A_539 = tpu.memref_slice %arg10[%dma_start3A_537, %dma_start3A_538] : memref<10240x80xf32, #tpu.memory_space<vmem_shared>> -> memref<10240x80xf32, #tpu.memory_space<vmem_shared>>
          tpu.enqueue_indirect_dma source(%dma_start3A_533 : memref<128x80xf32, #tpu.memory_space<vmem>>) target(%dma_start3A_539 : memref<10240x80xf32, #tpu.memory_space<vmem_shared>>) offsets(%dma_start3A_536 : memref<128xi32, #tpu.memory_space<vmem>>) semaphore(%run_scoped3A_529 : memref<!tpu.dma_semaphore, #tpu.memory_space<semaphore_mem>>) {add = true}
          %dma_wait3A_540 = arith.constant 0 : i32
          %dma_wait3A_541 = arith.constant 0 : i32
          %dma_wait3A_542 = tpu.memref_slice %arg9[%run_scoped3A_401, %dma_wait3A_540, %dma_wait3A_541] : memref<2x128x80xf32, #tpu.memory_space<vmem>> -> memref<1x128x80xf32, #tpu.memory_space<vmem>>
          %dma_wait3A_543 = tpu.memref_squeeze %dma_wait3A_542 : memref<1x128x80xf32, #tpu.memory_space<vmem>> -> memref<128x80xf32, #tpu.memory_space<vmem>>
          %dma_wait3A_544 = arith.constant 0 : i32
          %dma_wait3A_545 = tpu.memref_slice %arg8[%run_scoped3A_402, %run_scoped3A_403, %dma_wait3A_544] : memref<4x2x128xi32, #tpu.memory_space<vmem>> -> memref<1x1x128xi32, #tpu.memory_space<vmem>>
          %dma_wait3A_546 = tpu.memref_squeeze %dma_wait3A_545 : memref<1x1x128xi32, #tpu.memory_space<vmem>> -> memref<128xi32, #tpu.memory_space<vmem>>
          %dma_wait3A_547 = arith.constant 0 : i32
          %dma_wait3A_548 = arith.constant 0 : i32
          %dma_wait3A_549 = tpu.memref_slice %arg10[%dma_wait3A_547, %dma_wait3A_548] : memref<10240x80xf32, #tpu.memory_space<vmem_shared>> -> memref<10240x80xf32, #tpu.memory_space<vmem_shared>>
          tpu.wait_indirect_dma semaphore(%run_scoped3A_529 : memref<!tpu.dma_semaphore, #tpu.memory_space<semaphore_mem>>) src(%dma_wait3A_543 : memref<128x80xf32, #tpu.memory_space<vmem>>) dst(%dma_wait3A_549 : memref<10240x80xf32, #tpu.memory_space<vmem_shared>>)
          tpu.yield
        }) : () -> ()
        %add3A_404 = arith.constant 4 : i32
        %add3A_405 = arith.addi %add3A_387, %add3A_404 : i32
        %add3A_406 = arith.addi %mul3A_29, %add3A_405 : i32
        %dma_start3A_407 = arith.constant 2 : i32
        %dma_start3A_408 = arith.constant 0 : i32
        %dma_start3A_409 = arith.constant 0 : i32
        %dma_start3A_410 = tpu.memref_slice %arg8[%dma_start3A_407, %dma_start3A_408, %dma_start3A_409] : memref<4x2x128xi32, #tpu.memory_space<vmem>> -> memref<1x2x128xi32, #tpu.memory_space<vmem>>
        %dma_start3A_411 = tpu.memref_squeeze %dma_start3A_410 : memref<1x2x128xi32, #tpu.memory_space<vmem>> -> memref<2x128xi32, #tpu.memory_space<vmem>>
        %dma_start3A_412 = arith.constant 0 : i32
        %dma_start3A_413 = arith.constant 0 : i32
        %dma_start3A_414 = tpu.memref_slice %arg4[%add3A_406, %dma_start3A_412, %dma_start3A_413] : memref<2624x2x128xi32, #tpu.memory_space<hbm>> -> memref<1x2x128xi32, #tpu.memory_space<hbm>>
        %dma_start3A_415 = tpu.memref_squeeze %dma_start3A_414 : memref<1x2x128xi32, #tpu.memory_space<hbm>> -> memref<2x128xi32, #tpu.memory_space<hbm>>
        %dma_start3A_416 = arith.constant 0 : i32
        %dma_start3A_417 = arith.constant 0 : i32
        %dma_start3A_418 = tpu.memref_slice %arg8[%dma_start3A_407, %dma_start3A_416, %dma_start3A_417] : memref<4x2x128xi32, #tpu.memory_space<vmem>> -> memref<1x2x128xi32, #tpu.memory_space<vmem>>
        %dma_start3A_419 = tpu.memref_squeeze %dma_start3A_418 : memref<1x2x128xi32, #tpu.memory_space<vmem>> -> memref<2x128xi32, #tpu.memory_space<vmem>>
        %dma_start3A_420 = arith.constant 0 : i32
        %dma_start3A_421 = arith.constant 0 : i32
        %dma_start3A_422 = tpu.memref_slice %arg4[%add3A_406, %dma_start3A_420, %dma_start3A_421] : memref<2624x2x128xi32, #tpu.memory_space<hbm>> -> memref<1x2x128xi32, #tpu.memory_space<hbm>>
        %dma_start3A_423 = tpu.memref_squeeze %dma_start3A_422 : memref<1x2x128xi32, #tpu.memory_space<hbm>> -> memref<2x128xi32, #tpu.memory_space<hbm>>
        tpu.enqueue_dma source(%dma_start3A_423 : memref<2x128xi32, #tpu.memory_space<hbm>>) target(%dma_start3A_419 : memref<2x128xi32, #tpu.memory_space<vmem>>) target_semaphore(%arg15 : memref<!tpu.dma_semaphore, #tpu.memory_space<semaphore_mem>>)
        %add3A_424 = arith.constant 2 : i32
        %add3A_425 = arith.addi %add3A_387, %add3A_424 : i32
        %add3A_426 = arith.addi %mul3A_29, %add3A_425 : i32
        %dma_wait3A_427 = arith.constant 0 : i32
        %dma_wait3A_428 = arith.constant 0 : i32
        %dma_wait3A_429 = arith.constant 0 : i32
        %dma_wait3A_430 = tpu.memref_slice %arg8[%dma_wait3A_427, %dma_wait3A_428, %dma_wait3A_429] : memref<4x2x128xi32, #tpu.memory_space<vmem>> -> memref<1x2x128xi32, #tpu.memory_space<vmem>>
        %dma_wait3A_431 = tpu.memref_squeeze %dma_wait3A_430 : memref<1x2x128xi32, #tpu.memory_space<vmem>> -> memref<2x128xi32, #tpu.memory_space<vmem>>
        %dma_wait3A_432 = arith.constant 0 : i32
        %dma_wait3A_433 = arith.constant 0 : i32
        %dma_wait3A_434 = tpu.memref_slice %arg4[%add3A_426, %dma_wait3A_432, %dma_wait3A_433] : memref<2624x2x128xi32, #tpu.memory_space<hbm>> -> memref<1x2x128xi32, #tpu.memory_space<hbm>>
        %dma_wait3A_435 = tpu.memref_squeeze %dma_wait3A_434 : memref<1x2x128xi32, #tpu.memory_space<hbm>> -> memref<2x128xi32, #tpu.memory_space<hbm>>
        %dma_wait3A_436 = arith.constant 0 : i32
        %dma_wait3A_437 = arith.constant 0 : i32
        %dma_wait3A_438 = tpu.memref_slice %arg8[%dma_wait3A_427, %dma_wait3A_436, %dma_wait3A_437] : memref<4x2x128xi32, #tpu.memory_space<vmem>> -> memref<1x2x128xi32, #tpu.memory_space<vmem>>
        %dma_wait3A_439 = tpu.memref_squeeze %dma_wait3A_438 : memref<1x2x128xi32, #tpu.memory_space<vmem>> -> memref<2x128xi32, #tpu.memory_space<vmem>>
        %dma_wait3A_440 = arith.constant 0 : i32
        %dma_wait3A_441 = arith.constant 0 : i32
        %dma_wait3A_442 = tpu.memref_slice %arg4[%add3A_426, %dma_wait3A_440, %dma_wait3A_441] : memref<2624x2x128xi32, #tpu.memory_space<hbm>> -> memref<1x2x128xi32, #tpu.memory_space<hbm>>
        %dma_wait3A_443 = tpu.memref_squeeze %dma_wait3A_442 : memref<1x2x128xi32, #tpu.memory_space<hbm>> -> memref<2x128xi32, #tpu.memory_space<hbm>>
        tpu.wait_dma2 semaphore(%arg13 : memref<!tpu.dma_semaphore, #tpu.memory_space<semaphore_mem>>) src(%dma_wait3A_443 : memref<2x128xi32, #tpu.memory_space<hbm>>) dst(%dma_wait3A_439 : memref<2x128xi32, #tpu.memory_space<vmem>>)
        %dma_start3A_444 = arith.constant 0 : i32
        %dma_start3A_445 = arith.constant 0 : i32
        %dma_start3A_446 = arith.constant 0 : i32
        %dma_start3A_447 = arith.constant 0 : i32
        %dma_start3A_448 = arith.constant 0 : i32
        %dma_start3A_449 = tpu.memref_slice %arg9[%dma_start3A_446, %dma_start3A_447, %dma_start3A_448] : memref<2x128x80xf32, #tpu.memory_space<vmem>> -> memref<1x128x80xf32, #tpu.memory_space<vmem>>
        %dma_start3A_450 = tpu.memref_squeeze %dma_start3A_449 : memref<1x128x80xf32, #tpu.memory_space<vmem>> -> memref<128x80xf32, #tpu.memory_space<vmem>>
        %dma_start3A_451 = arith.constant 0 : i32
        %dma_start3A_452 = tpu.memref_slice %arg8[%dma_start3A_444, %dma_start3A_445, %dma_start3A_451] : memref<4x2x128xi32, #tpu.memory_space<vmem>> -> memref<1x1x128xi32, #tpu.memory_space<vmem>>
        %dma_start3A_453 = tpu.memref_squeeze %dma_start3A_452 : memref<1x1x128xi32, #tpu.memory_space<vmem>> -> memref<128xi32, #tpu.memory_space<vmem>>
        %dma_start3A_454 = arith.constant 0 : i32
        %dma_start3A_455 = arith.constant 0 : i32
        %dma_start3A_456 = tpu.memref_slice %arg2[%dma_start3A_454, %dma_start3A_455] : memref<10240x80xf32, #tpu.memory_space<hbm>> -> memref<10240x80xf32, #tpu.memory_space<hbm>>
        tpu.enqueue_indirect_dma source(%dma_start3A_456 : memref<10240x80xf32, #tpu.memory_space<hbm>>) target(%dma_start3A_450 : memref<128x80xf32, #tpu.memory_space<vmem>>) offsets(%dma_start3A_453 : memref<128xi32, #tpu.memory_space<vmem>>) semaphore(%arg11 : memref<!tpu.dma_semaphore, #tpu.memory_space<semaphore_mem>>)
        %add3A_457 = arith.constant 3 : i32
        %add3A_458 = arith.addi %mul3A_243, %add3A_457 : i32
        %dma_wait3A_459 = arith.constant 3 : i32
        %dma_wait3A_460 = arith.constant 0 : i32
        %dma_wait3A_461 = arith.constant 1 : i32
        %dma_wait3A_462 = arith.constant 0 : i32
        %dma_wait3A_463 = arith.constant 0 : i32
        %dma_wait3A_464 = tpu.memref_slice %arg9[%dma_wait3A_461, %dma_wait3A_462, %dma_wait3A_463] : memref<2x128x80xf32, #tpu.memory_space<vmem>> -> memref<1x128x80xf32, #tpu.memory_space<vmem>>
        %dma_wait3A_465 = tpu.memref_squeeze %dma_wait3A_464 : memref<1x128x80xf32, #tpu.memory_space<vmem>> -> memref<128x80xf32, #tpu.memory_space<vmem>>
        %dma_wait3A_466 = arith.constant 0 : i32
        %dma_wait3A_467 = tpu.memref_slice %arg8[%dma_wait3A_459, %dma_wait3A_460, %dma_wait3A_466] : memref<4x2x128xi32, #tpu.memory_space<vmem>> -> memref<1x1x128xi32, #tpu.memory_space<vmem>>
        %dma_wait3A_468 = tpu.memref_squeeze %dma_wait3A_467 : memref<1x1x128xi32, #tpu.memory_space<vmem>> -> memref<128xi32, #tpu.memory_space<vmem>>
        %dma_wait3A_469 = arith.constant 0 : i32
        %dma_wait3A_470 = arith.constant 0 : i32
        %dma_wait3A_471 = tpu.memref_slice %arg2[%dma_wait3A_469, %dma_wait3A_470] : memref<10240x80xf32, #tpu.memory_space<hbm>> -> memref<10240x80xf32, #tpu.memory_space<hbm>>
        tpu.wait_indirect_dma semaphore(%arg12 : memref<!tpu.dma_semaphore, #tpu.memory_space<semaphore_mem>>) src(%dma_wait3A_471 : memref<10240x80xf32, #tpu.memory_space<hbm>>) dst(%dma_wait3A_465 : memref<128x80xf32, #tpu.memory_space<vmem>>)
        %run_scoped3A_472 = arith.constant 1 : i32
        %run_scoped3A_473 = arith.constant 3 : i32
        %run_scoped3A_474 = arith.constant 1 : i32
        "tpu.region"() ({
          %run_scoped3A_529 = tpu.sem_alloc : memref<!tpu.dma_semaphore, #tpu.memory_space<semaphore_mem>>
          %dma_start3A_530 = arith.constant 0 : i32
          %dma_start3A_531 = arith.constant 0 : i32
          %dma_start3A_532 = tpu.memref_slice %arg9[%run_scoped3A_472, %dma_start3A_530, %dma_start3A_531] : memref<2x128x80xf32, #tpu.memory_space<vmem>> -> memref<1x128x80xf32, #tpu.memory_space<vmem>>
          %dma_start3A_533 = tpu.memref_squeeze %dma_start3A_532 : memref<1x128x80xf32, #tpu.memory_space<vmem>> -> memref<128x80xf32, #tpu.memory_space<vmem>>
          %dma_start3A_534 = arith.constant 0 : i32
          %dma_start3A_535 = tpu.memref_slice %arg8[%run_scoped3A_473, %run_scoped3A_474, %dma_start3A_534] : memref<4x2x128xi32, #tpu.memory_space<vmem>> -> memref<1x1x128xi32, #tpu.memory_space<vmem>>
          %dma_start3A_536 = tpu.memref_squeeze %dma_start3A_535 : memref<1x1x128xi32, #tpu.memory_space<vmem>> -> memref<128xi32, #tpu.memory_space<vmem>>
          %dma_start3A_537 = arith.constant 0 : i32
          %dma_start3A_538 = arith.constant 0 : i32
          %dma_start3A_539 = tpu.memref_slice %arg10[%dma_start3A_537, %dma_start3A_538] : memref<10240x80xf32, #tpu.memory_space<vmem_shared>> -> memref<10240x80xf32, #tpu.memory_space<vmem_shared>>
          tpu.enqueue_indirect_dma source(%dma_start3A_533 : memref<128x80xf32, #tpu.memory_space<vmem>>) target(%dma_start3A_539 : memref<10240x80xf32, #tpu.memory_space<vmem_shared>>) offsets(%dma_start3A_536 : memref<128xi32, #tpu.memory_space<vmem>>) semaphore(%run_scoped3A_529 : memref<!tpu.dma_semaphore, #tpu.memory_space<semaphore_mem>>) {add = true}
          %dma_wait3A_540 = arith.constant 0 : i32
          %dma_wait3A_541 = arith.constant 0 : i32
          %dma_wait3A_542 = tpu.memref_slice %arg9[%run_scoped3A_472, %dma_wait3A_540, %dma_wait3A_541] : memref<2x128x80xf32, #tpu.memory_space<vmem>> -> memref<1x128x80xf32, #tpu.memory_space<vmem>>
          %dma_wait3A_543 = tpu.memref_squeeze %dma_wait3A_542 : memref<1x128x80xf32, #tpu.memory_space<vmem>> -> memref<128x80xf32, #tpu.memory_space<vmem>>
          %dma_wait3A_544 = arith.constant 0 : i32
          %dma_wait3A_545 = tpu.memref_slice %arg8[%run_scoped3A_473, %run_scoped3A_474, %dma_wait3A_544] : memref<4x2x128xi32, #tpu.memory_space<vmem>> -> memref<1x1x128xi32, #tpu.memory_space<vmem>>
          %dma_wait3A_546 = tpu.memref_squeeze %dma_wait3A_545 : memref<1x1x128xi32, #tpu.memory_space<vmem>> -> memref<128xi32, #tpu.memory_space<vmem>>
          %dma_wait3A_547 = arith.constant 0 : i32
          %dma_wait3A_548 = arith.constant 0 : i32
          %dma_wait3A_549 = tpu.memref_slice %arg10[%dma_wait3A_547, %dma_wait3A_548] : memref<10240x80xf32, #tpu.memory_space<vmem_shared>> -> memref<10240x80xf32, #tpu.memory_space<vmem_shared>>
          tpu.wait_indirect_dma semaphore(%run_scoped3A_529 : memref<!tpu.dma_semaphore, #tpu.memory_space<semaphore_mem>>) src(%dma_wait3A_543 : memref<128x80xf32, #tpu.memory_space<vmem>>) dst(%dma_wait3A_549 : memref<10240x80xf32, #tpu.memory_space<vmem_shared>>)
          tpu.yield
        }) : () -> ()
        %add3A_475 = arith.constant 4 : i32
        %add3A_476 = arith.addi %add3A_458, %add3A_475 : i32
        %add3A_477 = arith.addi %mul3A_29, %add3A_476 : i32
        %dma_start3A_478 = arith.constant 3 : i32
        %dma_start3A_479 = arith.constant 0 : i32
        %dma_start3A_480 = arith.constant 0 : i32
        %dma_start3A_481 = tpu.memref_slice %arg8[%dma_start3A_478, %dma_start3A_479, %dma_start3A_480] : memref<4x2x128xi32, #tpu.memory_space<vmem>> -> memref<1x2x128xi32, #tpu.memory_space<vmem>>
        %dma_start3A_482 = tpu.memref_squeeze %dma_start3A_481 : memref<1x2x128xi32, #tpu.memory_space<vmem>> -> memref<2x128xi32, #tpu.memory_space<vmem>>
        %dma_start3A_483 = arith.constant 0 : i32
        %dma_start3A_484 = arith.constant 0 : i32
        %dma_start3A_485 = tpu.memref_slice %arg4[%add3A_477, %dma_start3A_483, %dma_start3A_484] : memref<2624x2x128xi32, #tpu.memory_space<hbm>> -> memref<1x2x128xi32, #tpu.memory_space<hbm>>
        %dma_start3A_486 = tpu.memref_squeeze %dma_start3A_485 : memref<1x2x128xi32, #tpu.memory_space<hbm>> -> memref<2x128xi32, #tpu.memory_space<hbm>>
        %dma_start3A_487 = arith.constant 0 : i32
        %dma_start3A_488 = arith.constant 0 : i32
        %dma_start3A_489 = tpu.memref_slice %arg8[%dma_start3A_478, %dma_start3A_487, %dma_start3A_488] : memref<4x2x128xi32, #tpu.memory_space<vmem>> -> memref<1x2x128xi32, #tpu.memory_space<vmem>>
        %dma_start3A_490 = tpu.memref_squeeze %dma_start3A_489 : memref<1x2x128xi32, #tpu.memory_space<vmem>> -> memref<2x128xi32, #tpu.memory_space<vmem>>
        %dma_start3A_491 = arith.constant 0 : i32
        %dma_start3A_492 = arith.constant 0 : i32
        %dma_start3A_493 = tpu.memref_slice %arg4[%add3A_477, %dma_start3A_491, %dma_start3A_492] : memref<2624x2x128xi32, #tpu.memory_space<hbm>> -> memref<1x2x128xi32, #tpu.memory_space<hbm>>
        %dma_start3A_494 = tpu.memref_squeeze %dma_start3A_493 : memref<1x2x128xi32, #tpu.memory_space<hbm>> -> memref<2x128xi32, #tpu.memory_space<hbm>>
        tpu.enqueue_dma source(%dma_start3A_494 : memref<2x128xi32, #tpu.memory_space<hbm>>) target(%dma_start3A_490 : memref<2x128xi32, #tpu.memory_space<vmem>>) target_semaphore(%arg16 : memref<!tpu.dma_semaphore, #tpu.memory_space<semaphore_mem>>)
        %add3A_495 = arith.constant 2 : i32
        %add3A_496 = arith.addi %add3A_458, %add3A_495 : i32
        %add3A_497 = arith.addi %mul3A_29, %add3A_496 : i32
        %dma_wait3A_498 = arith.constant 1 : i32
        %dma_wait3A_499 = arith.constant 0 : i32
        %dma_wait3A_500 = arith.constant 0 : i32
        %dma_wait3A_501 = tpu.memref_slice %arg8[%dma_wait3A_498, %dma_wait3A_499, %dma_wait3A_500] : memref<4x2x128xi32, #tpu.memory_space<vmem>> -> memref<1x2x128xi32, #tpu.memory_space<vmem>>
        %dma_wait3A_502 = tpu.memref_squeeze %dma_wait3A_501 : memref<1x2x128xi32, #tpu.memory_space<vmem>> -> memref<2x128xi32, #tpu.memory_space<vmem>>
        %dma_wait3A_503 = arith.constant 0 : i32
        %dma_wait3A_504 = arith.constant 0 : i32
        %dma_wait3A_505 = tpu.memref_slice %arg4[%add3A_497, %dma_wait3A_503, %dma_wait3A_504] : memref<2624x2x128xi32, #tpu.memory_space<hbm>> -> memref<1x2x128xi32, #tpu.memory_space<hbm>>
        %dma_wait3A_506 = tpu.memref_squeeze %dma_wait3A_505 : memref<1x2x128xi32, #tpu.memory_space<hbm>> -> memref<2x128xi32, #tpu.memory_space<hbm>>
        %dma_wait3A_507 = arith.constant 0 : i32
        %dma_wait3A_508 = arith.constant 0 : i32
        %dma_wait3A_509 = tpu.memref_slice %arg8[%dma_wait3A_498, %dma_wait3A_507, %dma_wait3A_508] : memref<4x2x128xi32, #tpu.memory_space<vmem>> -> memref<1x2x128xi32, #tpu.memory_space<vmem>>
        %dma_wait3A_510 = tpu.memref_squeeze %dma_wait3A_509 : memref<1x2x128xi32, #tpu.memory_space<vmem>> -> memref<2x128xi32, #tpu.memory_space<vmem>>
        %dma_wait3A_511 = arith.constant 0 : i32
        %dma_wait3A_512 = arith.constant 0 : i32
        %dma_wait3A_513 = tpu.memref_slice %arg4[%add3A_497, %dma_wait3A_511, %dma_wait3A_512] : memref<2624x2x128xi32, #tpu.memory_space<hbm>> -> memref<1x2x128xi32, #tpu.memory_space<hbm>>
        %dma_wait3A_514 = tpu.memref_squeeze %dma_wait3A_513 : memref<1x2x128xi32, #tpu.memory_space<hbm>> -> memref<2x128xi32, #tpu.memory_space<hbm>>
        tpu.wait_dma2 semaphore(%arg14 : memref<!tpu.dma_semaphore, #tpu.memory_space<semaphore_mem>>) src(%dma_wait3A_514 : memref<2x128xi32, #tpu.memory_space<hbm>>) dst(%dma_wait3A_510 : memref<2x128xi32, #tpu.memory_space<vmem>>)
        %dma_start3A_515 = arith.constant 1 : i32
        %dma_start3A_516 = arith.constant 0 : i32
        %dma_start3A_517 = arith.constant 1 : i32
        %dma_start3A_518 = arith.constant 0 : i32
        %dma_start3A_519 = arith.constant 0 : i32
        %dma_start3A_520 = tpu.memref_slice %arg9[%dma_start3A_517, %dma_start3A_518, %dma_start3A_519] : memref<2x128x80xf32, #tpu.memory_space<vmem>> -> memref<1x128x80xf32, #tpu.memory_space<vmem>>
        %dma_start3A_521 = tpu.memref_squeeze %dma_start3A_520 : memref<1x128x80xf32, #tpu.memory_space<vmem>> -> memref<128x80xf32, #tpu.memory_space<vmem>>
        %dma_start3A_522 = arith.constant 0 : i32
        %dma_start3A_523 = tpu.memref_slice %arg8[%dma_start3A_515, %dma_start3A_516, %dma_start3A_522] : memref<4x2x128xi32, #tpu.memory_space<vmem>> -> memref<1x1x128xi32, #tpu.memory_space<vmem>>
        %dma_start3A_524 = tpu.memref_squeeze %dma_start3A_523 : memref<1x1x128xi32, #tpu.memory_space<vmem>> -> memref<128xi32, #tpu.memory_space<vmem>>
        %dma_start3A_525 = arith.constant 0 : i32
        %dma_start3A_526 = arith.constant 0 : i32
        %dma_start3A_527 = tpu.memref_slice %arg2[%dma_start3A_525, %dma_start3A_526] : memref<10240x80xf32, #tpu.memory_space<hbm>> -> memref<10240x80xf32, #tpu.memory_space<hbm>>
        tpu.enqueue_indirect_dma source(%dma_start3A_527 : memref<10240x80xf32, #tpu.memory_space<hbm>>) target(%dma_start3A_521 : memref<128x80xf32, #tpu.memory_space<vmem>>) offsets(%dma_start3A_524 : memref<128xi32, #tpu.memory_space<vmem>>) semaphore(%arg12 : memref<!tpu.dma_semaphore, #tpu.memory_space<semaphore_mem>>)
        %scan3A_528 = arith.constant 0 : i32
        scf.yield %scan3A_528 : i32
      }
      %scan3A_174 = arith.constant 40 : i32
      %dma_wait3A_175 = arith.constant 0 : i32
      %dma_wait3A_176 = arith.constant 0 : i32
      %dma_wait3A_177 = arith.constant 0 : i32
      %dma_wait3A_178 = arith.constant 0 : i32
      %dma_wait3A_179 = arith.constant 0 : i32
      %dma_wait3A_180 = tpu.memref_slice %arg9[%dma_wait3A_177, %dma_wait3A_178, %dma_wait3A_179] : memref<2x128x80xf32, #tpu.memory_space<vmem>> -> memref<1x128x80xf32, #tpu.memory_space<vmem>>
      %dma_wait3A_181 = tpu.memref_squeeze %dma_wait3A_180 : memref<1x128x80xf32, #tpu.memory_space<vmem>> -> memref<128x80xf32, #tpu.memory_space<vmem>>
      %dma_wait3A_182 = arith.constant 0 : i32
      %dma_wait3A_183 = tpu.memref_slice %arg8[%dma_wait3A_175, %dma_wait3A_176, %dma_wait3A_182] : memref<4x2x128xi32, #tpu.memory_space<vmem>> -> memref<1x1x128xi32, #tpu.memory_space<vmem>>
      %dma_wait3A_184 = tpu.memref_squeeze %dma_wait3A_183 : memref<1x1x128xi32, #tpu.memory_space<vmem>> -> memref<128xi32, #tpu.memory_space<vmem>>
      %dma_wait3A_185 = arith.constant 0 : i32
      %dma_wait3A_186 = arith.constant 0 : i32
      %dma_wait3A_187 = tpu.memref_slice %arg2[%dma_wait3A_185, %dma_wait3A_186] : memref<10240x80xf32, #tpu.memory_space<hbm>> -> memref<10240x80xf32, #tpu.memory_space<hbm>>
      tpu.wait_indirect_dma semaphore(%arg11 : memref<!tpu.dma_semaphore, #tpu.memory_space<semaphore_mem>>) src(%dma_wait3A_187 : memref<10240x80xf32, #tpu.memory_space<hbm>>) dst(%dma_wait3A_181 : memref<128x80xf32, #tpu.memory_space<vmem>>)
      %dma_wait3A_188 = arith.constant 1 : i32
      %dma_wait3A_189 = arith.constant 0 : i32
      %dma_wait3A_190 = arith.constant 1 : i32
      %dma_wait3A_191 = arith.constant 0 : i32
      %dma_wait3A_192 = arith.constant 0 : i32
      %dma_wait3A_193 = tpu.memref_slice %arg9[%dma_wait3A_190, %dma_wait3A_191, %dma_wait3A_192] : memref<2x128x80xf32, #tpu.memory_space<vmem>> -> memref<1x128x80xf32, #tpu.memory_space<vmem>>
      %dma_wait3A_194 = tpu.memref_squeeze %dma_wait3A_193 : memref<1x128x80xf32, #tpu.memory_space<vmem>> -> memref<128x80xf32, #tpu.memory_space<vmem>>
      %dma_wait3A_195 = arith.constant 0 : i32
      %dma_wait3A_196 = tpu.memref_slice %arg8[%dma_wait3A_188, %dma_wait3A_189, %dma_wait3A_195] : memref<4x2x128xi32, #tpu.memory_space<vmem>> -> memref<1x1x128xi32, #tpu.memory_space<vmem>>
      %dma_wait3A_197 = tpu.memref_squeeze %dma_wait3A_196 : memref<1x1x128xi32, #tpu.memory_space<vmem>> -> memref<128xi32, #tpu.memory_space<vmem>>
      %dma_wait3A_198 = arith.constant 0 : i32
      %dma_wait3A_199 = arith.constant 0 : i32
      %dma_wait3A_200 = tpu.memref_slice %arg2[%dma_wait3A_198, %dma_wait3A_199] : memref<10240x80xf32, #tpu.memory_space<hbm>> -> memref<10240x80xf32, #tpu.memory_space<hbm>>
      tpu.wait_indirect_dma semaphore(%arg12 : memref<!tpu.dma_semaphore, #tpu.memory_space<semaphore_mem>>) src(%dma_wait3A_200 : memref<10240x80xf32, #tpu.memory_space<hbm>>) dst(%dma_wait3A_194 : memref<128x80xf32, #tpu.memory_space<vmem>>)
      %add3A_201 = arith.constant 162 : i32
      %add3A_202 = arith.addi %mul3A_29, %add3A_201 : i32
      %dma_wait3A_203 = arith.constant 2 : i32
      %dma_wait3A_204 = arith.constant 0 : i32
      %dma_wait3A_205 = arith.constant 0 : i32
      %dma_wait3A_206 = tpu.memref_slice %arg8[%dma_wait3A_203, %dma_wait3A_204, %dma_wait3A_205] : memref<4x2x128xi32, #tpu.memory_space<vmem>> -> memref<1x2x128xi32, #tpu.memory_space<vmem>>
      %dma_wait3A_207 = tpu.memref_squeeze %dma_wait3A_206 : memref<1x2x128xi32, #tpu.memory_space<vmem>> -> memref<2x128xi32, #tpu.memory_space<vmem>>
      %dma_wait3A_208 = arith.constant 0 : i32
      %dma_wait3A_209 = arith.constant 0 : i32
      %dma_wait3A_210 = tpu.memref_slice %arg4[%add3A_202, %dma_wait3A_208, %dma_wait3A_209] : memref<2624x2x128xi32, #tpu.memory_space<hbm>> -> memref<1x2x128xi32, #tpu.memory_space<hbm>>
      %dma_wait3A_211 = tpu.memref_squeeze %dma_wait3A_210 : memref<1x2x128xi32, #tpu.memory_space<hbm>> -> memref<2x128xi32, #tpu.memory_space<hbm>>
      %dma_wait3A_212 = arith.constant 0 : i32
      %dma_wait3A_213 = arith.constant 0 : i32
      %dma_wait3A_214 = tpu.memref_slice %arg8[%dma_wait3A_203, %dma_wait3A_212, %dma_wait3A_213] : memref<4x2x128xi32, #tpu.memory_space<vmem>> -> memref<1x2x128xi32, #tpu.memory_space<vmem>>
      %dma_wait3A_215 = tpu.memref_squeeze %dma_wait3A_214 : memref<1x2x128xi32, #tpu.memory_space<vmem>> -> memref<2x128xi32, #tpu.memory_space<vmem>>
      %dma_wait3A_216 = arith.constant 0 : i32
      %dma_wait3A_217 = arith.constant 0 : i32
      %dma_wait3A_218 = tpu.memref_slice %arg4[%add3A_202, %dma_wait3A_216, %dma_wait3A_217] : memref<2624x2x128xi32, #tpu.memory_space<hbm>> -> memref<1x2x128xi32, #tpu.memory_space<hbm>>
      %dma_wait3A_219 = tpu.memref_squeeze %dma_wait3A_218 : memref<1x2x128xi32, #tpu.memory_space<hbm>> -> memref<2x128xi32, #tpu.memory_space<hbm>>
      tpu.wait_dma2 semaphore(%arg15 : memref<!tpu.dma_semaphore, #tpu.memory_space<semaphore_mem>>) src(%dma_wait3A_219 : memref<2x128xi32, #tpu.memory_space<hbm>>) dst(%dma_wait3A_215 : memref<2x128xi32, #tpu.memory_space<vmem>>)
      %add3A_220 = arith.constant 163 : i32
      %add3A_221 = arith.addi %mul3A_29, %add3A_220 : i32
      %dma_wait3A_222 = arith.constant 3 : i32
      %dma_wait3A_223 = arith.constant 0 : i32
      %dma_wait3A_224 = arith.constant 0 : i32
      %dma_wait3A_225 = tpu.memref_slice %arg8[%dma_wait3A_222, %dma_wait3A_223, %dma_wait3A_224] : memref<4x2x128xi32, #tpu.memory_space<vmem>> -> memref<1x2x128xi32, #tpu.memory_space<vmem>>
      %dma_wait3A_226 = tpu.memref_squeeze %dma_wait3A_225 : memref<1x2x128xi32, #tpu.memory_space<vmem>> -> memref<2x128xi32, #tpu.memory_space<vmem>>
      %dma_wait3A_227 = arith.constant 0 : i32
      %dma_wait3A_228 = arith.constant 0 : i32
      %dma_wait3A_229 = tpu.memref_slice %arg4[%add3A_221, %dma_wait3A_227, %dma_wait3A_228] : memref<2624x2x128xi32, #tpu.memory_space<hbm>> -> memref<1x2x128xi32, #tpu.memory_space<hbm>>
      %dma_wait3A_230 = tpu.memref_squeeze %dma_wait3A_229 : memref<1x2x128xi32, #tpu.memory_space<hbm>> -> memref<2x128xi32, #tpu.memory_space<hbm>>
      %dma_wait3A_231 = arith.constant 0 : i32
      %dma_wait3A_232 = arith.constant 0 : i32
      %dma_wait3A_233 = tpu.memref_slice %arg8[%dma_wait3A_222, %dma_wait3A_231, %dma_wait3A_232] : memref<4x2x128xi32, #tpu.memory_space<vmem>> -> memref<1x2x128xi32, #tpu.memory_space<vmem>>
      %dma_wait3A_234 = tpu.memref_squeeze %dma_wait3A_233 : memref<1x2x128xi32, #tpu.memory_space<vmem>> -> memref<2x128xi32, #tpu.memory_space<vmem>>
      %dma_wait3A_235 = arith.constant 0 : i32
      %dma_wait3A_236 = arith.constant 0 : i32
      %dma_wait3A_237 = tpu.memref_slice %arg4[%add3A_221, %dma_wait3A_235, %dma_wait3A_236] : memref<2624x2x128xi32, #tpu.memory_space<hbm>> -> memref<1x2x128xi32, #tpu.memory_space<hbm>>
      %dma_wait3A_238 = tpu.memref_squeeze %dma_wait3A_237 : memref<1x2x128xi32, #tpu.memory_space<hbm>> -> memref<2x128xi32, #tpu.memory_space<hbm>>
      tpu.wait_dma2 semaphore(%arg16 : memref<!tpu.dma_semaphore, #tpu.memory_space<semaphore_mem>>) src(%dma_wait3A_238 : memref<2x128xi32, #tpu.memory_space<hbm>>) dst(%dma_wait3A_234 : memref<2x128xi32, #tpu.memory_space<vmem>>)
      %barrier3A_239 = arith.constant 0 : index
      tpu.barrier barrier_id(%barrier3A_239)
      "tpu.region"() ({
        %run_scoped3A_240 = tpu.sem_alloc : memref<!tpu.dma_semaphore, #tpu.memory_space<semaphore_mem>>
        %dma_start3A_241 = arith.constant 0 : i32
        %dma_start3A_242 = tpu.memref_slice %arg6[%mul3A_0, %dma_start3A_241] : memref<10240x80xf32, #tpu.memory_space<hbm>> -> memref<640x80xf32, #tpu.memory_space<hbm>>
        %dma_start3A_243 = arith.constant 0 : i32
        %dma_start3A_244 = tpu.memref_slice %arg10[%mul3A_0, %dma_start3A_243] : memref<10240x80xf32, #tpu.memory_space<vmem_shared>> -> memref<640x80xf32, #tpu.memory_space<vmem_shared>>
        tpu.enqueue_dma source(%dma_start3A_244 : memref<640x80xf32, #tpu.memory_space<vmem_shared>>) target(%dma_start3A_242 : memref<640x80xf32, #tpu.memory_space<hbm>>) target_semaphore(%run_scoped3A_240 : memref<!tpu.dma_semaphore, #tpu.memory_space<semaphore_mem>>)
        %dma_wait3A_245 = arith.constant 0 : i32
        %dma_wait3A_246 = tpu.memref_slice %arg6[%mul3A_0, %dma_wait3A_245] : memref<10240x80xf32, #tpu.memory_space<hbm>> -> memref<640x80xf32, #tpu.memory_space<hbm>>
        %dma_wait3A_247 = arith.constant 0 : i32
        %dma_wait3A_248 = tpu.memref_slice %arg10[%mul3A_0, %dma_wait3A_247] : memref<10240x80xf32, #tpu.memory_space<vmem_shared>> -> memref<640x80xf32, #tpu.memory_space<vmem_shared>>
        tpu.wait_dma2 semaphore(%run_scoped3A_240 : memref<!tpu.dma_semaphore, #tpu.memory_space<semaphore_mem>>) src(%dma_wait3A_248 : memref<640x80xf32, #tpu.memory_space<vmem_shared>>) dst(%dma_wait3A_246 : memref<640x80xf32, #tpu.memory_space<hbm>>)
        tpu.yield
      }) : () -> ()
    } else {
    }
    %eq3A_23 = arith.constant 1 : i32
    %eq3A_24 = arith.cmpi eq, %arg0, %eq3A_23 : i32
    %convert_element_type3A_25 = arith.extui %eq3A_24 : i1 to i32
    %cond3A_26 = arith.constant 0 : i32
    %cond3A_27 = arith.cmpi ne, %convert_element_type3A_25, %cond3A_26 : i32
    scf.if %cond3A_27 {
      %mul3A_28 = arith.constant 164 : i32
      %mul3A_29 = arith.muli %arg1, %mul3A_28 : i32
      %add3A_30 = arith.constant 0 : i32
      %add3A_31 = arith.addi %mul3A_29, %add3A_30 : i32
      %dma_start3A = arith.constant 0 : i32
      %dma_start3A_32 = arith.constant 0 : i32
      %dma_start3A_33 = arith.constant 0 : i32
      %dma_start3A_34 = tpu.memref_slice %arg8[%dma_start3A, %dma_start3A_32, %dma_start3A_33] : memref<4x2x128xi32, #tpu.memory_space<vmem>> -> memref<1x2x128xi32, #tpu.memory_space<vmem>>
      %dma_start3A_35 = tpu.memref_squeeze %dma_start3A_34 : memref<1x2x128xi32, #tpu.memory_space<vmem>> -> memref<2x128xi32, #tpu.memory_space<vmem>>
      %dma_start3A_36 = arith.constant 0 : i32
      %dma_start3A_37 = arith.constant 0 : i32
      %dma_start3A_38 = tpu.memref_slice %arg5[%add3A_31, %dma_start3A_36, %dma_start3A_37] : memref<2624x2x128xi32, #tpu.memory_space<hbm>> -> memref<1x2x128xi32, #tpu.memory_space<hbm>>
      %dma_start3A_39 = tpu.memref_squeeze %dma_start3A_38 : memref<1x2x128xi32, #tpu.memory_space<hbm>> -> memref<2x128xi32, #tpu.memory_space<hbm>>
      %dma_start3A_40 = arith.constant 0 : i32
      %dma_start3A_41 = arith.constant 0 : i32
      %dma_start3A_42 = tpu.memref_slice %arg8[%dma_start3A, %dma_start3A_40, %dma_start3A_41] : memref<4x2x128xi32, #tpu.memory_space<vmem>> -> memref<1x2x128xi32, #tpu.memory_space<vmem>>
      %dma_start3A_43 = tpu.memref_squeeze %dma_start3A_42 : memref<1x2x128xi32, #tpu.memory_space<vmem>> -> memref<2x128xi32, #tpu.memory_space<vmem>>
      %dma_start3A_44 = arith.constant 0 : i32
      %dma_start3A_45 = arith.constant 0 : i32
      %dma_start3A_46 = tpu.memref_slice %arg5[%add3A_31, %dma_start3A_44, %dma_start3A_45] : memref<2624x2x128xi32, #tpu.memory_space<hbm>> -> memref<1x2x128xi32, #tpu.memory_space<hbm>>
      %dma_start3A_47 = tpu.memref_squeeze %dma_start3A_46 : memref<1x2x128xi32, #tpu.memory_space<hbm>> -> memref<2x128xi32, #tpu.memory_space<hbm>>
      tpu.enqueue_dma source(%dma_start3A_47 : memref<2x128xi32, #tpu.memory_space<hbm>>) target(%dma_start3A_43 : memref<2x128xi32, #tpu.memory_space<vmem>>) target_semaphore(%arg13 : memref<!tpu.dma_semaphore, #tpu.memory_space<semaphore_mem>>)
      %add3A_48 = arith.constant 1 : i32
      %add3A_49 = arith.addi %mul3A_29, %add3A_48 : i32
      %dma_start3A_50 = arith.constant 1 : i32
      %dma_start3A_51 = arith.constant 0 : i32
      %dma_start3A_52 = arith.constant 0 : i32
      %dma_start3A_53 = tpu.memref_slice %arg8[%dma_start3A_50, %dma_start3A_51, %dma_start3A_52] : memref<4x2x128xi32, #tpu.memory_space<vmem>> -> memref<1x2x128xi32, #tpu.memory_space<vmem>>
      %dma_start3A_54 = tpu.memref_squeeze %dma_start3A_53 : memref<1x2x128xi32, #tpu.memory_space<vmem>> -> memref<2x128xi32, #tpu.memory_space<vmem>>
      %dma_start3A_55 = arith.constant 0 : i32
      %dma_start3A_56 = arith.constant 0 : i32
      %dma_start3A_57 = tpu.memref_slice %arg5[%add3A_49, %dma_start3A_55, %dma_start3A_56] : memref<2624x2x128xi32, #tpu.memory_space<hbm>> -> memref<1x2x128xi32, #tpu.memory_space<hbm>>
      %dma_start3A_58 = tpu.memref_squeeze %dma_start3A_57 : memref<1x2x128xi32, #tpu.memory_space<hbm>> -> memref<2x128xi32, #tpu.memory_space<hbm>>
      %dma_start3A_59 = arith.constant 0 : i32
      %dma_start3A_60 = arith.constant 0 : i32
      %dma_start3A_61 = tpu.memref_slice %arg8[%dma_start3A_50, %dma_start3A_59, %dma_start3A_60] : memref<4x2x128xi32, #tpu.memory_space<vmem>> -> memref<1x2x128xi32, #tpu.memory_space<vmem>>
      %dma_start3A_62 = tpu.memref_squeeze %dma_start3A_61 : memref<1x2x128xi32, #tpu.memory_space<vmem>> -> memref<2x128xi32, #tpu.memory_space<vmem>>
      %dma_start3A_63 = arith.constant 0 : i32
      %dma_start3A_64 = arith.constant 0 : i32
      %dma_start3A_65 = tpu.memref_slice %arg5[%add3A_49, %dma_start3A_63, %dma_start3A_64] : memref<2624x2x128xi32, #tpu.memory_space<hbm>> -> memref<1x2x128xi32, #tpu.memory_space<hbm>>
      %dma_start3A_66 = tpu.memref_squeeze %dma_start3A_65 : memref<1x2x128xi32, #tpu.memory_space<hbm>> -> memref<2x128xi32, #tpu.memory_space<hbm>>
      tpu.enqueue_dma source(%dma_start3A_66 : memref<2x128xi32, #tpu.memory_space<hbm>>) target(%dma_start3A_62 : memref<2x128xi32, #tpu.memory_space<vmem>>) target_semaphore(%arg14 : memref<!tpu.dma_semaphore, #tpu.memory_space<semaphore_mem>>)
      %add3A_67 = arith.constant 2 : i32
      %add3A_68 = arith.addi %mul3A_29, %add3A_67 : i32
      %dma_start3A_69 = arith.constant 2 : i32
      %dma_start3A_70 = arith.constant 0 : i32
      %dma_start3A_71 = arith.constant 0 : i32
      %dma_start3A_72 = tpu.memref_slice %arg8[%dma_start3A_69, %dma_start3A_70, %dma_start3A_71] : memref<4x2x128xi32, #tpu.memory_space<vmem>> -> memref<1x2x128xi32, #tpu.memory_space<vmem>>
      %dma_start3A_73 = tpu.memref_squeeze %dma_start3A_72 : memref<1x2x128xi32, #tpu.memory_space<vmem>> -> memref<2x128xi32, #tpu.memory_space<vmem>>
      %dma_start3A_74 = arith.constant 0 : i32
      %dma_start3A_75 = arith.constant 0 : i32
      %dma_start3A_76 = tpu.memref_slice %arg5[%add3A_68, %dma_start3A_74, %dma_start3A_75] : memref<2624x2x128xi32, #tpu.memory_space<hbm>> -> memref<1x2x128xi32, #tpu.memory_space<hbm>>
      %dma_start3A_77 = tpu.memref_squeeze %dma_start3A_76 : memref<1x2x128xi32, #tpu.memory_space<hbm>> -> memref<2x128xi32, #tpu.memory_space<hbm>>
      %dma_start3A_78 = arith.constant 0 : i32
      %dma_start3A_79 = arith.constant 0 : i32
      %dma_start3A_80 = tpu.memref_slice %arg8[%dma_start3A_69, %dma_start3A_78, %dma_start3A_79] : memref<4x2x128xi32, #tpu.memory_space<vmem>> -> memref<1x2x128xi32, #tpu.memory_space<vmem>>
      %dma_start3A_81 = tpu.memref_squeeze %dma_start3A_80 : memref<1x2x128xi32, #tpu.memory_space<vmem>> -> memref<2x128xi32, #tpu.memory_space<vmem>>
      %dma_start3A_82 = arith.constant 0 : i32
      %dma_start3A_83 = arith.constant 0 : i32
      %dma_start3A_84 = tpu.memref_slice %arg5[%add3A_68, %dma_start3A_82, %dma_start3A_83] : memref<2624x2x128xi32, #tpu.memory_space<hbm>> -> memref<1x2x128xi32, #tpu.memory_space<hbm>>
      %dma_start3A_85 = tpu.memref_squeeze %dma_start3A_84 : memref<1x2x128xi32, #tpu.memory_space<hbm>> -> memref<2x128xi32, #tpu.memory_space<hbm>>
      tpu.enqueue_dma source(%dma_start3A_85 : memref<2x128xi32, #tpu.memory_space<hbm>>) target(%dma_start3A_81 : memref<2x128xi32, #tpu.memory_space<vmem>>) target_semaphore(%arg15 : memref<!tpu.dma_semaphore, #tpu.memory_space<semaphore_mem>>)
      %add3A_86 = arith.constant 3 : i32
      %add3A_87 = arith.addi %mul3A_29, %add3A_86 : i32
      %dma_start3A_88 = arith.constant 3 : i32
      %dma_start3A_89 = arith.constant 0 : i32
      %dma_start3A_90 = arith.constant 0 : i32
      %dma_start3A_91 = tpu.memref_slice %arg8[%dma_start3A_88, %dma_start3A_89, %dma_start3A_90] : memref<4x2x128xi32, #tpu.memory_space<vmem>> -> memref<1x2x128xi32, #tpu.memory_space<vmem>>
      %dma_start3A_92 = tpu.memref_squeeze %dma_start3A_91 : memref<1x2x128xi32, #tpu.memory_space<vmem>> -> memref<2x128xi32, #tpu.memory_space<vmem>>
      %dma_start3A_93 = arith.constant 0 : i32
      %dma_start3A_94 = arith.constant 0 : i32
      %dma_start3A_95 = tpu.memref_slice %arg5[%add3A_87, %dma_start3A_93, %dma_start3A_94] : memref<2624x2x128xi32, #tpu.memory_space<hbm>> -> memref<1x2x128xi32, #tpu.memory_space<hbm>>
      %dma_start3A_96 = tpu.memref_squeeze %dma_start3A_95 : memref<1x2x128xi32, #tpu.memory_space<hbm>> -> memref<2x128xi32, #tpu.memory_space<hbm>>
      %dma_start3A_97 = arith.constant 0 : i32
      %dma_start3A_98 = arith.constant 0 : i32
      %dma_start3A_99 = tpu.memref_slice %arg8[%dma_start3A_88, %dma_start3A_97, %dma_start3A_98] : memref<4x2x128xi32, #tpu.memory_space<vmem>> -> memref<1x2x128xi32, #tpu.memory_space<vmem>>
      %dma_start3A_100 = tpu.memref_squeeze %dma_start3A_99 : memref<1x2x128xi32, #tpu.memory_space<vmem>> -> memref<2x128xi32, #tpu.memory_space<vmem>>
      %dma_start3A_101 = arith.constant 0 : i32
      %dma_start3A_102 = arith.constant 0 : i32
      %dma_start3A_103 = tpu.memref_slice %arg5[%add3A_87, %dma_start3A_101, %dma_start3A_102] : memref<2624x2x128xi32, #tpu.memory_space<hbm>> -> memref<1x2x128xi32, #tpu.memory_space<hbm>>
      %dma_start3A_104 = tpu.memref_squeeze %dma_start3A_103 : memref<1x2x128xi32, #tpu.memory_space<hbm>> -> memref<2x128xi32, #tpu.memory_space<hbm>>
      tpu.enqueue_dma source(%dma_start3A_104 : memref<2x128xi32, #tpu.memory_space<hbm>>) target(%dma_start3A_100 : memref<2x128xi32, #tpu.memory_space<vmem>>) target_semaphore(%arg16 : memref<!tpu.dma_semaphore, #tpu.memory_space<semaphore_mem>>)
      %add3A_105 = arith.constant 0 : i32
      %add3A_106 = arith.addi %mul3A_29, %add3A_105 : i32
      %dma_wait3A = arith.constant 0 : i32
      %dma_wait3A_107 = arith.constant 0 : i32
      %dma_wait3A_108 = arith.constant 0 : i32
      %dma_wait3A_109 = tpu.memref_slice %arg8[%dma_wait3A, %dma_wait3A_107, %dma_wait3A_108] : memref<4x2x128xi32, #tpu.memory_space<vmem>> -> memref<1x2x128xi32, #tpu.memory_space<vmem>>
      %dma_wait3A_110 = tpu.memref_squeeze %dma_wait3A_109 : memref<1x2x128xi32, #tpu.memory_space<vmem>> -> memref<2x128xi32, #tpu.memory_space<vmem>>
      %dma_wait3A_111 = arith.constant 0 : i32
      %dma_wait3A_112 = arith.constant 0 : i32
      %dma_wait3A_113 = tpu.memref_slice %arg5[%add3A_106, %dma_wait3A_111, %dma_wait3A_112] : memref<2624x2x128xi32, #tpu.memory_space<hbm>> -> memref<1x2x128xi32, #tpu.memory_space<hbm>>
      %dma_wait3A_114 = tpu.memref_squeeze %dma_wait3A_113 : memref<1x2x128xi32, #tpu.memory_space<hbm>> -> memref<2x128xi32, #tpu.memory_space<hbm>>
      %dma_wait3A_115 = arith.constant 0 : i32
      %dma_wait3A_116 = arith.constant 0 : i32
      %dma_wait3A_117 = tpu.memref_slice %arg8[%dma_wait3A, %dma_wait3A_115, %dma_wait3A_116] : memref<4x2x128xi32, #tpu.memory_space<vmem>> -> memref<1x2x128xi32, #tpu.memory_space<vmem>>
      %dma_wait3A_118 = tpu.memref_squeeze %dma_wait3A_117 : memref<1x2x128xi32, #tpu.memory_space<vmem>> -> memref<2x128xi32, #tpu.memory_space<vmem>>
      %dma_wait3A_119 = arith.constant 0 : i32
      %dma_wait3A_120 = arith.constant 0 : i32
      %dma_wait3A_121 = tpu.memref_slice %arg5[%add3A_106, %dma_wait3A_119, %dma_wait3A_120] : memref<2624x2x128xi32, #tpu.memory_space<hbm>> -> memref<1x2x128xi32, #tpu.memory_space<hbm>>
      %dma_wait3A_122 = tpu.memref_squeeze %dma_wait3A_121 : memref<1x2x128xi32, #tpu.memory_space<hbm>> -> memref<2x128xi32, #tpu.memory_space<hbm>>
      tpu.wait_dma2 semaphore(%arg13 : memref<!tpu.dma_semaphore, #tpu.memory_space<semaphore_mem>>) src(%dma_wait3A_122 : memref<2x128xi32, #tpu.memory_space<hbm>>) dst(%dma_wait3A_118 : memref<2x128xi32, #tpu.memory_space<vmem>>)
      %dma_start3A_123 = arith.constant 0 : i32
      %dma_start3A_124 = arith.constant 0 : i32
      %dma_start3A_125 = arith.constant 0 : i32
      %dma_start3A_126 = arith.constant 0 : i32
      %dma_start3A_127 = arith.constant 0 : i32
      %dma_start3A_128 = tpu.memref_slice %arg9[%dma_start3A_125, %dma_start3A_126, %dma_start3A_127] : memref<2x128x80xf32, #tpu.memory_space<vmem>> -> memref<1x128x80xf32, #tpu.memory_space<vmem>>
      %dma_start3A_129 = tpu.memref_squeeze %dma_start3A_128 : memref<1x128x80xf32, #tpu.memory_space<vmem>> -> memref<128x80xf32, #tpu.memory_space<vmem>>
      %dma_start3A_130 = arith.constant 0 : i32
      %dma_start3A_131 = tpu.memref_slice %arg8[%dma_start3A_123, %dma_start3A_124, %dma_start3A_130] : memref<4x2x128xi32, #tpu.memory_space<vmem>> -> memref<1x1x128xi32, #tpu.memory_space<vmem>>
      %dma_start3A_132 = tpu.memref_squeeze %dma_start3A_131 : memref<1x1x128xi32, #tpu.memory_space<vmem>> -> memref<128xi32, #tpu.memory_space<vmem>>
      %dma_start3A_133 = arith.constant 0 : i32
      %dma_start3A_134 = arith.constant 0 : i32
      %dma_start3A_135 = tpu.memref_slice %arg3[%dma_start3A_133, %dma_start3A_134] : memref<10240x80xf32, #tpu.memory_space<hbm>> -> memref<10240x80xf32, #tpu.memory_space<hbm>>
      tpu.enqueue_indirect_dma source(%dma_start3A_135 : memref<10240x80xf32, #tpu.memory_space<hbm>>) target(%dma_start3A_129 : memref<128x80xf32, #tpu.memory_space<vmem>>) offsets(%dma_start3A_132 : memref<128xi32, #tpu.memory_space<vmem>>) semaphore(%arg11 : memref<!tpu.dma_semaphore, #tpu.memory_space<semaphore_mem>>)
      %add3A_136 = arith.constant 1 : i32
      %add3A_137 = arith.addi %mul3A_29, %add3A_136 : i32
      %dma_wait3A_138 = arith.constant 1 : i32
      %dma_wait3A_139 = arith.constant 0 : i32
      %dma_wait3A_140 = arith.constant 0 : i32
      %dma_wait3A_141 = tpu.memref_slice %arg8[%dma_wait3A_138, %dma_wait3A_139, %dma_wait3A_140] : memref<4x2x128xi32, #tpu.memory_space<vmem>> -> memref<1x2x128xi32, #tpu.memory_space<vmem>>
      %dma_wait3A_142 = tpu.memref_squeeze %dma_wait3A_141 : memref<1x2x128xi32, #tpu.memory_space<vmem>> -> memref<2x128xi32, #tpu.memory_space<vmem>>
      %dma_wait3A_143 = arith.constant 0 : i32
      %dma_wait3A_144 = arith.constant 0 : i32
      %dma_wait3A_145 = tpu.memref_slice %arg5[%add3A_137, %dma_wait3A_143, %dma_wait3A_144] : memref<2624x2x128xi32, #tpu.memory_space<hbm>> -> memref<1x2x128xi32, #tpu.memory_space<hbm>>
      %dma_wait3A_146 = tpu.memref_squeeze %dma_wait3A_145 : memref<1x2x128xi32, #tpu.memory_space<hbm>> -> memref<2x128xi32, #tpu.memory_space<hbm>>
      %dma_wait3A_147 = arith.constant 0 : i32
      %dma_wait3A_148 = arith.constant 0 : i32
      %dma_wait3A_149 = tpu.memref_slice %arg8[%dma_wait3A_138, %dma_wait3A_147, %dma_wait3A_148] : memref<4x2x128xi32, #tpu.memory_space<vmem>> -> memref<1x2x128xi32, #tpu.memory_space<vmem>>
      %dma_wait3A_150 = tpu.memref_squeeze %dma_wait3A_149 : memref<1x2x128xi32, #tpu.memory_space<vmem>> -> memref<2x128xi32, #tpu.memory_space<vmem>>
      %dma_wait3A_151 = arith.constant 0 : i32
      %dma_wait3A_152 = arith.constant 0 : i32
      %dma_wait3A_153 = tpu.memref_slice %arg5[%add3A_137, %dma_wait3A_151, %dma_wait3A_152] : memref<2624x2x128xi32, #tpu.memory_space<hbm>> -> memref<1x2x128xi32, #tpu.memory_space<hbm>>
      %dma_wait3A_154 = tpu.memref_squeeze %dma_wait3A_153 : memref<1x2x128xi32, #tpu.memory_space<hbm>> -> memref<2x128xi32, #tpu.memory_space<hbm>>
      tpu.wait_dma2 semaphore(%arg14 : memref<!tpu.dma_semaphore, #tpu.memory_space<semaphore_mem>>) src(%dma_wait3A_154 : memref<2x128xi32, #tpu.memory_space<hbm>>) dst(%dma_wait3A_150 : memref<2x128xi32, #tpu.memory_space<vmem>>)
      %dma_start3A_155 = arith.constant 1 : i32
      %dma_start3A_156 = arith.constant 0 : i32
      %dma_start3A_157 = arith.constant 1 : i32
      %dma_start3A_158 = arith.constant 0 : i32
      %dma_start3A_159 = arith.constant 0 : i32
      %dma_start3A_160 = tpu.memref_slice %arg9[%dma_start3A_157, %dma_start3A_158, %dma_start3A_159] : memref<2x128x80xf32, #tpu.memory_space<vmem>> -> memref<1x128x80xf32, #tpu.memory_space<vmem>>
      %dma_start3A_161 = tpu.memref_squeeze %dma_start3A_160 : memref<1x128x80xf32, #tpu.memory_space<vmem>> -> memref<128x80xf32, #tpu.memory_space<vmem>>
      %dma_start3A_162 = arith.constant 0 : i32
      %dma_start3A_163 = tpu.memref_slice %arg8[%dma_start3A_155, %dma_start3A_156, %dma_start3A_162] : memref<4x2x128xi32, #tpu.memory_space<vmem>> -> memref<1x1x128xi32, #tpu.memory_space<vmem>>
      %dma_start3A_164 = tpu.memref_squeeze %dma_start3A_163 : memref<1x1x128xi32, #tpu.memory_space<vmem>> -> memref<128xi32, #tpu.memory_space<vmem>>
      %dma_start3A_165 = arith.constant 0 : i32
      %dma_start3A_166 = arith.constant 0 : i32
      %dma_start3A_167 = tpu.memref_slice %arg3[%dma_start3A_165, %dma_start3A_166] : memref<10240x80xf32, #tpu.memory_space<hbm>> -> memref<10240x80xf32, #tpu.memory_space<hbm>>
      tpu.enqueue_indirect_dma source(%dma_start3A_167 : memref<10240x80xf32, #tpu.memory_space<hbm>>) target(%dma_start3A_161 : memref<128x80xf32, #tpu.memory_space<vmem>>) offsets(%dma_start3A_164 : memref<128xi32, #tpu.memory_space<vmem>>) semaphore(%arg12 : memref<!tpu.dma_semaphore, #tpu.memory_space<semaphore_mem>>)
      %scan3A_168 = arith.constant 0 : i32
      %scan3A_169 = arith.constant 0 : i32
      %scan3A_170 = arith.constant 40 : i32
      %scan3A_171 = arith.addi %scan3A_169, %scan3A_170 : i32
      %scan3A_172 = arith.constant 1 : i32
      %scan3A_173 = scf.for %scan3A_240 = %scan3A_169 to %scan3A_171 step %scan3A_172 iter_args(%scan3A_241 = %scan3A_168) -> (i32)  : i32 {
        %mul3A_242 = arith.constant 4 : i32
        %mul3A_243 = arith.muli %mul3A_242, %scan3A_240 : i32
        %add3A_244 = arith.constant 0 : i32
        %add3A_245 = arith.addi %mul3A_243, %add3A_244 : i32
        %dma_wait3A_246 = arith.constant 0 : i32
        %dma_wait3A_247 = arith.constant 0 : i32
        %dma_wait3A_248 = arith.constant 0 : i32
        %dma_wait3A_249 = arith.constant 0 : i32
        %dma_wait3A_250 = arith.constant 0 : i32
        %dma_wait3A_251 = tpu.memref_slice %arg9[%dma_wait3A_248, %dma_wait3A_249, %dma_wait3A_250] : memref<2x128x80xf32, #tpu.memory_space<vmem>> -> memref<1x128x80xf32, #tpu.memory_space<vmem>>
        %dma_wait3A_252 = tpu.memref_squeeze %dma_wait3A_251 : memref<1x128x80xf32, #tpu.memory_space<vmem>> -> memref<128x80xf32, #tpu.memory_space<vmem>>
        %dma_wait3A_253 = arith.constant 0 : i32
        %dma_wait3A_254 = tpu.memref_slice %arg8[%dma_wait3A_246, %dma_wait3A_247, %dma_wait3A_253] : memref<4x2x128xi32, #tpu.memory_space<vmem>> -> memref<1x1x128xi32, #tpu.memory_space<vmem>>
        %dma_wait3A_255 = tpu.memref_squeeze %dma_wait3A_254 : memref<1x1x128xi32, #tpu.memory_space<vmem>> -> memref<128xi32, #tpu.memory_space<vmem>>
        %dma_wait3A_256 = arith.constant 0 : i32
        %dma_wait3A_257 = arith.constant 0 : i32
        %dma_wait3A_258 = tpu.memref_slice %arg3[%dma_wait3A_256, %dma_wait3A_257] : memref<10240x80xf32, #tpu.memory_space<hbm>> -> memref<10240x80xf32, #tpu.memory_space<hbm>>
        tpu.wait_indirect_dma semaphore(%arg11 : memref<!tpu.dma_semaphore, #tpu.memory_space<semaphore_mem>>) src(%dma_wait3A_258 : memref<10240x80xf32, #tpu.memory_space<hbm>>) dst(%dma_wait3A_252 : memref<128x80xf32, #tpu.memory_space<vmem>>)
        %run_scoped3A_259 = arith.constant 0 : i32
        %run_scoped3A_260 = arith.constant 0 : i32
        %run_scoped3A_261 = arith.constant 1 : i32
        "tpu.region"() ({
          %run_scoped3A_529 = tpu.sem_alloc : memref<!tpu.dma_semaphore, #tpu.memory_space<semaphore_mem>>
          %dma_start3A_530 = arith.constant 0 : i32
          %dma_start3A_531 = arith.constant 0 : i32
          %dma_start3A_532 = tpu.memref_slice %arg9[%run_scoped3A_259, %dma_start3A_530, %dma_start3A_531] : memref<2x128x80xf32, #tpu.memory_space<vmem>> -> memref<1x128x80xf32, #tpu.memory_space<vmem>>
          %dma_start3A_533 = tpu.memref_squeeze %dma_start3A_532 : memref<1x128x80xf32, #tpu.memory_space<vmem>> -> memref<128x80xf32, #tpu.memory_space<vmem>>
          %dma_start3A_534 = arith.constant 0 : i32
          %dma_start3A_535 = tpu.memref_slice %arg8[%run_scoped3A_260, %run_scoped3A_261, %dma_start3A_534] : memref<4x2x128xi32, #tpu.memory_space<vmem>> -> memref<1x1x128xi32, #tpu.memory_space<vmem>>
          %dma_start3A_536 = tpu.memref_squeeze %dma_start3A_535 : memref<1x1x128xi32, #tpu.memory_space<vmem>> -> memref<128xi32, #tpu.memory_space<vmem>>
          %dma_start3A_537 = arith.constant 0 : i32
          %dma_start3A_538 = arith.constant 0 : i32
          %dma_start3A_539 = tpu.memref_slice %arg10[%dma_start3A_537, %dma_start3A_538] : memref<10240x80xf32, #tpu.memory_space<vmem_shared>> -> memref<10240x80xf32, #tpu.memory_space<vmem_shared>>
          tpu.enqueue_indirect_dma source(%dma_start3A_533 : memref<128x80xf32, #tpu.memory_space<vmem>>) target(%dma_start3A_539 : memref<10240x80xf32, #tpu.memory_space<vmem_shared>>) offsets(%dma_start3A_536 : memref<128xi32, #tpu.memory_space<vmem>>) semaphore(%run_scoped3A_529 : memref<!tpu.dma_semaphore, #tpu.memory_space<semaphore_mem>>) {add = true}
          %dma_wait3A_540 = arith.constant 0 : i32
          %dma_wait3A_541 = arith.constant 0 : i32
          %dma_wait3A_542 = tpu.memref_slice %arg9[%run_scoped3A_259, %dma_wait3A_540, %dma_wait3A_541] : memref<2x128x80xf32, #tpu.memory_space<vmem>> -> memref<1x128x80xf32, #tpu.memory_space<vmem>>
          %dma_wait3A_543 = tpu.memref_squeeze %dma_wait3A_542 : memref<1x128x80xf32, #tpu.memory_space<vmem>> -> memref<128x80xf32, #tpu.memory_space<vmem>>
          %dma_wait3A_544 = arith.constant 0 : i32
          %dma_wait3A_545 = tpu.memref_slice %arg8[%run_scoped3A_260, %run_scoped3A_261, %dma_wait3A_544] : memref<4x2x128xi32, #tpu.memory_space<vmem>> -> memref<1x1x128xi32, #tpu.memory_space<vmem>>
          %dma_wait3A_546 = tpu.memref_squeeze %dma_wait3A_545 : memref<1x1x128xi32, #tpu.memory_space<vmem>> -> memref<128xi32, #tpu.memory_space<vmem>>
          %dma_wait3A_547 = arith.constant 0 : i32
          %dma_wait3A_548 = arith.constant 0 : i32
          %dma_wait3A_549 = tpu.memref_slice %arg10[%dma_wait3A_547, %dma_wait3A_548] : memref<10240x80xf32, #tpu.memory_space<vmem_shared>> -> memref<10240x80xf32, #tpu.memory_space<vmem_shared>>
          tpu.wait_indirect_dma semaphore(%run_scoped3A_529 : memref<!tpu.dma_semaphore, #tpu.memory_space<semaphore_mem>>) src(%dma_wait3A_543 : memref<128x80xf32, #tpu.memory_space<vmem>>) dst(%dma_wait3A_549 : memref<10240x80xf32, #tpu.memory_space<vmem_shared>>)
          tpu.yield
        }) : () -> ()
        %add3A_262 = arith.constant 4 : i32
        %add3A_263 = arith.addi %add3A_245, %add3A_262 : i32
        %add3A_264 = arith.addi %mul3A_29, %add3A_263 : i32
        %dma_start3A_265 = arith.constant 0 : i32
        %dma_start3A_266 = arith.constant 0 : i32
        %dma_start3A_267 = arith.constant 0 : i32
        %dma_start3A_268 = tpu.memref_slice %arg8[%dma_start3A_265, %dma_start3A_266, %dma_start3A_267] : memref<4x2x128xi32, #tpu.memory_space<vmem>> -> memref<1x2x128xi32, #tpu.memory_space<vmem>>
        %dma_start3A_269 = tpu.memref_squeeze %dma_start3A_268 : memref<1x2x128xi32, #tpu.memory_space<vmem>> -> memref<2x128xi32, #tpu.memory_space<vmem>>
        %dma_start3A_270 = arith.constant 0 : i32
        %dma_start3A_271 = arith.constant 0 : i32
        %dma_start3A_272 = tpu.memref_slice %arg5[%add3A_264, %dma_start3A_270, %dma_start3A_271] : memref<2624x2x128xi32, #tpu.memory_space<hbm>> -> memref<1x2x128xi32, #tpu.memory_space<hbm>>
        %dma_start3A_273 = tpu.memref_squeeze %dma_start3A_272 : memref<1x2x128xi32, #tpu.memory_space<hbm>> -> memref<2x128xi32, #tpu.memory_space<hbm>>
        %dma_start3A_274 = arith.constant 0 : i32
        %dma_start3A_275 = arith.constant 0 : i32
        %dma_start3A_276 = tpu.memref_slice %arg8[%dma_start3A_265, %dma_start3A_274, %dma_start3A_275] : memref<4x2x128xi32, #tpu.memory_space<vmem>> -> memref<1x2x128xi32, #tpu.memory_space<vmem>>
        %dma_start3A_277 = tpu.memref_squeeze %dma_start3A_276 : memref<1x2x128xi32, #tpu.memory_space<vmem>> -> memref<2x128xi32, #tpu.memory_space<vmem>>
        %dma_start3A_278 = arith.constant 0 : i32
        %dma_start3A_279 = arith.constant 0 : i32
        %dma_start3A_280 = tpu.memref_slice %arg5[%add3A_264, %dma_start3A_278, %dma_start3A_279] : memref<2624x2x128xi32, #tpu.memory_space<hbm>> -> memref<1x2x128xi32, #tpu.memory_space<hbm>>
        %dma_start3A_281 = tpu.memref_squeeze %dma_start3A_280 : memref<1x2x128xi32, #tpu.memory_space<hbm>> -> memref<2x128xi32, #tpu.memory_space<hbm>>
        tpu.enqueue_dma source(%dma_start3A_281 : memref<2x128xi32, #tpu.memory_space<hbm>>) target(%dma_start3A_277 : memref<2x128xi32, #tpu.memory_space<vmem>>) target_semaphore(%arg13 : memref<!tpu.dma_semaphore, #tpu.memory_space<semaphore_mem>>)
        %add3A_282 = arith.constant 2 : i32
        %add3A_283 = arith.addi %add3A_245, %add3A_282 : i32
        %add3A_284 = arith.addi %mul3A_29, %add3A_283 : i32
        %dma_wait3A_285 = arith.constant 2 : i32
        %dma_wait3A_286 = arith.constant 0 : i32
        %dma_wait3A_287 = arith.constant 0 : i32
        %dma_wait3A_288 = tpu.memref_slice %arg8[%dma_wait3A_285, %dma_wait3A_286, %dma_wait3A_287] : memref<4x2x128xi32, #tpu.memory_space<vmem>> -> memref<1x2x128xi32, #tpu.memory_space<vmem>>
        %dma_wait3A_289 = tpu.memref_squeeze %dma_wait3A_288 : memref<1x2x128xi32, #tpu.memory_space<vmem>> -> memref<2x128xi32, #tpu.memory_space<vmem>>
        %dma_wait3A_290 = arith.constant 0 : i32
        %dma_wait3A_291 = arith.constant 0 : i32
        %dma_wait3A_292 = tpu.memref_slice %arg5[%add3A_284, %dma_wait3A_290, %dma_wait3A_291] : memref<2624x2x128xi32, #tpu.memory_space<hbm>> -> memref<1x2x128xi32, #tpu.memory_space<hbm>>
        %dma_wait3A_293 = tpu.memref_squeeze %dma_wait3A_292 : memref<1x2x128xi32, #tpu.memory_space<hbm>> -> memref<2x128xi32, #tpu.memory_space<hbm>>
        %dma_wait3A_294 = arith.constant 0 : i32
        %dma_wait3A_295 = arith.constant 0 : i32
        %dma_wait3A_296 = tpu.memref_slice %arg8[%dma_wait3A_285, %dma_wait3A_294, %dma_wait3A_295] : memref<4x2x128xi32, #tpu.memory_space<vmem>> -> memref<1x2x128xi32, #tpu.memory_space<vmem>>
        %dma_wait3A_297 = tpu.memref_squeeze %dma_wait3A_296 : memref<1x2x128xi32, #tpu.memory_space<vmem>> -> memref<2x128xi32, #tpu.memory_space<vmem>>
        %dma_wait3A_298 = arith.constant 0 : i32
        %dma_wait3A_299 = arith.constant 0 : i32
        %dma_wait3A_300 = tpu.memref_slice %arg5[%add3A_284, %dma_wait3A_298, %dma_wait3A_299] : memref<2624x2x128xi32, #tpu.memory_space<hbm>> -> memref<1x2x128xi32, #tpu.memory_space<hbm>>
        %dma_wait3A_301 = tpu.memref_squeeze %dma_wait3A_300 : memref<1x2x128xi32, #tpu.memory_space<hbm>> -> memref<2x128xi32, #tpu.memory_space<hbm>>
        tpu.wait_dma2 semaphore(%arg15 : memref<!tpu.dma_semaphore, #tpu.memory_space<semaphore_mem>>) src(%dma_wait3A_301 : memref<2x128xi32, #tpu.memory_space<hbm>>) dst(%dma_wait3A_297 : memref<2x128xi32, #tpu.memory_space<vmem>>)
        %dma_start3A_302 = arith.constant 2 : i32
        %dma_start3A_303 = arith.constant 0 : i32
        %dma_start3A_304 = arith.constant 0 : i32
        %dma_start3A_305 = arith.constant 0 : i32
        %dma_start3A_306 = arith.constant 0 : i32
        %dma_start3A_307 = tpu.memref_slice %arg9[%dma_start3A_304, %dma_start3A_305, %dma_start3A_306] : memref<2x128x80xf32, #tpu.memory_space<vmem>> -> memref<1x128x80xf32, #tpu.memory_space<vmem>>
        %dma_start3A_308 = tpu.memref_squeeze %dma_start3A_307 : memref<1x128x80xf32, #tpu.memory_space<vmem>> -> memref<128x80xf32, #tpu.memory_space<vmem>>
        %dma_start3A_309 = arith.constant 0 : i32
        %dma_start3A_310 = tpu.memref_slice %arg8[%dma_start3A_302, %dma_start3A_303, %dma_start3A_309] : memref<4x2x128xi32, #tpu.memory_space<vmem>> -> memref<1x1x128xi32, #tpu.memory_space<vmem>>
        %dma_start3A_311 = tpu.memref_squeeze %dma_start3A_310 : memref<1x1x128xi32, #tpu.memory_space<vmem>> -> memref<128xi32, #tpu.memory_space<vmem>>
        %dma_start3A_312 = arith.constant 0 : i32
        %dma_start3A_313 = arith.constant 0 : i32
        %dma_start3A_314 = tpu.memref_slice %arg3[%dma_start3A_312, %dma_start3A_313] : memref<10240x80xf32, #tpu.memory_space<hbm>> -> memref<10240x80xf32, #tpu.memory_space<hbm>>
        tpu.enqueue_indirect_dma source(%dma_start3A_314 : memref<10240x80xf32, #tpu.memory_space<hbm>>) target(%dma_start3A_308 : memref<128x80xf32, #tpu.memory_space<vmem>>) offsets(%dma_start3A_311 : memref<128xi32, #tpu.memory_space<vmem>>) semaphore(%arg11 : memref<!tpu.dma_semaphore, #tpu.memory_space<semaphore_mem>>)
        %add3A_315 = arith.constant 1 : i32
        %add3A_316 = arith.addi %mul3A_243, %add3A_315 : i32
        %dma_wait3A_317 = arith.constant 1 : i32
        %dma_wait3A_318 = arith.constant 0 : i32
        %dma_wait3A_319 = arith.constant 1 : i32
        %dma_wait3A_320 = arith.constant 0 : i32
        %dma_wait3A_321 = arith.constant 0 : i32
        %dma_wait3A_322 = tpu.memref_slice %arg9[%dma_wait3A_319, %dma_wait3A_320, %dma_wait3A_321] : memref<2x128x80xf32, #tpu.memory_space<vmem>> -> memref<1x128x80xf32, #tpu.memory_space<vmem>>
        %dma_wait3A_323 = tpu.memref_squeeze %dma_wait3A_322 : memref<1x128x80xf32, #tpu.memory_space<vmem>> -> memref<128x80xf32, #tpu.memory_space<vmem>>
        %dma_wait3A_324 = arith.constant 0 : i32
        %dma_wait3A_325 = tpu.memref_slice %arg8[%dma_wait3A_317, %dma_wait3A_318, %dma_wait3A_324] : memref<4x2x128xi32, #tpu.memory_space<vmem>> -> memref<1x1x128xi32, #tpu.memory_space<vmem>>
        %dma_wait3A_326 = tpu.memref_squeeze %dma_wait3A_325 : memref<1x1x128xi32, #tpu.memory_space<vmem>> -> memref<128xi32, #tpu.memory_space<vmem>>
        %dma_wait3A_327 = arith.constant 0 : i32
        %dma_wait3A_328 = arith.constant 0 : i32
        %dma_wait3A_329 = tpu.memref_slice %arg3[%dma_wait3A_327, %dma_wait3A_328] : memref<10240x80xf32, #tpu.memory_space<hbm>> -> memref<10240x80xf32, #tpu.memory_space<hbm>>
        tpu.wait_indirect_dma semaphore(%arg12 : memref<!tpu.dma_semaphore, #tpu.memory_space<semaphore_mem>>) src(%dma_wait3A_329 : memref<10240x80xf32, #tpu.memory_space<hbm>>) dst(%dma_wait3A_323 : memref<128x80xf32, #tpu.memory_space<vmem>>)
        %run_scoped3A_330 = arith.constant 1 : i32
        %run_scoped3A_331 = arith.constant 1 : i32
        %run_scoped3A_332 = arith.constant 1 : i32
        "tpu.region"() ({
          %run_scoped3A_529 = tpu.sem_alloc : memref<!tpu.dma_semaphore, #tpu.memory_space<semaphore_mem>>
          %dma_start3A_530 = arith.constant 0 : i32
          %dma_start3A_531 = arith.constant 0 : i32
          %dma_start3A_532 = tpu.memref_slice %arg9[%run_scoped3A_330, %dma_start3A_530, %dma_start3A_531] : memref<2x128x80xf32, #tpu.memory_space<vmem>> -> memref<1x128x80xf32, #tpu.memory_space<vmem>>
          %dma_start3A_533 = tpu.memref_squeeze %dma_start3A_532 : memref<1x128x80xf32, #tpu.memory_space<vmem>> -> memref<128x80xf32, #tpu.memory_space<vmem>>
          %dma_start3A_534 = arith.constant 0 : i32
          %dma_start3A_535 = tpu.memref_slice %arg8[%run_scoped3A_331, %run_scoped3A_332, %dma_start3A_534] : memref<4x2x128xi32, #tpu.memory_space<vmem>> -> memref<1x1x128xi32, #tpu.memory_space<vmem>>
          %dma_start3A_536 = tpu.memref_squeeze %dma_start3A_535 : memref<1x1x128xi32, #tpu.memory_space<vmem>> -> memref<128xi32, #tpu.memory_space<vmem>>
          %dma_start3A_537 = arith.constant 0 : i32
          %dma_start3A_538 = arith.constant 0 : i32
          %dma_start3A_539 = tpu.memref_slice %arg10[%dma_start3A_537, %dma_start3A_538] : memref<10240x80xf32, #tpu.memory_space<vmem_shared>> -> memref<10240x80xf32, #tpu.memory_space<vmem_shared>>
          tpu.enqueue_indirect_dma source(%dma_start3A_533 : memref<128x80xf32, #tpu.memory_space<vmem>>) target(%dma_start3A_539 : memref<10240x80xf32, #tpu.memory_space<vmem_shared>>) offsets(%dma_start3A_536 : memref<128xi32, #tpu.memory_space<vmem>>) semaphore(%run_scoped3A_529 : memref<!tpu.dma_semaphore, #tpu.memory_space<semaphore_mem>>) {add = true}
          %dma_wait3A_540 = arith.constant 0 : i32
          %dma_wait3A_541 = arith.constant 0 : i32
          %dma_wait3A_542 = tpu.memref_slice %arg9[%run_scoped3A_330, %dma_wait3A_540, %dma_wait3A_541] : memref<2x128x80xf32, #tpu.memory_space<vmem>> -> memref<1x128x80xf32, #tpu.memory_space<vmem>>
          %dma_wait3A_543 = tpu.memref_squeeze %dma_wait3A_542 : memref<1x128x80xf32, #tpu.memory_space<vmem>> -> memref<128x80xf32, #tpu.memory_space<vmem>>
          %dma_wait3A_544 = arith.constant 0 : i32
          %dma_wait3A_545 = tpu.memref_slice %arg8[%run_scoped3A_331, %run_scoped3A_332, %dma_wait3A_544] : memref<4x2x128xi32, #tpu.memory_space<vmem>> -> memref<1x1x128xi32, #tpu.memory_space<vmem>>
          %dma_wait3A_546 = tpu.memref_squeeze %dma_wait3A_545 : memref<1x1x128xi32, #tpu.memory_space<vmem>> -> memref<128xi32, #tpu.memory_space<vmem>>
          %dma_wait3A_547 = arith.constant 0 : i32
          %dma_wait3A_548 = arith.constant 0 : i32
          %dma_wait3A_549 = tpu.memref_slice %arg10[%dma_wait3A_547, %dma_wait3A_548] : memref<10240x80xf32, #tpu.memory_space<vmem_shared>> -> memref<10240x80xf32, #tpu.memory_space<vmem_shared>>
          tpu.wait_indirect_dma semaphore(%run_scoped3A_529 : memref<!tpu.dma_semaphore, #tpu.memory_space<semaphore_mem>>) src(%dma_wait3A_543 : memref<128x80xf32, #tpu.memory_space<vmem>>) dst(%dma_wait3A_549 : memref<10240x80xf32, #tpu.memory_space<vmem_shared>>)
          tpu.yield
        }) : () -> ()
        %add3A_333 = arith.constant 4 : i32
        %add3A_334 = arith.addi %add3A_316, %add3A_333 : i32
        %add3A_335 = arith.addi %mul3A_29, %add3A_334 : i32
        %dma_start3A_336 = arith.constant 1 : i32
        %dma_start3A_337 = arith.constant 0 : i32
        %dma_start3A_338 = arith.constant 0 : i32
        %dma_start3A_339 = tpu.memref_slice %arg8[%dma_start3A_336, %dma_start3A_337, %dma_start3A_338] : memref<4x2x128xi32, #tpu.memory_space<vmem>> -> memref<1x2x128xi32, #tpu.memory_space<vmem>>
        %dma_start3A_340 = tpu.memref_squeeze %dma_start3A_339 : memref<1x2x128xi32, #tpu.memory_space<vmem>> -> memref<2x128xi32, #tpu.memory_space<vmem>>
        %dma_start3A_341 = arith.constant 0 : i32
        %dma_start3A_342 = arith.constant 0 : i32
        %dma_start3A_343 = tpu.memref_slice %arg5[%add3A_335, %dma_start3A_341, %dma_start3A_342] : memref<2624x2x128xi32, #tpu.memory_space<hbm>> -> memref<1x2x128xi32, #tpu.memory_space<hbm>>
        %dma_start3A_344 = tpu.memref_squeeze %dma_start3A_343 : memref<1x2x128xi32, #tpu.memory_space<hbm>> -> memref<2x128xi32, #tpu.memory_space<hbm>>
        %dma_start3A_345 = arith.constant 0 : i32
        %dma_start3A_346 = arith.constant 0 : i32
        %dma_start3A_347 = tpu.memref_slice %arg8[%dma_start3A_336, %dma_start3A_345, %dma_start3A_346] : memref<4x2x128xi32, #tpu.memory_space<vmem>> -> memref<1x2x128xi32, #tpu.memory_space<vmem>>
        %dma_start3A_348 = tpu.memref_squeeze %dma_start3A_347 : memref<1x2x128xi32, #tpu.memory_space<vmem>> -> memref<2x128xi32, #tpu.memory_space<vmem>>
        %dma_start3A_349 = arith.constant 0 : i32
        %dma_start3A_350 = arith.constant 0 : i32
        %dma_start3A_351 = tpu.memref_slice %arg5[%add3A_335, %dma_start3A_349, %dma_start3A_350] : memref<2624x2x128xi32, #tpu.memory_space<hbm>> -> memref<1x2x128xi32, #tpu.memory_space<hbm>>
        %dma_start3A_352 = tpu.memref_squeeze %dma_start3A_351 : memref<1x2x128xi32, #tpu.memory_space<hbm>> -> memref<2x128xi32, #tpu.memory_space<hbm>>
        tpu.enqueue_dma source(%dma_start3A_352 : memref<2x128xi32, #tpu.memory_space<hbm>>) target(%dma_start3A_348 : memref<2x128xi32, #tpu.memory_space<vmem>>) target_semaphore(%arg14 : memref<!tpu.dma_semaphore, #tpu.memory_space<semaphore_mem>>)
        %add3A_353 = arith.constant 2 : i32
        %add3A_354 = arith.addi %add3A_316, %add3A_353 : i32
        %add3A_355 = arith.addi %mul3A_29, %add3A_354 : i32
        %dma_wait3A_356 = arith.constant 3 : i32
        %dma_wait3A_357 = arith.constant 0 : i32
        %dma_wait3A_358 = arith.constant 0 : i32
        %dma_wait3A_359 = tpu.memref_slice %arg8[%dma_wait3A_356, %dma_wait3A_357, %dma_wait3A_358] : memref<4x2x128xi32, #tpu.memory_space<vmem>> -> memref<1x2x128xi32, #tpu.memory_space<vmem>>
        %dma_wait3A_360 = tpu.memref_squeeze %dma_wait3A_359 : memref<1x2x128xi32, #tpu.memory_space<vmem>> -> memref<2x128xi32, #tpu.memory_space<vmem>>
        %dma_wait3A_361 = arith.constant 0 : i32
        %dma_wait3A_362 = arith.constant 0 : i32
        %dma_wait3A_363 = tpu.memref_slice %arg5[%add3A_355, %dma_wait3A_361, %dma_wait3A_362] : memref<2624x2x128xi32, #tpu.memory_space<hbm>> -> memref<1x2x128xi32, #tpu.memory_space<hbm>>
        %dma_wait3A_364 = tpu.memref_squeeze %dma_wait3A_363 : memref<1x2x128xi32, #tpu.memory_space<hbm>> -> memref<2x128xi32, #tpu.memory_space<hbm>>
        %dma_wait3A_365 = arith.constant 0 : i32
        %dma_wait3A_366 = arith.constant 0 : i32
        %dma_wait3A_367 = tpu.memref_slice %arg8[%dma_wait3A_356, %dma_wait3A_365, %dma_wait3A_366] : memref<4x2x128xi32, #tpu.memory_space<vmem>> -> memref<1x2x128xi32, #tpu.memory_space<vmem>>
        %dma_wait3A_368 = tpu.memref_squeeze %dma_wait3A_367 : memref<1x2x128xi32, #tpu.memory_space<vmem>> -> memref<2x128xi32, #tpu.memory_space<vmem>>
        %dma_wait3A_369 = arith.constant 0 : i32
        %dma_wait3A_370 = arith.constant 0 : i32
        %dma_wait3A_371 = tpu.memref_slice %arg5[%add3A_355, %dma_wait3A_369, %dma_wait3A_370] : memref<2624x2x128xi32, #tpu.memory_space<hbm>> -> memref<1x2x128xi32, #tpu.memory_space<hbm>>
        %dma_wait3A_372 = tpu.memref_squeeze %dma_wait3A_371 : memref<1x2x128xi32, #tpu.memory_space<hbm>> -> memref<2x128xi32, #tpu.memory_space<hbm>>
        tpu.wait_dma2 semaphore(%arg16 : memref<!tpu.dma_semaphore, #tpu.memory_space<semaphore_mem>>) src(%dma_wait3A_372 : memref<2x128xi32, #tpu.memory_space<hbm>>) dst(%dma_wait3A_368 : memref<2x128xi32, #tpu.memory_space<vmem>>)
        %dma_start3A_373 = arith.constant 3 : i32
        %dma_start3A_374 = arith.constant 0 : i32
        %dma_start3A_375 = arith.constant 1 : i32
        %dma_start3A_376 = arith.constant 0 : i32
        %dma_start3A_377 = arith.constant 0 : i32
        %dma_start3A_378 = tpu.memref_slice %arg9[%dma_start3A_375, %dma_start3A_376, %dma_start3A_377] : memref<2x128x80xf32, #tpu.memory_space<vmem>> -> memref<1x128x80xf32, #tpu.memory_space<vmem>>
        %dma_start3A_379 = tpu.memref_squeeze %dma_start3A_378 : memref<1x128x80xf32, #tpu.memory_space<vmem>> -> memref<128x80xf32, #tpu.memory_space<vmem>>
        %dma_start3A_380 = arith.constant 0 : i32
        %dma_start3A_381 = tpu.memref_slice %arg8[%dma_start3A_373, %dma_start3A_374, %dma_start3A_380] : memref<4x2x128xi32, #tpu.memory_space<vmem>> -> memref<1x1x128xi32, #tpu.memory_space<vmem>>
        %dma_start3A_382 = tpu.memref_squeeze %dma_start3A_381 : memref<1x1x128xi32, #tpu.memory_space<vmem>> -> memref<128xi32, #tpu.memory_space<vmem>>
        %dma_start3A_383 = arith.constant 0 : i32
        %dma_start3A_384 = arith.constant 0 : i32
        %dma_start3A_385 = tpu.memref_slice %arg3[%dma_start3A_383, %dma_start3A_384] : memref<10240x80xf32, #tpu.memory_space<hbm>> -> memref<10240x80xf32, #tpu.memory_space<hbm>>
        tpu.enqueue_indirect_dma source(%dma_start3A_385 : memref<10240x80xf32, #tpu.memory_space<hbm>>) target(%dma_start3A_379 : memref<128x80xf32, #tpu.memory_space<vmem>>) offsets(%dma_start3A_382 : memref<128xi32, #tpu.memory_space<vmem>>) semaphore(%arg12 : memref<!tpu.dma_semaphore, #tpu.memory_space<semaphore_mem>>)
        %add3A_386 = arith.constant 2 : i32
        %add3A_387 = arith.addi %mul3A_243, %add3A_386 : i32
        %dma_wait3A_388 = arith.constant 2 : i32
        %dma_wait3A_389 = arith.constant 0 : i32
        %dma_wait3A_390 = arith.constant 0 : i32
        %dma_wait3A_391 = arith.constant 0 : i32
        %dma_wait3A_392 = arith.constant 0 : i32
        %dma_wait3A_393 = tpu.memref_slice %arg9[%dma_wait3A_390, %dma_wait3A_391, %dma_wait3A_392] : memref<2x128x80xf32, #tpu.memory_space<vmem>> -> memref<1x128x80xf32, #tpu.memory_space<vmem>>
        %dma_wait3A_394 = tpu.memref_squeeze %dma_wait3A_393 : memref<1x128x80xf32, #tpu.memory_space<vmem>> -> memref<128x80xf32, #tpu.memory_space<vmem>>
        %dma_wait3A_395 = arith.constant 0 : i32
        %dma_wait3A_396 = tpu.memref_slice %arg8[%dma_wait3A_388, %dma_wait3A_389, %dma_wait3A_395] : memref<4x2x128xi32, #tpu.memory_space<vmem>> -> memref<1x1x128xi32, #tpu.memory_space<vmem>>
        %dma_wait3A_397 = tpu.memref_squeeze %dma_wait3A_396 : memref<1x1x128xi32, #tpu.memory_space<vmem>> -> memref<128xi32, #tpu.memory_space<vmem>>
        %dma_wait3A_398 = arith.constant 0 : i32
        %dma_wait3A_399 = arith.constant 0 : i32
        %dma_wait3A_400 = tpu.memref_slice %arg3[%dma_wait3A_398, %dma_wait3A_399] : memref<10240x80xf32, #tpu.memory_space<hbm>> -> memref<10240x80xf32, #tpu.memory_space<hbm>>
        tpu.wait_indirect_dma semaphore(%arg11 : memref<!tpu.dma_semaphore, #tpu.memory_space<semaphore_mem>>) src(%dma_wait3A_400 : memref<10240x80xf32, #tpu.memory_space<hbm>>) dst(%dma_wait3A_394 : memref<128x80xf32, #tpu.memory_space<vmem>>)
        %run_scoped3A_401 = arith.constant 0 : i32
        %run_scoped3A_402 = arith.constant 2 : i32
        %run_scoped3A_403 = arith.constant 1 : i32
        "tpu.region"() ({
          %run_scoped3A_529 = tpu.sem_alloc : memref<!tpu.dma_semaphore, #tpu.memory_space<semaphore_mem>>
          %dma_start3A_530 = arith.constant 0 : i32
          %dma_start3A_531 = arith.constant 0 : i32
          %dma_start3A_532 = tpu.memref_slice %arg9[%run_scoped3A_401, %dma_start3A_530, %dma_start3A_531] : memref<2x128x80xf32, #tpu.memory_space<vmem>> -> memref<1x128x80xf32, #tpu.memory_space<vmem>>
          %dma_start3A_533 = tpu.memref_squeeze %dma_start3A_532 : memref<1x128x80xf32, #tpu.memory_space<vmem>> -> memref<128x80xf32, #tpu.memory_space<vmem>>
          %dma_start3A_534 = arith.constant 0 : i32
          %dma_start3A_535 = tpu.memref_slice %arg8[%run_scoped3A_402, %run_scoped3A_403, %dma_start3A_534] : memref<4x2x128xi32, #tpu.memory_space<vmem>> -> memref<1x1x128xi32, #tpu.memory_space<vmem>>
          %dma_start3A_536 = tpu.memref_squeeze %dma_start3A_535 : memref<1x1x128xi32, #tpu.memory_space<vmem>> -> memref<128xi32, #tpu.memory_space<vmem>>
          %dma_start3A_537 = arith.constant 0 : i32
          %dma_start3A_538 = arith.constant 0 : i32
          %dma_start3A_539 = tpu.memref_slice %arg10[%dma_start3A_537, %dma_start3A_538] : memref<10240x80xf32, #tpu.memory_space<vmem_shared>> -> memref<10240x80xf32, #tpu.memory_space<vmem_shared>>
          tpu.enqueue_indirect_dma source(%dma_start3A_533 : memref<128x80xf32, #tpu.memory_space<vmem>>) target(%dma_start3A_539 : memref<10240x80xf32, #tpu.memory_space<vmem_shared>>) offsets(%dma_start3A_536 : memref<128xi32, #tpu.memory_space<vmem>>) semaphore(%run_scoped3A_529 : memref<!tpu.dma_semaphore, #tpu.memory_space<semaphore_mem>>) {add = true}
          %dma_wait3A_540 = arith.constant 0 : i32
          %dma_wait3A_541 = arith.constant 0 : i32
          %dma_wait3A_542 = tpu.memref_slice %arg9[%run_scoped3A_401, %dma_wait3A_540, %dma_wait3A_541] : memref<2x128x80xf32, #tpu.memory_space<vmem>> -> memref<1x128x80xf32, #tpu.memory_space<vmem>>
          %dma_wait3A_543 = tpu.memref_squeeze %dma_wait3A_542 : memref<1x128x80xf32, #tpu.memory_space<vmem>> -> memref<128x80xf32, #tpu.memory_space<vmem>>
          %dma_wait3A_544 = arith.constant 0 : i32
          %dma_wait3A_545 = tpu.memref_slice %arg8[%run_scoped3A_402, %run_scoped3A_403, %dma_wait3A_544] : memref<4x2x128xi32, #tpu.memory_space<vmem>> -> memref<1x1x128xi32, #tpu.memory_space<vmem>>
          %dma_wait3A_546 = tpu.memref_squeeze %dma_wait3A_545 : memref<1x1x128xi32, #tpu.memory_space<vmem>> -> memref<128xi32, #tpu.memory_space<vmem>>
          %dma_wait3A_547 = arith.constant 0 : i32
          %dma_wait3A_548 = arith.constant 0 : i32
          %dma_wait3A_549 = tpu.memref_slice %arg10[%dma_wait3A_547, %dma_wait3A_548] : memref<10240x80xf32, #tpu.memory_space<vmem_shared>> -> memref<10240x80xf32, #tpu.memory_space<vmem_shared>>
          tpu.wait_indirect_dma semaphore(%run_scoped3A_529 : memref<!tpu.dma_semaphore, #tpu.memory_space<semaphore_mem>>) src(%dma_wait3A_543 : memref<128x80xf32, #tpu.memory_space<vmem>>) dst(%dma_wait3A_549 : memref<10240x80xf32, #tpu.memory_space<vmem_shared>>)
          tpu.yield
        }) : () -> ()
        %add3A_404 = arith.constant 4 : i32
        %add3A_405 = arith.addi %add3A_387, %add3A_404 : i32
        %add3A_406 = arith.addi %mul3A_29, %add3A_405 : i32
        %dma_start3A_407 = arith.constant 2 : i32
        %dma_start3A_408 = arith.constant 0 : i32
        %dma_start3A_409 = arith.constant 0 : i32
        %dma_start3A_410 = tpu.memref_slice %arg8[%dma_start3A_407, %dma_start3A_408, %dma_start3A_409] : memref<4x2x128xi32, #tpu.memory_space<vmem>> -> memref<1x2x128xi32, #tpu.memory_space<vmem>>
        %dma_start3A_411 = tpu.memref_squeeze %dma_start3A_410 : memref<1x2x128xi32, #tpu.memory_space<vmem>> -> memref<2x128xi32, #tpu.memory_space<vmem>>
        %dma_start3A_412 = arith.constant 0 : i32
        %dma_start3A_413 = arith.constant 0 : i32
        %dma_start3A_414 = tpu.memref_slice %arg5[%add3A_406, %dma_start3A_412, %dma_start3A_413] : memref<2624x2x128xi32, #tpu.memory_space<hbm>> -> memref<1x2x128xi32, #tpu.memory_space<hbm>>
        %dma_start3A_415 = tpu.memref_squeeze %dma_start3A_414 : memref<1x2x128xi32, #tpu.memory_space<hbm>> -> memref<2x128xi32, #tpu.memory_space<hbm>>
        %dma_start3A_416 = arith.constant 0 : i32
        %dma_start3A_417 = arith.constant 0 : i32
        %dma_start3A_418 = tpu.memref_slice %arg8[%dma_start3A_407, %dma_start3A_416, %dma_start3A_417] : memref<4x2x128xi32, #tpu.memory_space<vmem>> -> memref<1x2x128xi32, #tpu.memory_space<vmem>>
        %dma_start3A_419 = tpu.memref_squeeze %dma_start3A_418 : memref<1x2x128xi32, #tpu.memory_space<vmem>> -> memref<2x128xi32, #tpu.memory_space<vmem>>
        %dma_start3A_420 = arith.constant 0 : i32
        %dma_start3A_421 = arith.constant 0 : i32
        %dma_start3A_422 = tpu.memref_slice %arg5[%add3A_406, %dma_start3A_420, %dma_start3A_421] : memref<2624x2x128xi32, #tpu.memory_space<hbm>> -> memref<1x2x128xi32, #tpu.memory_space<hbm>>
        %dma_start3A_423 = tpu.memref_squeeze %dma_start3A_422 : memref<1x2x128xi32, #tpu.memory_space<hbm>> -> memref<2x128xi32, #tpu.memory_space<hbm>>
        tpu.enqueue_dma source(%dma_start3A_423 : memref<2x128xi32, #tpu.memory_space<hbm>>) target(%dma_start3A_419 : memref<2x128xi32, #tpu.memory_space<vmem>>) target_semaphore(%arg15 : memref<!tpu.dma_semaphore, #tpu.memory_space<semaphore_mem>>)
        %add3A_424 = arith.constant 2 : i32
        %add3A_425 = arith.addi %add3A_387, %add3A_424 : i32
        %add3A_426 = arith.addi %mul3A_29, %add3A_425 : i32
        %dma_wait3A_427 = arith.constant 0 : i32
        %dma_wait3A_428 = arith.constant 0 : i32
        %dma_wait3A_429 = arith.constant 0 : i32
        %dma_wait3A_430 = tpu.memref_slice %arg8[%dma_wait3A_427, %dma_wait3A_428, %dma_wait3A_429] : memref<4x2x128xi32, #tpu.memory_space<vmem>> -> memref<1x2x128xi32, #tpu.memory_space<vmem>>
        %dma_wait3A_431 = tpu.memref_squeeze %dma_wait3A_430 : memref<1x2x128xi32, #tpu.memory_space<vmem>> -> memref<2x128xi32, #tpu.memory_space<vmem>>
        %dma_wait3A_432 = arith.constant 0 : i32
        %dma_wait3A_433 = arith.constant 0 : i32
        %dma_wait3A_434 = tpu.memref_slice %arg5[%add3A_426, %dma_wait3A_432, %dma_wait3A_433] : memref<2624x2x128xi32, #tpu.memory_space<hbm>> -> memref<1x2x128xi32, #tpu.memory_space<hbm>>
        %dma_wait3A_435 = tpu.memref_squeeze %dma_wait3A_434 : memref<1x2x128xi32, #tpu.memory_space<hbm>> -> memref<2x128xi32, #tpu.memory_space<hbm>>
        %dma_wait3A_436 = arith.constant 0 : i32
        %dma_wait3A_437 = arith.constant 0 : i32
        %dma_wait3A_438 = tpu.memref_slice %arg8[%dma_wait3A_427, %dma_wait3A_436, %dma_wait3A_437] : memref<4x2x128xi32, #tpu.memory_space<vmem>> -> memref<1x2x128xi32, #tpu.memory_space<vmem>>
        %dma_wait3A_439 = tpu.memref_squeeze %dma_wait3A_438 : memref<1x2x128xi32, #tpu.memory_space<vmem>> -> memref<2x128xi32, #tpu.memory_space<vmem>>
        %dma_wait3A_440 = arith.constant 0 : i32
        %dma_wait3A_441 = arith.constant 0 : i32
        %dma_wait3A_442 = tpu.memref_slice %arg5[%add3A_426, %dma_wait3A_440, %dma_wait3A_441] : memref<2624x2x128xi32, #tpu.memory_space<hbm>> -> memref<1x2x128xi32, #tpu.memory_space<hbm>>
        %dma_wait3A_443 = tpu.memref_squeeze %dma_wait3A_442 : memref<1x2x128xi32, #tpu.memory_space<hbm>> -> memref<2x128xi32, #tpu.memory_space<hbm>>
        tpu.wait_dma2 semaphore(%arg13 : memref<!tpu.dma_semaphore, #tpu.memory_space<semaphore_mem>>) src(%dma_wait3A_443 : memref<2x128xi32, #tpu.memory_space<hbm>>) dst(%dma_wait3A_439 : memref<2x128xi32, #tpu.memory_space<vmem>>)
        %dma_start3A_444 = arith.constant 0 : i32
        %dma_start3A_445 = arith.constant 0 : i32
        %dma_start3A_446 = arith.constant 0 : i32
        %dma_start3A_447 = arith.constant 0 : i32
        %dma_start3A_448 = arith.constant 0 : i32
        %dma_start3A_449 = tpu.memref_slice %arg9[%dma_start3A_446, %dma_start3A_447, %dma_start3A_448] : memref<2x128x80xf32, #tpu.memory_space<vmem>> -> memref<1x128x80xf32, #tpu.memory_space<vmem>>
        %dma_start3A_450 = tpu.memref_squeeze %dma_start3A_449 : memref<1x128x80xf32, #tpu.memory_space<vmem>> -> memref<128x80xf32, #tpu.memory_space<vmem>>
        %dma_start3A_451 = arith.constant 0 : i32
        %dma_start3A_452 = tpu.memref_slice %arg8[%dma_start3A_444, %dma_start3A_445, %dma_start3A_451] : memref<4x2x128xi32, #tpu.memory_space<vmem>> -> memref<1x1x128xi32, #tpu.memory_space<vmem>>
        %dma_start3A_453 = tpu.memref_squeeze %dma_start3A_452 : memref<1x1x128xi32, #tpu.memory_space<vmem>> -> memref<128xi32, #tpu.memory_space<vmem>>
        %dma_start3A_454 = arith.constant 0 : i32
        %dma_start3A_455 = arith.constant 0 : i32
        %dma_start3A_456 = tpu.memref_slice %arg3[%dma_start3A_454, %dma_start3A_455] : memref<10240x80xf32, #tpu.memory_space<hbm>> -> memref<10240x80xf32, #tpu.memory_space<hbm>>
        tpu.enqueue_indirect_dma source(%dma_start3A_456 : memref<10240x80xf32, #tpu.memory_space<hbm>>) target(%dma_start3A_450 : memref<128x80xf32, #tpu.memory_space<vmem>>) offsets(%dma_start3A_453 : memref<128xi32, #tpu.memory_space<vmem>>) semaphore(%arg11 : memref<!tpu.dma_semaphore, #tpu.memory_space<semaphore_mem>>)
        %add3A_457 = arith.constant 3 : i32
        %add3A_458 = arith.addi %mul3A_243, %add3A_457 : i32
        %dma_wait3A_459 = arith.constant 3 : i32
        %dma_wait3A_460 = arith.constant 0 : i32
        %dma_wait3A_461 = arith.constant 1 : i32
        %dma_wait3A_462 = arith.constant 0 : i32
        %dma_wait3A_463 = arith.constant 0 : i32
        %dma_wait3A_464 = tpu.memref_slice %arg9[%dma_wait3A_461, %dma_wait3A_462, %dma_wait3A_463] : memref<2x128x80xf32, #tpu.memory_space<vmem>> -> memref<1x128x80xf32, #tpu.memory_space<vmem>>
        %dma_wait3A_465 = tpu.memref_squeeze %dma_wait3A_464 : memref<1x128x80xf32, #tpu.memory_space<vmem>> -> memref<128x80xf32, #tpu.memory_space<vmem>>
        %dma_wait3A_466 = arith.constant 0 : i32
        %dma_wait3A_467 = tpu.memref_slice %arg8[%dma_wait3A_459, %dma_wait3A_460, %dma_wait3A_466] : memref<4x2x128xi32, #tpu.memory_space<vmem>> -> memref<1x1x128xi32, #tpu.memory_space<vmem>>
        %dma_wait3A_468 = tpu.memref_squeeze %dma_wait3A_467 : memref<1x1x128xi32, #tpu.memory_space<vmem>> -> memref<128xi32, #tpu.memory_space<vmem>>
        %dma_wait3A_469 = arith.constant 0 : i32
        %dma_wait3A_470 = arith.constant 0 : i32
        %dma_wait3A_471 = tpu.memref_slice %arg3[%dma_wait3A_469, %dma_wait3A_470] : memref<10240x80xf32, #tpu.memory_space<hbm>> -> memref<10240x80xf32, #tpu.memory_space<hbm>>
        tpu.wait_indirect_dma semaphore(%arg12 : memref<!tpu.dma_semaphore, #tpu.memory_space<semaphore_mem>>) src(%dma_wait3A_471 : memref<10240x80xf32, #tpu.memory_space<hbm>>) dst(%dma_wait3A_465 : memref<128x80xf32, #tpu.memory_space<vmem>>)
        %run_scoped3A_472 = arith.constant 1 : i32
        %run_scoped3A_473 = arith.constant 3 : i32
        %run_scoped3A_474 = arith.constant 1 : i32
        "tpu.region"() ({
          %run_scoped3A_529 = tpu.sem_alloc : memref<!tpu.dma_semaphore, #tpu.memory_space<semaphore_mem>>
          %dma_start3A_530 = arith.constant 0 : i32
          %dma_start3A_531 = arith.constant 0 : i32
          %dma_start3A_532 = tpu.memref_slice %arg9[%run_scoped3A_472, %dma_start3A_530, %dma_start3A_531] : memref<2x128x80xf32, #tpu.memory_space<vmem>> -> memref<1x128x80xf32, #tpu.memory_space<vmem>>
          %dma_start3A_533 = tpu.memref_squeeze %dma_start3A_532 : memref<1x128x80xf32, #tpu.memory_space<vmem>> -> memref<128x80xf32, #tpu.memory_space<vmem>>
          %dma_start3A_534 = arith.constant 0 : i32
          %dma_start3A_535 = tpu.memref_slice %arg8[%run_scoped3A_473, %run_scoped3A_474, %dma_start3A_534] : memref<4x2x128xi32, #tpu.memory_space<vmem>> -> memref<1x1x128xi32, #tpu.memory_space<vmem>>
          %dma_start3A_536 = tpu.memref_squeeze %dma_start3A_535 : memref<1x1x128xi32, #tpu.memory_space<vmem>> -> memref<128xi32, #tpu.memory_space<vmem>>
          %dma_start3A_537 = arith.constant 0 : i32
          %dma_start3A_538 = arith.constant 0 : i32
          %dma_start3A_539 = tpu.memref_slice %arg10[%dma_start3A_537, %dma_start3A_538] : memref<10240x80xf32, #tpu.memory_space<vmem_shared>> -> memref<10240x80xf32, #tpu.memory_space<vmem_shared>>
          tpu.enqueue_indirect_dma source(%dma_start3A_533 : memref<128x80xf32, #tpu.memory_space<vmem>>) target(%dma_start3A_539 : memref<10240x80xf32, #tpu.memory_space<vmem_shared>>) offsets(%dma_start3A_536 : memref<128xi32, #tpu.memory_space<vmem>>) semaphore(%run_scoped3A_529 : memref<!tpu.dma_semaphore, #tpu.memory_space<semaphore_mem>>) {add = true}
          %dma_wait3A_540 = arith.constant 0 : i32
          %dma_wait3A_541 = arith.constant 0 : i32
          %dma_wait3A_542 = tpu.memref_slice %arg9[%run_scoped3A_472, %dma_wait3A_540, %dma_wait3A_541] : memref<2x128x80xf32, #tpu.memory_space<vmem>> -> memref<1x128x80xf32, #tpu.memory_space<vmem>>
          %dma_wait3A_543 = tpu.memref_squeeze %dma_wait3A_542 : memref<1x128x80xf32, #tpu.memory_space<vmem>> -> memref<128x80xf32, #tpu.memory_space<vmem>>
          %dma_wait3A_544 = arith.constant 0 : i32
          %dma_wait3A_545 = tpu.memref_slice %arg8[%run_scoped3A_473, %run_scoped3A_474, %dma_wait3A_544] : memref<4x2x128xi32, #tpu.memory_space<vmem>> -> memref<1x1x128xi32, #tpu.memory_space<vmem>>
          %dma_wait3A_546 = tpu.memref_squeeze %dma_wait3A_545 : memref<1x1x128xi32, #tpu.memory_space<vmem>> -> memref<128xi32, #tpu.memory_space<vmem>>
          %dma_wait3A_547 = arith.constant 0 : i32
          %dma_wait3A_548 = arith.constant 0 : i32
          %dma_wait3A_549 = tpu.memref_slice %arg10[%dma_wait3A_547, %dma_wait3A_548] : memref<10240x80xf32, #tpu.memory_space<vmem_shared>> -> memref<10240x80xf32, #tpu.memory_space<vmem_shared>>
          tpu.wait_indirect_dma semaphore(%run_scoped3A_529 : memref<!tpu.dma_semaphore, #tpu.memory_space<semaphore_mem>>) src(%dma_wait3A_543 : memref<128x80xf32, #tpu.memory_space<vmem>>) dst(%dma_wait3A_549 : memref<10240x80xf32, #tpu.memory_space<vmem_shared>>)
          tpu.yield
        }) : () -> ()
        %add3A_475 = arith.constant 4 : i32
        %add3A_476 = arith.addi %add3A_458, %add3A_475 : i32
        %add3A_477 = arith.addi %mul3A_29, %add3A_476 : i32
        %dma_start3A_478 = arith.constant 3 : i32
        %dma_start3A_479 = arith.constant 0 : i32
        %dma_start3A_480 = arith.constant 0 : i32
        %dma_start3A_481 = tpu.memref_slice %arg8[%dma_start3A_478, %dma_start3A_479, %dma_start3A_480] : memref<4x2x128xi32, #tpu.memory_space<vmem>> -> memref<1x2x128xi32, #tpu.memory_space<vmem>>
        %dma_start3A_482 = tpu.memref_squeeze %dma_start3A_481 : memref<1x2x128xi32, #tpu.memory_space<vmem>> -> memref<2x128xi32, #tpu.memory_space<vmem>>
        %dma_start3A_483 = arith.constant 0 : i32
        %dma_start3A_484 = arith.constant 0 : i32
        %dma_start3A_485 = tpu.memref_slice %arg5[%add3A_477, %dma_start3A_483, %dma_start3A_484] : memref<2624x2x128xi32, #tpu.memory_space<hbm>> -> memref<1x2x128xi32, #tpu.memory_space<hbm>>
        %dma_start3A_486 = tpu.memref_squeeze %dma_start3A_485 : memref<1x2x128xi32, #tpu.memory_space<hbm>> -> memref<2x128xi32, #tpu.memory_space<hbm>>
        %dma_start3A_487 = arith.constant 0 : i32
        %dma_start3A_488 = arith.constant 0 : i32
        %dma_start3A_489 = tpu.memref_slice %arg8[%dma_start3A_478, %dma_start3A_487, %dma_start3A_488] : memref<4x2x128xi32, #tpu.memory_space<vmem>> -> memref<1x2x128xi32, #tpu.memory_space<vmem>>
        %dma_start3A_490 = tpu.memref_squeeze %dma_start3A_489 : memref<1x2x128xi32, #tpu.memory_space<vmem>> -> memref<2x128xi32, #tpu.memory_space<vmem>>
        %dma_start3A_491 = arith.constant 0 : i32
        %dma_start3A_492 = arith.constant 0 : i32
        %dma_start3A_493 = tpu.memref_slice %arg5[%add3A_477, %dma_start3A_491, %dma_start3A_492] : memref<2624x2x128xi32, #tpu.memory_space<hbm>> -> memref<1x2x128xi32, #tpu.memory_space<hbm>>
        %dma_start3A_494 = tpu.memref_squeeze %dma_start3A_493 : memref<1x2x128xi32, #tpu.memory_space<hbm>> -> memref<2x128xi32, #tpu.memory_space<hbm>>
        tpu.enqueue_dma source(%dma_start3A_494 : memref<2x128xi32, #tpu.memory_space<hbm>>) target(%dma_start3A_490 : memref<2x128xi32, #tpu.memory_space<vmem>>) target_semaphore(%arg16 : memref<!tpu.dma_semaphore, #tpu.memory_space<semaphore_mem>>)
        %add3A_495 = arith.constant 2 : i32
        %add3A_496 = arith.addi %add3A_458, %add3A_495 : i32
        %add3A_497 = arith.addi %mul3A_29, %add3A_496 : i32
        %dma_wait3A_498 = arith.constant 1 : i32
        %dma_wait3A_499 = arith.constant 0 : i32
        %dma_wait3A_500 = arith.constant 0 : i32
        %dma_wait3A_501 = tpu.memref_slice %arg8[%dma_wait3A_498, %dma_wait3A_499, %dma_wait3A_500] : memref<4x2x128xi32, #tpu.memory_space<vmem>> -> memref<1x2x128xi32, #tpu.memory_space<vmem>>
        %dma_wait3A_502 = tpu.memref_squeeze %dma_wait3A_501 : memref<1x2x128xi32, #tpu.memory_space<vmem>> -> memref<2x128xi32, #tpu.memory_space<vmem>>
        %dma_wait3A_503 = arith.constant 0 : i32
        %dma_wait3A_504 = arith.constant 0 : i32
        %dma_wait3A_505 = tpu.memref_slice %arg5[%add3A_497, %dma_wait3A_503, %dma_wait3A_504] : memref<2624x2x128xi32, #tpu.memory_space<hbm>> -> memref<1x2x128xi32, #tpu.memory_space<hbm>>
        %dma_wait3A_506 = tpu.memref_squeeze %dma_wait3A_505 : memref<1x2x128xi32, #tpu.memory_space<hbm>> -> memref<2x128xi32, #tpu.memory_space<hbm>>
        %dma_wait3A_507 = arith.constant 0 : i32
        %dma_wait3A_508 = arith.constant 0 : i32
        %dma_wait3A_509 = tpu.memref_slice %arg8[%dma_wait3A_498, %dma_wait3A_507, %dma_wait3A_508] : memref<4x2x128xi32, #tpu.memory_space<vmem>> -> memref<1x2x128xi32, #tpu.memory_space<vmem>>
        %dma_wait3A_510 = tpu.memref_squeeze %dma_wait3A_509 : memref<1x2x128xi32, #tpu.memory_space<vmem>> -> memref<2x128xi32, #tpu.memory_space<vmem>>
        %dma_wait3A_511 = arith.constant 0 : i32
        %dma_wait3A_512 = arith.constant 0 : i32
        %dma_wait3A_513 = tpu.memref_slice %arg5[%add3A_497, %dma_wait3A_511, %dma_wait3A_512] : memref<2624x2x128xi32, #tpu.memory_space<hbm>> -> memref<1x2x128xi32, #tpu.memory_space<hbm>>
        %dma_wait3A_514 = tpu.memref_squeeze %dma_wait3A_513 : memref<1x2x128xi32, #tpu.memory_space<hbm>> -> memref<2x128xi32, #tpu.memory_space<hbm>>
        tpu.wait_dma2 semaphore(%arg14 : memref<!tpu.dma_semaphore, #tpu.memory_space<semaphore_mem>>) src(%dma_wait3A_514 : memref<2x128xi32, #tpu.memory_space<hbm>>) dst(%dma_wait3A_510 : memref<2x128xi32, #tpu.memory_space<vmem>>)
        %dma_start3A_515 = arith.constant 1 : i32
        %dma_start3A_516 = arith.constant 0 : i32
        %dma_start3A_517 = arith.constant 1 : i32
        %dma_start3A_518 = arith.constant 0 : i32
        %dma_start3A_519 = arith.constant 0 : i32
        %dma_start3A_520 = tpu.memref_slice %arg9[%dma_start3A_517, %dma_start3A_518, %dma_start3A_519] : memref<2x128x80xf32, #tpu.memory_space<vmem>> -> memref<1x128x80xf32, #tpu.memory_space<vmem>>
        %dma_start3A_521 = tpu.memref_squeeze %dma_start3A_520 : memref<1x128x80xf32, #tpu.memory_space<vmem>> -> memref<128x80xf32, #tpu.memory_space<vmem>>
        %dma_start3A_522 = arith.constant 0 : i32
        %dma_start3A_523 = tpu.memref_slice %arg8[%dma_start3A_515, %dma_start3A_516, %dma_start3A_522] : memref<4x2x128xi32, #tpu.memory_space<vmem>> -> memref<1x1x128xi32, #tpu.memory_space<vmem>>
        %dma_start3A_524 = tpu.memref_squeeze %dma_start3A_523 : memref<1x1x128xi32, #tpu.memory_space<vmem>> -> memref<128xi32, #tpu.memory_space<vmem>>
        %dma_start3A_525 = arith.constant 0 : i32
        %dma_start3A_526 = arith.constant 0 : i32
        %dma_start3A_527 = tpu.memref_slice %arg3[%dma_start3A_525, %dma_start3A_526] : memref<10240x80xf32, #tpu.memory_space<hbm>> -> memref<10240x80xf32, #tpu.memory_space<hbm>>
        tpu.enqueue_indirect_dma source(%dma_start3A_527 : memref<10240x80xf32, #tpu.memory_space<hbm>>) target(%dma_start3A_521 : memref<128x80xf32, #tpu.memory_space<vmem>>) offsets(%dma_start3A_524 : memref<128xi32, #tpu.memory_space<vmem>>) semaphore(%arg12 : memref<!tpu.dma_semaphore, #tpu.memory_space<semaphore_mem>>)
        %scan3A_528 = arith.constant 0 : i32
        scf.yield %scan3A_528 : i32
      }
      %scan3A_174 = arith.constant 40 : i32
      %dma_wait3A_175 = arith.constant 0 : i32
      %dma_wait3A_176 = arith.constant 0 : i32
      %dma_wait3A_177 = arith.constant 0 : i32
      %dma_wait3A_178 = arith.constant 0 : i32
      %dma_wait3A_179 = arith.constant 0 : i32
      %dma_wait3A_180 = tpu.memref_slice %arg9[%dma_wait3A_177, %dma_wait3A_178, %dma_wait3A_179] : memref<2x128x80xf32, #tpu.memory_space<vmem>> -> memref<1x128x80xf32, #tpu.memory_space<vmem>>
      %dma_wait3A_181 = tpu.memref_squeeze %dma_wait3A_180 : memref<1x128x80xf32, #tpu.memory_space<vmem>> -> memref<128x80xf32, #tpu.memory_space<vmem>>
      %dma_wait3A_182 = arith.constant 0 : i32
      %dma_wait3A_183 = tpu.memref_slice %arg8[%dma_wait3A_175, %dma_wait3A_176, %dma_wait3A_182] : memref<4x2x128xi32, #tpu.memory_space<vmem>> -> memref<1x1x128xi32, #tpu.memory_space<vmem>>
      %dma_wait3A_184 = tpu.memref_squeeze %dma_wait3A_183 : memref<1x1x128xi32, #tpu.memory_space<vmem>> -> memref<128xi32, #tpu.memory_space<vmem>>
      %dma_wait3A_185 = arith.constant 0 : i32
      %dma_wait3A_186 = arith.constant 0 : i32
      %dma_wait3A_187 = tpu.memref_slice %arg3[%dma_wait3A_185, %dma_wait3A_186] : memref<10240x80xf32, #tpu.memory_space<hbm>> -> memref<10240x80xf32, #tpu.memory_space<hbm>>
      tpu.wait_indirect_dma semaphore(%arg11 : memref<!tpu.dma_semaphore, #tpu.memory_space<semaphore_mem>>) src(%dma_wait3A_187 : memref<10240x80xf32, #tpu.memory_space<hbm>>) dst(%dma_wait3A_181 : memref<128x80xf32, #tpu.memory_space<vmem>>)
      %dma_wait3A_188 = arith.constant 1 : i32
      %dma_wait3A_189 = arith.constant 0 : i32
      %dma_wait3A_190 = arith.constant 1 : i32
      %dma_wait3A_191 = arith.constant 0 : i32
      %dma_wait3A_192 = arith.constant 0 : i32
      %dma_wait3A_193 = tpu.memref_slice %arg9[%dma_wait3A_190, %dma_wait3A_191, %dma_wait3A_192] : memref<2x128x80xf32, #tpu.memory_space<vmem>> -> memref<1x128x80xf32, #tpu.memory_space<vmem>>
      %dma_wait3A_194 = tpu.memref_squeeze %dma_wait3A_193 : memref<1x128x80xf32, #tpu.memory_space<vmem>> -> memref<128x80xf32, #tpu.memory_space<vmem>>
      %dma_wait3A_195 = arith.constant 0 : i32
      %dma_wait3A_196 = tpu.memref_slice %arg8[%dma_wait3A_188, %dma_wait3A_189, %dma_wait3A_195] : memref<4x2x128xi32, #tpu.memory_space<vmem>> -> memref<1x1x128xi32, #tpu.memory_space<vmem>>
      %dma_wait3A_197 = tpu.memref_squeeze %dma_wait3A_196 : memref<1x1x128xi32, #tpu.memory_space<vmem>> -> memref<128xi32, #tpu.memory_space<vmem>>
      %dma_wait3A_198 = arith.constant 0 : i32
      %dma_wait3A_199 = arith.constant 0 : i32
      %dma_wait3A_200 = tpu.memref_slice %arg3[%dma_wait3A_198, %dma_wait3A_199] : memref<10240x80xf32, #tpu.memory_space<hbm>> -> memref<10240x80xf32, #tpu.memory_space<hbm>>
      tpu.wait_indirect_dma semaphore(%arg12 : memref<!tpu.dma_semaphore, #tpu.memory_space<semaphore_mem>>) src(%dma_wait3A_200 : memref<10240x80xf32, #tpu.memory_space<hbm>>) dst(%dma_wait3A_194 : memref<128x80xf32, #tpu.memory_space<vmem>>)
      %add3A_201 = arith.constant 162 : i32
      %add3A_202 = arith.addi %mul3A_29, %add3A_201 : i32
      %dma_wait3A_203 = arith.constant 2 : i32
      %dma_wait3A_204 = arith.constant 0 : i32
      %dma_wait3A_205 = arith.constant 0 : i32
      %dma_wait3A_206 = tpu.memref_slice %arg8[%dma_wait3A_203, %dma_wait3A_204, %dma_wait3A_205] : memref<4x2x128xi32, #tpu.memory_space<vmem>> -> memref<1x2x128xi32, #tpu.memory_space<vmem>>
      %dma_wait3A_207 = tpu.memref_squeeze %dma_wait3A_206 : memref<1x2x128xi32, #tpu.memory_space<vmem>> -> memref<2x128xi32, #tpu.memory_space<vmem>>
      %dma_wait3A_208 = arith.constant 0 : i32
      %dma_wait3A_209 = arith.constant 0 : i32
      %dma_wait3A_210 = tpu.memref_slice %arg5[%add3A_202, %dma_wait3A_208, %dma_wait3A_209] : memref<2624x2x128xi32, #tpu.memory_space<hbm>> -> memref<1x2x128xi32, #tpu.memory_space<hbm>>
      %dma_wait3A_211 = tpu.memref_squeeze %dma_wait3A_210 : memref<1x2x128xi32, #tpu.memory_space<hbm>> -> memref<2x128xi32, #tpu.memory_space<hbm>>
      %dma_wait3A_212 = arith.constant 0 : i32
      %dma_wait3A_213 = arith.constant 0 : i32
      %dma_wait3A_214 = tpu.memref_slice %arg8[%dma_wait3A_203, %dma_wait3A_212, %dma_wait3A_213] : memref<4x2x128xi32, #tpu.memory_space<vmem>> -> memref<1x2x128xi32, #tpu.memory_space<vmem>>
      %dma_wait3A_215 = tpu.memref_squeeze %dma_wait3A_214 : memref<1x2x128xi32, #tpu.memory_space<vmem>> -> memref<2x128xi32, #tpu.memory_space<vmem>>
      %dma_wait3A_216 = arith.constant 0 : i32
      %dma_wait3A_217 = arith.constant 0 : i32
      %dma_wait3A_218 = tpu.memref_slice %arg5[%add3A_202, %dma_wait3A_216, %dma_wait3A_217] : memref<2624x2x128xi32, #tpu.memory_space<hbm>> -> memref<1x2x128xi32, #tpu.memory_space<hbm>>
      %dma_wait3A_219 = tpu.memref_squeeze %dma_wait3A_218 : memref<1x2x128xi32, #tpu.memory_space<hbm>> -> memref<2x128xi32, #tpu.memory_space<hbm>>
      tpu.wait_dma2 semaphore(%arg15 : memref<!tpu.dma_semaphore, #tpu.memory_space<semaphore_mem>>) src(%dma_wait3A_219 : memref<2x128xi32, #tpu.memory_space<hbm>>) dst(%dma_wait3A_215 : memref<2x128xi32, #tpu.memory_space<vmem>>)
      %add3A_220 = arith.constant 163 : i32
      %add3A_221 = arith.addi %mul3A_29, %add3A_220 : i32
      %dma_wait3A_222 = arith.constant 3 : i32
      %dma_wait3A_223 = arith.constant 0 : i32
      %dma_wait3A_224 = arith.constant 0 : i32
      %dma_wait3A_225 = tpu.memref_slice %arg8[%dma_wait3A_222, %dma_wait3A_223, %dma_wait3A_224] : memref<4x2x128xi32, #tpu.memory_space<vmem>> -> memref<1x2x128xi32, #tpu.memory_space<vmem>>
      %dma_wait3A_226 = tpu.memref_squeeze %dma_wait3A_225 : memref<1x2x128xi32, #tpu.memory_space<vmem>> -> memref<2x128xi32, #tpu.memory_space<vmem>>
      %dma_wait3A_227 = arith.constant 0 : i32
      %dma_wait3A_228 = arith.constant 0 : i32
      %dma_wait3A_229 = tpu.memref_slice %arg5[%add3A_221, %dma_wait3A_227, %dma_wait3A_228] : memref<2624x2x128xi32, #tpu.memory_space<hbm>> -> memref<1x2x128xi32, #tpu.memory_space<hbm>>
      %dma_wait3A_230 = tpu.memref_squeeze %dma_wait3A_229 : memref<1x2x128xi32, #tpu.memory_space<hbm>> -> memref<2x128xi32, #tpu.memory_space<hbm>>
      %dma_wait3A_231 = arith.constant 0 : i32
      %dma_wait3A_232 = arith.constant 0 : i32
      %dma_wait3A_233 = tpu.memref_slice %arg8[%dma_wait3A_222, %dma_wait3A_231, %dma_wait3A_232] : memref<4x2x128xi32, #tpu.memory_space<vmem>> -> memref<1x2x128xi32, #tpu.memory_space<vmem>>
      %dma_wait3A_234 = tpu.memref_squeeze %dma_wait3A_233 : memref<1x2x128xi32, #tpu.memory_space<vmem>> -> memref<2x128xi32, #tpu.memory_space<vmem>>
      %dma_wait3A_235 = arith.constant 0 : i32
      %dma_wait3A_236 = arith.constant 0 : i32
      %dma_wait3A_237 = tpu.memref_slice %arg5[%add3A_221, %dma_wait3A_235, %dma_wait3A_236] : memref<2624x2x128xi32, #tpu.memory_space<hbm>> -> memref<1x2x128xi32, #tpu.memory_space<hbm>>
      %dma_wait3A_238 = tpu.memref_squeeze %dma_wait3A_237 : memref<1x2x128xi32, #tpu.memory_space<hbm>> -> memref<2x128xi32, #tpu.memory_space<hbm>>
      tpu.wait_dma2 semaphore(%arg16 : memref<!tpu.dma_semaphore, #tpu.memory_space<semaphore_mem>>) src(%dma_wait3A_238 : memref<2x128xi32, #tpu.memory_space<hbm>>) dst(%dma_wait3A_234 : memref<2x128xi32, #tpu.memory_space<vmem>>)
      %barrier3A_239 = arith.constant 0 : index
      tpu.barrier barrier_id(%barrier3A_239)
      "tpu.region"() ({
        %run_scoped3A_240 = tpu.sem_alloc : memref<!tpu.dma_semaphore, #tpu.memory_space<semaphore_mem>>
        %dma_start3A_241 = arith.constant 0 : i32
        %dma_start3A_242 = tpu.memref_slice %arg7[%mul3A_0, %dma_start3A_241] : memref<10240x80xf32, #tpu.memory_space<hbm>> -> memref<640x80xf32, #tpu.memory_space<hbm>>
        %dma_start3A_243 = arith.constant 0 : i32
        %dma_start3A_244 = tpu.memref_slice %arg10[%mul3A_0, %dma_start3A_243] : memref<10240x80xf32, #tpu.memory_space<vmem_shared>> -> memref<640x80xf32, #tpu.memory_space<vmem_shared>>
        tpu.enqueue_dma source(%dma_start3A_244 : memref<640x80xf32, #tpu.memory_space<vmem_shared>>) target(%dma_start3A_242 : memref<640x80xf32, #tpu.memory_space<hbm>>) target_semaphore(%run_scoped3A_240 : memref<!tpu.dma_semaphore, #tpu.memory_space<semaphore_mem>>)
        %dma_wait3A_245 = arith.constant 0 : i32
        %dma_wait3A_246 = tpu.memref_slice %arg7[%mul3A_0, %dma_wait3A_245] : memref<10240x80xf32, #tpu.memory_space<hbm>> -> memref<640x80xf32, #tpu.memory_space<hbm>>
        %dma_wait3A_247 = arith.constant 0 : i32
        %dma_wait3A_248 = tpu.memref_slice %arg10[%mul3A_0, %dma_wait3A_247] : memref<10240x80xf32, #tpu.memory_space<vmem_shared>> -> memref<640x80xf32, #tpu.memory_space<vmem_shared>>
        tpu.wait_dma2 semaphore(%run_scoped3A_240 : memref<!tpu.dma_semaphore, #tpu.memory_space<semaphore_mem>>) src(%dma_wait3A_248 : memref<640x80xf32, #tpu.memory_space<vmem_shared>>) dst(%dma_wait3A_246 : memref<640x80xf32, #tpu.memory_space<hbm>>)
        tpu.yield
      }) : () -> ()
    } else {
    }
    return
  }
}

#map = affine_map<(d0, d1) -> (0, 0)>
#map1 = affine_map<(d0, d1) -> (0, 0, 0)>
module attributes {stable_mosaic.version = 14 : i64} {
  func.func @body(%arg0: i32, %arg1: i32, %arg2: memref<10240x80xf32, #tpu.memory_space<hbm>>, %arg3: memref<10240x80xf32, #tpu.memory_space<hbm>>, %arg4: memref<2624x2x128xi32, #tpu.memory_space<hbm>>, %arg5: memref<2624x2x128xi32, #tpu.memory_space<hbm>>, %arg6: memref<10240x80xf32, #tpu.memory_space<hbm>>, %arg7: memref<10240x80xf32, #tpu.memory_space<hbm>>, %arg8: memref<4x2x128xi32, #tpu.memory_space<vmem>>, %arg9: memref<2x128x80xf32, #tpu.memory_space<vmem>>, %arg10: memref<10240x80xf32, #tpu.memory_space<vmem_shared>>, %arg11: memref<!tpu.dma_semaphore, #tpu.memory_space<semaphore_mem>>, %arg12: memref<!tpu.dma_semaphore, #tpu.memory_space<semaphore_mem>>, %arg13: memref<!tpu.dma_semaphore, #tpu.memory_space<semaphore_mem>>, %arg14: memref<!tpu.dma_semaphore, #tpu.memory_space<semaphore_mem>>, %arg15: memref<!tpu.dma_semaphore, #tpu.memory_space<semaphore_mem>>, %arg16: memref<!tpu.dma_semaphore, #tpu.memory_space<semaphore_mem>>) attributes {dimension_semantics = [#tpu.dimension_semantics<core_parallel>, #tpu.dimension_semantics<subcore_parallel>], iteration_bounds = array<i64: 2, 16>, scalar_prefetch = 0 : i64, scratch_operands = 9 : i64, tpu.core_type = #tpu.core_type<sc_vector_subcore>, window_params = [{transform_indices = #map}, {transform_indices = #map}, {transform_indices = #map1}, {transform_indices = #map1}, {transform_indices = #map}, {transform_indices = #map}]} {
    %mul3A = arith.constant 640 : i32
    %mul3A_0 = arith.muli %arg1, %mul3A : i32
    %broadcast_in_dim3A = arith.constant 0.000000e+00 : f32
    %broadcast_in_dim3A_1 = vector.broadcast %broadcast_in_dim3A : f32 to vector<16xf32>
    %scan3A = arith.constant 0 : i32
    %scan3A_2 = arith.constant 0 : i32
    %scan3A_3 = arith.constant 128 : i32
    %scan3A_4 = arith.addi %scan3A_2, %scan3A_3 : i32
    %scan3A_5 = arith.constant 1 : i32
    %scan3A_6 = scf.for %scan3A_28 = %scan3A_2 to %scan3A_4 step %scan3A_5 iter_args(%scan3A_29 = %scan3A) -> (i32)  : i32 {
      %swap3A = arith.constant 0 : i32
      %swap3A_30 = arith.index_cast %swap3A : i32 to index
      %swap3A_31 = arith.index_cast %scan3A_28 : i32 to index
      %swap3A_32 = arith.constant 0 : index
      %swap3A_33 = tpu.vector_load %arg9[%swap3A_30, %swap3A_31, %swap3A_32] {strides = array<i32>} : memref<2x128x80xf32, #tpu.memory_space<vmem>>, vector<16xf32>,
      tpu.vector_store %arg9[%swap3A_30, %swap3A_31, %swap3A_32], %broadcast_in_dim3A_1 {strides = array<i32>} : memref<2x128x80xf32, #tpu.memory_space<vmem>>, vector<16xf32>,
      %swap3A_34 = arith.constant 0 : i32
      %swap3A_35 = arith.index_cast %swap3A_34 : i32 to index
      %swap3A_36 = arith.index_cast %scan3A_28 : i32 to index
      %swap3A_37 = arith.constant 16 : index
      %swap3A_38 = tpu.vector_load %arg9[%swap3A_35, %swap3A_36, %swap3A_37] {strides = array<i32>} : memref<2x128x80xf32, #tpu.memory_space<vmem>>, vector<16xf32>,
      tpu.vector_store %arg9[%swap3A_35, %swap3A_36, %swap3A_37], %broadcast_in_dim3A_1 {strides = array<i32>} : memref<2x128x80xf32, #tpu.memory_space<vmem>>, vector<16xf32>,
      %swap3A_39 = arith.constant 0 : i32
      %swap3A_40 = arith.index_cast %swap3A_39 : i32 to index
      %swap3A_41 = arith.index_cast %scan3A_28 : i32 to index
      %swap3A_42 = arith.constant 32 : index
      %swap3A_43 = tpu.vector_load %arg9[%swap3A_40, %swap3A_41, %swap3A_42] {strides = array<i32>} : memref<2x128x80xf32, #tpu.memory_space<vmem>>, vector<16xf32>,
      tpu.vector_store %arg9[%swap3A_40, %swap3A_41, %swap3A_42], %broadcast_in_dim3A_1 {strides = array<i32>} : memref<2x128x80xf32, #tpu.memory_space<vmem>>, vector<16xf32>,
      %swap3A_44 = arith.constant 0 : i32
      %swap3A_45 = arith.index_cast %swap3A_44 : i32 to index
      %swap3A_46 = arith.index_cast %scan3A_28 : i32 to index
      %swap3A_47 = arith.constant 48 : index
      %swap3A_48 = tpu.vector_load %arg9[%swap3A_45, %swap3A_46, %swap3A_47] {strides = array<i32>} : memref<2x128x80xf32, #tpu.memory_space<vmem>>, vector<16xf32>,
      tpu.vector_store %arg9[%swap3A_45, %swap3A_46, %swap3A_47], %broadcast_in_dim3A_1 {strides = array<i32>} : memref<2x128x80xf32, #tpu.memory_space<vmem>>, vector<16xf32>,
      %swap3A_49 = arith.constant 0 : i32
      %swap3A_50 = arith.index_cast %swap3A_49 : i32 to index
      %swap3A_51 = arith.index_cast %scan3A_28 : i32 to index
      %swap3A_52 = arith.constant 64 : index
      %swap3A_53 = tpu.vector_load %arg9[%swap3A_50, %swap3A_51, %swap3A_52] {strides = array<i32>} : memref<2x128x80xf32, #tpu.memory_space<vmem>>, vector<16xf32>,
      tpu.vector_store %arg9[%swap3A_50, %swap3A_51, %swap3A_52], %broadcast_in_dim3A_1 {strides = array<i32>} : memref<2x128x80xf32, #tpu.memory_space<vmem>>, vector<16xf32>,
      %scan3A_54 = arith.constant 0 : i32
      scf.yield %scan3A_54 : i32
    }
    %scan3A_7 = arith.constant 128 : i32
    %add3A = arith.constant 0 : i32
    %add3A_8 = arith.addi %mul3A_0, %add3A : i32
    %run_scoped3A = arith.constant 0 : i32
    "tpu.region"() ({
      %run_scoped3A_28 = tpu.sem_alloc : memref<!tpu.dma_semaphore, #tpu.memory_space<semaphore_mem>>
      %dma_start3A = arith.constant 0 : i32
      %dma_start3A_29 = arith.constant 0 : i32
      %dma_start3A_30 = tpu.memref_slice %arg9[%run_scoped3A, %dma_start3A, %dma_start3A_29] : memref<2x128x80xf32, #tpu.memory_space<vmem>> -> memref<1x128x80xf32, #tpu.memory_space<vmem>>
      %dma_start3A_31 = tpu.memref_squeeze %dma_start3A_30 : memref<1x128x80xf32, #tpu.memory_space<vmem>> -> memref<128x80xf32, #tpu.memory_space<vmem>>
      %dma_start3A_32 = arith.constant 0 : i32
      %dma_start3A_33 = tpu.memref_slice %arg10[%add3A_8, %dma_start3A_32] : memref<10240x80xf32, #tpu.memory_space<vmem_shared>> -> memref<128x80xf32, #tpu.memory_space<vmem_shared>>
      %dma_start3A_34 = arith.constant 0 : i32
      %dma_start3A_35 = tpu.memref_slice %arg10[%add3A_8, %dma_start3A_34] : memref<10240x80xf32, #tpu.memory_space<vmem_shared>> -> memref<128x80xf32, #tpu.memory_space<vmem_shared>>
      %dma_start3A_36 = arith.constant 0 : i32
      %dma_start3A_37 = arith.constant 0 : i32
      %dma_start3A_38 = tpu.memref_slice %arg9[%run_scoped3A, %dma_start3A_36, %dma_start3A_37] : memref<2x128x80xf32, #tpu.memory_space<vmem>> -> memref<1x128x80xf32, #tpu.memory_space<vmem>>
      %dma_start3A_39 = tpu.memref_squeeze %dma_start3A_38 : memref<1x128x80xf32, #tpu.memory_space<vmem>> -> memref<128x80xf32, #tpu.memory_space<vmem>>
      tpu.enqueue_dma source(%dma_start3A_39 : memref<128x80xf32, #tpu.memory_space<vmem>>) target(%dma_start3A_35 : memref<128x80xf32, #tpu.memory_space<vmem_shared>>) target_semaphore(%run_scoped3A_28 : memref<!tpu.dma_semaphore, #tpu.memory_space<semaphore_mem>>)
      %dma_wait3A = arith.constant 0 : i32
      %dma_wait3A_40 = arith.constant 0 : i32
      %dma_wait3A_41 = tpu.memref_slice %arg9[%run_scoped3A, %dma_wait3A, %dma_wait3A_40] : memref<2x128x80xf32, #tpu.memory_space<vmem>> -> memref<1x128x80xf32, #tpu.memory_space<vmem>>
      %dma_wait3A_42 = tpu.memref_squeeze %dma_wait3A_41 : memref<1x128x80xf32, #tpu.memory_space<vmem>> -> memref<128x80xf32, #tpu.memory_space<vmem>>
      %dma_wait3A_43 = arith.constant 0 : i32
      %dma_wait3A_44 = tpu.memref_slice %arg10[%add3A_8, %dma_wait3A_43] : memref<10240x80xf32, #tpu.memory_space<vmem_shared>> -> memref<128x80xf32, #tpu.memory_space<vmem_shared>>
      %dma_wait3A_45 = arith.constant 0 : i32
      %dma_wait3A_46 = tpu.memref_slice %arg10[%add3A_8, %dma_wait3A_45] : memref<10240x80xf32, #tpu.memory_space<vmem_shared>> -> memref<128x80xf32, #tpu.memory_space<vmem_shared>>
      %dma_wait3A_47 = arith.constant 0 : i32
      %dma_wait3A_48 = arith.constant 0 : i32
      %dma_wait3A_49 = tpu.memref_slice %arg9[%run_scoped3A, %dma_wait3A_47, %dma_wait3A_48] : memref<2x128x80xf32, #tpu.memory_space<vmem>> -> memref<1x128x80xf32, #tpu.memory_space<vmem>>
      %dma_wait3A_50 = tpu.memref_squeeze %dma_wait3A_49 : memref<1x128x80xf32, #tpu.memory_space<vmem>> -> memref<128x80xf32, #tpu.memory_space<vmem>>
      tpu.wait_dma2 semaphore(%run_scoped3A_28 : memref<!tpu.dma_semaphore, #tpu.memory_space<semaphore_mem>>) src(%dma_wait3A_50 : memref<128x80xf32, #tpu.memory_space<vmem>>) dst(%dma_wait3A_46 : memref<128x80xf32, #tpu.memory_space<vmem_shared>>)
      tpu.yield
    }) : () -> ()
    %add3A_9 = arith.constant 128 : i32
    %add3A_10 = arith.addi %mul3A_0, %add3A_9 : i32
    %run_scoped3A_11 = arith.constant 0 : i32
    "tpu.region"() ({
      %run_scoped3A_28 = tpu.sem_alloc : memref<!tpu.dma_semaphore, #tpu.memory_space<semaphore_mem>>
      %dma_start3A = arith.constant 0 : i32
      %dma_start3A_29 = arith.constant 0 : i32
      %dma_start3A_30 = tpu.memref_slice %arg9[%run_scoped3A_11, %dma_start3A, %dma_start3A_29] : memref<2x128x80xf32, #tpu.memory_space<vmem>> -> memref<1x128x80xf32, #tpu.memory_space<vmem>>
      %dma_start3A_31 = tpu.memref_squeeze %dma_start3A_30 : memref<1x128x80xf32, #tpu.memory_space<vmem>> -> memref<128x80xf32, #tpu.memory_space<vmem>>
      %dma_start3A_32 = arith.constant 0 : i32
      %dma_start3A_33 = tpu.memref_slice %arg10[%add3A_10, %dma_start3A_32] : memref<10240x80xf32, #tpu.memory_space<vmem_shared>> -> memref<128x80xf32, #tpu.memory_space<vmem_shared>>
      %dma_start3A_34 = arith.constant 0 : i32
      %dma_start3A_35 = tpu.memref_slice %arg10[%add3A_10, %dma_start3A_34] : memref<10240x80xf32, #tpu.memory_space<vmem_shared>> -> memref<128x80xf32, #tpu.memory_space<vmem_shared>>
      %dma_start3A_36 = arith.constant 0 : i32
      %dma_start3A_37 = arith.constant 0 : i32
      %dma_start3A_38 = tpu.memref_slice %arg9[%run_scoped3A_11, %dma_start3A_36, %dma_start3A_37] : memref<2x128x80xf32, #tpu.memory_space<vmem>> -> memref<1x128x80xf32, #tpu.memory_space<vmem>>
      %dma_start3A_39 = tpu.memref_squeeze %dma_start3A_38 : memref<1x128x80xf32, #tpu.memory_space<vmem>> -> memref<128x80xf32, #tpu.memory_space<vmem>>
      tpu.enqueue_dma source(%dma_start3A_39 : memref<128x80xf32, #tpu.memory_space<vmem>>) target(%dma_start3A_35 : memref<128x80xf32, #tpu.memory_space<vmem_shared>>) target_semaphore(%run_scoped3A_28 : memref<!tpu.dma_semaphore, #tpu.memory_space<semaphore_mem>>)
      %dma_wait3A = arith.constant 0 : i32
      %dma_wait3A_40 = arith.constant 0 : i32
      %dma_wait3A_41 = tpu.memref_slice %arg9[%run_scoped3A_11, %dma_wait3A, %dma_wait3A_40] : memref<2x128x80xf32, #tpu.memory_space<vmem>> -> memref<1x128x80xf32, #tpu.memory_space<vmem>>
      %dma_wait3A_42 = tpu.memref_squeeze %dma_wait3A_41 : memref<1x128x80xf32, #tpu.memory_space<vmem>> -> memref<128x80xf32, #tpu.memory_space<vmem>>
      %dma_wait3A_43 = arith.constant 0 : i32
      %dma_wait3A_44 = tpu.memref_slice %arg10[%add3A_10, %dma_wait3A_43] : memref<10240x80xf32, #tpu.memory_space<vmem_shared>> -> memref<128x80xf32, #tpu.memory_space<vmem_shared>>
      %dma_wait3A_45 = arith.constant 0 : i32
      %dma_wait3A_46 = tpu.memref_slice %arg10[%add3A_10, %dma_wait3A_45] : memref<10240x80xf32, #tpu.memory_space<vmem_shared>> -> memref<128x80xf32, #tpu.memory_space<vmem_shared>>
      %dma_wait3A_47 = arith.constant 0 : i32
      %dma_wait3A_48 = arith.constant 0 : i32
      %dma_wait3A_49 = tpu.memref_slice %arg9[%run_scoped3A_11, %dma_wait3A_47, %dma_wait3A_48] : memref<2x128x80xf32, #tpu.memory_space<vmem>> -> memref<1x128x80xf32, #tpu.memory_space<vmem>>
      %dma_wait3A_50 = tpu.memref_squeeze %dma_wait3A_49 : memref<1x128x80xf32, #tpu.memory_space<vmem>> -> memref<128x80xf32, #tpu.memory_space<vmem>>
      tpu.wait_dma2 semaphore(%run_scoped3A_28 : memref<!tpu.dma_semaphore, #tpu.memory_space<semaphore_mem>>) src(%dma_wait3A_50 : memref<128x80xf32, #tpu.memory_space<vmem>>) dst(%dma_wait3A_46 : memref<128x80xf32, #tpu.memory_space<vmem_shared>>)
      tpu.yield
    }) : () -> ()
    %add3A_12 = arith.constant 256 : i32
    %add3A_13 = arith.addi %mul3A_0, %add3A_12 : i32
    %run_scoped3A_14 = arith.constant 0 : i32
    "tpu.region"() ({
      %run_scoped3A_28 = tpu.sem_alloc : memref<!tpu.dma_semaphore, #tpu.memory_space<semaphore_mem>>
      %dma_start3A = arith.constant 0 : i32
      %dma_start3A_29 = arith.constant 0 : i32
      %dma_start3A_30 = tpu.memref_slice %arg9[%run_scoped3A_14, %dma_start3A, %dma_start3A_29] : memref<2x128x80xf32, #tpu.memory_space<vmem>> -> memref<1x128x80xf32, #tpu.memory_space<vmem>>
      %dma_start3A_31 = tpu.memref_squeeze %dma_start3A_30 : memref<1x128x80xf32, #tpu.memory_space<vmem>> -> memref<128x80xf32, #tpu.memory_space<vmem>>
      %dma_start3A_32 = arith.constant 0 : i32
      %dma_start3A_33 = tpu.memref_slice %arg10[%add3A_13, %dma_start3A_32] : memref<10240x80xf32, #tpu.memory_space<vmem_shared>> -> memref<128x80xf32, #tpu.memory_space<vmem_shared>>
      %dma_start3A_34 = arith.constant 0 : i32
      %dma_start3A_35 = tpu.memref_slice %arg10[%add3A_13, %dma_start3A_34] : memref<10240x80xf32, #tpu.memory_space<vmem_shared>> -> memref<128x80xf32, #tpu.memory_space<vmem_shared>>
      %dma_start3A_36 = arith.constant 0 : i32
      %dma_start3A_37 = arith.constant 0 : i32
      %dma_start3A_38 = tpu.memref_slice %arg9[%run_scoped3A_14, %dma_start3A_36, %dma_start3A_37] : memref<2x128x80xf32, #tpu.memory_space<vmem>> -> memref<1x128x80xf32, #tpu.memory_space<vmem>>
      %dma_start3A_39 = tpu.memref_squeeze %dma_start3A_38 : memref<1x128x80xf32, #tpu.memory_space<vmem>> -> memref<128x80xf32, #tpu.memory_space<vmem>>
      tpu.enqueue_dma source(%dma_start3A_39 : memref<128x80xf32, #tpu.memory_space<vmem>>) target(%dma_start3A_35 : memref<128x80xf32, #tpu.memory_space<vmem_shared>>) target_semaphore(%run_scoped3A_28 : memref<!tpu.dma_semaphore, #tpu.memory_space<semaphore_mem>>)
      %dma_wait3A = arith.constant 0 : i32
      %dma_wait3A_40 = arith.constant 0 : i32
      %dma_wait3A_41 = tpu.memref_slice %arg9[%run_scoped3A_14, %dma_wait3A, %dma_wait3A_40] : memref<2x128x80xf32, #tpu.memory_space<vmem>> -> memref<1x128x80xf32, #tpu.memory_space<vmem>>
      %dma_wait3A_42 = tpu.memref_squeeze %dma_wait3A_41 : memref<1x128x80xf32, #tpu.memory_space<vmem>> -> memref<128x80xf32, #tpu.memory_space<vmem>>
      %dma_wait3A_43 = arith.constant 0 : i32
      %dma_wait3A_44 = tpu.memref_slice %arg10[%add3A_13, %dma_wait3A_43] : memref<10240x80xf32, #tpu.memory_space<vmem_shared>> -> memref<128x80xf32, #tpu.memory_space<vmem_shared>>
      %dma_wait3A_45 = arith.constant 0 : i32
      %dma_wait3A_46 = tpu.memref_slice %arg10[%add3A_13, %dma_wait3A_45] : memref<10240x80xf32, #tpu.memory_space<vmem_shared>> -> memref<128x80xf32, #tpu.memory_space<vmem_shared>>
      %dma_wait3A_47 = arith.constant 0 : i32
      %dma_wait3A_48 = arith.constant 0 : i32
      %dma_wait3A_49 = tpu.memref_slice %arg9[%run_scoped3A_14, %dma_wait3A_47, %dma_wait3A_48] : memref<2x128x80xf32, #tpu.memory_space<vmem>> -> memref<1x128x80xf32, #tpu.memory_space<vmem>>
      %dma_wait3A_50 = tpu.memref_squeeze %dma_wait3A_49 : memref<1x128x80xf32, #tpu.memory_space<vmem>> -> memref<128x80xf32, #tpu.memory_space<vmem>>
      tpu.wait_dma2 semaphore(%run_scoped3A_28 : memref<!tpu.dma_semaphore, #tpu.memory_space<semaphore_mem>>) src(%dma_wait3A_50 : memref<128x80xf32, #tpu.memory_space<vmem>>) dst(%dma_wait3A_46 : memref<128x80xf32, #tpu.memory_space<vmem_shared>>)
      tpu.yield
    }) : () -> ()
    %add3A_15 = arith.constant 384 : i32
    %add3A_16 = arith.addi %mul3A_0, %add3A_15 : i32
    %run_scoped3A_17 = arith.constant 0 : i32
    "tpu.region"() ({
      %run_scoped3A_28 = tpu.sem_alloc : memref<!tpu.dma_semaphore, #tpu.memory_space<semaphore_mem>>
      %dma_start3A = arith.constant 0 : i32
      %dma_start3A_29 = arith.constant 0 : i32
      %dma_start3A_30 = tpu.memref_slice %arg9[%run_scoped3A_17, %dma_start3A, %dma_start3A_29] : memref<2x128x80xf32, #tpu.memory_space<vmem>> -> memref<1x128x80xf32, #tpu.memory_space<vmem>>
      %dma_start3A_31 = tpu.memref_squeeze %dma_start3A_30 : memref<1x128x80xf32, #tpu.memory_space<vmem>> -> memref<128x80xf32, #tpu.memory_space<vmem>>
      %dma_start3A_32 = arith.constant 0 : i32
      %dma_start3A_33 = tpu.memref_slice %arg10[%add3A_16, %dma_start3A_32] : memref<10240x80xf32, #tpu.memory_space<vmem_shared>> -> memref<128x80xf32, #tpu.memory_space<vmem_shared>>
      %dma_start3A_34 = arith.constant 0 : i32
      %dma_start3A_35 = tpu.memref_slice %arg10[%add3A_16, %dma_start3A_34] : memref<10240x80xf32, #tpu.memory_space<vmem_shared>> -> memref<128x80xf32, #tpu.memory_space<vmem_shared>>
      %dma_start3A_36 = arith.constant 0 : i32
      %dma_start3A_37 = arith.constant 0 : i32
      %dma_start3A_38 = tpu.memref_slice %arg9[%run_scoped3A_17, %dma_start3A_36, %dma_start3A_37] : memref<2x128x80xf32, #tpu.memory_space<vmem>> -> memref<1x128x80xf32, #tpu.memory_space<vmem>>
      %dma_start3A_39 = tpu.memref_squeeze %dma_start3A_38 : memref<1x128x80xf32, #tpu.memory_space<vmem>> -> memref<128x80xf32, #tpu.memory_space<vmem>>
      tpu.enqueue_dma source(%dma_start3A_39 : memref<128x80xf32, #tpu.memory_space<vmem>>) target(%dma_start3A_35 : memref<128x80xf32, #tpu.memory_space<vmem_shared>>) target_semaphore(%run_scoped3A_28 : memref<!tpu.dma_semaphore, #tpu.memory_space<semaphore_mem>>)
      %dma_wait3A = arith.constant 0 : i32
      %dma_wait3A_40 = arith.constant 0 : i32
      %dma_wait3A_41 = tpu.memref_slice %arg9[%run_scoped3A_17, %dma_wait3A, %dma_wait3A_40] : memref<2x128x80xf32, #tpu.memory_space<vmem>> -> memref<1x128x80xf32, #tpu.memory_space<vmem>>
      %dma_wait3A_42 = tpu.memref_squeeze %dma_wait3A_41 : memref<1x128x80xf32, #tpu.memory_space<vmem>> -> memref<128x80xf32, #tpu.memory_space<vmem>>
      %dma_wait3A_43 = arith.constant 0 : i32
      %dma_wait3A_44 = tpu.memref_slice %arg10[%add3A_16, %dma_wait3A_43] : memref<10240x80xf32, #tpu.memory_space<vmem_shared>> -> memref<128x80xf32, #tpu.memory_space<vmem_shared>>
      %dma_wait3A_45 = arith.constant 0 : i32
      %dma_wait3A_46 = tpu.memref_slice %arg10[%add3A_16, %dma_wait3A_45] : memref<10240x80xf32, #tpu.memory_space<vmem_shared>> -> memref<128x80xf32, #tpu.memory_space<vmem_shared>>
      %dma_wait3A_47 = arith.constant 0 : i32
      %dma_wait3A_48 = arith.constant 0 : i32
      %dma_wait3A_49 = tpu.memref_slice %arg9[%run_scoped3A_17, %dma_wait3A_47, %dma_wait3A_48] : memref<2x128x80xf32, #tpu.memory_space<vmem>> -> memref<1x128x80xf32, #tpu.memory_space<vmem>>
      %dma_wait3A_50 = tpu.memref_squeeze %dma_wait3A_49 : memref<1x128x80xf32, #tpu.memory_space<vmem>> -> memref<128x80xf32, #tpu.memory_space<vmem>>
      tpu.wait_dma2 semaphore(%run_scoped3A_28 : memref<!tpu.dma_semaphore, #tpu.memory_space<semaphore_mem>>) src(%dma_wait3A_50 : memref<128x80xf32, #tpu.memory_space<vmem>>) dst(%dma_wait3A_46 : memref<128x80xf32, #tpu.memory_space<vmem_shared>>)
      tpu.yield
    }) : () -> ()
    %add3A_18 = arith.constant 512 : i32
    %add3A_19 = arith.addi %mul3A_0, %add3A_18 : i32
    %run_scoped3A_20 = arith.constant 0 : i32
    "tpu.region"() ({
      %run_scoped3A_28 = tpu.sem_alloc : memref<!tpu.dma_semaphore, #tpu.memory_space<semaphore_mem>>
      %dma_start3A = arith.constant 0 : i32
      %dma_start3A_29 = arith.constant 0 : i32
      %dma_start3A_30 = tpu.memref_slice %arg9[%run_scoped3A_20, %dma_start3A, %dma_start3A_29] : memref<2x128x80xf32, #tpu.memory_space<vmem>> -> memref<1x128x80xf32, #tpu.memory_space<vmem>>
      %dma_start3A_31 = tpu.memref_squeeze %dma_start3A_30 : memref<1x128x80xf32, #tpu.memory_space<vmem>> -> memref<128x80xf32, #tpu.memory_space<vmem>>
      %dma_start3A_32 = arith.constant 0 : i32
      %dma_start3A_33 = tpu.memref_slice %arg10[%add3A_19, %dma_start3A_32] : memref<10240x80xf32, #tpu.memory_space<vmem_shared>> -> memref<128x80xf32, #tpu.memory_space<vmem_shared>>
      %dma_start3A_34 = arith.constant 0 : i32
      %dma_start3A_35 = tpu.memref_slice %arg10[%add3A_19, %dma_start3A_34] : memref<10240x80xf32, #tpu.memory_space<vmem_shared>> -> memref<128x80xf32, #tpu.memory_space<vmem_shared>>
      %dma_start3A_36 = arith.constant 0 : i32
      %dma_start3A_37 = arith.constant 0 : i32
      %dma_start3A_38 = tpu.memref_slice %arg9[%run_scoped3A_20, %dma_start3A_36, %dma_start3A_37] : memref<2x128x80xf32, #tpu.memory_space<vmem>> -> memref<1x128x80xf32, #tpu.memory_space<vmem>>
      %dma_start3A_39 = tpu.memref_squeeze %dma_start3A_38 : memref<1x128x80xf32, #tpu.memory_space<vmem>> -> memref<128x80xf32, #tpu.memory_space<vmem>>
      tpu.enqueue_dma source(%dma_start3A_39 : memref<128x80xf32, #tpu.memory_space<vmem>>) target(%dma_start3A_35 : memref<128x80xf32, #tpu.memory_space<vmem_shared>>) target_semaphore(%run_scoped3A_28 : memref<!tpu.dma_semaphore, #tpu.memory_space<semaphore_mem>>)
      %dma_wait3A = arith.constant 0 : i32
      %dma_wait3A_40 = arith.constant 0 : i32
      %dma_wait3A_41 = tpu.memref_slice %arg9[%run_scoped3A_20, %dma_wait3A, %dma_wait3A_40] : memref<2x128x80xf32, #tpu.memory_space<vmem>> -> memref<1x128x80xf32, #tpu.memory_space<vmem>>
      %dma_wait3A_42 = tpu.memref_squeeze %dma_wait3A_41 : memref<1x128x80xf32, #tpu.memory_space<vmem>> -> memref<128x80xf32, #tpu.memory_space<vmem>>
      %dma_wait3A_43 = arith.constant 0 : i32
      %dma_wait3A_44 = tpu.memref_slice %arg10[%add3A_19, %dma_wait3A_43] : memref<10240x80xf32, #tpu.memory_space<vmem_shared>> -> memref<128x80xf32, #tpu.memory_space<vmem_shared>>
      %dma_wait3A_45 = arith.constant 0 : i32
      %dma_wait3A_46 = tpu.memref_slice %arg10[%add3A_19, %dma_wait3A_45] : memref<10240x80xf32, #tpu.memory_space<vmem_shared>> -> memref<128x80xf32, #tpu.memory_space<vmem_shared>>
      %dma_wait3A_47 = arith.constant 0 : i32
      %dma_wait3A_48 = arith.constant 0 : i32
      %dma_wait3A_49 = tpu.memref_slice %arg9[%run_scoped3A_20, %dma_wait3A_47, %dma_wait3A_48] : memref<2x128x80xf32, #tpu.memory_space<vmem>> -> memref<1x128x80xf32, #tpu.memory_space<vmem>>
      %dma_wait3A_50 = tpu.memref_squeeze %dma_wait3A_49 : memref<1x128x80xf32, #tpu.memory_space<vmem>> -> memref<128x80xf32, #tpu.memory_space<vmem>>
      tpu.wait_dma2 semaphore(%run_scoped3A_28 : memref<!tpu.dma_semaphore, #tpu.memory_space<semaphore_mem>>) src(%dma_wait3A_50 : memref<128x80xf32, #tpu.memory_space<vmem>>) dst(%dma_wait3A_46 : memref<128x80xf32, #tpu.memory_space<vmem_shared>>)
      tpu.yield
    }) : () -> ()
    %barrier3A = arith.constant 0 : index
    tpu.barrier barrier_id(%barrier3A)
    %eq3A = arith.constant 0 : i32
    %eq3A_21 = arith.cmpi eq, %arg0, %eq3A : i32
    %convert_element_type3A = arith.extui %eq3A_21 : i1 to i32
    %cond3A = arith.constant 0 : i32
    %cond3A_22 = arith.cmpi ne, %convert_element_type3A, %cond3A : i32
    scf.if %cond3A_22 {
      %mul3A_28 = arith.constant 164 : i32
      %mul3A_29 = arith.muli %arg1, %mul3A_28 : i32
      %add3A_30 = arith.constant 0 : i32
      %add3A_31 = arith.addi %mul3A_29, %add3A_30 : i32
      %dma_start3A = arith.constant 0 : i32
      %dma_start3A_32 = arith.constant 0 : i32
      %dma_start3A_33 = arith.constant 0 : i32
      %dma_start3A_34 = tpu.memref_slice %arg8[%dma_start3A, %dma_start3A_32, %dma_start3A_33] : memref<4x2x128xi32, #tpu.memory_space<vmem>> -> memref<1x2x128xi32, #tpu.memory_space<vmem>>
      %dma_start3A_35 = tpu.memref_squeeze %dma_start3A_34 : memref<1x2x128xi32, #tpu.memory_space<vmem>> -> memref<2x128xi32, #tpu.memory_space<vmem>>
      %dma_start3A_36 = arith.constant 0 : i32
      %dma_start3A_37 = arith.constant 0 : i32
      %dma_start3A_38 = tpu.memref_slice %arg4[%add3A_31, %dma_start3A_36, %dma_start3A_37] : memref<2624x2x128xi32, #tpu.memory_space<hbm>> -> memref<1x2x128xi32, #tpu.memory_space<hbm>>
      %dma_start3A_39 = tpu.memref_squeeze %dma_start3A_38 : memref<1x2x128xi32, #tpu.memory_space<hbm>> -> memref<2x128xi32, #tpu.memory_space<hbm>>
      %dma_start3A_40 = arith.constant 0 : i32
      %dma_start3A_41 = arith.constant 0 : i32
      %dma_start3A_42 = tpu.memref_slice %arg8[%dma_start3A, %dma_start3A_40, %dma_start3A_41] : memref<4x2x128xi32, #tpu.memory_space<vmem>> -> memref<1x2x128xi32, #tpu.memory_space<vmem>>
      %dma_start3A_43 = tpu.memref_squeeze %dma_start3A_42 : memref<1x2x128xi32, #tpu.memory_space<vmem>> -> memref<2x128xi32, #tpu.memory_space<vmem>>
      %dma_start3A_44 = arith.constant 0 : i32
      %dma_start3A_45 = arith.constant 0 : i32
      %dma_start3A_46 = tpu.memref_slice %arg4[%add3A_31, %dma_start3A_44, %dma_start3A_45] : memref<2624x2x128xi32, #tpu.memory_space<hbm>> -> memref<1x2x128xi32, #tpu.memory_space<hbm>>
      %dma_start3A_47 = tpu.memref_squeeze %dma_start3A_46 : memref<1x2x128xi32, #tpu.memory_space<hbm>> -> memref<2x128xi32, #tpu.memory_space<hbm>>
      tpu.enqueue_dma source(%dma_start3A_47 : memref<2x128xi32, #tpu.memory_space<hbm>>) target(%dma_start3A_43 : memref<2x128xi32, #tpu.memory_space<vmem>>) target_semaphore(%arg13 : memref<!tpu.dma_semaphore, #tpu.memory_space<semaphore_mem>>)
      %add3A_48 = arith.constant 1 : i32
      %add3A_49 = arith.addi %mul3A_29, %add3A_48 : i32
      %dma_start3A_50 = arith.constant 1 : i32
      %dma_start3A_51 = arith.constant 0 : i32
      %dma_start3A_52 = arith.constant 0 : i32
      %dma_start3A_53 = tpu.memref_slice %arg8[%dma_start3A_50, %dma_start3A_51, %dma_start3A_52] : memref<4x2x128xi32, #tpu.memory_space<vmem>> -> memref<1x2x128xi32, #tpu.memory_space<vmem>>
      %dma_start3A_54 = tpu.memref_squeeze %dma_start3A_53 : memref<1x2x128xi32, #tpu.memory_space<vmem>> -> memref<2x128xi32, #tpu.memory_space<vmem>>
      %dma_start3A_55 = arith.constant 0 : i32
      %dma_start3A_56 = arith.constant 0 : i32
      %dma_start3A_57 = tpu.memref_slice %arg4[%add3A_49, %dma_start3A_55, %dma_start3A_56] : memref<2624x2x128xi32, #tpu.memory_space<hbm>> -> memref<1x2x128xi32, #tpu.memory_space<hbm>>
      %dma_start3A_58 = tpu.memref_squeeze %dma_start3A_57 : memref<1x2x128xi32, #tpu.memory_space<hbm>> -> memref<2x128xi32, #tpu.memory_space<hbm>>
      %dma_start3A_59 = arith.constant 0 : i32
      %dma_start3A_60 = arith.constant 0 : i32
      %dma_start3A_61 = tpu.memref_slice %arg8[%dma_start3A_50, %dma_start3A_59, %dma_start3A_60] : memref<4x2x128xi32, #tpu.memory_space<vmem>> -> memref<1x2x128xi32, #tpu.memory_space<vmem>>
      %dma_start3A_62 = tpu.memref_squeeze %dma_start3A_61 : memref<1x2x128xi32, #tpu.memory_space<vmem>> -> memref<2x128xi32, #tpu.memory_space<vmem>>
      %dma_start3A_63 = arith.constant 0 : i32
      %dma_start3A_64 = arith.constant 0 : i32
      %dma_start3A_65 = tpu.memref_slice %arg4[%add3A_49, %dma_start3A_63, %dma_start3A_64] : memref<2624x2x128xi32, #tpu.memory_space<hbm>> -> memref<1x2x128xi32, #tpu.memory_space<hbm>>
      %dma_start3A_66 = tpu.memref_squeeze %dma_start3A_65 : memref<1x2x128xi32, #tpu.memory_space<hbm>> -> memref<2x128xi32, #tpu.memory_space<hbm>>
      tpu.enqueue_dma source(%dma_start3A_66 : memref<2x128xi32, #tpu.memory_space<hbm>>) target(%dma_start3A_62 : memref<2x128xi32, #tpu.memory_space<vmem>>) target_semaphore(%arg14 : memref<!tpu.dma_semaphore, #tpu.memory_space<semaphore_mem>>)
      %add3A_67 = arith.constant 2 : i32
      %add3A_68 = arith.addi %mul3A_29, %add3A_67 : i32
      %dma_start3A_69 = arith.constant 2 : i32
      %dma_start3A_70 = arith.constant 0 : i32
      %dma_start3A_71 = arith.constant 0 : i32
      %dma_start3A_72 = tpu.memref_slice %arg8[%dma_start3A_69, %dma_start3A_70, %dma_start3A_71] : memref<4x2x128xi32, #tpu.memory_space<vmem>> -> memref<1x2x128xi32, #tpu.memory_space<vmem>>
      %dma_start3A_73 = tpu.memref_squeeze %dma_start3A_72 : memref<1x2x128xi32, #tpu.memory_space<vmem>> -> memref<2x128xi32, #tpu.memory_space<vmem>>
      %dma_start3A_74 = arith.constant 0 : i32
      %dma_start3A_75 = arith.constant 0 : i32
      %dma_start3A_76 = tpu.memref_slice %arg4[%add3A_68, %dma_start3A_74, %dma_start3A_75] : memref<2624x2x128xi32, #tpu.memory_space<hbm>> -> memref<1x2x128xi32, #tpu.memory_space<hbm>>
      %dma_start3A_77 = tpu.memref_squeeze %dma_start3A_76 : memref<1x2x128xi32, #tpu.memory_space<hbm>> -> memref<2x128xi32, #tpu.memory_space<hbm>>
      %dma_start3A_78 = arith.constant 0 : i32
      %dma_start3A_79 = arith.constant 0 : i32
      %dma_start3A_80 = tpu.memref_slice %arg8[%dma_start3A_69, %dma_start3A_78, %dma_start3A_79] : memref<4x2x128xi32, #tpu.memory_space<vmem>> -> memref<1x2x128xi32, #tpu.memory_space<vmem>>
      %dma_start3A_81 = tpu.memref_squeeze %dma_start3A_80 : memref<1x2x128xi32, #tpu.memory_space<vmem>> -> memref<2x128xi32, #tpu.memory_space<vmem>>
      %dma_start3A_82 = arith.constant 0 : i32
      %dma_start3A_83 = arith.constant 0 : i32
      %dma_start3A_84 = tpu.memref_slice %arg4[%add3A_68, %dma_start3A_82, %dma_start3A_83] : memref<2624x2x128xi32, #tpu.memory_space<hbm>> -> memref<1x2x128xi32, #tpu.memory_space<hbm>>
      %dma_start3A_85 = tpu.memref_squeeze %dma_start3A_84 : memref<1x2x128xi32, #tpu.memory_space<hbm>> -> memref<2x128xi32, #tpu.memory_space<hbm>>
      tpu.enqueue_dma source(%dma_start3A_85 : memref<2x128xi32, #tpu.memory_space<hbm>>) target(%dma_start3A_81 : memref<2x128xi32, #tpu.memory_space<vmem>>) target_semaphore(%arg15 : memref<!tpu.dma_semaphore, #tpu.memory_space<semaphore_mem>>)
      %add3A_86 = arith.constant 3 : i32
      %add3A_87 = arith.addi %mul3A_29, %add3A_86 : i32
      %dma_start3A_88 = arith.constant 3 : i32
      %dma_start3A_89 = arith.constant 0 : i32
      %dma_start3A_90 = arith.constant 0 : i32
      %dma_start3A_91 = tpu.memref_slice %arg8[%dma_start3A_88, %dma_start3A_89, %dma_start3A_90] : memref<4x2x128xi32, #tpu.memory_space<vmem>> -> memref<1x2x128xi32, #tpu.memory_space<vmem>>
      %dma_start3A_92 = tpu.memref_squeeze %dma_start3A_91 : memref<1x2x128xi32, #tpu.memory_space<vmem>> -> memref<2x128xi32, #tpu.memory_space<vmem>>
      %dma_start3A_93 = arith.constant 0 : i32
      %dma_start3A_94 = arith.constant 0 : i32
      %dma_start3A_95 = tpu.memref_slice %arg4[%add3A_87, %dma_start3A_93, %dma_start3A_94] : memref<2624x2x128xi32, #tpu.memory_space<hbm>> -> memref<1x2x128xi32, #tpu.memory_space<hbm>>
      %dma_start3A_96 = tpu.memref_squeeze %dma_start3A_95 : memref<1x2x128xi32, #tpu.memory_space<hbm>> -> memref<2x128xi32, #tpu.memory_space<hbm>>
      %dma_start3A_97 = arith.constant 0 : i32
      %dma_start3A_98 = arith.constant 0 : i32
      %dma_start3A_99 = tpu.memref_slice %arg8[%dma_start3A_88, %dma_start3A_97, %dma_start3A_98] : memref<4x2x128xi32, #tpu.memory_space<vmem>> -> memref<1x2x128xi32, #tpu.memory_space<vmem>>
      %dma_start3A_100 = tpu.memref_squeeze %dma_start3A_99 : memref<1x2x128xi32, #tpu.memory_space<vmem>> -> memref<2x128xi32, #tpu.memory_space<vmem>>
      %dma_start3A_101 = arith.constant 0 : i32
      %dma_start3A_102 = arith.constant 0 : i32
      %dma_start3A_103 = tpu.memref_slice %arg4[%add3A_87, %dma_start3A_101, %dma_start3A_102] : memref<2624x2x128xi32, #tpu.memory_space<hbm>> -> memref<1x2x128xi32, #tpu.memory_space<hbm>>
      %dma_start3A_104 = tpu.memref_squeeze %dma_start3A_103 : memref<1x2x128xi32, #tpu.memory_space<hbm>> -> memref<2x128xi32, #tpu.memory_space<hbm>>
      tpu.enqueue_dma source(%dma_start3A_104 : memref<2x128xi32, #tpu.memory_space<hbm>>) target(%dma_start3A_100 : memref<2x128xi32, #tpu.memory_space<vmem>>) target_semaphore(%arg16 : memref<!tpu.dma_semaphore, #tpu.memory_space<semaphore_mem>>)
      %add3A_105 = arith.constant 0 : i32
      %add3A_106 = arith.addi %mul3A_29, %add3A_105 : i32
      %dma_wait3A = arith.constant 0 : i32
      %dma_wait3A_107 = arith.constant 0 : i32
      %dma_wait3A_108 = arith.constant 0 : i32
      %dma_wait3A_109 = tpu.memref_slice %arg8[%dma_wait3A, %dma_wait3A_107, %dma_wait3A_108] : memref<4x2x128xi32, #tpu.memory_space<vmem>> -> memref<1x2x128xi32, #tpu.memory_space<vmem>>
      %dma_wait3A_110 = tpu.memref_squeeze %dma_wait3A_109 : memref<1x2x128xi32, #tpu.memory_space<vmem>> -> memref<2x128xi32, #tpu.memory_space<vmem>>
      %dma_wait3A_111 = arith.constant 0 : i32
      %dma_wait3A_112 = arith.constant 0 : i32
      %dma_wait3A_113 = tpu.memref_slice %arg4[%add3A_106, %dma_wait3A_111, %dma_wait3A_112] : memref<2624x2x128xi32, #tpu.memory_space<hbm>> -> memref<1x2x128xi32, #tpu.memory_space<hbm>>
      %dma_wait3A_114 = tpu.memref_squeeze %dma_wait3A_113 : memref<1x2x128xi32, #tpu.memory_space<hbm>> -> memref<2x128xi32, #tpu.memory_space<hbm>>
      %dma_wait3A_115 = arith.constant 0 : i32
      %dma_wait3A_116 = arith.constant 0 : i32
      %dma_wait3A_117 = tpu.memref_slice %arg8[%dma_wait3A, %dma_wait3A_115, %dma_wait3A_116] : memref<4x2x128xi32, #tpu.memory_space<vmem>> -> memref<1x2x128xi32, #tpu.memory_space<vmem>>
      %dma_wait3A_118 = tpu.memref_squeeze %dma_wait3A_117 : memref<1x2x128xi32, #tpu.memory_space<vmem>> -> memref<2x128xi32, #tpu.memory_space<vmem>>
      %dma_wait3A_119 = arith.constant 0 : i32
      %dma_wait3A_120 = arith.constant 0 : i32
      %dma_wait3A_121 = tpu.memref_slice %arg4[%add3A_106, %dma_wait3A_119, %dma_wait3A_120] : memref<2624x2x128xi32, #tpu.memory_space<hbm>> -> memref<1x2x128xi32, #tpu.memory_space<hbm>>
      %dma_wait3A_122 = tpu.memref_squeeze %dma_wait3A_121 : memref<1x2x128xi32, #tpu.memory_space<hbm>> -> memref<2x128xi32, #tpu.memory_space<hbm>>
      tpu.wait_dma2 semaphore(%arg13 : memref<!tpu.dma_semaphore, #tpu.memory_space<semaphore_mem>>) src(%dma_wait3A_122 : memref<2x128xi32, #tpu.memory_space<hbm>>) dst(%dma_wait3A_118 : memref<2x128xi32, #tpu.memory_space<vmem>>)
      %dma_start3A_123 = arith.constant 0 : i32
      %dma_start3A_124 = arith.constant 0 : i32
      %dma_start3A_125 = arith.constant 0 : i32
      %dma_start3A_126 = arith.constant 0 : i32
      %dma_start3A_127 = arith.constant 0 : i32
      %dma_start3A_128 = tpu.memref_slice %arg9[%dma_start3A_125, %dma_start3A_126, %dma_start3A_127] : memref<2x128x80xf32, #tpu.memory_space<vmem>> -> memref<1x128x80xf32, #tpu.memory_space<vmem>>
      %dma_start3A_129 = tpu.memref_squeeze %dma_start3A_128 : memref<1x128x80xf32, #tpu.memory_space<vmem>> -> memref<128x80xf32, #tpu.memory_space<vmem>>
      %dma_start3A_130 = arith.constant 0 : i32
      %dma_start3A_131 = tpu.memref_slice %arg8[%dma_start3A_123, %dma_start3A_124, %dma_start3A_130] : memref<4x2x128xi32, #tpu.memory_space<vmem>> -> memref<1x1x128xi32, #tpu.memory_space<vmem>>
      %dma_start3A_132 = tpu.memref_squeeze %dma_start3A_131 : memref<1x1x128xi32, #tpu.memory_space<vmem>> -> memref<128xi32, #tpu.memory_space<vmem>>
      %dma_start3A_133 = arith.constant 0 : i32
      %dma_start3A_134 = arith.constant 0 : i32
      %dma_start3A_135 = tpu.memref_slice %arg2[%dma_start3A_133, %dma_start3A_134] : memref<10240x80xf32, #tpu.memory_space<hbm>> -> memref<10240x80xf32, #tpu.memory_space<hbm>>
      tpu.enqueue_indirect_dma source(%dma_start3A_135 : memref<10240x80xf32, #tpu.memory_space<hbm>>) target(%dma_start3A_129 : memref<128x80xf32, #tpu.memory_space<vmem>>) offsets(%dma_start3A_132 : memref<128xi32, #tpu.memory_space<vmem>>) semaphore(%arg11 : memref<!tpu.dma_semaphore, #tpu.memory_space<semaphore_mem>>)
      %add3A_136 = arith.constant 1 : i32
      %add3A_137 = arith.addi %mul3A_29, %add3A_136 : i32
      %dma_wait3A_138 = arith.constant 1 : i32
      %dma_wait3A_139 = arith.constant 0 : i32
      %dma_wait3A_140 = arith.constant 0 : i32
      %dma_wait3A_141 = tpu.memref_slice %arg8[%dma_wait3A_138, %dma_wait3A_139, %dma_wait3A_140] : memref<4x2x128xi32, #tpu.memory_space<vmem>> -> memref<1x2x128xi32, #tpu.memory_space<vmem>>
      %dma_wait3A_142 = tpu.memref_squeeze %dma_wait3A_141 : memref<1x2x128xi32, #tpu.memory_space<vmem>> -> memref<2x128xi32, #tpu.memory_space<vmem>>
      %dma_wait3A_143 = arith.constant 0 : i32
      %dma_wait3A_144 = arith.constant 0 : i32
      %dma_wait3A_145 = tpu.memref_slice %arg4[%add3A_137, %dma_wait3A_143, %dma_wait3A_144] : memref<2624x2x128xi32, #tpu.memory_space<hbm>> -> memref<1x2x128xi32, #tpu.memory_space<hbm>>
      %dma_wait3A_146 = tpu.memref_squeeze %dma_wait3A_145 : memref<1x2x128xi32, #tpu.memory_space<hbm>> -> memref<2x128xi32, #tpu.memory_space<hbm>>
      %dma_wait3A_147 = arith.constant 0 : i32
      %dma_wait3A_148 = arith.constant 0 : i32
      %dma_wait3A_149 = tpu.memref_slice %arg8[%dma_wait3A_138, %dma_wait3A_147, %dma_wait3A_148] : memref<4x2x128xi32, #tpu.memory_space<vmem>> -> memref<1x2x128xi32, #tpu.memory_space<vmem>>
      %dma_wait3A_150 = tpu.memref_squeeze %dma_wait3A_149 : memref<1x2x128xi32, #tpu.memory_space<vmem>> -> memref<2x128xi32, #tpu.memory_space<vmem>>
      %dma_wait3A_151 = arith.constant 0 : i32
      %dma_wait3A_152 = arith.constant 0 : i32
      %dma_wait3A_153 = tpu.memref_slice %arg4[%add3A_137, %dma_wait3A_151, %dma_wait3A_152] : memref<2624x2x128xi32, #tpu.memory_space<hbm>> -> memref<1x2x128xi32, #tpu.memory_space<hbm>>
      %dma_wait3A_154 = tpu.memref_squeeze %dma_wait3A_153 : memref<1x2x128xi32, #tpu.memory_space<hbm>> -> memref<2x128xi32, #tpu.memory_space<hbm>>
      tpu.wait_dma2 semaphore(%arg14 : memref<!tpu.dma_semaphore, #tpu.memory_space<semaphore_mem>>) src(%dma_wait3A_154 : memref<2x128xi32, #tpu.memory_space<hbm>>) dst(%dma_wait3A_150 : memref<2x128xi32, #tpu.memory_space<vmem>>)
      %dma_start3A_155 = arith.constant 1 : i32
      %dma_start3A_156 = arith.constant 0 : i32
      %dma_start3A_157 = arith.constant 1 : i32
      %dma_start3A_158 = arith.constant 0 : i32
      %dma_start3A_159 = arith.constant 0 : i32
      %dma_start3A_160 = tpu.memref_slice %arg9[%dma_start3A_157, %dma_start3A_158, %dma_start3A_159] : memref<2x128x80xf32, #tpu.memory_space<vmem>> -> memref<1x128x80xf32, #tpu.memory_space<vmem>>
      %dma_start3A_161 = tpu.memref_squeeze %dma_start3A_160 : memref<1x128x80xf32, #tpu.memory_space<vmem>> -> memref<128x80xf32, #tpu.memory_space<vmem>>
      %dma_start3A_162 = arith.constant 0 : i32
      %dma_start3A_163 = tpu.memref_slice %arg8[%dma_start3A_155, %dma_start3A_156, %dma_start3A_162] : memref<4x2x128xi32, #tpu.memory_space<vmem>> -> memref<1x1x128xi32, #tpu.memory_space<vmem>>
      %dma_start3A_164 = tpu.memref_squeeze %dma_start3A_163 : memref<1x1x128xi32, #tpu.memory_space<vmem>> -> memref<128xi32, #tpu.memory_space<vmem>>
      %dma_start3A_165 = arith.constant 0 : i32
      %dma_start3A_166 = arith.constant 0 : i32
      %dma_start3A_167 = tpu.memref_slice %arg2[%dma_start3A_165, %dma_start3A_166] : memref<10240x80xf32, #tpu.memory_space<hbm>> -> memref<10240x80xf32, #tpu.memory_space<hbm>>
      tpu.enqueue_indirect_dma source(%dma_start3A_167 : memref<10240x80xf32, #tpu.memory_space<hbm>>) target(%dma_start3A_161 : memref<128x80xf32, #tpu.memory_space<vmem>>) offsets(%dma_start3A_164 : memref<128xi32, #tpu.memory_space<vmem>>) semaphore(%arg12 : memref<!tpu.dma_semaphore, #tpu.memory_space<semaphore_mem>>)
      %scan3A_168 = arith.constant 0 : i32
      %scan3A_169 = arith.constant 0 : i32
      %scan3A_170 = arith.constant 40 : i32
      %scan3A_171 = arith.addi %scan3A_169, %scan3A_170 : i32
      %scan3A_172 = arith.constant 1 : i32
      %scan3A_173 = scf.for %scan3A_240 = %scan3A_169 to %scan3A_171 step %scan3A_172 iter_args(%scan3A_241 = %scan3A_168) -> (i32)  : i32 {
        %mul3A_242 = arith.constant 4 : i32
        %mul3A_243 = arith.muli %mul3A_242, %scan3A_240 : i32
        %add3A_244 = arith.constant 0 : i32
        %add3A_245 = arith.addi %mul3A_243, %add3A_244 : i32
        %dma_wait3A_246 = arith.constant 0 : i32
        %dma_wait3A_247 = arith.constant 0 : i32
        %dma_wait3A_248 = arith.constant 0 : i32
        %dma_wait3A_249 = arith.constant 0 : i32
        %dma_wait3A_250 = arith.constant 0 : i32
        %dma_wait3A_251 = tpu.memref_slice %arg9[%dma_wait3A_248, %dma_wait3A_249, %dma_wait3A_250] : memref<2x128x80xf32, #tpu.memory_space<vmem>> -> memref<1x128x80xf32, #tpu.memory_space<vmem>>
        %dma_wait3A_252 = tpu.memref_squeeze %dma_wait3A_251 : memref<1x128x80xf32, #tpu.memory_space<vmem>> -> memref<128x80xf32, #tpu.memory_space<vmem>>
        %dma_wait3A_253 = arith.constant 0 : i32
        %dma_wait3A_254 = tpu.memref_slice %arg8[%dma_wait3A_246, %dma_wait3A_247, %dma_wait3A_253] : memref<4x2x128xi32, #tpu.memory_space<vmem>> -> memref<1x1x128xi32, #tpu.memory_space<vmem>>
        %dma_wait3A_255 = tpu.memref_squeeze %dma_wait3A_254 : memref<1x1x128xi32, #tpu.memory_space<vmem>> -> memref<128xi32, #tpu.memory_space<vmem>>
        %dma_wait3A_256 = arith.constant 0 : i32
        %dma_wait3A_257 = arith.constant 0 : i32
        %dma_wait3A_258 = tpu.memref_slice %arg2[%dma_wait3A_256, %dma_wait3A_257] : memref<10240x80xf32, #tpu.memory_space<hbm>> -> memref<10240x80xf32, #tpu.memory_space<hbm>>
        tpu.wait_indirect_dma semaphore(%arg11 : memref<!tpu.dma_semaphore, #tpu.memory_space<semaphore_mem>>) src(%dma_wait3A_258 : memref<10240x80xf32, #tpu.memory_space<hbm>>) dst(%dma_wait3A_252 : memref<128x80xf32, #tpu.memory_space<vmem>>)
        %run_scoped3A_259 = arith.constant 0 : i32
        %run_scoped3A_260 = arith.constant 0 : i32
        %run_scoped3A_261 = arith.constant 1 : i32
        "tpu.region"() ({
          %run_scoped3A_529 = tpu.sem_alloc : memref<!tpu.dma_semaphore, #tpu.memory_space<semaphore_mem>>
          %dma_start3A_530 = arith.constant 0 : i32
          %dma_start3A_531 = arith.constant 0 : i32
          %dma_start3A_532 = tpu.memref_slice %arg9[%run_scoped3A_259, %dma_start3A_530, %dma_start3A_531] : memref<2x128x80xf32, #tpu.memory_space<vmem>> -> memref<1x128x80xf32, #tpu.memory_space<vmem>>
          %dma_start3A_533 = tpu.memref_squeeze %dma_start3A_532 : memref<1x128x80xf32, #tpu.memory_space<vmem>> -> memref<128x80xf32, #tpu.memory_space<vmem>>
          %dma_start3A_534 = arith.constant 0 : i32
          %dma_start3A_535 = tpu.memref_slice %arg8[%run_scoped3A_260, %run_scoped3A_261, %dma_start3A_534] : memref<4x2x128xi32, #tpu.memory_space<vmem>> -> memref<1x1x128xi32, #tpu.memory_space<vmem>>
          %dma_start3A_536 = tpu.memref_squeeze %dma_start3A_535 : memref<1x1x128xi32, #tpu.memory_space<vmem>> -> memref<128xi32, #tpu.memory_space<vmem>>
          %dma_start3A_537 = arith.constant 0 : i32
          %dma_start3A_538 = arith.constant 0 : i32
          %dma_start3A_539 = tpu.memref_slice %arg10[%dma_start3A_537, %dma_start3A_538] : memref<10240x80xf32, #tpu.memory_space<vmem_shared>> -> memref<10240x80xf32, #tpu.memory_space<vmem_shared>>
          tpu.enqueue_indirect_dma source(%dma_start3A_533 : memref<128x80xf32, #tpu.memory_space<vmem>>) target(%dma_start3A_539 : memref<10240x80xf32, #tpu.memory_space<vmem_shared>>) offsets(%dma_start3A_536 : memref<128xi32, #tpu.memory_space<vmem>>) semaphore(%run_scoped3A_529 : memref<!tpu.dma_semaphore, #tpu.memory_space<semaphore_mem>>) {add = true}
          %dma_wait3A_540 = arith.constant 0 : i32
          %dma_wait3A_541 = arith.constant 0 : i32
          %dma_wait3A_542 = tpu.memref_slice %arg9[%run_scoped3A_259, %dma_wait3A_540, %dma_wait3A_541] : memref<2x128x80xf32, #tpu.memory_space<vmem>> -> memref<1x128x80xf32, #tpu.memory_space<vmem>>
          %dma_wait3A_543 = tpu.memref_squeeze %dma_wait3A_542 : memref<1x128x80xf32, #tpu.memory_space<vmem>> -> memref<128x80xf32, #tpu.memory_space<vmem>>
          %dma_wait3A_544 = arith.constant 0 : i32
          %dma_wait3A_545 = tpu.memref_slice %arg8[%run_scoped3A_260, %run_scoped3A_261, %dma_wait3A_544] : memref<4x2x128xi32, #tpu.memory_space<vmem>> -> memref<1x1x128xi32, #tpu.memory_space<vmem>>
          %dma_wait3A_546 = tpu.memref_squeeze %dma_wait3A_545 : memref<1x1x128xi32, #tpu.memory_space<vmem>> -> memref<128xi32, #tpu.memory_space<vmem>>
          %dma_wait3A_547 = arith.constant 0 : i32
          %dma_wait3A_548 = arith.constant 0 : i32
          %dma_wait3A_549 = tpu.memref_slice %arg10[%dma_wait3A_547, %dma_wait3A_548] : memref<10240x80xf32, #tpu.memory_space<vmem_shared>> -> memref<10240x80xf32, #tpu.memory_space<vmem_shared>>
          tpu.wait_indirect_dma semaphore(%run_scoped3A_529 : memref<!tpu.dma_semaphore, #tpu.memory_space<semaphore_mem>>) src(%dma_wait3A_543 : memref<128x80xf32, #tpu.memory_space<vmem>>) dst(%dma_wait3A_549 : memref<10240x80xf32, #tpu.memory_space<vmem_shared>>)
          tpu.yield
        }) : () -> ()
        %add3A_262 = arith.constant 4 : i32
        %add3A_263 = arith.addi %add3A_245, %add3A_262 : i32
        %add3A_264 = arith.addi %mul3A_29, %add3A_263 : i32
        %dma_start3A_265 = arith.constant 0 : i32
        %dma_start3A_266 = arith.constant 0 : i32
        %dma_start3A_267 = arith.constant 0 : i32
        %dma_start3A_268 = tpu.memref_slice %arg8[%dma_start3A_265, %dma_start3A_266, %dma_start3A_267] : memref<4x2x128xi32, #tpu.memory_space<vmem>> -> memref<1x2x128xi32, #tpu.memory_space<vmem>>
        %dma_start3A_269 = tpu.memref_squeeze %dma_start3A_268 : memref<1x2x128xi32, #tpu.memory_space<vmem>> -> memref<2x128xi32, #tpu.memory_space<vmem>>
        %dma_start3A_270 = arith.constant 0 : i32
        %dma_start3A_271 = arith.constant 0 : i32
        %dma_start3A_272 = tpu.memref_slice %arg4[%add3A_264, %dma_start3A_270, %dma_start3A_271] : memref<2624x2x128xi32, #tpu.memory_space<hbm>> -> memref<1x2x128xi32, #tpu.memory_space<hbm>>
        %dma_start3A_273 = tpu.memref_squeeze %dma_start3A_272 : memref<1x2x128xi32, #tpu.memory_space<hbm>> -> memref<2x128xi32, #tpu.memory_space<hbm>>
        %dma_start3A_274 = arith.constant 0 : i32
        %dma_start3A_275 = arith.constant 0 : i32
        %dma_start3A_276 = tpu.memref_slice %arg8[%dma_start3A_265, %dma_start3A_274, %dma_start3A_275] : memref<4x2x128xi32, #tpu.memory_space<vmem>> -> memref<1x2x128xi32, #tpu.memory_space<vmem>>
        %dma_start3A_277 = tpu.memref_squeeze %dma_start3A_276 : memref<1x2x128xi32, #tpu.memory_space<vmem>> -> memref<2x128xi32, #tpu.memory_space<vmem>>
        %dma_start3A_278 = arith.constant 0 : i32
        %dma_start3A_279 = arith.constant 0 : i32
        %dma_start3A_280 = tpu.memref_slice %arg4[%add3A_264, %dma_start3A_278, %dma_start3A_279] : memref<2624x2x128xi32, #tpu.memory_space<hbm>> -> memref<1x2x128xi32, #tpu.memory_space<hbm>>
        %dma_start3A_281 = tpu.memref_squeeze %dma_start3A_280 : memref<1x2x128xi32, #tpu.memory_space<hbm>> -> memref<2x128xi32, #tpu.memory_space<hbm>>
        tpu.enqueue_dma source(%dma_start3A_281 : memref<2x128xi32, #tpu.memory_space<hbm>>) target(%dma_start3A_277 : memref<2x128xi32, #tpu.memory_space<vmem>>) target_semaphore(%arg13 : memref<!tpu.dma_semaphore, #tpu.memory_space<semaphore_mem>>)
        %add3A_282 = arith.constant 2 : i32
        %add3A_283 = arith.addi %add3A_245, %add3A_282 : i32
        %add3A_284 = arith.addi %mul3A_29, %add3A_283 : i32
        %dma_wait3A_285 = arith.constant 2 : i32
        %dma_wait3A_286 = arith.constant 0 : i32
        %dma_wait3A_287 = arith.constant 0 : i32
        %dma_wait3A_288 = tpu.memref_slice %arg8[%dma_wait3A_285, %dma_wait3A_286, %dma_wait3A_287] : memref<4x2x128xi32, #tpu.memory_space<vmem>> -> memref<1x2x128xi32, #tpu.memory_space<vmem>>
        %dma_wait3A_289 = tpu.memref_squeeze %dma_wait3A_288 : memref<1x2x128xi32, #tpu.memory_space<vmem>> -> memref<2x128xi32, #tpu.memory_space<vmem>>
        %dma_wait3A_290 = arith.constant 0 : i32
        %dma_wait3A_291 = arith.constant 0 : i32
        %dma_wait3A_292 = tpu.memref_slice %arg4[%add3A_284, %dma_wait3A_290, %dma_wait3A_291] : memref<2624x2x128xi32, #tpu.memory_space<hbm>> -> memref<1x2x128xi32, #tpu.memory_space<hbm>>
        %dma_wait3A_293 = tpu.memref_squeeze %dma_wait3A_292 : memref<1x2x128xi32, #tpu.memory_space<hbm>> -> memref<2x128xi32, #tpu.memory_space<hbm>>
        %dma_wait3A_294 = arith.constant 0 : i32
        %dma_wait3A_295 = arith.constant 0 : i32
        %dma_wait3A_296 = tpu.memref_slice %arg8[%dma_wait3A_285, %dma_wait3A_294, %dma_wait3A_295] : memref<4x2x128xi32, #tpu.memory_space<vmem>> -> memref<1x2x128xi32, #tpu.memory_space<vmem>>
        %dma_wait3A_297 = tpu.memref_squeeze %dma_wait3A_296 : memref<1x2x128xi32, #tpu.memory_space<vmem>> -> memref<2x128xi32, #tpu.memory_space<vmem>>
        %dma_wait3A_298 = arith.constant 0 : i32
        %dma_wait3A_299 = arith.constant 0 : i32
        %dma_wait3A_300 = tpu.memref_slice %arg4[%add3A_284, %dma_wait3A_298, %dma_wait3A_299] : memref<2624x2x128xi32, #tpu.memory_space<hbm>> -> memref<1x2x128xi32, #tpu.memory_space<hbm>>
        %dma_wait3A_301 = tpu.memref_squeeze %dma_wait3A_300 : memref<1x2x128xi32, #tpu.memory_space<hbm>> -> memref<2x128xi32, #tpu.memory_space<hbm>>
        tpu.wait_dma2 semaphore(%arg15 : memref<!tpu.dma_semaphore, #tpu.memory_space<semaphore_mem>>) src(%dma_wait3A_301 : memref<2x128xi32, #tpu.memory_space<hbm>>) dst(%dma_wait3A_297 : memref<2x128xi32, #tpu.memory_space<vmem>>)
        %dma_start3A_302 = arith.constant 2 : i32
        %dma_start3A_303 = arith.constant 0 : i32
        %dma_start3A_304 = arith.constant 0 : i32
        %dma_start3A_305 = arith.constant 0 : i32
        %dma_start3A_306 = arith.constant 0 : i32
        %dma_start3A_307 = tpu.memref_slice %arg9[%dma_start3A_304, %dma_start3A_305, %dma_start3A_306] : memref<2x128x80xf32, #tpu.memory_space<vmem>> -> memref<1x128x80xf32, #tpu.memory_space<vmem>>
        %dma_start3A_308 = tpu.memref_squeeze %dma_start3A_307 : memref<1x128x80xf32, #tpu.memory_space<vmem>> -> memref<128x80xf32, #tpu.memory_space<vmem>>
        %dma_start3A_309 = arith.constant 0 : i32
        %dma_start3A_310 = tpu.memref_slice %arg8[%dma_start3A_302, %dma_start3A_303, %dma_start3A_309] : memref<4x2x128xi32, #tpu.memory_space<vmem>> -> memref<1x1x128xi32, #tpu.memory_space<vmem>>
        %dma_start3A_311 = tpu.memref_squeeze %dma_start3A_310 : memref<1x1x128xi32, #tpu.memory_space<vmem>> -> memref<128xi32, #tpu.memory_space<vmem>>
        %dma_start3A_312 = arith.constant 0 : i32
        %dma_start3A_313 = arith.constant 0 : i32
        %dma_start3A_314 = tpu.memref_slice %arg2[%dma_start3A_312, %dma_start3A_313] : memref<10240x80xf32, #tpu.memory_space<hbm>> -> memref<10240x80xf32, #tpu.memory_space<hbm>>
        tpu.enqueue_indirect_dma source(%dma_start3A_314 : memref<10240x80xf32, #tpu.memory_space<hbm>>) target(%dma_start3A_308 : memref<128x80xf32, #tpu.memory_space<vmem>>) offsets(%dma_start3A_311 : memref<128xi32, #tpu.memory_space<vmem>>) semaphore(%arg11 : memref<!tpu.dma_semaphore, #tpu.memory_space<semaphore_mem>>)
        %add3A_315 = arith.constant 1 : i32
        %add3A_316 = arith.addi %mul3A_243, %add3A_315 : i32
        %dma_wait3A_317 = arith.constant 1 : i32
        %dma_wait3A_318 = arith.constant 0 : i32
        %dma_wait3A_319 = arith.constant 1 : i32
        %dma_wait3A_320 = arith.constant 0 : i32
        %dma_wait3A_321 = arith.constant 0 : i32
        %dma_wait3A_322 = tpu.memref_slice %arg9[%dma_wait3A_319, %dma_wait3A_320, %dma_wait3A_321] : memref<2x128x80xf32, #tpu.memory_space<vmem>> -> memref<1x128x80xf32, #tpu.memory_space<vmem>>
        %dma_wait3A_323 = tpu.memref_squeeze %dma_wait3A_322 : memref<1x128x80xf32, #tpu.memory_space<vmem>> -> memref<128x80xf32, #tpu.memory_space<vmem>>
        %dma_wait3A_324 = arith.constant 0 : i32
        %dma_wait3A_325 = tpu.memref_slice %arg8[%dma_wait3A_317, %dma_wait3A_318, %dma_wait3A_324] : memref<4x2x128xi32, #tpu.memory_space<vmem>> -> memref<1x1x128xi32, #tpu.memory_space<vmem>>
        %dma_wait3A_326 = tpu.memref_squeeze %dma_wait3A_325 : memref<1x1x128xi32, #tpu.memory_space<vmem>> -> memref<128xi32, #tpu.memory_space<vmem>>
        %dma_wait3A_327 = arith.constant 0 : i32
        %dma_wait3A_328 = arith.constant 0 : i32
        %dma_wait3A_329 = tpu.memref_slice %arg2[%dma_wait3A_327, %dma_wait3A_328] : memref<10240x80xf32, #tpu.memory_space<hbm>> -> memref<10240x80xf32, #tpu.memory_space<hbm>>
        tpu.wait_indirect_dma semaphore(%arg12 : memref<!tpu.dma_semaphore, #tpu.memory_space<semaphore_mem>>) src(%dma_wait3A_329 : memref<10240x80xf32, #tpu.memory_space<hbm>>) dst(%dma_wait3A_323 : memref<128x80xf32, #tpu.memory_space<vmem>>)
        %run_scoped3A_330 = arith.constant 1 : i32
        %run_scoped3A_331 = arith.constant 1 : i32
        %run_scoped3A_332 = arith.constant 1 : i32
        "tpu.region"() ({
          %run_scoped3A_529 = tpu.sem_alloc : memref<!tpu.dma_semaphore, #tpu.memory_space<semaphore_mem>>
          %dma_start3A_530 = arith.constant 0 : i32
          %dma_start3A_531 = arith.constant 0 : i32
          %dma_start3A_532 = tpu.memref_slice %arg9[%run_scoped3A_330, %dma_start3A_530, %dma_start3A_531] : memref<2x128x80xf32, #tpu.memory_space<vmem>> -> memref<1x128x80xf32, #tpu.memory_space<vmem>>
          %dma_start3A_533 = tpu.memref_squeeze %dma_start3A_532 : memref<1x128x80xf32, #tpu.memory_space<vmem>> -> memref<128x80xf32, #tpu.memory_space<vmem>>
          %dma_start3A_534 = arith.constant 0 : i32
          %dma_start3A_535 = tpu.memref_slice %arg8[%run_scoped3A_331, %run_scoped3A_332, %dma_start3A_534] : memref<4x2x128xi32, #tpu.memory_space<vmem>> -> memref<1x1x128xi32, #tpu.memory_space<vmem>>
          %dma_start3A_536 = tpu.memref_squeeze %dma_start3A_535 : memref<1x1x128xi32, #tpu.memory_space<vmem>> -> memref<128xi32, #tpu.memory_space<vmem>>
          %dma_start3A_537 = arith.constant 0 : i32
          %dma_start3A_538 = arith.constant 0 : i32
          %dma_start3A_539 = tpu.memref_slice %arg10[%dma_start3A_537, %dma_start3A_538] : memref<10240x80xf32, #tpu.memory_space<vmem_shared>> -> memref<10240x80xf32, #tpu.memory_space<vmem_shared>>
          tpu.enqueue_indirect_dma source(%dma_start3A_533 : memref<128x80xf32, #tpu.memory_space<vmem>>) target(%dma_start3A_539 : memref<10240x80xf32, #tpu.memory_space<vmem_shared>>) offsets(%dma_start3A_536 : memref<128xi32, #tpu.memory_space<vmem>>) semaphore(%run_scoped3A_529 : memref<!tpu.dma_semaphore, #tpu.memory_space<semaphore_mem>>) {add = true}
          %dma_wait3A_540 = arith.constant 0 : i32
          %dma_wait3A_541 = arith.constant 0 : i32
          %dma_wait3A_542 = tpu.memref_slice %arg9[%run_scoped3A_330, %dma_wait3A_540, %dma_wait3A_541] : memref<2x128x80xf32, #tpu.memory_space<vmem>> -> memref<1x128x80xf32, #tpu.memory_space<vmem>>
          %dma_wait3A_543 = tpu.memref_squeeze %dma_wait3A_542 : memref<1x128x80xf32, #tpu.memory_space<vmem>> -> memref<128x80xf32, #tpu.memory_space<vmem>>
          %dma_wait3A_544 = arith.constant 0 : i32
          %dma_wait3A_545 = tpu.memref_slice %arg8[%run_scoped3A_331, %run_scoped3A_332, %dma_wait3A_544] : memref<4x2x128xi32, #tpu.memory_space<vmem>> -> memref<1x1x128xi32, #tpu.memory_space<vmem>>
          %dma_wait3A_546 = tpu.memref_squeeze %dma_wait3A_545 : memref<1x1x128xi32, #tpu.memory_space<vmem>> -> memref<128xi32, #tpu.memory_space<vmem>>
          %dma_wait3A_547 = arith.constant 0 : i32
          %dma_wait3A_548 = arith.constant 0 : i32
          %dma_wait3A_549 = tpu.memref_slice %arg10[%dma_wait3A_547, %dma_wait3A_548] : memref<10240x80xf32, #tpu.memory_space<vmem_shared>> -> memref<10240x80xf32, #tpu.memory_space<vmem_shared>>
          tpu.wait_indirect_dma semaphore(%run_scoped3A_529 : memref<!tpu.dma_semaphore, #tpu.memory_space<semaphore_mem>>) src(%dma_wait3A_543 : memref<128x80xf32, #tpu.memory_space<vmem>>) dst(%dma_wait3A_549 : memref<10240x80xf32, #tpu.memory_space<vmem_shared>>)
          tpu.yield
        }) : () -> ()
        %add3A_333 = arith.constant 4 : i32
        %add3A_334 = arith.addi %add3A_316, %add3A_333 : i32
        %add3A_335 = arith.addi %mul3A_29, %add3A_334 : i32
        %dma_start3A_336 = arith.constant 1 : i32
        %dma_start3A_337 = arith.constant 0 : i32
        %dma_start3A_338 = arith.constant 0 : i32
        %dma_start3A_339 = tpu.memref_slice %arg8[%dma_start3A_336, %dma_start3A_337, %dma_start3A_338] : memref<4x2x128xi32, #tpu.memory_space<vmem>> -> memref<1x2x128xi32, #tpu.memory_space<vmem>>
        %dma_start3A_340 = tpu.memref_squeeze %dma_start3A_339 : memref<1x2x128xi32, #tpu.memory_space<vmem>> -> memref<2x128xi32, #tpu.memory_space<vmem>>
        %dma_start3A_341 = arith.constant 0 : i32
        %dma_start3A_342 = arith.constant 0 : i32
        %dma_start3A_343 = tpu.memref_slice %arg4[%add3A_335, %dma_start3A_341, %dma_start3A_342] : memref<2624x2x128xi32, #tpu.memory_space<hbm>> -> memref<1x2x128xi32, #tpu.memory_space<hbm>>
        %dma_start3A_344 = tpu.memref_squeeze %dma_start3A_343 : memref<1x2x128xi32, #tpu.memory_space<hbm>> -> memref<2x128xi32, #tpu.memory_space<hbm>>
        %dma_start3A_345 = arith.constant 0 : i32
        %dma_start3A_346 = arith.constant 0 : i32
        %dma_start3A_347 = tpu.memref_slice %arg8[%dma_start3A_336, %dma_start3A_345, %dma_start3A_346] : memref<4x2x128xi32, #tpu.memory_space<vmem>> -> memref<1x2x128xi32, #tpu.memory_space<vmem>>
        %dma_start3A_348 = tpu.memref_squeeze %dma_start3A_347 : memref<1x2x128xi32, #tpu.memory_space<vmem>> -> memref<2x128xi32, #tpu.memory_space<vmem>>
        %dma_start3A_349 = arith.constant 0 : i32
        %dma_start3A_350 = arith.constant 0 : i32
        %dma_start3A_351 = tpu.memref_slice %arg4[%add3A_335, %dma_start3A_349, %dma_start3A_350] : memref<2624x2x128xi32, #tpu.memory_space<hbm>> -> memref<1x2x128xi32, #tpu.memory_space<hbm>>
        %dma_start3A_352 = tpu.memref_squeeze %dma_start3A_351 : memref<1x2x128xi32, #tpu.memory_space<hbm>> -> memref<2x128xi32, #tpu.memory_space<hbm>>
        tpu.enqueue_dma source(%dma_start3A_352 : memref<2x128xi32, #tpu.memory_space<hbm>>) target(%dma_start3A_348 : memref<2x128xi32, #tpu.memory_space<vmem>>) target_semaphore(%arg14 : memref<!tpu.dma_semaphore, #tpu.memory_space<semaphore_mem>>)
        %add3A_353 = arith.constant 2 : i32
        %add3A_354 = arith.addi %add3A_316, %add3A_353 : i32
        %add3A_355 = arith.addi %mul3A_29, %add3A_354 : i32
        %dma_wait3A_356 = arith.constant 3 : i32
        %dma_wait3A_357 = arith.constant 0 : i32
        %dma_wait3A_358 = arith.constant 0 : i32
        %dma_wait3A_359 = tpu.memref_slice %arg8[%dma_wait3A_356, %dma_wait3A_357, %dma_wait3A_358] : memref<4x2x128xi32, #tpu.memory_space<vmem>> -> memref<1x2x128xi32, #tpu.memory_space<vmem>>
        %dma_wait3A_360 = tpu.memref_squeeze %dma_wait3A_359 : memref<1x2x128xi32, #tpu.memory_space<vmem>> -> memref<2x128xi32, #tpu.memory_space<vmem>>
        %dma_wait3A_361 = arith.constant 0 : i32
        %dma_wait3A_362 = arith.constant 0 : i32
        %dma_wait3A_363 = tpu.memref_slice %arg4[%add3A_355, %dma_wait3A_361, %dma_wait3A_362] : memref<2624x2x128xi32, #tpu.memory_space<hbm>> -> memref<1x2x128xi32, #tpu.memory_space<hbm>>
        %dma_wait3A_364 = tpu.memref_squeeze %dma_wait3A_363 : memref<1x2x128xi32, #tpu.memory_space<hbm>> -> memref<2x128xi32, #tpu.memory_space<hbm>>
        %dma_wait3A_365 = arith.constant 0 : i32
        %dma_wait3A_366 = arith.constant 0 : i32
        %dma_wait3A_367 = tpu.memref_slice %arg8[%dma_wait3A_356, %dma_wait3A_365, %dma_wait3A_366] : memref<4x2x128xi32, #tpu.memory_space<vmem>> -> memref<1x2x128xi32, #tpu.memory_space<vmem>>
        %dma_wait3A_368 = tpu.memref_squeeze %dma_wait3A_367 : memref<1x2x128xi32, #tpu.memory_space<vmem>> -> memref<2x128xi32, #tpu.memory_space<vmem>>
        %dma_wait3A_369 = arith.constant 0 : i32
        %dma_wait3A_370 = arith.constant 0 : i32
        %dma_wait3A_371 = tpu.memref_slice %arg4[%add3A_355, %dma_wait3A_369, %dma_wait3A_370] : memref<2624x2x128xi32, #tpu.memory_space<hbm>> -> memref<1x2x128xi32, #tpu.memory_space<hbm>>
        %dma_wait3A_372 = tpu.memref_squeeze %dma_wait3A_371 : memref<1x2x128xi32, #tpu.memory_space<hbm>> -> memref<2x128xi32, #tpu.memory_space<hbm>>
        tpu.wait_dma2 semaphore(%arg16 : memref<!tpu.dma_semaphore, #tpu.memory_space<semaphore_mem>>) src(%dma_wait3A_372 : memref<2x128xi32, #tpu.memory_space<hbm>>) dst(%dma_wait3A_368 : memref<2x128xi32, #tpu.memory_space<vmem>>)
        %dma_start3A_373 = arith.constant 3 : i32
        %dma_start3A_374 = arith.constant 0 : i32
        %dma_start3A_375 = arith.constant 1 : i32
        %dma_start3A_376 = arith.constant 0 : i32
        %dma_start3A_377 = arith.constant 0 : i32
        %dma_start3A_378 = tpu.memref_slice %arg9[%dma_start3A_375, %dma_start3A_376, %dma_start3A_377] : memref<2x128x80xf32, #tpu.memory_space<vmem>> -> memref<1x128x80xf32, #tpu.memory_space<vmem>>
        %dma_start3A_379 = tpu.memref_squeeze %dma_start3A_378 : memref<1x128x80xf32, #tpu.memory_space<vmem>> -> memref<128x80xf32, #tpu.memory_space<vmem>>
        %dma_start3A_380 = arith.constant 0 : i32
        %dma_start3A_381 = tpu.memref_slice %arg8[%dma_start3A_373, %dma_start3A_374, %dma_start3A_380] : memref<4x2x128xi32, #tpu.memory_space<vmem>> -> memref<1x1x128xi32, #tpu.memory_space<vmem>>
        %dma_start3A_382 = tpu.memref_squeeze %dma_start3A_381 : memref<1x1x128xi32, #tpu.memory_space<vmem>> -> memref<128xi32, #tpu.memory_space<vmem>>
        %dma_start3A_383 = arith.constant 0 : i32
        %dma_start3A_384 = arith.constant 0 : i32
        %dma_start3A_385 = tpu.memref_slice %arg2[%dma_start3A_383, %dma_start3A_384] : memref<10240x80xf32, #tpu.memory_space<hbm>> -> memref<10240x80xf32, #tpu.memory_space<hbm>>
        tpu.enqueue_indirect_dma source(%dma_start3A_385 : memref<10240x80xf32, #tpu.memory_space<hbm>>) target(%dma_start3A_379 : memref<128x80xf32, #tpu.memory_space<vmem>>) offsets(%dma_start3A_382 : memref<128xi32, #tpu.memory_space<vmem>>) semaphore(%arg12 : memref<!tpu.dma_semaphore, #tpu.memory_space<semaphore_mem>>)
        %add3A_386 = arith.constant 2 : i32
        %add3A_387 = arith.addi %mul3A_243, %add3A_386 : i32
        %dma_wait3A_388 = arith.constant 2 : i32
        %dma_wait3A_389 = arith.constant 0 : i32
        %dma_wait3A_390 = arith.constant 0 : i32
        %dma_wait3A_391 = arith.constant 0 : i32
        %dma_wait3A_392 = arith.constant 0 : i32
        %dma_wait3A_393 = tpu.memref_slice %arg9[%dma_wait3A_390, %dma_wait3A_391, %dma_wait3A_392] : memref<2x128x80xf32, #tpu.memory_space<vmem>> -> memref<1x128x80xf32, #tpu.memory_space<vmem>>
        %dma_wait3A_394 = tpu.memref_squeeze %dma_wait3A_393 : memref<1x128x80xf32, #tpu.memory_space<vmem>> -> memref<128x80xf32, #tpu.memory_space<vmem>>
        %dma_wait3A_395 = arith.constant 0 : i32
        %dma_wait3A_396 = tpu.memref_slice %arg8[%dma_wait3A_388, %dma_wait3A_389, %dma_wait3A_395] : memref<4x2x128xi32, #tpu.memory_space<vmem>> -> memref<1x1x128xi32, #tpu.memory_space<vmem>>
        %dma_wait3A_397 = tpu.memref_squeeze %dma_wait3A_396 : memref<1x1x128xi32, #tpu.memory_space<vmem>> -> memref<128xi32, #tpu.memory_space<vmem>>
        %dma_wait3A_398 = arith.constant 0 : i32
        %dma_wait3A_399 = arith.constant 0 : i32
        %dma_wait3A_400 = tpu.memref_slice %arg2[%dma_wait3A_398, %dma_wait3A_399] : memref<10240x80xf32, #tpu.memory_space<hbm>> -> memref<10240x80xf32, #tpu.memory_space<hbm>>
        tpu.wait_indirect_dma semaphore(%arg11 : memref<!tpu.dma_semaphore, #tpu.memory_space<semaphore_mem>>) src(%dma_wait3A_400 : memref<10240x80xf32, #tpu.memory_space<hbm>>) dst(%dma_wait3A_394 : memref<128x80xf32, #tpu.memory_space<vmem>>)
        %run_scoped3A_401 = arith.constant 0 : i32
        %run_scoped3A_402 = arith.constant 2 : i32
        %run_scoped3A_403 = arith.constant 1 : i32
        "tpu.region"() ({
          %run_scoped3A_529 = tpu.sem_alloc : memref<!tpu.dma_semaphore, #tpu.memory_space<semaphore_mem>>
          %dma_start3A_530 = arith.constant 0 : i32
          %dma_start3A_531 = arith.constant 0 : i32
          %dma_start3A_532 = tpu.memref_slice %arg9[%run_scoped3A_401, %dma_start3A_530, %dma_start3A_531] : memref<2x128x80xf32, #tpu.memory_space<vmem>> -> memref<1x128x80xf32, #tpu.memory_space<vmem>>
          %dma_start3A_533 = tpu.memref_squeeze %dma_start3A_532 : memref<1x128x80xf32, #tpu.memory_space<vmem>> -> memref<128x80xf32, #tpu.memory_space<vmem>>
          %dma_start3A_534 = arith.constant 0 : i32
          %dma_start3A_535 = tpu.memref_slice %arg8[%run_scoped3A_402, %run_scoped3A_403, %dma_start3A_534] : memref<4x2x128xi32, #tpu.memory_space<vmem>> -> memref<1x1x128xi32, #tpu.memory_space<vmem>>
          %dma_start3A_536 = tpu.memref_squeeze %dma_start3A_535 : memref<1x1x128xi32, #tpu.memory_space<vmem>> -> memref<128xi32, #tpu.memory_space<vmem>>
          %dma_start3A_537 = arith.constant 0 : i32
          %dma_start3A_538 = arith.constant 0 : i32
          %dma_start3A_539 = tpu.memref_slice %arg10[%dma_start3A_537, %dma_start3A_538] : memref<10240x80xf32, #tpu.memory_space<vmem_shared>> -> memref<10240x80xf32, #tpu.memory_space<vmem_shared>>
          tpu.enqueue_indirect_dma source(%dma_start3A_533 : memref<128x80xf32, #tpu.memory_space<vmem>>) target(%dma_start3A_539 : memref<10240x80xf32, #tpu.memory_space<vmem_shared>>) offsets(%dma_start3A_536 : memref<128xi32, #tpu.memory_space<vmem>>) semaphore(%run_scoped3A_529 : memref<!tpu.dma_semaphore, #tpu.memory_space<semaphore_mem>>) {add = true}
          %dma_wait3A_540 = arith.constant 0 : i32
          %dma_wait3A_541 = arith.constant 0 : i32
          %dma_wait3A_542 = tpu.memref_slice %arg9[%run_scoped3A_401, %dma_wait3A_540, %dma_wait3A_541] : memref<2x128x80xf32, #tpu.memory_space<vmem>> -> memref<1x128x80xf32, #tpu.memory_space<vmem>>
          %dma_wait3A_543 = tpu.memref_squeeze %dma_wait3A_542 : memref<1x128x80xf32, #tpu.memory_space<vmem>> -> memref<128x80xf32, #tpu.memory_space<vmem>>
          %dma_wait3A_544 = arith.constant 0 : i32
          %dma_wait3A_545 = tpu.memref_slice %arg8[%run_scoped3A_402, %run_scoped3A_403, %dma_wait3A_544] : memref<4x2x128xi32, #tpu.memory_space<vmem>> -> memref<1x1x128xi32, #tpu.memory_space<vmem>>
          %dma_wait3A_546 = tpu.memref_squeeze %dma_wait3A_545 : memref<1x1x128xi32, #tpu.memory_space<vmem>> -> memref<128xi32, #tpu.memory_space<vmem>>
          %dma_wait3A_547 = arith.constant 0 : i32
          %dma_wait3A_548 = arith.constant 0 : i32
          %dma_wait3A_549 = tpu.memref_slice %arg10[%dma_wait3A_547, %dma_wait3A_548] : memref<10240x80xf32, #tpu.memory_space<vmem_shared>> -> memref<10240x80xf32, #tpu.memory_space<vmem_shared>>
          tpu.wait_indirect_dma semaphore(%run_scoped3A_529 : memref<!tpu.dma_semaphore, #tpu.memory_space<semaphore_mem>>) src(%dma_wait3A_543 : memref<128x80xf32, #tpu.memory_space<vmem>>) dst(%dma_wait3A_549 : memref<10240x80xf32, #tpu.memory_space<vmem_shared>>)
          tpu.yield
        }) : () -> ()
        %add3A_404 = arith.constant 4 : i32
        %add3A_405 = arith.addi %add3A_387, %add3A_404 : i32
        %add3A_406 = arith.addi %mul3A_29, %add3A_405 : i32
        %dma_start3A_407 = arith.constant 2 : i32
        %dma_start3A_408 = arith.constant 0 : i32
        %dma_start3A_409 = arith.constant 0 : i32
        %dma_start3A_410 = tpu.memref_slice %arg8[%dma_start3A_407, %dma_start3A_408, %dma_start3A_409] : memref<4x2x128xi32, #tpu.memory_space<vmem>> -> memref<1x2x128xi32, #tpu.memory_space<vmem>>
        %dma_start3A_411 = tpu.memref_squeeze %dma_start3A_410 : memref<1x2x128xi32, #tpu.memory_space<vmem>> -> memref<2x128xi32, #tpu.memory_space<vmem>>
        %dma_start3A_412 = arith.constant 0 : i32
        %dma_start3A_413 = arith.constant 0 : i32
        %dma_start3A_414 = tpu.memref_slice %arg4[%add3A_406, %dma_start3A_412, %dma_start3A_413] : memref<2624x2x128xi32, #tpu.memory_space<hbm>> -> memref<1x2x128xi32, #tpu.memory_space<hbm>>
        %dma_start3A_415 = tpu.memref_squeeze %dma_start3A_414 : memref<1x2x128xi32, #tpu.memory_space<hbm>> -> memref<2x128xi32, #tpu.memory_space<hbm>>
        %dma_start3A_416 = arith.constant 0 : i32
        %dma_start3A_417 = arith.constant 0 : i32
        %dma_start3A_418 = tpu.memref_slice %arg8[%dma_start3A_407, %dma_start3A_416, %dma_start3A_417] : memref<4x2x128xi32, #tpu.memory_space<vmem>> -> memref<1x2x128xi32, #tpu.memory_space<vmem>>
        %dma_start3A_419 = tpu.memref_squeeze %dma_start3A_418 : memref<1x2x128xi32, #tpu.memory_space<vmem>> -> memref<2x128xi32, #tpu.memory_space<vmem>>
        %dma_start3A_420 = arith.constant 0 : i32
        %dma_start3A_421 = arith.constant 0 : i32
        %dma_start3A_422 = tpu.memref_slice %arg4[%add3A_406, %dma_start3A_420, %dma_start3A_421] : memref<2624x2x128xi32, #tpu.memory_space<hbm>> -> memref<1x2x128xi32, #tpu.memory_space<hbm>>
        %dma_start3A_423 = tpu.memref_squeeze %dma_start3A_422 : memref<1x2x128xi32, #tpu.memory_space<hbm>> -> memref<2x128xi32, #tpu.memory_space<hbm>>
        tpu.enqueue_dma source(%dma_start3A_423 : memref<2x128xi32, #tpu.memory_space<hbm>>) target(%dma_start3A_419 : memref<2x128xi32, #tpu.memory_space<vmem>>) target_semaphore(%arg15 : memref<!tpu.dma_semaphore, #tpu.memory_space<semaphore_mem>>)
        %add3A_424 = arith.constant 2 : i32
        %add3A_425 = arith.addi %add3A_387, %add3A_424 : i32
        %add3A_426 = arith.addi %mul3A_29, %add3A_425 : i32
        %dma_wait3A_427 = arith.constant 0 : i32
        %dma_wait3A_428 = arith.constant 0 : i32
        %dma_wait3A_429 = arith.constant 0 : i32
        %dma_wait3A_430 = tpu.memref_slice %arg8[%dma_wait3A_427, %dma_wait3A_428, %dma_wait3A_429] : memref<4x2x128xi32, #tpu.memory_space<vmem>> -> memref<1x2x128xi32, #tpu.memory_space<vmem>>
        %dma_wait3A_431 = tpu.memref_squeeze %dma_wait3A_430 : memref<1x2x128xi32, #tpu.memory_space<vmem>> -> memref<2x128xi32, #tpu.memory_space<vmem>>
        %dma_wait3A_432 = arith.constant 0 : i32
        %dma_wait3A_433 = arith.constant 0 : i32
        %dma_wait3A_434 = tpu.memref_slice %arg4[%add3A_426, %dma_wait3A_432, %dma_wait3A_433] : memref<2624x2x128xi32, #tpu.memory_space<hbm>> -> memref<1x2x128xi32, #tpu.memory_space<hbm>>
        %dma_wait3A_435 = tpu.memref_squeeze %dma_wait3A_434 : memref<1x2x128xi32, #tpu.memory_space<hbm>> -> memref<2x128xi32, #tpu.memory_space<hbm>>
        %dma_wait3A_436 = arith.constant 0 : i32
        %dma_wait3A_437 = arith.constant 0 : i32
        %dma_wait3A_438 = tpu.memref_slice %arg8[%dma_wait3A_427, %dma_wait3A_436, %dma_wait3A_437] : memref<4x2x128xi32, #tpu.memory_space<vmem>> -> memref<1x2x128xi32, #tpu.memory_space<vmem>>
        %dma_wait3A_439 = tpu.memref_squeeze %dma_wait3A_438 : memref<1x2x128xi32, #tpu.memory_space<vmem>> -> memref<2x128xi32, #tpu.memory_space<vmem>>
        %dma_wait3A_440 = arith.constant 0 : i32
        %dma_wait3A_441 = arith.constant 0 : i32
        %dma_wait3A_442 = tpu.memref_slice %arg4[%add3A_426, %dma_wait3A_440, %dma_wait3A_441] : memref<2624x2x128xi32, #tpu.memory_space<hbm>> -> memref<1x2x128xi32, #tpu.memory_space<hbm>>
        %dma_wait3A_443 = tpu.memref_squeeze %dma_wait3A_442 : memref<1x2x128xi32, #tpu.memory_space<hbm>> -> memref<2x128xi32, #tpu.memory_space<hbm>>
        tpu.wait_dma2 semaphore(%arg13 : memref<!tpu.dma_semaphore, #tpu.memory_space<semaphore_mem>>) src(%dma_wait3A_443 : memref<2x128xi32, #tpu.memory_space<hbm>>) dst(%dma_wait3A_439 : memref<2x128xi32, #tpu.memory_space<vmem>>)
        %dma_start3A_444 = arith.constant 0 : i32
        %dma_start3A_445 = arith.constant 0 : i32
        %dma_start3A_446 = arith.constant 0 : i32
        %dma_start3A_447 = arith.constant 0 : i32
        %dma_start3A_448 = arith.constant 0 : i32
        %dma_start3A_449 = tpu.memref_slice %arg9[%dma_start3A_446, %dma_start3A_447, %dma_start3A_448] : memref<2x128x80xf32, #tpu.memory_space<vmem>> -> memref<1x128x80xf32, #tpu.memory_space<vmem>>
        %dma_start3A_450 = tpu.memref_squeeze %dma_start3A_449 : memref<1x128x80xf32, #tpu.memory_space<vmem>> -> memref<128x80xf32, #tpu.memory_space<vmem>>
        %dma_start3A_451 = arith.constant 0 : i32
        %dma_start3A_452 = tpu.memref_slice %arg8[%dma_start3A_444, %dma_start3A_445, %dma_start3A_451] : memref<4x2x128xi32, #tpu.memory_space<vmem>> -> memref<1x1x128xi32, #tpu.memory_space<vmem>>
        %dma_start3A_453 = tpu.memref_squeeze %dma_start3A_452 : memref<1x1x128xi32, #tpu.memory_space<vmem>> -> memref<128xi32, #tpu.memory_space<vmem>>
        %dma_start3A_454 = arith.constant 0 : i32
        %dma_start3A_455 = arith.constant 0 : i32
        %dma_start3A_456 = tpu.memref_slice %arg2[%dma_start3A_454, %dma_start3A_455] : memref<10240x80xf32, #tpu.memory_space<hbm>> -> memref<10240x80xf32, #tpu.memory_space<hbm>>
        tpu.enqueue_indirect_dma source(%dma_start3A_456 : memref<10240x80xf32, #tpu.memory_space<hbm>>) target(%dma_start3A_450 : memref<128x80xf32, #tpu.memory_space<vmem>>) offsets(%dma_start3A_453 : memref<128xi32, #tpu.memory_space<vmem>>) semaphore(%arg11 : memref<!tpu.dma_semaphore, #tpu.memory_space<semaphore_mem>>)
        %add3A_457 = arith.constant 3 : i32
        %add3A_458 = arith.addi %mul3A_243, %add3A_457 : i32
        %dma_wait3A_459 = arith.constant 3 : i32
        %dma_wait3A_460 = arith.constant 0 : i32
        %dma_wait3A_461 = arith.constant 1 : i32
        %dma_wait3A_462 = arith.constant 0 : i32
        %dma_wait3A_463 = arith.constant 0 : i32
        %dma_wait3A_464 = tpu.memref_slice %arg9[%dma_wait3A_461, %dma_wait3A_462, %dma_wait3A_463] : memref<2x128x80xf32, #tpu.memory_space<vmem>> -> memref<1x128x80xf32, #tpu.memory_space<vmem>>
        %dma_wait3A_465 = tpu.memref_squeeze %dma_wait3A_464 : memref<1x128x80xf32, #tpu.memory_space<vmem>> -> memref<128x80xf32, #tpu.memory_space<vmem>>
        %dma_wait3A_466 = arith.constant 0 : i32
        %dma_wait3A_467 = tpu.memref_slice %arg8[%dma_wait3A_459, %dma_wait3A_460, %dma_wait3A_466] : memref<4x2x128xi32, #tpu.memory_space<vmem>> -> memref<1x1x128xi32, #tpu.memory_space<vmem>>
        %dma_wait3A_468 = tpu.memref_squeeze %dma_wait3A_467 : memref<1x1x128xi32, #tpu.memory_space<vmem>> -> memref<128xi32, #tpu.memory_space<vmem>>
        %dma_wait3A_469 = arith.constant 0 : i32
        %dma_wait3A_470 = arith.constant 0 : i32
        %dma_wait3A_471 = tpu.memref_slice %arg2[%dma_wait3A_469, %dma_wait3A_470] : memref<10240x80xf32, #tpu.memory_space<hbm>> -> memref<10240x80xf32, #tpu.memory_space<hbm>>
        tpu.wait_indirect_dma semaphore(%arg12 : memref<!tpu.dma_semaphore, #tpu.memory_space<semaphore_mem>>) src(%dma_wait3A_471 : memref<10240x80xf32, #tpu.memory_space<hbm>>) dst(%dma_wait3A_465 : memref<128x80xf32, #tpu.memory_space<vmem>>)
        %run_scoped3A_472 = arith.constant 1 : i32
        %run_scoped3A_473 = arith.constant 3 : i32
        %run_scoped3A_474 = arith.constant 1 : i32
        "tpu.region"() ({
          %run_scoped3A_529 = tpu.sem_alloc : memref<!tpu.dma_semaphore, #tpu.memory_space<semaphore_mem>>
          %dma_start3A_530 = arith.constant 0 : i32
          %dma_start3A_531 = arith.constant 0 : i32
          %dma_start3A_532 = tpu.memref_slice %arg9[%run_scoped3A_472, %dma_start3A_530, %dma_start3A_531] : memref<2x128x80xf32, #tpu.memory_space<vmem>> -> memref<1x128x80xf32, #tpu.memory_space<vmem>>
          %dma_start3A_533 = tpu.memref_squeeze %dma_start3A_532 : memref<1x128x80xf32, #tpu.memory_space<vmem>> -> memref<128x80xf32, #tpu.memory_space<vmem>>
          %dma_start3A_534 = arith.constant 0 : i32
          %dma_start3A_535 = tpu.memref_slice %arg8[%run_scoped3A_473, %run_scoped3A_474, %dma_start3A_534] : memref<4x2x128xi32, #tpu.memory_space<vmem>> -> memref<1x1x128xi32, #tpu.memory_space<vmem>>
          %dma_start3A_536 = tpu.memref_squeeze %dma_start3A_535 : memref<1x1x128xi32, #tpu.memory_space<vmem>> -> memref<128xi32, #tpu.memory_space<vmem>>
          %dma_start3A_537 = arith.constant 0 : i32
          %dma_start3A_538 = arith.constant 0 : i32
          %dma_start3A_539 = tpu.memref_slice %arg10[%dma_start3A_537, %dma_start3A_538] : memref<10240x80xf32, #tpu.memory_space<vmem_shared>> -> memref<10240x80xf32, #tpu.memory_space<vmem_shared>>
          tpu.enqueue_indirect_dma source(%dma_start3A_533 : memref<128x80xf32, #tpu.memory_space<vmem>>) target(%dma_start3A_539 : memref<10240x80xf32, #tpu.memory_space<vmem_shared>>) offsets(%dma_start3A_536 : memref<128xi32, #tpu.memory_space<vmem>>) semaphore(%run_scoped3A_529 : memref<!tpu.dma_semaphore, #tpu.memory_space<semaphore_mem>>) {add = true}
          %dma_wait3A_540 = arith.constant 0 : i32
          %dma_wait3A_541 = arith.constant 0 : i32
          %dma_wait3A_542 = tpu.memref_slice %arg9[%run_scoped3A_472, %dma_wait3A_540, %dma_wait3A_541] : memref<2x128x80xf32, #tpu.memory_space<vmem>> -> memref<1x128x80xf32, #tpu.memory_space<vmem>>
          %dma_wait3A_543 = tpu.memref_squeeze %dma_wait3A_542 : memref<1x128x80xf32, #tpu.memory_space<vmem>> -> memref<128x80xf32, #tpu.memory_space<vmem>>
          %dma_wait3A_544 = arith.constant 0 : i32
          %dma_wait3A_545 = tpu.memref_slice %arg8[%run_scoped3A_473, %run_scoped3A_474, %dma_wait3A_544] : memref<4x2x128xi32, #tpu.memory_space<vmem>> -> memref<1x1x128xi32, #tpu.memory_space<vmem>>
          %dma_wait3A_546 = tpu.memref_squeeze %dma_wait3A_545 : memref<1x1x128xi32, #tpu.memory_space<vmem>> -> memref<128xi32, #tpu.memory_space<vmem>>
          %dma_wait3A_547 = arith.constant 0 : i32
          %dma_wait3A_548 = arith.constant 0 : i32
          %dma_wait3A_549 = tpu.memref_slice %arg10[%dma_wait3A_547, %dma_wait3A_548] : memref<10240x80xf32, #tpu.memory_space<vmem_shared>> -> memref<10240x80xf32, #tpu.memory_space<vmem_shared>>
          tpu.wait_indirect_dma semaphore(%run_scoped3A_529 : memref<!tpu.dma_semaphore, #tpu.memory_space<semaphore_mem>>) src(%dma_wait3A_543 : memref<128x80xf32, #tpu.memory_space<vmem>>) dst(%dma_wait3A_549 : memref<10240x80xf32, #tpu.memory_space<vmem_shared>>)
          tpu.yield
        }) : () -> ()
        %add3A_475 = arith.constant 4 : i32
        %add3A_476 = arith.addi %add3A_458, %add3A_475 : i32
        %add3A_477 = arith.addi %mul3A_29, %add3A_476 : i32
        %dma_start3A_478 = arith.constant 3 : i32
        %dma_start3A_479 = arith.constant 0 : i32
        %dma_start3A_480 = arith.constant 0 : i32
        %dma_start3A_481 = tpu.memref_slice %arg8[%dma_start3A_478, %dma_start3A_479, %dma_start3A_480] : memref<4x2x128xi32, #tpu.memory_space<vmem>> -> memref<1x2x128xi32, #tpu.memory_space<vmem>>
        %dma_start3A_482 = tpu.memref_squeeze %dma_start3A_481 : memref<1x2x128xi32, #tpu.memory_space<vmem>> -> memref<2x128xi32, #tpu.memory_space<vmem>>
        %dma_start3A_483 = arith.constant 0 : i32
        %dma_start3A_484 = arith.constant 0 : i32
        %dma_start3A_485 = tpu.memref_slice %arg4[%add3A_477, %dma_start3A_483, %dma_start3A_484] : memref<2624x2x128xi32, #tpu.memory_space<hbm>> -> memref<1x2x128xi32, #tpu.memory_space<hbm>>
        %dma_start3A_486 = tpu.memref_squeeze %dma_start3A_485 : memref<1x2x128xi32, #tpu.memory_space<hbm>> -> memref<2x128xi32, #tpu.memory_space<hbm>>
        %dma_start3A_487 = arith.constant 0 : i32
        %dma_start3A_488 = arith.constant 0 : i32
        %dma_start3A_489 = tpu.memref_slice %arg8[%dma_start3A_478, %dma_start3A_487, %dma_start3A_488] : memref<4x2x128xi32, #tpu.memory_space<vmem>> -> memref<1x2x128xi32, #tpu.memory_space<vmem>>
        %dma_start3A_490 = tpu.memref_squeeze %dma_start3A_489 : memref<1x2x128xi32, #tpu.memory_space<vmem>> -> memref<2x128xi32, #tpu.memory_space<vmem>>
        %dma_start3A_491 = arith.constant 0 : i32
        %dma_start3A_492 = arith.constant 0 : i32
        %dma_start3A_493 = tpu.memref_slice %arg4[%add3A_477, %dma_start3A_491, %dma_start3A_492] : memref<2624x2x128xi32, #tpu.memory_space<hbm>> -> memref<1x2x128xi32, #tpu.memory_space<hbm>>
        %dma_start3A_494 = tpu.memref_squeeze %dma_start3A_493 : memref<1x2x128xi32, #tpu.memory_space<hbm>> -> memref<2x128xi32, #tpu.memory_space<hbm>>
        tpu.enqueue_dma source(%dma_start3A_494 : memref<2x128xi32, #tpu.memory_space<hbm>>) target(%dma_start3A_490 : memref<2x128xi32, #tpu.memory_space<vmem>>) target_semaphore(%arg16 : memref<!tpu.dma_semaphore, #tpu.memory_space<semaphore_mem>>)
        %add3A_495 = arith.constant 2 : i32
        %add3A_496 = arith.addi %add3A_458, %add3A_495 : i32
        %add3A_497 = arith.addi %mul3A_29, %add3A_496 : i32
        %dma_wait3A_498 = arith.constant 1 : i32
        %dma_wait3A_499 = arith.constant 0 : i32
        %dma_wait3A_500 = arith.constant 0 : i32
        %dma_wait3A_501 = tpu.memref_slice %arg8[%dma_wait3A_498, %dma_wait3A_499, %dma_wait3A_500] : memref<4x2x128xi32, #tpu.memory_space<vmem>> -> memref<1x2x128xi32, #tpu.memory_space<vmem>>
        %dma_wait3A_502 = tpu.memref_squeeze %dma_wait3A_501 : memref<1x2x128xi32, #tpu.memory_space<vmem>> -> memref<2x128xi32, #tpu.memory_space<vmem>>
        %dma_wait3A_503 = arith.constant 0 : i32
        %dma_wait3A_504 = arith.constant 0 : i32
        %dma_wait3A_505 = tpu.memref_slice %arg4[%add3A_497, %dma_wait3A_503, %dma_wait3A_504] : memref<2624x2x128xi32, #tpu.memory_space<hbm>> -> memref<1x2x128xi32, #tpu.memory_space<hbm>>
        %dma_wait3A_506 = tpu.memref_squeeze %dma_wait3A_505 : memref<1x2x128xi32, #tpu.memory_space<hbm>> -> memref<2x128xi32, #tpu.memory_space<hbm>>
        %dma_wait3A_507 = arith.constant 0 : i32
        %dma_wait3A_508 = arith.constant 0 : i32
        %dma_wait3A_509 = tpu.memref_slice %arg8[%dma_wait3A_498, %dma_wait3A_507, %dma_wait3A_508] : memref<4x2x128xi32, #tpu.memory_space<vmem>> -> memref<1x2x128xi32, #tpu.memory_space<vmem>>
        %dma_wait3A_510 = tpu.memref_squeeze %dma_wait3A_509 : memref<1x2x128xi32, #tpu.memory_space<vmem>> -> memref<2x128xi32, #tpu.memory_space<vmem>>
        %dma_wait3A_511 = arith.constant 0 : i32
        %dma_wait3A_512 = arith.constant 0 : i32
        %dma_wait3A_513 = tpu.memref_slice %arg4[%add3A_497, %dma_wait3A_511, %dma_wait3A_512] : memref<2624x2x128xi32, #tpu.memory_space<hbm>> -> memref<1x2x128xi32, #tpu.memory_space<hbm>>
        %dma_wait3A_514 = tpu.memref_squeeze %dma_wait3A_513 : memref<1x2x128xi32, #tpu.memory_space<hbm>> -> memref<2x128xi32, #tpu.memory_space<hbm>>
        tpu.wait_dma2 semaphore(%arg14 : memref<!tpu.dma_semaphore, #tpu.memory_space<semaphore_mem>>) src(%dma_wait3A_514 : memref<2x128xi32, #tpu.memory_space<hbm>>) dst(%dma_wait3A_510 : memref<2x128xi32, #tpu.memory_space<vmem>>)
        %dma_start3A_515 = arith.constant 1 : i32
        %dma_start3A_516 = arith.constant 0 : i32
        %dma_start3A_517 = arith.constant 1 : i32
        %dma_start3A_518 = arith.constant 0 : i32
        %dma_start3A_519 = arith.constant 0 : i32
        %dma_start3A_520 = tpu.memref_slice %arg9[%dma_start3A_517, %dma_start3A_518, %dma_start3A_519] : memref<2x128x80xf32, #tpu.memory_space<vmem>> -> memref<1x128x80xf32, #tpu.memory_space<vmem>>
        %dma_start3A_521 = tpu.memref_squeeze %dma_start3A_520 : memref<1x128x80xf32, #tpu.memory_space<vmem>> -> memref<128x80xf32, #tpu.memory_space<vmem>>
        %dma_start3A_522 = arith.constant 0 : i32
        %dma_start3A_523 = tpu.memref_slice %arg8[%dma_start3A_515, %dma_start3A_516, %dma_start3A_522] : memref<4x2x128xi32, #tpu.memory_space<vmem>> -> memref<1x1x128xi32, #tpu.memory_space<vmem>>
        %dma_start3A_524 = tpu.memref_squeeze %dma_start3A_523 : memref<1x1x128xi32, #tpu.memory_space<vmem>> -> memref<128xi32, #tpu.memory_space<vmem>>
        %dma_start3A_525 = arith.constant 0 : i32
        %dma_start3A_526 = arith.constant 0 : i32
        %dma_start3A_527 = tpu.memref_slice %arg2[%dma_start3A_525, %dma_start3A_526] : memref<10240x80xf32, #tpu.memory_space<hbm>> -> memref<10240x80xf32, #tpu.memory_space<hbm>>
        tpu.enqueue_indirect_dma source(%dma_start3A_527 : memref<10240x80xf32, #tpu.memory_space<hbm>>) target(%dma_start3A_521 : memref<128x80xf32, #tpu.memory_space<vmem>>) offsets(%dma_start3A_524 : memref<128xi32, #tpu.memory_space<vmem>>) semaphore(%arg12 : memref<!tpu.dma_semaphore, #tpu.memory_space<semaphore_mem>>)
        %scan3A_528 = arith.constant 0 : i32
        scf.yield %scan3A_528 : i32
      }
      %scan3A_174 = arith.constant 40 : i32
      %dma_wait3A_175 = arith.constant 0 : i32
      %dma_wait3A_176 = arith.constant 0 : i32
      %dma_wait3A_177 = arith.constant 0 : i32
      %dma_wait3A_178 = arith.constant 0 : i32
      %dma_wait3A_179 = arith.constant 0 : i32
      %dma_wait3A_180 = tpu.memref_slice %arg9[%dma_wait3A_177, %dma_wait3A_178, %dma_wait3A_179] : memref<2x128x80xf32, #tpu.memory_space<vmem>> -> memref<1x128x80xf32, #tpu.memory_space<vmem>>
      %dma_wait3A_181 = tpu.memref_squeeze %dma_wait3A_180 : memref<1x128x80xf32, #tpu.memory_space<vmem>> -> memref<128x80xf32, #tpu.memory_space<vmem>>
      %dma_wait3A_182 = arith.constant 0 : i32
      %dma_wait3A_183 = tpu.memref_slice %arg8[%dma_wait3A_175, %dma_wait3A_176, %dma_wait3A_182] : memref<4x2x128xi32, #tpu.memory_space<vmem>> -> memref<1x1x128xi32, #tpu.memory_space<vmem>>
      %dma_wait3A_184 = tpu.memref_squeeze %dma_wait3A_183 : memref<1x1x128xi32, #tpu.memory_space<vmem>> -> memref<128xi32, #tpu.memory_space<vmem>>
      %dma_wait3A_185 = arith.constant 0 : i32
      %dma_wait3A_186 = arith.constant 0 : i32
      %dma_wait3A_187 = tpu.memref_slice %arg2[%dma_wait3A_185, %dma_wait3A_186] : memref<10240x80xf32, #tpu.memory_space<hbm>> -> memref<10240x80xf32, #tpu.memory_space<hbm>>
      tpu.wait_indirect_dma semaphore(%arg11 : memref<!tpu.dma_semaphore, #tpu.memory_space<semaphore_mem>>) src(%dma_wait3A_187 : memref<10240x80xf32, #tpu.memory_space<hbm>>) dst(%dma_wait3A_181 : memref<128x80xf32, #tpu.memory_space<vmem>>)
      %dma_wait3A_188 = arith.constant 1 : i32
      %dma_wait3A_189 = arith.constant 0 : i32
      %dma_wait3A_190 = arith.constant 1 : i32
      %dma_wait3A_191 = arith.constant 0 : i32
      %dma_wait3A_192 = arith.constant 0 : i32
      %dma_wait3A_193 = tpu.memref_slice %arg9[%dma_wait3A_190, %dma_wait3A_191, %dma_wait3A_192] : memref<2x128x80xf32, #tpu.memory_space<vmem>> -> memref<1x128x80xf32, #tpu.memory_space<vmem>>
      %dma_wait3A_194 = tpu.memref_squeeze %dma_wait3A_193 : memref<1x128x80xf32, #tpu.memory_space<vmem>> -> memref<128x80xf32, #tpu.memory_space<vmem>>
      %dma_wait3A_195 = arith.constant 0 : i32
      %dma_wait3A_196 = tpu.memref_slice %arg8[%dma_wait3A_188, %dma_wait3A_189, %dma_wait3A_195] : memref<4x2x128xi32, #tpu.memory_space<vmem>> -> memref<1x1x128xi32, #tpu.memory_space<vmem>>
      %dma_wait3A_197 = tpu.memref_squeeze %dma_wait3A_196 : memref<1x1x128xi32, #tpu.memory_space<vmem>> -> memref<128xi32, #tpu.memory_space<vmem>>
      %dma_wait3A_198 = arith.constant 0 : i32
      %dma_wait3A_199 = arith.constant 0 : i32
      %dma_wait3A_200 = tpu.memref_slice %arg2[%dma_wait3A_198, %dma_wait3A_199] : memref<10240x80xf32, #tpu.memory_space<hbm>> -> memref<10240x80xf32, #tpu.memory_space<hbm>>
      tpu.wait_indirect_dma semaphore(%arg12 : memref<!tpu.dma_semaphore, #tpu.memory_space<semaphore_mem>>) src(%dma_wait3A_200 : memref<10240x80xf32, #tpu.memory_space<hbm>>) dst(%dma_wait3A_194 : memref<128x80xf32, #tpu.memory_space<vmem>>)
      %add3A_201 = arith.constant 162 : i32
      %add3A_202 = arith.addi %mul3A_29, %add3A_201 : i32
      %dma_wait3A_203 = arith.constant 2 : i32
      %dma_wait3A_204 = arith.constant 0 : i32
      %dma_wait3A_205 = arith.constant 0 : i32
      %dma_wait3A_206 = tpu.memref_slice %arg8[%dma_wait3A_203, %dma_wait3A_204, %dma_wait3A_205] : memref<4x2x128xi32, #tpu.memory_space<vmem>> -> memref<1x2x128xi32, #tpu.memory_space<vmem>>
      %dma_wait3A_207 = tpu.memref_squeeze %dma_wait3A_206 : memref<1x2x128xi32, #tpu.memory_space<vmem>> -> memref<2x128xi32, #tpu.memory_space<vmem>>
      %dma_wait3A_208 = arith.constant 0 : i32
      %dma_wait3A_209 = arith.constant 0 : i32
      %dma_wait3A_210 = tpu.memref_slice %arg4[%add3A_202, %dma_wait3A_208, %dma_wait3A_209] : memref<2624x2x128xi32, #tpu.memory_space<hbm>> -> memref<1x2x128xi32, #tpu.memory_space<hbm>>
      %dma_wait3A_211 = tpu.memref_squeeze %dma_wait3A_210 : memref<1x2x128xi32, #tpu.memory_space<hbm>> -> memref<2x128xi32, #tpu.memory_space<hbm>>
      %dma_wait3A_212 = arith.constant 0 : i32
      %dma_wait3A_213 = arith.constant 0 : i32
      %dma_wait3A_214 = tpu.memref_slice %arg8[%dma_wait3A_203, %dma_wait3A_212, %dma_wait3A_213] : memref<4x2x128xi32, #tpu.memory_space<vmem>> -> memref<1x2x128xi32, #tpu.memory_space<vmem>>
      %dma_wait3A_215 = tpu.memref_squeeze %dma_wait3A_214 : memref<1x2x128xi32, #tpu.memory_space<vmem>> -> memref<2x128xi32, #tpu.memory_space<vmem>>
      %dma_wait3A_216 = arith.constant 0 : i32
      %dma_wait3A_217 = arith.constant 0 : i32
      %dma_wait3A_218 = tpu.memref_slice %arg4[%add3A_202, %dma_wait3A_216, %dma_wait3A_217] : memref<2624x2x128xi32, #tpu.memory_space<hbm>> -> memref<1x2x128xi32, #tpu.memory_space<hbm>>
      %dma_wait3A_219 = tpu.memref_squeeze %dma_wait3A_218 : memref<1x2x128xi32, #tpu.memory_space<hbm>> -> memref<2x128xi32, #tpu.memory_space<hbm>>
      tpu.wait_dma2 semaphore(%arg15 : memref<!tpu.dma_semaphore, #tpu.memory_space<semaphore_mem>>) src(%dma_wait3A_219 : memref<2x128xi32, #tpu.memory_space<hbm>>) dst(%dma_wait3A_215 : memref<2x128xi32, #tpu.memory_space<vmem>>)
      %add3A_220 = arith.constant 163 : i32
      %add3A_221 = arith.addi %mul3A_29, %add3A_220 : i32
      %dma_wait3A_222 = arith.constant 3 : i32
      %dma_wait3A_223 = arith.constant 0 : i32
      %dma_wait3A_224 = arith.constant 0 : i32
      %dma_wait3A_225 = tpu.memref_slice %arg8[%dma_wait3A_222, %dma_wait3A_223, %dma_wait3A_224] : memref<4x2x128xi32, #tpu.memory_space<vmem>> -> memref<1x2x128xi32, #tpu.memory_space<vmem>>
      %dma_wait3A_226 = tpu.memref_squeeze %dma_wait3A_225 : memref<1x2x128xi32, #tpu.memory_space<vmem>> -> memref<2x128xi32, #tpu.memory_space<vmem>>
      %dma_wait3A_227 = arith.constant 0 : i32
      %dma_wait3A_228 = arith.constant 0 : i32
      %dma_wait3A_229 = tpu.memref_slice %arg4[%add3A_221, %dma_wait3A_227, %dma_wait3A_228] : memref<2624x2x128xi32, #tpu.memory_space<hbm>> -> memref<1x2x128xi32, #tpu.memory_space<hbm>>
      %dma_wait3A_230 = tpu.memref_squeeze %dma_wait3A_229 : memref<1x2x128xi32, #tpu.memory_space<hbm>> -> memref<2x128xi32, #tpu.memory_space<hbm>>
      %dma_wait3A_231 = arith.constant 0 : i32
      %dma_wait3A_232 = arith.constant 0 : i32
      %dma_wait3A_233 = tpu.memref_slice %arg8[%dma_wait3A_222, %dma_wait3A_231, %dma_wait3A_232] : memref<4x2x128xi32, #tpu.memory_space<vmem>> -> memref<1x2x128xi32, #tpu.memory_space<vmem>>
      %dma_wait3A_234 = tpu.memref_squeeze %dma_wait3A_233 : memref<1x2x128xi32, #tpu.memory_space<vmem>> -> memref<2x128xi32, #tpu.memory_space<vmem>>
      %dma_wait3A_235 = arith.constant 0 : i32
      %dma_wait3A_236 = arith.constant 0 : i32
      %dma_wait3A_237 = tpu.memref_slice %arg4[%add3A_221, %dma_wait3A_235, %dma_wait3A_236] : memref<2624x2x128xi32, #tpu.memory_space<hbm>> -> memref<1x2x128xi32, #tpu.memory_space<hbm>>
      %dma_wait3A_238 = tpu.memref_squeeze %dma_wait3A_237 : memref<1x2x128xi32, #tpu.memory_space<hbm>> -> memref<2x128xi32, #tpu.memory_space<hbm>>
      tpu.wait_dma2 semaphore(%arg16 : memref<!tpu.dma_semaphore, #tpu.memory_space<semaphore_mem>>) src(%dma_wait3A_238 : memref<2x128xi32, #tpu.memory_space<hbm>>) dst(%dma_wait3A_234 : memref<2x128xi32, #tpu.memory_space<vmem>>)
      %barrier3A_239 = arith.constant 0 : index
      tpu.barrier barrier_id(%barrier3A_239)
      "tpu.region"() ({
        %run_scoped3A_240 = tpu.sem_alloc : memref<!tpu.dma_semaphore, #tpu.memory_space<semaphore_mem>>
        %dma_start3A_241 = arith.constant 0 : i32
        %dma_start3A_242 = tpu.memref_slice %arg6[%mul3A_0, %dma_start3A_241] : memref<10240x80xf32, #tpu.memory_space<hbm>> -> memref<640x80xf32, #tpu.memory_space<hbm>>
        %dma_start3A_243 = arith.constant 0 : i32
        %dma_start3A_244 = tpu.memref_slice %arg10[%mul3A_0, %dma_start3A_243] : memref<10240x80xf32, #tpu.memory_space<vmem_shared>> -> memref<640x80xf32, #tpu.memory_space<vmem_shared>>
        tpu.enqueue_dma source(%dma_start3A_244 : memref<640x80xf32, #tpu.memory_space<vmem_shared>>) target(%dma_start3A_242 : memref<640x80xf32, #tpu.memory_space<hbm>>) target_semaphore(%run_scoped3A_240 : memref<!tpu.dma_semaphore, #tpu.memory_space<semaphore_mem>>)
        %dma_wait3A_245 = arith.constant 0 : i32
        %dma_wait3A_246 = tpu.memref_slice %arg6[%mul3A_0, %dma_wait3A_245] : memref<10240x80xf32, #tpu.memory_space<hbm>> -> memref<640x80xf32, #tpu.memory_space<hbm>>
        %dma_wait3A_247 = arith.constant 0 : i32
        %dma_wait3A_248 = tpu.memref_slice %arg10[%mul3A_0, %dma_wait3A_247] : memref<10240x80xf32, #tpu.memory_space<vmem_shared>> -> memref<640x80xf32, #tpu.memory_space<vmem_shared>>
        tpu.wait_dma2 semaphore(%run_scoped3A_240 : memref<!tpu.dma_semaphore, #tpu.memory_space<semaphore_mem>>) src(%dma_wait3A_248 : memref<640x80xf32, #tpu.memory_space<vmem_shared>>) dst(%dma_wait3A_246 : memref<640x80xf32, #tpu.memory_space<hbm>>)
        tpu.yield
      }) : () -> ()
    } else {
    }
    %eq3A_23 = arith.constant 1 : i32
    %eq3A_24 = arith.cmpi eq, %arg0, %eq3A_23 : i32
    %convert_element_type3A_25 = arith.extui %eq3A_24 : i1 to i32
    %cond3A_26 = arith.constant 0 : i32
    %cond3A_27 = arith.cmpi ne, %convert_element_type3A_25, %cond3A_26 : i32
    scf.if %cond3A_27 {
      %mul3A_28 = arith.constant 164 : i32
      %mul3A_29 = arith.muli %arg1, %mul3A_28 : i32
      %add3A_30 = arith.constant 0 : i32
      %add3A_31 = arith.addi %mul3A_29, %add3A_30 : i32
      %dma_start3A = arith.constant 0 : i32
      %dma_start3A_32 = arith.constant 0 : i32
      %dma_start3A_33 = arith.constant 0 : i32
      %dma_start3A_34 = tpu.memref_slice %arg8[%dma_start3A, %dma_start3A_32, %dma_start3A_33] : memref<4x2x128xi32, #tpu.memory_space<vmem>> -> memref<1x2x128xi32, #tpu.memory_space<vmem>>
      %dma_start3A_35 = tpu.memref_squeeze %dma_start3A_34 : memref<1x2x128xi32, #tpu.memory_space<vmem>> -> memref<2x128xi32, #tpu.memory_space<vmem>>
      %dma_start3A_36 = arith.constant 0 : i32
      %dma_start3A_37 = arith.constant 0 : i32
      %dma_start3A_38 = tpu.memref_slice %arg5[%add3A_31, %dma_start3A_36, %dma_start3A_37] : memref<2624x2x128xi32, #tpu.memory_space<hbm>> -> memref<1x2x128xi32, #tpu.memory_space<hbm>>
      %dma_start3A_39 = tpu.memref_squeeze %dma_start3A_38 : memref<1x2x128xi32, #tpu.memory_space<hbm>> -> memref<2x128xi32, #tpu.memory_space<hbm>>
      %dma_start3A_40 = arith.constant 0 : i32
      %dma_start3A_41 = arith.constant 0 : i32
      %dma_start3A_42 = tpu.memref_slice %arg8[%dma_start3A, %dma_start3A_40, %dma_start3A_41] : memref<4x2x128xi32, #tpu.memory_space<vmem>> -> memref<1x2x128xi32, #tpu.memory_space<vmem>>
      %dma_start3A_43 = tpu.memref_squeeze %dma_start3A_42 : memref<1x2x128xi32, #tpu.memory_space<vmem>> -> memref<2x128xi32, #tpu.memory_space<vmem>>
      %dma_start3A_44 = arith.constant 0 : i32
      %dma_start3A_45 = arith.constant 0 : i32
      %dma_start3A_46 = tpu.memref_slice %arg5[%add3A_31, %dma_start3A_44, %dma_start3A_45] : memref<2624x2x128xi32, #tpu.memory_space<hbm>> -> memref<1x2x128xi32, #tpu.memory_space<hbm>>
      %dma_start3A_47 = tpu.memref_squeeze %dma_start3A_46 : memref<1x2x128xi32, #tpu.memory_space<hbm>> -> memref<2x128xi32, #tpu.memory_space<hbm>>
      tpu.enqueue_dma source(%dma_start3A_47 : memref<2x128xi32, #tpu.memory_space<hbm>>) target(%dma_start3A_43 : memref<2x128xi32, #tpu.memory_space<vmem>>) target_semaphore(%arg13 : memref<!tpu.dma_semaphore, #tpu.memory_space<semaphore_mem>>)
      %add3A_48 = arith.constant 1 : i32
      %add3A_49 = arith.addi %mul3A_29, %add3A_48 : i32
      %dma_start3A_50 = arith.constant 1 : i32
      %dma_start3A_51 = arith.constant 0 : i32
      %dma_start3A_52 = arith.constant 0 : i32
      %dma_start3A_53 = tpu.memref_slice %arg8[%dma_start3A_50, %dma_start3A_51, %dma_start3A_52] : memref<4x2x128xi32, #tpu.memory_space<vmem>> -> memref<1x2x128xi32, #tpu.memory_space<vmem>>
      %dma_start3A_54 = tpu.memref_squeeze %dma_start3A_53 : memref<1x2x128xi32, #tpu.memory_space<vmem>> -> memref<2x128xi32, #tpu.memory_space<vmem>>
      %dma_start3A_55 = arith.constant 0 : i32
      %dma_start3A_56 = arith.constant 0 : i32
      %dma_start3A_57 = tpu.memref_slice %arg5[%add3A_49, %dma_start3A_55, %dma_start3A_56] : memref<2624x2x128xi32, #tpu.memory_space<hbm>> -> memref<1x2x128xi32, #tpu.memory_space<hbm>>
      %dma_start3A_58 = tpu.memref_squeeze %dma_start3A_57 : memref<1x2x128xi32, #tpu.memory_space<hbm>> -> memref<2x128xi32, #tpu.memory_space<hbm>>
      %dma_start3A_59 = arith.constant 0 : i32
      %dma_start3A_60 = arith.constant 0 : i32
      %dma_start3A_61 = tpu.memref_slice %arg8[%dma_start3A_50, %dma_start3A_59, %dma_start3A_60] : memref<4x2x128xi32, #tpu.memory_space<vmem>> -> memref<1x2x128xi32, #tpu.memory_space<vmem>>
      %dma_start3A_62 = tpu.memref_squeeze %dma_start3A_61 : memref<1x2x128xi32, #tpu.memory_space<vmem>> -> memref<2x128xi32, #tpu.memory_space<vmem>>
      %dma_start3A_63 = arith.constant 0 : i32
      %dma_start3A_64 = arith.constant 0 : i32
      %dma_start3A_65 = tpu.memref_slice %arg5[%add3A_49, %dma_start3A_63, %dma_start3A_64] : memref<2624x2x128xi32, #tpu.memory_space<hbm>> -> memref<1x2x128xi32, #tpu.memory_space<hbm>>
      %dma_start3A_66 = tpu.memref_squeeze %dma_start3A_65 : memref<1x2x128xi32, #tpu.memory_space<hbm>> -> memref<2x128xi32, #tpu.memory_space<hbm>>
      tpu.enqueue_dma source(%dma_start3A_66 : memref<2x128xi32, #tpu.memory_space<hbm>>) target(%dma_start3A_62 : memref<2x128xi32, #tpu.memory_space<vmem>>) target_semaphore(%arg14 : memref<!tpu.dma_semaphore, #tpu.memory_space<semaphore_mem>>)
      %add3A_67 = arith.constant 2 : i32
      %add3A_68 = arith.addi %mul3A_29, %add3A_67 : i32
      %dma_start3A_69 = arith.constant 2 : i32
      %dma_start3A_70 = arith.constant 0 : i32
      %dma_start3A_71 = arith.constant 0 : i32
      %dma_start3A_72 = tpu.memref_slice %arg8[%dma_start3A_69, %dma_start3A_70, %dma_start3A_71] : memref<4x2x128xi32, #tpu.memory_space<vmem>> -> memref<1x2x128xi32, #tpu.memory_space<vmem>>
      %dma_start3A_73 = tpu.memref_squeeze %dma_start3A_72 : memref<1x2x128xi32, #tpu.memory_space<vmem>> -> memref<2x128xi32, #tpu.memory_space<vmem>>
      %dma_start3A_74 = arith.constant 0 : i32
      %dma_start3A_75 = arith.constant 0 : i32
      %dma_start3A_76 = tpu.memref_slice %arg5[%add3A_68, %dma_start3A_74, %dma_start3A_75] : memref<2624x2x128xi32, #tpu.memory_space<hbm>> -> memref<1x2x128xi32, #tpu.memory_space<hbm>>
      %dma_start3A_77 = tpu.memref_squeeze %dma_start3A_76 : memref<1x2x128xi32, #tpu.memory_space<hbm>> -> memref<2x128xi32, #tpu.memory_space<hbm>>
      %dma_start3A_78 = arith.constant 0 : i32
      %dma_start3A_79 = arith.constant 0 : i32
      %dma_start3A_80 = tpu.memref_slice %arg8[%dma_start3A_69, %dma_start3A_78, %dma_start3A_79] : memref<4x2x128xi32, #tpu.memory_space<vmem>> -> memref<1x2x128xi32, #tpu.memory_space<vmem>>
      %dma_start3A_81 = tpu.memref_squeeze %dma_start3A_80 : memref<1x2x128xi32, #tpu.memory_space<vmem>> -> memref<2x128xi32, #tpu.memory_space<vmem>>
      %dma_start3A_82 = arith.constant 0 : i32
      %dma_start3A_83 = arith.constant 0 : i32
      %dma_start3A_84 = tpu.memref_slice %arg5[%add3A_68, %dma_start3A_82, %dma_start3A_83] : memref<2624x2x128xi32, #tpu.memory_space<hbm>> -> memref<1x2x128xi32, #tpu.memory_space<hbm>>
      %dma_start3A_85 = tpu.memref_squeeze %dma_start3A_84 : memref<1x2x128xi32, #tpu.memory_space<hbm>> -> memref<2x128xi32, #tpu.memory_space<hbm>>
      tpu.enqueue_dma source(%dma_start3A_85 : memref<2x128xi32, #tpu.memory_space<hbm>>) target(%dma_start3A_81 : memref<2x128xi32, #tpu.memory_space<vmem>>) target_semaphore(%arg15 : memref<!tpu.dma_semaphore, #tpu.memory_space<semaphore_mem>>)
      %add3A_86 = arith.constant 3 : i32
      %add3A_87 = arith.addi %mul3A_29, %add3A_86 : i32
      %dma_start3A_88 = arith.constant 3 : i32
      %dma_start3A_89 = arith.constant 0 : i32
      %dma_start3A_90 = arith.constant 0 : i32
      %dma_start3A_91 = tpu.memref_slice %arg8[%dma_start3A_88, %dma_start3A_89, %dma_start3A_90] : memref<4x2x128xi32, #tpu.memory_space<vmem>> -> memref<1x2x128xi32, #tpu.memory_space<vmem>>
      %dma_start3A_92 = tpu.memref_squeeze %dma_start3A_91 : memref<1x2x128xi32, #tpu.memory_space<vmem>> -> memref<2x128xi32, #tpu.memory_space<vmem>>
      %dma_start3A_93 = arith.constant 0 : i32
      %dma_start3A_94 = arith.constant 0 : i32
      %dma_start3A_95 = tpu.memref_slice %arg5[%add3A_87, %dma_start3A_93, %dma_start3A_94] : memref<2624x2x128xi32, #tpu.memory_space<hbm>> -> memref<1x2x128xi32, #tpu.memory_space<hbm>>
      %dma_start3A_96 = tpu.memref_squeeze %dma_start3A_95 : memref<1x2x128xi32, #tpu.memory_space<hbm>> -> memref<2x128xi32, #tpu.memory_space<hbm>>
      %dma_start3A_97 = arith.constant 0 : i32
      %dma_start3A_98 = arith.constant 0 : i32
      %dma_start3A_99 = tpu.memref_slice %arg8[%dma_start3A_88, %dma_start3A_97, %dma_start3A_98] : memref<4x2x128xi32, #tpu.memory_space<vmem>> -> memref<1x2x128xi32, #tpu.memory_space<vmem>>
      %dma_start3A_100 = tpu.memref_squeeze %dma_start3A_99 : memref<1x2x128xi32, #tpu.memory_space<vmem>> -> memref<2x128xi32, #tpu.memory_space<vmem>>
      %dma_start3A_101 = arith.constant 0 : i32
      %dma_start3A_102 = arith.constant 0 : i32
      %dma_start3A_103 = tpu.memref_slice %arg5[%add3A_87, %dma_start3A_101, %dma_start3A_102] : memref<2624x2x128xi32, #tpu.memory_space<hbm>> -> memref<1x2x128xi32, #tpu.memory_space<hbm>>
      %dma_start3A_104 = tpu.memref_squeeze %dma_start3A_103 : memref<1x2x128xi32, #tpu.memory_space<hbm>> -> memref<2x128xi32, #tpu.memory_space<hbm>>
      tpu.enqueue_dma source(%dma_start3A_104 : memref<2x128xi32, #tpu.memory_space<hbm>>) target(%dma_start3A_100 : memref<2x128xi32, #tpu.memory_space<vmem>>) target_semaphore(%arg16 : memref<!tpu.dma_semaphore, #tpu.memory_space<semaphore_mem>>)
      %add3A_105 = arith.constant 0 : i32
      %add3A_106 = arith.addi %mul3A_29, %add3A_105 : i32
      %dma_wait3A = arith.constant 0 : i32
      %dma_wait3A_107 = arith.constant 0 : i32
      %dma_wait3A_108 = arith.constant 0 : i32
      %dma_wait3A_109 = tpu.memref_slice %arg8[%dma_wait3A, %dma_wait3A_107, %dma_wait3A_108] : memref<4x2x128xi32, #tpu.memory_space<vmem>> -> memref<1x2x128xi32, #tpu.memory_space<vmem>>
      %dma_wait3A_110 = tpu.memref_squeeze %dma_wait3A_109 : memref<1x2x128xi32, #tpu.memory_space<vmem>> -> memref<2x128xi32, #tpu.memory_space<vmem>>
      %dma_wait3A_111 = arith.constant 0 : i32
      %dma_wait3A_112 = arith.constant 0 : i32
      %dma_wait3A_113 = tpu.memref_slice %arg5[%add3A_106, %dma_wait3A_111, %dma_wait3A_112] : memref<2624x2x128xi32, #tpu.memory_space<hbm>> -> memref<1x2x128xi32, #tpu.memory_space<hbm>>
      %dma_wait3A_114 = tpu.memref_squeeze %dma_wait3A_113 : memref<1x2x128xi32, #tpu.memory_space<hbm>> -> memref<2x128xi32, #tpu.memory_space<hbm>>
      %dma_wait3A_115 = arith.constant 0 : i32
      %dma_wait3A_116 = arith.constant 0 : i32
      %dma_wait3A_117 = tpu.memref_slice %arg8[%dma_wait3A, %dma_wait3A_115, %dma_wait3A_116] : memref<4x2x128xi32, #tpu.memory_space<vmem>> -> memref<1x2x128xi32, #tpu.memory_space<vmem>>
      %dma_wait3A_118 = tpu.memref_squeeze %dma_wait3A_117 : memref<1x2x128xi32, #tpu.memory_space<vmem>> -> memref<2x128xi32, #tpu.memory_space<vmem>>
      %dma_wait3A_119 = arith.constant 0 : i32
      %dma_wait3A_120 = arith.constant 0 : i32
      %dma_wait3A_121 = tpu.memref_slice %arg5[%add3A_106, %dma_wait3A_119, %dma_wait3A_120] : memref<2624x2x128xi32, #tpu.memory_space<hbm>> -> memref<1x2x128xi32, #tpu.memory_space<hbm>>
      %dma_wait3A_122 = tpu.memref_squeeze %dma_wait3A_121 : memref<1x2x128xi32, #tpu.memory_space<hbm>> -> memref<2x128xi32, #tpu.memory_space<hbm>>
      tpu.wait_dma2 semaphore(%arg13 : memref<!tpu.dma_semaphore, #tpu.memory_space<semaphore_mem>>) src(%dma_wait3A_122 : memref<2x128xi32, #tpu.memory_space<hbm>>) dst(%dma_wait3A_118 : memref<2x128xi32, #tpu.memory_space<vmem>>)
      %dma_start3A_123 = arith.constant 0 : i32
      %dma_start3A_124 = arith.constant 0 : i32
      %dma_start3A_125 = arith.constant 0 : i32
      %dma_start3A_126 = arith.constant 0 : i32
      %dma_start3A_127 = arith.constant 0 : i32
      %dma_start3A_128 = tpu.memref_slice %arg9[%dma_start3A_125, %dma_start3A_126, %dma_start3A_127] : memref<2x128x80xf32, #tpu.memory_space<vmem>> -> memref<1x128x80xf32, #tpu.memory_space<vmem>>
      %dma_start3A_129 = tpu.memref_squeeze %dma_start3A_128 : memref<1x128x80xf32, #tpu.memory_space<vmem>> -> memref<128x80xf32, #tpu.memory_space<vmem>>
      %dma_start3A_130 = arith.constant 0 : i32
      %dma_start3A_131 = tpu.memref_slice %arg8[%dma_start3A_123, %dma_start3A_124, %dma_start3A_130] : memref<4x2x128xi32, #tpu.memory_space<vmem>> -> memref<1x1x128xi32, #tpu.memory_space<vmem>>
      %dma_start3A_132 = tpu.memref_squeeze %dma_start3A_131 : memref<1x1x128xi32, #tpu.memory_space<vmem>> -> memref<128xi32, #tpu.memory_space<vmem>>
      %dma_start3A_133 = arith.constant 0 : i32
      %dma_start3A_134 = arith.constant 0 : i32
      %dma_start3A_135 = tpu.memref_slice %arg3[%dma_start3A_133, %dma_start3A_134] : memref<10240x80xf32, #tpu.memory_space<hbm>> -> memref<10240x80xf32, #tpu.memory_space<hbm>>
      tpu.enqueue_indirect_dma source(%dma_start3A_135 : memref<10240x80xf32, #tpu.memory_space<hbm>>) target(%dma_start3A_129 : memref<128x80xf32, #tpu.memory_space<vmem>>) offsets(%dma_start3A_132 : memref<128xi32, #tpu.memory_space<vmem>>) semaphore(%arg11 : memref<!tpu.dma_semaphore, #tpu.memory_space<semaphore_mem>>)
      %add3A_136 = arith.constant 1 : i32
      %add3A_137 = arith.addi %mul3A_29, %add3A_136 : i32
      %dma_wait3A_138 = arith.constant 1 : i32
      %dma_wait3A_139 = arith.constant 0 : i32
      %dma_wait3A_140 = arith.constant 0 : i32
      %dma_wait3A_141 = tpu.memref_slice %arg8[%dma_wait3A_138, %dma_wait3A_139, %dma_wait3A_140] : memref<4x2x128xi32, #tpu.memory_space<vmem>> -> memref<1x2x128xi32, #tpu.memory_space<vmem>>
      %dma_wait3A_142 = tpu.memref_squeeze %dma_wait3A_141 : memref<1x2x128xi32, #tpu.memory_space<vmem>> -> memref<2x128xi32, #tpu.memory_space<vmem>>
      %dma_wait3A_143 = arith.constant 0 : i32
      %dma_wait3A_144 = arith.constant 0 : i32
      %dma_wait3A_145 = tpu.memref_slice %arg5[%add3A_137, %dma_wait3A_143, %dma_wait3A_144] : memref<2624x2x128xi32, #tpu.memory_space<hbm>> -> memref<1x2x128xi32, #tpu.memory_space<hbm>>
      %dma_wait3A_146 = tpu.memref_squeeze %dma_wait3A_145 : memref<1x2x128xi32, #tpu.memory_space<hbm>> -> memref<2x128xi32, #tpu.memory_space<hbm>>
      %dma_wait3A_147 = arith.constant 0 : i32
      %dma_wait3A_148 = arith.constant 0 : i32
      %dma_wait3A_149 = tpu.memref_slice %arg8[%dma_wait3A_138, %dma_wait3A_147, %dma_wait3A_148] : memref<4x2x128xi32, #tpu.memory_space<vmem>> -> memref<1x2x128xi32, #tpu.memory_space<vmem>>
      %dma_wait3A_150 = tpu.memref_squeeze %dma_wait3A_149 : memref<1x2x128xi32, #tpu.memory_space<vmem>> -> memref<2x128xi32, #tpu.memory_space<vmem>>
      %dma_wait3A_151 = arith.constant 0 : i32
      %dma_wait3A_152 = arith.constant 0 : i32
      %dma_wait3A_153 = tpu.memref_slice %arg5[%add3A_137, %dma_wait3A_151, %dma_wait3A_152] : memref<2624x2x128xi32, #tpu.memory_space<hbm>> -> memref<1x2x128xi32, #tpu.memory_space<hbm>>
      %dma_wait3A_154 = tpu.memref_squeeze %dma_wait3A_153 : memref<1x2x128xi32, #tpu.memory_space<hbm>> -> memref<2x128xi32, #tpu.memory_space<hbm>>
      tpu.wait_dma2 semaphore(%arg14 : memref<!tpu.dma_semaphore, #tpu.memory_space<semaphore_mem>>) src(%dma_wait3A_154 : memref<2x128xi32, #tpu.memory_space<hbm>>) dst(%dma_wait3A_150 : memref<2x128xi32, #tpu.memory_space<vmem>>)
      %dma_start3A_155 = arith.constant 1 : i32
      %dma_start3A_156 = arith.constant 0 : i32
      %dma_start3A_157 = arith.constant 1 : i32
      %dma_start3A_158 = arith.constant 0 : i32
      %dma_start3A_159 = arith.constant 0 : i32
      %dma_start3A_160 = tpu.memref_slice %arg9[%dma_start3A_157, %dma_start3A_158, %dma_start3A_159] : memref<2x128x80xf32, #tpu.memory_space<vmem>> -> memref<1x128x80xf32, #tpu.memory_space<vmem>>
      %dma_start3A_161 = tpu.memref_squeeze %dma_start3A_160 : memref<1x128x80xf32, #tpu.memory_space<vmem>> -> memref<128x80xf32, #tpu.memory_space<vmem>>
      %dma_start3A_162 = arith.constant 0 : i32
      %dma_start3A_163 = tpu.memref_slice %arg8[%dma_start3A_155, %dma_start3A_156, %dma_start3A_162] : memref<4x2x128xi32, #tpu.memory_space<vmem>> -> memref<1x1x128xi32, #tpu.memory_space<vmem>>
      %dma_start3A_164 = tpu.memref_squeeze %dma_start3A_163 : memref<1x1x128xi32, #tpu.memory_space<vmem>> -> memref<128xi32, #tpu.memory_space<vmem>>
      %dma_start3A_165 = arith.constant 0 : i32
      %dma_start3A_166 = arith.constant 0 : i32
      %dma_start3A_167 = tpu.memref_slice %arg3[%dma_start3A_165, %dma_start3A_166] : memref<10240x80xf32, #tpu.memory_space<hbm>> -> memref<10240x80xf32, #tpu.memory_space<hbm>>
      tpu.enqueue_indirect_dma source(%dma_start3A_167 : memref<10240x80xf32, #tpu.memory_space<hbm>>) target(%dma_start3A_161 : memref<128x80xf32, #tpu.memory_space<vmem>>) offsets(%dma_start3A_164 : memref<128xi32, #tpu.memory_space<vmem>>) semaphore(%arg12 : memref<!tpu.dma_semaphore, #tpu.memory_space<semaphore_mem>>)
      %scan3A_168 = arith.constant 0 : i32
      %scan3A_169 = arith.constant 0 : i32
      %scan3A_170 = arith.constant 40 : i32
      %scan3A_171 = arith.addi %scan3A_169, %scan3A_170 : i32
      %scan3A_172 = arith.constant 1 : i32
      %scan3A_173 = scf.for %scan3A_240 = %scan3A_169 to %scan3A_171 step %scan3A_172 iter_args(%scan3A_241 = %scan3A_168) -> (i32)  : i32 {
        %mul3A_242 = arith.constant 4 : i32
        %mul3A_243 = arith.muli %mul3A_242, %scan3A_240 : i32
        %add3A_244 = arith.constant 0 : i32
        %add3A_245 = arith.addi %mul3A_243, %add3A_244 : i32
        %dma_wait3A_246 = arith.constant 0 : i32
        %dma_wait3A_247 = arith.constant 0 : i32
        %dma_wait3A_248 = arith.constant 0 : i32
        %dma_wait3A_249 = arith.constant 0 : i32
        %dma_wait3A_250 = arith.constant 0 : i32
        %dma_wait3A_251 = tpu.memref_slice %arg9[%dma_wait3A_248, %dma_wait3A_249, %dma_wait3A_250] : memref<2x128x80xf32, #tpu.memory_space<vmem>> -> memref<1x128x80xf32, #tpu.memory_space<vmem>>
        %dma_wait3A_252 = tpu.memref_squeeze %dma_wait3A_251 : memref<1x128x80xf32, #tpu.memory_space<vmem>> -> memref<128x80xf32, #tpu.memory_space<vmem>>
        %dma_wait3A_253 = arith.constant 0 : i32
        %dma_wait3A_254 = tpu.memref_slice %arg8[%dma_wait3A_246, %dma_wait3A_247, %dma_wait3A_253] : memref<4x2x128xi32, #tpu.memory_space<vmem>> -> memref<1x1x128xi32, #tpu.memory_space<vmem>>
        %dma_wait3A_255 = tpu.memref_squeeze %dma_wait3A_254 : memref<1x1x128xi32, #tpu.memory_space<vmem>> -> memref<128xi32, #tpu.memory_space<vmem>>
        %dma_wait3A_256 = arith.constant 0 : i32
        %dma_wait3A_257 = arith.constant 0 : i32
        %dma_wait3A_258 = tpu.memref_slice %arg3[%dma_wait3A_256, %dma_wait3A_257] : memref<10240x80xf32, #tpu.memory_space<hbm>> -> memref<10240x80xf32, #tpu.memory_space<hbm>>
        tpu.wait_indirect_dma semaphore(%arg11 : memref<!tpu.dma_semaphore, #tpu.memory_space<semaphore_mem>>) src(%dma_wait3A_258 : memref<10240x80xf32, #tpu.memory_space<hbm>>) dst(%dma_wait3A_252 : memref<128x80xf32, #tpu.memory_space<vmem>>)
        %run_scoped3A_259 = arith.constant 0 : i32
        %run_scoped3A_260 = arith.constant 0 : i32
        %run_scoped3A_261 = arith.constant 1 : i32
        "tpu.region"() ({
          %run_scoped3A_529 = tpu.sem_alloc : memref<!tpu.dma_semaphore, #tpu.memory_space<semaphore_mem>>
          %dma_start3A_530 = arith.constant 0 : i32
          %dma_start3A_531 = arith.constant 0 : i32
          %dma_start3A_532 = tpu.memref_slice %arg9[%run_scoped3A_259, %dma_start3A_530, %dma_start3A_531] : memref<2x128x80xf32, #tpu.memory_space<vmem>> -> memref<1x128x80xf32, #tpu.memory_space<vmem>>
          %dma_start3A_533 = tpu.memref_squeeze %dma_start3A_532 : memref<1x128x80xf32, #tpu.memory_space<vmem>> -> memref<128x80xf32, #tpu.memory_space<vmem>>
          %dma_start3A_534 = arith.constant 0 : i32
          %dma_start3A_535 = tpu.memref_slice %arg8[%run_scoped3A_260, %run_scoped3A_261, %dma_start3A_534] : memref<4x2x128xi32, #tpu.memory_space<vmem>> -> memref<1x1x128xi32, #tpu.memory_space<vmem>>
          %dma_start3A_536 = tpu.memref_squeeze %dma_start3A_535 : memref<1x1x128xi32, #tpu.memory_space<vmem>> -> memref<128xi32, #tpu.memory_space<vmem>>
          %dma_start3A_537 = arith.constant 0 : i32
          %dma_start3A_538 = arith.constant 0 : i32
          %dma_start3A_539 = tpu.memref_slice %arg10[%dma_start3A_537, %dma_start3A_538] : memref<10240x80xf32, #tpu.memory_space<vmem_shared>> -> memref<10240x80xf32, #tpu.memory_space<vmem_shared>>
          tpu.enqueue_indirect_dma source(%dma_start3A_533 : memref<128x80xf32, #tpu.memory_space<vmem>>) target(%dma_start3A_539 : memref<10240x80xf32, #tpu.memory_space<vmem_shared>>) offsets(%dma_start3A_536 : memref<128xi32, #tpu.memory_space<vmem>>) semaphore(%run_scoped3A_529 : memref<!tpu.dma_semaphore, #tpu.memory_space<semaphore_mem>>) {add = true}
          %dma_wait3A_540 = arith.constant 0 : i32
          %dma_wait3A_541 = arith.constant 0 : i32
          %dma_wait3A_542 = tpu.memref_slice %arg9[%run_scoped3A_259, %dma_wait3A_540, %dma_wait3A_541] : memref<2x128x80xf32, #tpu.memory_space<vmem>> -> memref<1x128x80xf32, #tpu.memory_space<vmem>>
          %dma_wait3A_543 = tpu.memref_squeeze %dma_wait3A_542 : memref<1x128x80xf32, #tpu.memory_space<vmem>> -> memref<128x80xf32, #tpu.memory_space<vmem>>
          %dma_wait3A_544 = arith.constant 0 : i32
          %dma_wait3A_545 = tpu.memref_slice %arg8[%run_scoped3A_260, %run_scoped3A_261, %dma_wait3A_544] : memref<4x2x128xi32, #tpu.memory_space<vmem>> -> memref<1x1x128xi32, #tpu.memory_space<vmem>>
          %dma_wait3A_546 = tpu.memref_squeeze %dma_wait3A_545 : memref<1x1x128xi32, #tpu.memory_space<vmem>> -> memref<128xi32, #tpu.memory_space<vmem>>
          %dma_wait3A_547 = arith.constant 0 : i32
          %dma_wait3A_548 = arith.constant 0 : i32
          %dma_wait3A_549 = tpu.memref_slice %arg10[%dma_wait3A_547, %dma_wait3A_548] : memref<10240x80xf32, #tpu.memory_space<vmem_shared>> -> memref<10240x80xf32, #tpu.memory_space<vmem_shared>>
          tpu.wait_indirect_dma semaphore(%run_scoped3A_529 : memref<!tpu.dma_semaphore, #tpu.memory_space<semaphore_mem>>) src(%dma_wait3A_543 : memref<128x80xf32, #tpu.memory_space<vmem>>) dst(%dma_wait3A_549 : memref<10240x80xf32, #tpu.memory_space<vmem_shared>>)
          tpu.yield
        }) : () -> ()
        %add3A_262 = arith.constant 4 : i32
        %add3A_263 = arith.addi %add3A_245, %add3A_262 : i32
        %add3A_264 = arith.addi %mul3A_29, %add3A_263 : i32
        %dma_start3A_265 = arith.constant 0 : i32
        %dma_start3A_266 = arith.constant 0 : i32
        %dma_start3A_267 = arith.constant 0 : i32
        %dma_start3A_268 = tpu.memref_slice %arg8[%dma_start3A_265, %dma_start3A_266, %dma_start3A_267] : memref<4x2x128xi32, #tpu.memory_space<vmem>> -> memref<1x2x128xi32, #tpu.memory_space<vmem>>
        %dma_start3A_269 = tpu.memref_squeeze %dma_start3A_268 : memref<1x2x128xi32, #tpu.memory_space<vmem>> -> memref<2x128xi32, #tpu.memory_space<vmem>>
        %dma_start3A_270 = arith.constant 0 : i32
        %dma_start3A_271 = arith.constant 0 : i32
        %dma_start3A_272 = tpu.memref_slice %arg5[%add3A_264, %dma_start3A_270, %dma_start3A_271] : memref<2624x2x128xi32, #tpu.memory_space<hbm>> -> memref<1x2x128xi32, #tpu.memory_space<hbm>>
        %dma_start3A_273 = tpu.memref_squeeze %dma_start3A_272 : memref<1x2x128xi32, #tpu.memory_space<hbm>> -> memref<2x128xi32, #tpu.memory_space<hbm>>
        %dma_start3A_274 = arith.constant 0 : i32
        %dma_start3A_275 = arith.constant 0 : i32
        %dma_start3A_276 = tpu.memref_slice %arg8[%dma_start3A_265, %dma_start3A_274, %dma_start3A_275] : memref<4x2x128xi32, #tpu.memory_space<vmem>> -> memref<1x2x128xi32, #tpu.memory_space<vmem>>
        %dma_start3A_277 = tpu.memref_squeeze %dma_start3A_276 : memref<1x2x128xi32, #tpu.memory_space<vmem>> -> memref<2x128xi32, #tpu.memory_space<vmem>>
        %dma_start3A_278 = arith.constant 0 : i32
        %dma_start3A_279 = arith.constant 0 : i32
        %dma_start3A_280 = tpu.memref_slice %arg5[%add3A_264, %dma_start3A_278, %dma_start3A_279] : memref<2624x2x128xi32, #tpu.memory_space<hbm>> -> memref<1x2x128xi32, #tpu.memory_space<hbm>>
        %dma_start3A_281 = tpu.memref_squeeze %dma_start3A_280 : memref<1x2x128xi32, #tpu.memory_space<hbm>> -> memref<2x128xi32, #tpu.memory_space<hbm>>
        tpu.enqueue_dma source(%dma_start3A_281 : memref<2x128xi32, #tpu.memory_space<hbm>>) target(%dma_start3A_277 : memref<2x128xi32, #tpu.memory_space<vmem>>) target_semaphore(%arg13 : memref<!tpu.dma_semaphore, #tpu.memory_space<semaphore_mem>>)
        %add3A_282 = arith.constant 2 : i32
        %add3A_283 = arith.addi %add3A_245, %add3A_282 : i32
        %add3A_284 = arith.addi %mul3A_29, %add3A_283 : i32
        %dma_wait3A_285 = arith.constant 2 : i32
        %dma_wait3A_286 = arith.constant 0 : i32
        %dma_wait3A_287 = arith.constant 0 : i32
        %dma_wait3A_288 = tpu.memref_slice %arg8[%dma_wait3A_285, %dma_wait3A_286, %dma_wait3A_287] : memref<4x2x128xi32, #tpu.memory_space<vmem>> -> memref<1x2x128xi32, #tpu.memory_space<vmem>>
        %dma_wait3A_289 = tpu.memref_squeeze %dma_wait3A_288 : memref<1x2x128xi32, #tpu.memory_space<vmem>> -> memref<2x128xi32, #tpu.memory_space<vmem>>
        %dma_wait3A_290 = arith.constant 0 : i32
        %dma_wait3A_291 = arith.constant 0 : i32
        %dma_wait3A_292 = tpu.memref_slice %arg5[%add3A_284, %dma_wait3A_290, %dma_wait3A_291] : memref<2624x2x128xi32, #tpu.memory_space<hbm>> -> memref<1x2x128xi32, #tpu.memory_space<hbm>>
        %dma_wait3A_293 = tpu.memref_squeeze %dma_wait3A_292 : memref<1x2x128xi32, #tpu.memory_space<hbm>> -> memref<2x128xi32, #tpu.memory_space<hbm>>
        %dma_wait3A_294 = arith.constant 0 : i32
        %dma_wait3A_295 = arith.constant 0 : i32
        %dma_wait3A_296 = tpu.memref_slice %arg8[%dma_wait3A_285, %dma_wait3A_294, %dma_wait3A_295] : memref<4x2x128xi32, #tpu.memory_space<vmem>> -> memref<1x2x128xi32, #tpu.memory_space<vmem>>
        %dma_wait3A_297 = tpu.memref_squeeze %dma_wait3A_296 : memref<1x2x128xi32, #tpu.memory_space<vmem>> -> memref<2x128xi32, #tpu.memory_space<vmem>>
        %dma_wait3A_298 = arith.constant 0 : i32
        %dma_wait3A_299 = arith.constant 0 : i32
        %dma_wait3A_300 = tpu.memref_slice %arg5[%add3A_284, %dma_wait3A_298, %dma_wait3A_299] : memref<2624x2x128xi32, #tpu.memory_space<hbm>> -> memref<1x2x128xi32, #tpu.memory_space<hbm>>
        %dma_wait3A_301 = tpu.memref_squeeze %dma_wait3A_300 : memref<1x2x128xi32, #tpu.memory_space<hbm>> -> memref<2x128xi32, #tpu.memory_space<hbm>>
        tpu.wait_dma2 semaphore(%arg15 : memref<!tpu.dma_semaphore, #tpu.memory_space<semaphore_mem>>) src(%dma_wait3A_301 : memref<2x128xi32, #tpu.memory_space<hbm>>) dst(%dma_wait3A_297 : memref<2x128xi32, #tpu.memory_space<vmem>>)
        %dma_start3A_302 = arith.constant 2 : i32
        %dma_start3A_303 = arith.constant 0 : i32
        %dma_start3A_304 = arith.constant 0 : i32
        %dma_start3A_305 = arith.constant 0 : i32
        %dma_start3A_306 = arith.constant 0 : i32
        %dma_start3A_307 = tpu.memref_slice %arg9[%dma_start3A_304, %dma_start3A_305, %dma_start3A_306] : memref<2x128x80xf32, #tpu.memory_space<vmem>> -> memref<1x128x80xf32, #tpu.memory_space<vmem>>
        %dma_start3A_308 = tpu.memref_squeeze %dma_start3A_307 : memref<1x128x80xf32, #tpu.memory_space<vmem>> -> memref<128x80xf32, #tpu.memory_space<vmem>>
        %dma_start3A_309 = arith.constant 0 : i32
        %dma_start3A_310 = tpu.memref_slice %arg8[%dma_start3A_302, %dma_start3A_303, %dma_start3A_309] : memref<4x2x128xi32, #tpu.memory_space<vmem>> -> memref<1x1x128xi32, #tpu.memory_space<vmem>>
        %dma_start3A_311 = tpu.memref_squeeze %dma_start3A_310 : memref<1x1x128xi32, #tpu.memory_space<vmem>> -> memref<128xi32, #tpu.memory_space<vmem>>
        %dma_start3A_312 = arith.constant 0 : i32
        %dma_start3A_313 = arith.constant 0 : i32
        %dma_start3A_314 = tpu.memref_slice %arg3[%dma_start3A_312, %dma_start3A_313] : memref<10240x80xf32, #tpu.memory_space<hbm>> -> memref<10240x80xf32, #tpu.memory_space<hbm>>
        tpu.enqueue_indirect_dma source(%dma_start3A_314 : memref<10240x80xf32, #tpu.memory_space<hbm>>) target(%dma_start3A_308 : memref<128x80xf32, #tpu.memory_space<vmem>>) offsets(%dma_start3A_311 : memref<128xi32, #tpu.memory_space<vmem>>) semaphore(%arg11 : memref<!tpu.dma_semaphore, #tpu.memory_space<semaphore_mem>>)
        %add3A_315 = arith.constant 1 : i32
        %add3A_316 = arith.addi %mul3A_243, %add3A_315 : i32
        %dma_wait3A_317 = arith.constant 1 : i32
        %dma_wait3A_318 = arith.constant 0 : i32
        %dma_wait3A_319 = arith.constant 1 : i32
        %dma_wait3A_320 = arith.constant 0 : i32
        %dma_wait3A_321 = arith.constant 0 : i32
        %dma_wait3A_322 = tpu.memref_slice %arg9[%dma_wait3A_319, %dma_wait3A_320, %dma_wait3A_321] : memref<2x128x80xf32, #tpu.memory_space<vmem>> -> memref<1x128x80xf32, #tpu.memory_space<vmem>>
        %dma_wait3A_323 = tpu.memref_squeeze %dma_wait3A_322 : memref<1x128x80xf32, #tpu.memory_space<vmem>> -> memref<128x80xf32, #tpu.memory_space<vmem>>
        %dma_wait3A_324 = arith.constant 0 : i32
        %dma_wait3A_325 = tpu.memref_slice %arg8[%dma_wait3A_317, %dma_wait3A_318, %dma_wait3A_324] : memref<4x2x128xi32, #tpu.memory_space<vmem>> -> memref<1x1x128xi32, #tpu.memory_space<vmem>>
        %dma_wait3A_326 = tpu.memref_squeeze %dma_wait3A_325 : memref<1x1x128xi32, #tpu.memory_space<vmem>> -> memref<128xi32, #tpu.memory_space<vmem>>
        %dma_wait3A_327 = arith.constant 0 : i32
        %dma_wait3A_328 = arith.constant 0 : i32
        %dma_wait3A_329 = tpu.memref_slice %arg3[%dma_wait3A_327, %dma_wait3A_328] : memref<10240x80xf32, #tpu.memory_space<hbm>> -> memref<10240x80xf32, #tpu.memory_space<hbm>>
        tpu.wait_indirect_dma semaphore(%arg12 : memref<!tpu.dma_semaphore, #tpu.memory_space<semaphore_mem>>) src(%dma_wait3A_329 : memref<10240x80xf32, #tpu.memory_space<hbm>>) dst(%dma_wait3A_323 : memref<128x80xf32, #tpu.memory_space<vmem>>)
        %run_scoped3A_330 = arith.constant 1 : i32
        %run_scoped3A_331 = arith.constant 1 : i32
        %run_scoped3A_332 = arith.constant 1 : i32
        "tpu.region"() ({
          %run_scoped3A_529 = tpu.sem_alloc : memref<!tpu.dma_semaphore, #tpu.memory_space<semaphore_mem>>
          %dma_start3A_530 = arith.constant 0 : i32
          %dma_start3A_531 = arith.constant 0 : i32
          %dma_start3A_532 = tpu.memref_slice %arg9[%run_scoped3A_330, %dma_start3A_530, %dma_start3A_531] : memref<2x128x80xf32, #tpu.memory_space<vmem>> -> memref<1x128x80xf32, #tpu.memory_space<vmem>>
          %dma_start3A_533 = tpu.memref_squeeze %dma_start3A_532 : memref<1x128x80xf32, #tpu.memory_space<vmem>> -> memref<128x80xf32, #tpu.memory_space<vmem>>
          %dma_start3A_534 = arith.constant 0 : i32
          %dma_start3A_535 = tpu.memref_slice %arg8[%run_scoped3A_331, %run_scoped3A_332, %dma_start3A_534] : memref<4x2x128xi32, #tpu.memory_space<vmem>> -> memref<1x1x128xi32, #tpu.memory_space<vmem>>
          %dma_start3A_536 = tpu.memref_squeeze %dma_start3A_535 : memref<1x1x128xi32, #tpu.memory_space<vmem>> -> memref<128xi32, #tpu.memory_space<vmem>>
          %dma_start3A_537 = arith.constant 0 : i32
          %dma_start3A_538 = arith.constant 0 : i32
          %dma_start3A_539 = tpu.memref_slice %arg10[%dma_start3A_537, %dma_start3A_538] : memref<10240x80xf32, #tpu.memory_space<vmem_shared>> -> memref<10240x80xf32, #tpu.memory_space<vmem_shared>>
          tpu.enqueue_indirect_dma source(%dma_start3A_533 : memref<128x80xf32, #tpu.memory_space<vmem>>) target(%dma_start3A_539 : memref<10240x80xf32, #tpu.memory_space<vmem_shared>>) offsets(%dma_start3A_536 : memref<128xi32, #tpu.memory_space<vmem>>) semaphore(%run_scoped3A_529 : memref<!tpu.dma_semaphore, #tpu.memory_space<semaphore_mem>>) {add = true}
          %dma_wait3A_540 = arith.constant 0 : i32
          %dma_wait3A_541 = arith.constant 0 : i32
          %dma_wait3A_542 = tpu.memref_slice %arg9[%run_scoped3A_330, %dma_wait3A_540, %dma_wait3A_541] : memref<2x128x80xf32, #tpu.memory_space<vmem>> -> memref<1x128x80xf32, #tpu.memory_space<vmem>>
          %dma_wait3A_543 = tpu.memref_squeeze %dma_wait3A_542 : memref<1x128x80xf32, #tpu.memory_space<vmem>> -> memref<128x80xf32, #tpu.memory_space<vmem>>
          %dma_wait3A_544 = arith.constant 0 : i32
          %dma_wait3A_545 = tpu.memref_slice %arg8[%run_scoped3A_331, %run_scoped3A_332, %dma_wait3A_544] : memref<4x2x128xi32, #tpu.memory_space<vmem>> -> memref<1x1x128xi32, #tpu.memory_space<vmem>>
          %dma_wait3A_546 = tpu.memref_squeeze %dma_wait3A_545 : memref<1x1x128xi32, #tpu.memory_space<vmem>> -> memref<128xi32, #tpu.memory_space<vmem>>
          %dma_wait3A_547 = arith.constant 0 : i32
          %dma_wait3A_548 = arith.constant 0 : i32
          %dma_wait3A_549 = tpu.memref_slice %arg10[%dma_wait3A_547, %dma_wait3A_548] : memref<10240x80xf32, #tpu.memory_space<vmem_shared>> -> memref<10240x80xf32, #tpu.memory_space<vmem_shared>>
          tpu.wait_indirect_dma semaphore(%run_scoped3A_529 : memref<!tpu.dma_semaphore, #tpu.memory_space<semaphore_mem>>) src(%dma_wait3A_543 : memref<128x80xf32, #tpu.memory_space<vmem>>) dst(%dma_wait3A_549 : memref<10240x80xf32, #tpu.memory_space<vmem_shared>>)
          tpu.yield
        }) : () -> ()
        %add3A_333 = arith.constant 4 : i32
        %add3A_334 = arith.addi %add3A_316, %add3A_333 : i32
        %add3A_335 = arith.addi %mul3A_29, %add3A_334 : i32
        %dma_start3A_336 = arith.constant 1 : i32
        %dma_start3A_337 = arith.constant 0 : i32
        %dma_start3A_338 = arith.constant 0 : i32
        %dma_start3A_339 = tpu.memref_slice %arg8[%dma_start3A_336, %dma_start3A_337, %dma_start3A_338] : memref<4x2x128xi32, #tpu.memory_space<vmem>> -> memref<1x2x128xi32, #tpu.memory_space<vmem>>
        %dma_start3A_340 = tpu.memref_squeeze %dma_start3A_339 : memref<1x2x128xi32, #tpu.memory_space<vmem>> -> memref<2x128xi32, #tpu.memory_space<vmem>>
        %dma_start3A_341 = arith.constant 0 : i32
        %dma_start3A_342 = arith.constant 0 : i32
        %dma_start3A_343 = tpu.memref_slice %arg5[%add3A_335, %dma_start3A_341, %dma_start3A_342] : memref<2624x2x128xi32, #tpu.memory_space<hbm>> -> memref<1x2x128xi32, #tpu.memory_space<hbm>>
        %dma_start3A_344 = tpu.memref_squeeze %dma_start3A_343 : memref<1x2x128xi32, #tpu.memory_space<hbm>> -> memref<2x128xi32, #tpu.memory_space<hbm>>
        %dma_start3A_345 = arith.constant 0 : i32
        %dma_start3A_346 = arith.constant 0 : i32
        %dma_start3A_347 = tpu.memref_slice %arg8[%dma_start3A_336, %dma_start3A_345, %dma_start3A_346] : memref<4x2x128xi32, #tpu.memory_space<vmem>> -> memref<1x2x128xi32, #tpu.memory_space<vmem>>
        %dma_start3A_348 = tpu.memref_squeeze %dma_start3A_347 : memref<1x2x128xi32, #tpu.memory_space<vmem>> -> memref<2x128xi32, #tpu.memory_space<vmem>>
        %dma_start3A_349 = arith.constant 0 : i32
        %dma_start3A_350 = arith.constant 0 : i32
        %dma_start3A_351 = tpu.memref_slice %arg5[%add3A_335, %dma_start3A_349, %dma_start3A_350] : memref<2624x2x128xi32, #tpu.memory_space<hbm>> -> memref<1x2x128xi32, #tpu.memory_space<hbm>>
        %dma_start3A_352 = tpu.memref_squeeze %dma_start3A_351 : memref<1x2x128xi32, #tpu.memory_space<hbm>> -> memref<2x128xi32, #tpu.memory_space<hbm>>
        tpu.enqueue_dma source(%dma_start3A_352 : memref<2x128xi32, #tpu.memory_space<hbm>>) target(%dma_start3A_348 : memref<2x128xi32, #tpu.memory_space<vmem>>) target_semaphore(%arg14 : memref<!tpu.dma_semaphore, #tpu.memory_space<semaphore_mem>>)
        %add3A_353 = arith.constant 2 : i32
        %add3A_354 = arith.addi %add3A_316, %add3A_353 : i32
        %add3A_355 = arith.addi %mul3A_29, %add3A_354 : i32
        %dma_wait3A_356 = arith.constant 3 : i32
        %dma_wait3A_357 = arith.constant 0 : i32
        %dma_wait3A_358 = arith.constant 0 : i32
        %dma_wait3A_359 = tpu.memref_slice %arg8[%dma_wait3A_356, %dma_wait3A_357, %dma_wait3A_358] : memref<4x2x128xi32, #tpu.memory_space<vmem>> -> memref<1x2x128xi32, #tpu.memory_space<vmem>>
        %dma_wait3A_360 = tpu.memref_squeeze %dma_wait3A_359 : memref<1x2x128xi32, #tpu.memory_space<vmem>> -> memref<2x128xi32, #tpu.memory_space<vmem>>
        %dma_wait3A_361 = arith.constant 0 : i32
        %dma_wait3A_362 = arith.constant 0 : i32
        %dma_wait3A_363 = tpu.memref_slice %arg5[%add3A_355, %dma_wait3A_361, %dma_wait3A_362] : memref<2624x2x128xi32, #tpu.memory_space<hbm>> -> memref<1x2x128xi32, #tpu.memory_space<hbm>>
        %dma_wait3A_364 = tpu.memref_squeeze %dma_wait3A_363 : memref<1x2x128xi32, #tpu.memory_space<hbm>> -> memref<2x128xi32, #tpu.memory_space<hbm>>
        %dma_wait3A_365 = arith.constant 0 : i32
        %dma_wait3A_366 = arith.constant 0 : i32
        %dma_wait3A_367 = tpu.memref_slice %arg8[%dma_wait3A_356, %dma_wait3A_365, %dma_wait3A_366] : memref<4x2x128xi32, #tpu.memory_space<vmem>> -> memref<1x2x128xi32, #tpu.memory_space<vmem>>
        %dma_wait3A_368 = tpu.memref_squeeze %dma_wait3A_367 : memref<1x2x128xi32, #tpu.memory_space<vmem>> -> memref<2x128xi32, #tpu.memory_space<vmem>>
        %dma_wait3A_369 = arith.constant 0 : i32
        %dma_wait3A_370 = arith.constant 0 : i32
        %dma_wait3A_371 = tpu.memref_slice %arg5[%add3A_355, %dma_wait3A_369, %dma_wait3A_370] : memref<2624x2x128xi32, #tpu.memory_space<hbm>> -> memref<1x2x128xi32, #tpu.memory_space<hbm>>
        %dma_wait3A_372 = tpu.memref_squeeze %dma_wait3A_371 : memref<1x2x128xi32, #tpu.memory_space<hbm>> -> memref<2x128xi32, #tpu.memory_space<hbm>>
        tpu.wait_dma2 semaphore(%arg16 : memref<!tpu.dma_semaphore, #tpu.memory_space<semaphore_mem>>) src(%dma_wait3A_372 : memref<2x128xi32, #tpu.memory_space<hbm>>) dst(%dma_wait3A_368 : memref<2x128xi32, #tpu.memory_space<vmem>>)
        %dma_start3A_373 = arith.constant 3 : i32
        %dma_start3A_374 = arith.constant 0 : i32
        %dma_start3A_375 = arith.constant 1 : i32
        %dma_start3A_376 = arith.constant 0 : i32
        %dma_start3A_377 = arith.constant 0 : i32
        %dma_start3A_378 = tpu.memref_slice %arg9[%dma_start3A_375, %dma_start3A_376, %dma_start3A_377] : memref<2x128x80xf32, #tpu.memory_space<vmem>> -> memref<1x128x80xf32, #tpu.memory_space<vmem>>
        %dma_start3A_379 = tpu.memref_squeeze %dma_start3A_378 : memref<1x128x80xf32, #tpu.memory_space<vmem>> -> memref<128x80xf32, #tpu.memory_space<vmem>>
        %dma_start3A_380 = arith.constant 0 : i32
        %dma_start3A_381 = tpu.memref_slice %arg8[%dma_start3A_373, %dma_start3A_374, %dma_start3A_380] : memref<4x2x128xi32, #tpu.memory_space<vmem>> -> memref<1x1x128xi32, #tpu.memory_space<vmem>>
        %dma_start3A_382 = tpu.memref_squeeze %dma_start3A_381 : memref<1x1x128xi32, #tpu.memory_space<vmem>> -> memref<128xi32, #tpu.memory_space<vmem>>
        %dma_start3A_383 = arith.constant 0 : i32
        %dma_start3A_384 = arith.constant 0 : i32
        %dma_start3A_385 = tpu.memref_slice %arg3[%dma_start3A_383, %dma_start3A_384] : memref<10240x80xf32, #tpu.memory_space<hbm>> -> memref<10240x80xf32, #tpu.memory_space<hbm>>
        tpu.enqueue_indirect_dma source(%dma_start3A_385 : memref<10240x80xf32, #tpu.memory_space<hbm>>) target(%dma_start3A_379 : memref<128x80xf32, #tpu.memory_space<vmem>>) offsets(%dma_start3A_382 : memref<128xi32, #tpu.memory_space<vmem>>) semaphore(%arg12 : memref<!tpu.dma_semaphore, #tpu.memory_space<semaphore_mem>>)
        %add3A_386 = arith.constant 2 : i32
        %add3A_387 = arith.addi %mul3A_243, %add3A_386 : i32
        %dma_wait3A_388 = arith.constant 2 : i32
        %dma_wait3A_389 = arith.constant 0 : i32
        %dma_wait3A_390 = arith.constant 0 : i32
        %dma_wait3A_391 = arith.constant 0 : i32
        %dma_wait3A_392 = arith.constant 0 : i32
        %dma_wait3A_393 = tpu.memref_slice %arg9[%dma_wait3A_390, %dma_wait3A_391, %dma_wait3A_392] : memref<2x128x80xf32, #tpu.memory_space<vmem>> -> memref<1x128x80xf32, #tpu.memory_space<vmem>>
        %dma_wait3A_394 = tpu.memref_squeeze %dma_wait3A_393 : memref<1x128x80xf32, #tpu.memory_space<vmem>> -> memref<128x80xf32, #tpu.memory_space<vmem>>
        %dma_wait3A_395 = arith.constant 0 : i32
        %dma_wait3A_396 = tpu.memref_slice %arg8[%dma_wait3A_388, %dma_wait3A_389, %dma_wait3A_395] : memref<4x2x128xi32, #tpu.memory_space<vmem>> -> memref<1x1x128xi32, #tpu.memory_space<vmem>>
        %dma_wait3A_397 = tpu.memref_squeeze %dma_wait3A_396 : memref<1x1x128xi32, #tpu.memory_space<vmem>> -> memref<128xi32, #tpu.memory_space<vmem>>
        %dma_wait3A_398 = arith.constant 0 : i32
        %dma_wait3A_399 = arith.constant 0 : i32
        %dma_wait3A_400 = tpu.memref_slice %arg3[%dma_wait3A_398, %dma_wait3A_399] : memref<10240x80xf32, #tpu.memory_space<hbm>> -> memref<10240x80xf32, #tpu.memory_space<hbm>>
        tpu.wait_indirect_dma semaphore(%arg11 : memref<!tpu.dma_semaphore, #tpu.memory_space<semaphore_mem>>) src(%dma_wait3A_400 : memref<10240x80xf32, #tpu.memory_space<hbm>>) dst(%dma_wait3A_394 : memref<128x80xf32, #tpu.memory_space<vmem>>)
        %run_scoped3A_401 = arith.constant 0 : i32
        %run_scoped3A_402 = arith.constant 2 : i32
        %run_scoped3A_403 = arith.constant 1 : i32
        "tpu.region"() ({
          %run_scoped3A_529 = tpu.sem_alloc : memref<!tpu.dma_semaphore, #tpu.memory_space<semaphore_mem>>
          %dma_start3A_530 = arith.constant 0 : i32
          %dma_start3A_531 = arith.constant 0 : i32
          %dma_start3A_532 = tpu.memref_slice %arg9[%run_scoped3A_401, %dma_start3A_530, %dma_start3A_531] : memref<2x128x80xf32, #tpu.memory_space<vmem>> -> memref<1x128x80xf32, #tpu.memory_space<vmem>>
          %dma_start3A_533 = tpu.memref_squeeze %dma_start3A_532 : memref<1x128x80xf32, #tpu.memory_space<vmem>> -> memref<128x80xf32, #tpu.memory_space<vmem>>
          %dma_start3A_534 = arith.constant 0 : i32
          %dma_start3A_535 = tpu.memref_slice %arg8[%run_scoped3A_402, %run_scoped3A_403, %dma_start3A_534] : memref<4x2x128xi32, #tpu.memory_space<vmem>> -> memref<1x1x128xi32, #tpu.memory_space<vmem>>
          %dma_start3A_536 = tpu.memref_squeeze %dma_start3A_535 : memref<1x1x128xi32, #tpu.memory_space<vmem>> -> memref<128xi32, #tpu.memory_space<vmem>>
          %dma_start3A_537 = arith.constant 0 : i32
          %dma_start3A_538 = arith.constant 0 : i32
          %dma_start3A_539 = tpu.memref_slice %arg10[%dma_start3A_537, %dma_start3A_538] : memref<10240x80xf32, #tpu.memory_space<vmem_shared>> -> memref<10240x80xf32, #tpu.memory_space<vmem_shared>>
          tpu.enqueue_indirect_dma source(%dma_start3A_533 : memref<128x80xf32, #tpu.memory_space<vmem>>) target(%dma_start3A_539 : memref<10240x80xf32, #tpu.memory_space<vmem_shared>>) offsets(%dma_start3A_536 : memref<128xi32, #tpu.memory_space<vmem>>) semaphore(%run_scoped3A_529 : memref<!tpu.dma_semaphore, #tpu.memory_space<semaphore_mem>>) {add = true}
          %dma_wait3A_540 = arith.constant 0 : i32
          %dma_wait3A_541 = arith.constant 0 : i32
          %dma_wait3A_542 = tpu.memref_slice %arg9[%run_scoped3A_401, %dma_wait3A_540, %dma_wait3A_541] : memref<2x128x80xf32, #tpu.memory_space<vmem>> -> memref<1x128x80xf32, #tpu.memory_space<vmem>>
          %dma_wait3A_543 = tpu.memref_squeeze %dma_wait3A_542 : memref<1x128x80xf32, #tpu.memory_space<vmem>> -> memref<128x80xf32, #tpu.memory_space<vmem>>
          %dma_wait3A_544 = arith.constant 0 : i32
          %dma_wait3A_545 = tpu.memref_slice %arg8[%run_scoped3A_402, %run_scoped3A_403, %dma_wait3A_544] : memref<4x2x128xi32, #tpu.memory_space<vmem>> -> memref<1x1x128xi32, #tpu.memory_space<vmem>>
          %dma_wait3A_546 = tpu.memref_squeeze %dma_wait3A_545 : memref<1x1x128xi32, #tpu.memory_space<vmem>> -> memref<128xi32, #tpu.memory_space<vmem>>
          %dma_wait3A_547 = arith.constant 0 : i32
          %dma_wait3A_548 = arith.constant 0 : i32
          %dma_wait3A_549 = tpu.memref_slice %arg10[%dma_wait3A_547, %dma_wait3A_548] : memref<10240x80xf32, #tpu.memory_space<vmem_shared>> -> memref<10240x80xf32, #tpu.memory_space<vmem_shared>>
          tpu.wait_indirect_dma semaphore(%run_scoped3A_529 : memref<!tpu.dma_semaphore, #tpu.memory_space<semaphore_mem>>) src(%dma_wait3A_543 : memref<128x80xf32, #tpu.memory_space<vmem>>) dst(%dma_wait3A_549 : memref<10240x80xf32, #tpu.memory_space<vmem_shared>>)
          tpu.yield
        }) : () -> ()
        %add3A_404 = arith.constant 4 : i32
        %add3A_405 = arith.addi %add3A_387, %add3A_404 : i32
        %add3A_406 = arith.addi %mul3A_29, %add3A_405 : i32
        %dma_start3A_407 = arith.constant 2 : i32
        %dma_start3A_408 = arith.constant 0 : i32
        %dma_start3A_409 = arith.constant 0 : i32
        %dma_start3A_410 = tpu.memref_slice %arg8[%dma_start3A_407, %dma_start3A_408, %dma_start3A_409] : memref<4x2x128xi32, #tpu.memory_space<vmem>> -> memref<1x2x128xi32, #tpu.memory_space<vmem>>
        %dma_start3A_411 = tpu.memref_squeeze %dma_start3A_410 : memref<1x2x128xi32, #tpu.memory_space<vmem>> -> memref<2x128xi32, #tpu.memory_space<vmem>>
        %dma_start3A_412 = arith.constant 0 : i32
        %dma_start3A_413 = arith.constant 0 : i32
        %dma_start3A_414 = tpu.memref_slice %arg5[%add3A_406, %dma_start3A_412, %dma_start3A_413] : memref<2624x2x128xi32, #tpu.memory_space<hbm>> -> memref<1x2x128xi32, #tpu.memory_space<hbm>>
        %dma_start3A_415 = tpu.memref_squeeze %dma_start3A_414 : memref<1x2x128xi32, #tpu.memory_space<hbm>> -> memref<2x128xi32, #tpu.memory_space<hbm>>
        %dma_start3A_416 = arith.constant 0 : i32
        %dma_start3A_417 = arith.constant 0 : i32
        %dma_start3A_418 = tpu.memref_slice %arg8[%dma_start3A_407, %dma_start3A_416, %dma_start3A_417] : memref<4x2x128xi32, #tpu.memory_space<vmem>> -> memref<1x2x128xi32, #tpu.memory_space<vmem>>
        %dma_start3A_419 = tpu.memref_squeeze %dma_start3A_418 : memref<1x2x128xi32, #tpu.memory_space<vmem>> -> memref<2x128xi32, #tpu.memory_space<vmem>>
        %dma_start3A_420 = arith.constant 0 : i32
        %dma_start3A_421 = arith.constant 0 : i32
        %dma_start3A_422 = tpu.memref_slice %arg5[%add3A_406, %dma_start3A_420, %dma_start3A_421] : memref<2624x2x128xi32, #tpu.memory_space<hbm>> -> memref<1x2x128xi32, #tpu.memory_space<hbm>>
        %dma_start3A_423 = tpu.memref_squeeze %dma_start3A_422 : memref<1x2x128xi32, #tpu.memory_space<hbm>> -> memref<2x128xi32, #tpu.memory_space<hbm>>
        tpu.enqueue_dma source(%dma_start3A_423 : memref<2x128xi32, #tpu.memory_space<hbm>>) target(%dma_start3A_419 : memref<2x128xi32, #tpu.memory_space<vmem>>) target_semaphore(%arg15 : memref<!tpu.dma_semaphore, #tpu.memory_space<semaphore_mem>>)
        %add3A_424 = arith.constant 2 : i32
        %add3A_425 = arith.addi %add3A_387, %add3A_424 : i32
        %add3A_426 = arith.addi %mul3A_29, %add3A_425 : i32
        %dma_wait3A_427 = arith.constant 0 : i32
        %dma_wait3A_428 = arith.constant 0 : i32
        %dma_wait3A_429 = arith.constant 0 : i32
        %dma_wait3A_430 = tpu.memref_slice %arg8[%dma_wait3A_427, %dma_wait3A_428, %dma_wait3A_429] : memref<4x2x128xi32, #tpu.memory_space<vmem>> -> memref<1x2x128xi32, #tpu.memory_space<vmem>>
        %dma_wait3A_431 = tpu.memref_squeeze %dma_wait3A_430 : memref<1x2x128xi32, #tpu.memory_space<vmem>> -> memref<2x128xi32, #tpu.memory_space<vmem>>
        %dma_wait3A_432 = arith.constant 0 : i32
        %dma_wait3A_433 = arith.constant 0 : i32
        %dma_wait3A_434 = tpu.memref_slice %arg5[%add3A_426, %dma_wait3A_432, %dma_wait3A_433] : memref<2624x2x128xi32, #tpu.memory_space<hbm>> -> memref<1x2x128xi32, #tpu.memory_space<hbm>>
        %dma_wait3A_435 = tpu.memref_squeeze %dma_wait3A_434 : memref<1x2x128xi32, #tpu.memory_space<hbm>> -> memref<2x128xi32, #tpu.memory_space<hbm>>
        %dma_wait3A_436 = arith.constant 0 : i32
        %dma_wait3A_437 = arith.constant 0 : i32
        %dma_wait3A_438 = tpu.memref_slice %arg8[%dma_wait3A_427, %dma_wait3A_436, %dma_wait3A_437] : memref<4x2x128xi32, #tpu.memory_space<vmem>> -> memref<1x2x128xi32, #tpu.memory_space<vmem>>
        %dma_wait3A_439 = tpu.memref_squeeze %dma_wait3A_438 : memref<1x2x128xi32, #tpu.memory_space<vmem>> -> memref<2x128xi32, #tpu.memory_space<vmem>>
        %dma_wait3A_440 = arith.constant 0 : i32
        %dma_wait3A_441 = arith.constant 0 : i32
        %dma_wait3A_442 = tpu.memref_slice %arg5[%add3A_426, %dma_wait3A_440, %dma_wait3A_441] : memref<2624x2x128xi32, #tpu.memory_space<hbm>> -> memref<1x2x128xi32, #tpu.memory_space<hbm>>
        %dma_wait3A_443 = tpu.memref_squeeze %dma_wait3A_442 : memref<1x2x128xi32, #tpu.memory_space<hbm>> -> memref<2x128xi32, #tpu.memory_space<hbm>>
        tpu.wait_dma2 semaphore(%arg13 : memref<!tpu.dma_semaphore, #tpu.memory_space<semaphore_mem>>) src(%dma_wait3A_443 : memref<2x128xi32, #tpu.memory_space<hbm>>) dst(%dma_wait3A_439 : memref<2x128xi32, #tpu.memory_space<vmem>>)
        %dma_start3A_444 = arith.constant 0 : i32
        %dma_start3A_445 = arith.constant 0 : i32
        %dma_start3A_446 = arith.constant 0 : i32
        %dma_start3A_447 = arith.constant 0 : i32
        %dma_start3A_448 = arith.constant 0 : i32
        %dma_start3A_449 = tpu.memref_slice %arg9[%dma_start3A_446, %dma_start3A_447, %dma_start3A_448] : memref<2x128x80xf32, #tpu.memory_space<vmem>> -> memref<1x128x80xf32, #tpu.memory_space<vmem>>
        %dma_start3A_450 = tpu.memref_squeeze %dma_start3A_449 : memref<1x128x80xf32, #tpu.memory_space<vmem>> -> memref<128x80xf32, #tpu.memory_space<vmem>>
        %dma_start3A_451 = arith.constant 0 : i32
        %dma_start3A_452 = tpu.memref_slice %arg8[%dma_start3A_444, %dma_start3A_445, %dma_start3A_451] : memref<4x2x128xi32, #tpu.memory_space<vmem>> -> memref<1x1x128xi32, #tpu.memory_space<vmem>>
        %dma_start3A_453 = tpu.memref_squeeze %dma_start3A_452 : memref<1x1x128xi32, #tpu.memory_space<vmem>> -> memref<128xi32, #tpu.memory_space<vmem>>
        %dma_start3A_454 = arith.constant 0 : i32
        %dma_start3A_455 = arith.constant 0 : i32
        %dma_start3A_456 = tpu.memref_slice %arg3[%dma_start3A_454, %dma_start3A_455] : memref<10240x80xf32, #tpu.memory_space<hbm>> -> memref<10240x80xf32, #tpu.memory_space<hbm>>
        tpu.enqueue_indirect_dma source(%dma_start3A_456 : memref<10240x80xf32, #tpu.memory_space<hbm>>) target(%dma_start3A_450 : memref<128x80xf32, #tpu.memory_space<vmem>>) offsets(%dma_start3A_453 : memref<128xi32, #tpu.memory_space<vmem>>) semaphore(%arg11 : memref<!tpu.dma_semaphore, #tpu.memory_space<semaphore_mem>>)
        %add3A_457 = arith.constant 3 : i32
        %add3A_458 = arith.addi %mul3A_243, %add3A_457 : i32
        %dma_wait3A_459 = arith.constant 3 : i32
        %dma_wait3A_460 = arith.constant 0 : i32
        %dma_wait3A_461 = arith.constant 1 : i32
        %dma_wait3A_462 = arith.constant 0 : i32
        %dma_wait3A_463 = arith.constant 0 : i32
        %dma_wait3A_464 = tpu.memref_slice %arg9[%dma_wait3A_461, %dma_wait3A_462, %dma_wait3A_463] : memref<2x128x80xf32, #tpu.memory_space<vmem>> -> memref<1x128x80xf32, #tpu.memory_space<vmem>>
        %dma_wait3A_465 = tpu.memref_squeeze %dma_wait3A_464 : memref<1x128x80xf32, #tpu.memory_space<vmem>> -> memref<128x80xf32, #tpu.memory_space<vmem>>
        %dma_wait3A_466 = arith.constant 0 : i32
        %dma_wait3A_467 = tpu.memref_slice %arg8[%dma_wait3A_459, %dma_wait3A_460, %dma_wait3A_466] : memref<4x2x128xi32, #tpu.memory_space<vmem>> -> memref<1x1x128xi32, #tpu.memory_space<vmem>>
        %dma_wait3A_468 = tpu.memref_squeeze %dma_wait3A_467 : memref<1x1x128xi32, #tpu.memory_space<vmem>> -> memref<128xi32, #tpu.memory_space<vmem>>
        %dma_wait3A_469 = arith.constant 0 : i32
        %dma_wait3A_470 = arith.constant 0 : i32
        %dma_wait3A_471 = tpu.memref_slice %arg3[%dma_wait3A_469, %dma_wait3A_470] : memref<10240x80xf32, #tpu.memory_space<hbm>> -> memref<10240x80xf32, #tpu.memory_space<hbm>>
        tpu.wait_indirect_dma semaphore(%arg12 : memref<!tpu.dma_semaphore, #tpu.memory_space<semaphore_mem>>) src(%dma_wait3A_471 : memref<10240x80xf32, #tpu.memory_space<hbm>>) dst(%dma_wait3A_465 : memref<128x80xf32, #tpu.memory_space<vmem>>)
        %run_scoped3A_472 = arith.constant 1 : i32
        %run_scoped3A_473 = arith.constant 3 : i32
        %run_scoped3A_474 = arith.constant 1 : i32
        "tpu.region"() ({
          %run_scoped3A_529 = tpu.sem_alloc : memref<!tpu.dma_semaphore, #tpu.memory_space<semaphore_mem>>
          %dma_start3A_530 = arith.constant 0 : i32
          %dma_start3A_531 = arith.constant 0 : i32
          %dma_start3A_532 = tpu.memref_slice %arg9[%run_scoped3A_472, %dma_start3A_530, %dma_start3A_531] : memref<2x128x80xf32, #tpu.memory_space<vmem>> -> memref<1x128x80xf32, #tpu.memory_space<vmem>>
          %dma_start3A_533 = tpu.memref_squeeze %dma_start3A_532 : memref<1x128x80xf32, #tpu.memory_space<vmem>> -> memref<128x80xf32, #tpu.memory_space<vmem>>
          %dma_start3A_534 = arith.constant 0 : i32
          %dma_start3A_535 = tpu.memref_slice %arg8[%run_scoped3A_473, %run_scoped3A_474, %dma_start3A_534] : memref<4x2x128xi32, #tpu.memory_space<vmem>> -> memref<1x1x128xi32, #tpu.memory_space<vmem>>
          %dma_start3A_536 = tpu.memref_squeeze %dma_start3A_535 : memref<1x1x128xi32, #tpu.memory_space<vmem>> -> memref<128xi32, #tpu.memory_space<vmem>>
          %dma_start3A_537 = arith.constant 0 : i32
          %dma_start3A_538 = arith.constant 0 : i32
          %dma_start3A_539 = tpu.memref_slice %arg10[%dma_start3A_537, %dma_start3A_538] : memref<10240x80xf32, #tpu.memory_space<vmem_shared>> -> memref<10240x80xf32, #tpu.memory_space<vmem_shared>>
          tpu.enqueue_indirect_dma source(%dma_start3A_533 : memref<128x80xf32, #tpu.memory_space<vmem>>) target(%dma_start3A_539 : memref<10240x80xf32, #tpu.memory_space<vmem_shared>>) offsets(%dma_start3A_536 : memref<128xi32, #tpu.memory_space<vmem>>) semaphore(%run_scoped3A_529 : memref<!tpu.dma_semaphore, #tpu.memory_space<semaphore_mem>>) {add = true}
          %dma_wait3A_540 = arith.constant 0 : i32
          %dma_wait3A_541 = arith.constant 0 : i32
          %dma_wait3A_542 = tpu.memref_slice %arg9[%run_scoped3A_472, %dma_wait3A_540, %dma_wait3A_541] : memref<2x128x80xf32, #tpu.memory_space<vmem>> -> memref<1x128x80xf32, #tpu.memory_space<vmem>>
          %dma_wait3A_543 = tpu.memref_squeeze %dma_wait3A_542 : memref<1x128x80xf32, #tpu.memory_space<vmem>> -> memref<128x80xf32, #tpu.memory_space<vmem>>
          %dma_wait3A_544 = arith.constant 0 : i32
          %dma_wait3A_545 = tpu.memref_slice %arg8[%run_scoped3A_473, %run_scoped3A_474, %dma_wait3A_544] : memref<4x2x128xi32, #tpu.memory_space<vmem>> -> memref<1x1x128xi32, #tpu.memory_space<vmem>>
          %dma_wait3A_546 = tpu.memref_squeeze %dma_wait3A_545 : memref<1x1x128xi32, #tpu.memory_space<vmem>> -> memref<128xi32, #tpu.memory_space<vmem>>
          %dma_wait3A_547 = arith.constant 0 : i32
          %dma_wait3A_548 = arith.constant 0 : i32
          %dma_wait3A_549 = tpu.memref_slice %arg10[%dma_wait3A_547, %dma_wait3A_548] : memref<10240x80xf32, #tpu.memory_space<vmem_shared>> -> memref<10240x80xf32, #tpu.memory_space<vmem_shared>>
          tpu.wait_indirect_dma semaphore(%run_scoped3A_529 : memref<!tpu.dma_semaphore, #tpu.memory_space<semaphore_mem>>) src(%dma_wait3A_543 : memref<128x80xf32, #tpu.memory_space<vmem>>) dst(%dma_wait3A_549 : memref<10240x80xf32, #tpu.memory_space<vmem_shared>>)
          tpu.yield
        }) : () -> ()
        %add3A_475 = arith.constant 4 : i32
        %add3A_476 = arith.addi %add3A_458, %add3A_475 : i32
        %add3A_477 = arith.addi %mul3A_29, %add3A_476 : i32
        %dma_start3A_478 = arith.constant 3 : i32
        %dma_start3A_479 = arith.constant 0 : i32
        %dma_start3A_480 = arith.constant 0 : i32
        %dma_start3A_481 = tpu.memref_slice %arg8[%dma_start3A_478, %dma_start3A_479, %dma_start3A_480] : memref<4x2x128xi32, #tpu.memory_space<vmem>> -> memref<1x2x128xi32, #tpu.memory_space<vmem>>
        %dma_start3A_482 = tpu.memref_squeeze %dma_start3A_481 : memref<1x2x128xi32, #tpu.memory_space<vmem>> -> memref<2x128xi32, #tpu.memory_space<vmem>>
        %dma_start3A_483 = arith.constant 0 : i32
        %dma_start3A_484 = arith.constant 0 : i32
        %dma_start3A_485 = tpu.memref_slice %arg5[%add3A_477, %dma_start3A_483, %dma_start3A_484] : memref<2624x2x128xi32, #tpu.memory_space<hbm>> -> memref<1x2x128xi32, #tpu.memory_space<hbm>>
        %dma_start3A_486 = tpu.memref_squeeze %dma_start3A_485 : memref<1x2x128xi32, #tpu.memory_space<hbm>> -> memref<2x128xi32, #tpu.memory_space<hbm>>
        %dma_start3A_487 = arith.constant 0 : i32
        %dma_start3A_488 = arith.constant 0 : i32
        %dma_start3A_489 = tpu.memref_slice %arg8[%dma_start3A_478, %dma_start3A_487, %dma_start3A_488] : memref<4x2x128xi32, #tpu.memory_space<vmem>> -> memref<1x2x128xi32, #tpu.memory_space<vmem>>
        %dma_start3A_490 = tpu.memref_squeeze %dma_start3A_489 : memref<1x2x128xi32, #tpu.memory_space<vmem>> -> memref<2x128xi32, #tpu.memory_space<vmem>>
        %dma_start3A_491 = arith.constant 0 : i32
        %dma_start3A_492 = arith.constant 0 : i32
        %dma_start3A_493 = tpu.memref_slice %arg5[%add3A_477, %dma_start3A_491, %dma_start3A_492] : memref<2624x2x128xi32, #tpu.memory_space<hbm>> -> memref<1x2x128xi32, #tpu.memory_space<hbm>>
        %dma_start3A_494 = tpu.memref_squeeze %dma_start3A_493 : memref<1x2x128xi32, #tpu.memory_space<hbm>> -> memref<2x128xi32, #tpu.memory_space<hbm>>
        tpu.enqueue_dma source(%dma_start3A_494 : memref<2x128xi32, #tpu.memory_space<hbm>>) target(%dma_start3A_490 : memref<2x128xi32, #tpu.memory_space<vmem>>) target_semaphore(%arg16 : memref<!tpu.dma_semaphore, #tpu.memory_space<semaphore_mem>>)
        %add3A_495 = arith.constant 2 : i32
        %add3A_496 = arith.addi %add3A_458, %add3A_495 : i32
        %add3A_497 = arith.addi %mul3A_29, %add3A_496 : i32
        %dma_wait3A_498 = arith.constant 1 : i32
        %dma_wait3A_499 = arith.constant 0 : i32
        %dma_wait3A_500 = arith.constant 0 : i32
        %dma_wait3A_501 = tpu.memref_slice %arg8[%dma_wait3A_498, %dma_wait3A_499, %dma_wait3A_500] : memref<4x2x128xi32, #tpu.memory_space<vmem>> -> memref<1x2x128xi32, #tpu.memory_space<vmem>>
        %dma_wait3A_502 = tpu.memref_squeeze %dma_wait3A_501 : memref<1x2x128xi32, #tpu.memory_space<vmem>> -> memref<2x128xi32, #tpu.memory_space<vmem>>
        %dma_wait3A_503 = arith.constant 0 : i32
        %dma_wait3A_504 = arith.constant 0 : i32
        %dma_wait3A_505 = tpu.memref_slice %arg5[%add3A_497, %dma_wait3A_503, %dma_wait3A_504] : memref<2624x2x128xi32, #tpu.memory_space<hbm>> -> memref<1x2x128xi32, #tpu.memory_space<hbm>>
        %dma_wait3A_506 = tpu.memref_squeeze %dma_wait3A_505 : memref<1x2x128xi32, #tpu.memory_space<hbm>> -> memref<2x128xi32, #tpu.memory_space<hbm>>
        %dma_wait3A_507 = arith.constant 0 : i32
        %dma_wait3A_508 = arith.constant 0 : i32
        %dma_wait3A_509 = tpu.memref_slice %arg8[%dma_wait3A_498, %dma_wait3A_507, %dma_wait3A_508] : memref<4x2x128xi32, #tpu.memory_space<vmem>> -> memref<1x2x128xi32, #tpu.memory_space<vmem>>
        %dma_wait3A_510 = tpu.memref_squeeze %dma_wait3A_509 : memref<1x2x128xi32, #tpu.memory_space<vmem>> -> memref<2x128xi32, #tpu.memory_space<vmem>>
        %dma_wait3A_511 = arith.constant 0 : i32
        %dma_wait3A_512 = arith.constant 0 : i32
        %dma_wait3A_513 = tpu.memref_slice %arg5[%add3A_497, %dma_wait3A_511, %dma_wait3A_512] : memref<2624x2x128xi32, #tpu.memory_space<hbm>> -> memref<1x2x128xi32, #tpu.memory_space<hbm>>
        %dma_wait3A_514 = tpu.memref_squeeze %dma_wait3A_513 : memref<1x2x128xi32, #tpu.memory_space<hbm>> -> memref<2x128xi32, #tpu.memory_space<hbm>>
        tpu.wait_dma2 semaphore(%arg14 : memref<!tpu.dma_semaphore, #tpu.memory_space<semaphore_mem>>) src(%dma_wait3A_514 : memref<2x128xi32, #tpu.memory_space<hbm>>) dst(%dma_wait3A_510 : memref<2x128xi32, #tpu.memory_space<vmem>>)
        %dma_start3A_515 = arith.constant 1 : i32
        %dma_start3A_516 = arith.constant 0 : i32
        %dma_start3A_517 = arith.constant 1 : i32
        %dma_start3A_518 = arith.constant 0 : i32
        %dma_start3A_519 = arith.constant 0 : i32
        %dma_start3A_520 = tpu.memref_slice %arg9[%dma_start3A_517, %dma_start3A_518, %dma_start3A_519] : memref<2x128x80xf32, #tpu.memory_space<vmem>> -> memref<1x128x80xf32, #tpu.memory_space<vmem>>
        %dma_start3A_521 = tpu.memref_squeeze %dma_start3A_520 : memref<1x128x80xf32, #tpu.memory_space<vmem>> -> memref<128x80xf32, #tpu.memory_space<vmem>>
        %dma_start3A_522 = arith.constant 0 : i32
        %dma_start3A_523 = tpu.memref_slice %arg8[%dma_start3A_515, %dma_start3A_516, %dma_start3A_522] : memref<4x2x128xi32, #tpu.memory_space<vmem>> -> memref<1x1x128xi32, #tpu.memory_space<vmem>>
        %dma_start3A_524 = tpu.memref_squeeze %dma_start3A_523 : memref<1x1x128xi32, #tpu.memory_space<vmem>> -> memref<128xi32, #tpu.memory_space<vmem>>
        %dma_start3A_525 = arith.constant 0 : i32
        %dma_start3A_526 = arith.constant 0 : i32
        %dma_start3A_527 = tpu.memref_slice %arg3[%dma_start3A_525, %dma_start3A_526] : memref<10240x80xf32, #tpu.memory_space<hbm>> -> memref<10240x80xf32, #tpu.memory_space<hbm>>
        tpu.enqueue_indirect_dma source(%dma_start3A_527 : memref<10240x80xf32, #tpu.memory_space<hbm>>) target(%dma_start3A_521 : memref<128x80xf32, #tpu.memory_space<vmem>>) offsets(%dma_start3A_524 : memref<128xi32, #tpu.memory_space<vmem>>) semaphore(%arg12 : memref<!tpu.dma_semaphore, #tpu.memory_space<semaphore_mem>>)
        %scan3A_528 = arith.constant 0 : i32
        scf.yield %scan3A_528 : i32
      }
      %scan3A_174 = arith.constant 40 : i32
      %dma_wait3A_175 = arith.constant 0 : i32
      %dma_wait3A_176 = arith.constant 0 : i32
      %dma_wait3A_177 = arith.constant 0 : i32
      %dma_wait3A_178 = arith.constant 0 : i32
      %dma_wait3A_179 = arith.constant 0 : i32
      %dma_wait3A_180 = tpu.memref_slice %arg9[%dma_wait3A_177, %dma_wait3A_178, %dma_wait3A_179] : memref<2x128x80xf32, #tpu.memory_space<vmem>> -> memref<1x128x80xf32, #tpu.memory_space<vmem>>
      %dma_wait3A_181 = tpu.memref_squeeze %dma_wait3A_180 : memref<1x128x80xf32, #tpu.memory_space<vmem>> -> memref<128x80xf32, #tpu.memory_space<vmem>>
      %dma_wait3A_182 = arith.constant 0 : i32
      %dma_wait3A_183 = tpu.memref_slice %arg8[%dma_wait3A_175, %dma_wait3A_176, %dma_wait3A_182] : memref<4x2x128xi32, #tpu.memory_space<vmem>> -> memref<1x1x128xi32, #tpu.memory_space<vmem>>
      %dma_wait3A_184 = tpu.memref_squeeze %dma_wait3A_183 : memref<1x1x128xi32, #tpu.memory_space<vmem>> -> memref<128xi32, #tpu.memory_space<vmem>>
      %dma_wait3A_185 = arith.constant 0 : i32
      %dma_wait3A_186 = arith.constant 0 : i32
      %dma_wait3A_187 = tpu.memref_slice %arg3[%dma_wait3A_185, %dma_wait3A_186] : memref<10240x80xf32, #tpu.memory_space<hbm>> -> memref<10240x80xf32, #tpu.memory_space<hbm>>
      tpu.wait_indirect_dma semaphore(%arg11 : memref<!tpu.dma_semaphore, #tpu.memory_space<semaphore_mem>>) src(%dma_wait3A_187 : memref<10240x80xf32, #tpu.memory_space<hbm>>) dst(%dma_wait3A_181 : memref<128x80xf32, #tpu.memory_space<vmem>>)
      %dma_wait3A_188 = arith.constant 1 : i32
      %dma_wait3A_189 = arith.constant 0 : i32
      %dma_wait3A_190 = arith.constant 1 : i32
      %dma_wait3A_191 = arith.constant 0 : i32
      %dma_wait3A_192 = arith.constant 0 : i32
      %dma_wait3A_193 = tpu.memref_slice %arg9[%dma_wait3A_190, %dma_wait3A_191, %dma_wait3A_192] : memref<2x128x80xf32, #tpu.memory_space<vmem>> -> memref<1x128x80xf32, #tpu.memory_space<vmem>>
      %dma_wait3A_194 = tpu.memref_squeeze %dma_wait3A_193 : memref<1x128x80xf32, #tpu.memory_space<vmem>> -> memref<128x80xf32, #tpu.memory_space<vmem>>
      %dma_wait3A_195 = arith.constant 0 : i32
      %dma_wait3A_196 = tpu.memref_slice %arg8[%dma_wait3A_188, %dma_wait3A_189, %dma_wait3A_195] : memref<4x2x128xi32, #tpu.memory_space<vmem>> -> memref<1x1x128xi32, #tpu.memory_space<vmem>>
      %dma_wait3A_197 = tpu.memref_squeeze %dma_wait3A_196 : memref<1x1x128xi32, #tpu.memory_space<vmem>> -> memref<128xi32, #tpu.memory_space<vmem>>
      %dma_wait3A_198 = arith.constant 0 : i32
      %dma_wait3A_199 = arith.constant 0 : i32
      %dma_wait3A_200 = tpu.memref_slice %arg3[%dma_wait3A_198, %dma_wait3A_199] : memref<10240x80xf32, #tpu.memory_space<hbm>> -> memref<10240x80xf32, #tpu.memory_space<hbm>>
      tpu.wait_indirect_dma semaphore(%arg12 : memref<!tpu.dma_semaphore, #tpu.memory_space<semaphore_mem>>) src(%dma_wait3A_200 : memref<10240x80xf32, #tpu.memory_space<hbm>>) dst(%dma_wait3A_194 : memref<128x80xf32, #tpu.memory_space<vmem>>)
      %add3A_201 = arith.constant 162 : i32
      %add3A_202 = arith.addi %mul3A_29, %add3A_201 : i32
      %dma_wait3A_203 = arith.constant 2 : i32
      %dma_wait3A_204 = arith.constant 0 : i32
      %dma_wait3A_205 = arith.constant 0 : i32
      %dma_wait3A_206 = tpu.memref_slice %arg8[%dma_wait3A_203, %dma_wait3A_204, %dma_wait3A_205] : memref<4x2x128xi32, #tpu.memory_space<vmem>> -> memref<1x2x128xi32, #tpu.memory_space<vmem>>
      %dma_wait3A_207 = tpu.memref_squeeze %dma_wait3A_206 : memref<1x2x128xi32, #tpu.memory_space<vmem>> -> memref<2x128xi32, #tpu.memory_space<vmem>>
      %dma_wait3A_208 = arith.constant 0 : i32
      %dma_wait3A_209 = arith.constant 0 : i32
      %dma_wait3A_210 = tpu.memref_slice %arg5[%add3A_202, %dma_wait3A_208, %dma_wait3A_209] : memref<2624x2x128xi32, #tpu.memory_space<hbm>> -> memref<1x2x128xi32, #tpu.memory_space<hbm>>
      %dma_wait3A_211 = tpu.memref_squeeze %dma_wait3A_210 : memref<1x2x128xi32, #tpu.memory_space<hbm>> -> memref<2x128xi32, #tpu.memory_space<hbm>>
      %dma_wait3A_212 = arith.constant 0 : i32
      %dma_wait3A_213 = arith.constant 0 : i32
      %dma_wait3A_214 = tpu.memref_slice %arg8[%dma_wait3A_203, %dma_wait3A_212, %dma_wait3A_213] : memref<4x2x128xi32, #tpu.memory_space<vmem>> -> memref<1x2x128xi32, #tpu.memory_space<vmem>>
      %dma_wait3A_215 = tpu.memref_squeeze %dma_wait3A_214 : memref<1x2x128xi32, #tpu.memory_space<vmem>> -> memref<2x128xi32, #tpu.memory_space<vmem>>
      %dma_wait3A_216 = arith.constant 0 : i32
      %dma_wait3A_217 = arith.constant 0 : i32
      %dma_wait3A_218 = tpu.memref_slice %arg5[%add3A_202, %dma_wait3A_216, %dma_wait3A_217] : memref<2624x2x128xi32, #tpu.memory_space<hbm>> -> memref<1x2x128xi32, #tpu.memory_space<hbm>>
      %dma_wait3A_219 = tpu.memref_squeeze %dma_wait3A_218 : memref<1x2x128xi32, #tpu.memory_space<hbm>> -> memref<2x128xi32, #tpu.memory_space<hbm>>
      tpu.wait_dma2 semaphore(%arg15 : memref<!tpu.dma_semaphore, #tpu.memory_space<semaphore_mem>>) src(%dma_wait3A_219 : memref<2x128xi32, #tpu.memory_space<hbm>>) dst(%dma_wait3A_215 : memref<2x128xi32, #tpu.memory_space<vmem>>)
      %add3A_220 = arith.constant 163 : i32
      %add3A_221 = arith.addi %mul3A_29, %add3A_220 : i32
      %dma_wait3A_222 = arith.constant 3 : i32
      %dma_wait3A_223 = arith.constant 0 : i32
      %dma_wait3A_224 = arith.constant 0 : i32
      %dma_wait3A_225 = tpu.memref_slice %arg8[%dma_wait3A_222, %dma_wait3A_223, %dma_wait3A_224] : memref<4x2x128xi32, #tpu.memory_space<vmem>> -> memref<1x2x128xi32, #tpu.memory_space<vmem>>
      %dma_wait3A_226 = tpu.memref_squeeze %dma_wait3A_225 : memref<1x2x128xi32, #tpu.memory_space<vmem>> -> memref<2x128xi32, #tpu.memory_space<vmem>>
      %dma_wait3A_227 = arith.constant 0 : i32
      %dma_wait3A_228 = arith.constant 0 : i32
      %dma_wait3A_229 = tpu.memref_slice %arg5[%add3A_221, %dma_wait3A_227, %dma_wait3A_228] : memref<2624x2x128xi32, #tpu.memory_space<hbm>> -> memref<1x2x128xi32, #tpu.memory_space<hbm>>
      %dma_wait3A_230 = tpu.memref_squeeze %dma_wait3A_229 : memref<1x2x128xi32, #tpu.memory_space<hbm>> -> memref<2x128xi32, #tpu.memory_space<hbm>>
      %dma_wait3A_231 = arith.constant 0 : i32
      %dma_wait3A_232 = arith.constant 0 : i32
      %dma_wait3A_233 = tpu.memref_slice %arg8[%dma_wait3A_222, %dma_wait3A_231, %dma_wait3A_232] : memref<4x2x128xi32, #tpu.memory_space<vmem>> -> memref<1x2x128xi32, #tpu.memory_space<vmem>>
      %dma_wait3A_234 = tpu.memref_squeeze %dma_wait3A_233 : memref<1x2x128xi32, #tpu.memory_space<vmem>> -> memref<2x128xi32, #tpu.memory_space<vmem>>
      %dma_wait3A_235 = arith.constant 0 : i32
      %dma_wait3A_236 = arith.constant 0 : i32
      %dma_wait3A_237 = tpu.memref_slice %arg5[%add3A_221, %dma_wait3A_235, %dma_wait3A_236] : memref<2624x2x128xi32, #tpu.memory_space<hbm>> -> memref<1x2x128xi32, #tpu.memory_space<hbm>>
      %dma_wait3A_238 = tpu.memref_squeeze %dma_wait3A_237 : memref<1x2x128xi32, #tpu.memory_space<hbm>> -> memref<2x128xi32, #tpu.memory_space<hbm>>
      tpu.wait_dma2 semaphore(%arg16 : memref<!tpu.dma_semaphore, #tpu.memory_space<semaphore_mem>>) src(%dma_wait3A_238 : memref<2x128xi32, #tpu.memory_space<hbm>>) dst(%dma_wait3A_234 : memref<2x128xi32, #tpu.memory_space<vmem>>)
      %barrier3A_239 = arith.constant 0 : index
      tpu.barrier barrier_id(%barrier3A_239)
      "tpu.region"() ({
        %run_scoped3A_240 = tpu.sem_alloc : memref<!tpu.dma_semaphore, #tpu.memory_space<semaphore_mem>>
        %dma_start3A_241 = arith.constant 0 : i32
        %dma_start3A_242 = tpu.memref_slice %arg7[%mul3A_0, %dma_start3A_241] : memref<10240x80xf32, #tpu.memory_space<hbm>> -> memref<640x80xf32, #tpu.memory_space<hbm>>
        %dma_start3A_243 = arith.constant 0 : i32
        %dma_start3A_244 = tpu.memref_slice %arg10[%mul3A_0, %dma_start3A_243] : memref<10240x80xf32, #tpu.memory_space<vmem_shared>> -> memref<640x80xf32, #tpu.memory_space<vmem_shared>>
        tpu.enqueue_dma source(%dma_start3A_244 : memref<640x80xf32, #tpu.memory_space<vmem_shared>>) target(%dma_start3A_242 : memref<640x80xf32, #tpu.memory_space<hbm>>) target_semaphore(%run_scoped3A_240 : memref<!tpu.dma_semaphore, #tpu.memory_space<semaphore_mem>>)
        %dma_wait3A_245 = arith.constant 0 : i32
        %dma_wait3A_246 = tpu.memref_slice %arg7[%mul3A_0, %dma_wait3A_245] : memref<10240x80xf32, #tpu.memory_space<hbm>> -> memref<640x80xf32, #tpu.memory_space<hbm>>
        %dma_wait3A_247 = arith.constant 0 : i32
        %dma_wait3A_248 = tpu.memref_slice %arg10[%mul3A_0, %dma_wait3A_247] : memref<10240x80xf32, #tpu.memory_space<vmem_shared>> -> memref<640x80xf32, #tpu.memory_space<vmem_shared>>
        tpu.wait_dma2 semaphore(%run_scoped3A_240 : memref<!tpu.dma_semaphore, #tpu.memory_space<semaphore_mem>>) src(%dma_wait3A_248 : memref<640x80xf32, #tpu.memory_space<vmem_shared>>) dst(%dma_wait3A_246 : memref<640x80xf32, #tpu.memory_space<hbm>>)
        tpu.yield
      }) : () -> ()
    } else {
    }
    return
  }
}

module attributes {stable_mosaic.version = 14 : i64} {
  func.func @_stage_body(%arg0: i32, %arg1: memref<1024x80xf32, #tpu.memory_space<vmem>>, %arg2: memref<1024x80xf32, #tpu.memory_space<vmem>>, %arg3: memref<1024x80xf32, #tpu.memory_space<vmem>>, %arg4: memref<64x128xf32, #tpu.memory_space<vmem>>, %arg5: memref<64x128xf32, #tpu.memory_space<vmem>>, %arg6: memref<1x128xf32, #tpu.memory_space<vmem>>, %arg7: memref<128x64xf32, #tpu.memory_space<vmem>>, %arg8: memref<128x64xf32, #tpu.memory_space<vmem>>, %arg9: memref<128x64xf32, #tpu.memory_space<vmem>>, %arg10: memref<64x64xf32, #tpu.memory_space<vmem>>, %arg11: memref<64x64xf32, #tpu.memory_space<vmem>>, %arg12: memref<64x64xf32, #tpu.memory_space<vmem>>, %arg13: memref<1x64xf32, #tpu.memory_space<vmem>>, %arg14: memref<1x64xf32, #tpu.memory_space<vmem>>, %arg15: memref<1x64xf32, #tpu.memory_space<vmem>>, %arg16: memref<1x64xf32, #tpu.memory_space<vmem>>, %arg17: memref<1x64xf32, #tpu.memory_space<vmem>>, %arg18: memref<1x64xf32, #tpu.memory_space<vmem>>, %arg19: memref<1024x80xf32, #tpu.memory_space<vmem>>) attributes {dimension_semantics = [#tpu.dimension_semantics<arbitrary>], iteration_bounds = array<i64: 10>, scalar_prefetch = 0 : i64, scratch_operands = 0 : i64, tpu.core_type = #tpu.core_type<tc>, window_params = [{transform_indices = @transform_0, window_bounds = array<i64: 1024, 80>}, {transform_indices = @transform_1, window_bounds = array<i64: 1024, 80>}, {transform_indices = @transform_2, window_bounds = array<i64: 1024, 80>}, {pipeline_mode = #tpu.pipeline_mode<synchronous>, transform_indices = @transform_3, window_bounds = array<i64: 64, 128>}, {pipeline_mode = #tpu.pipeline_mode<synchronous>, transform_indices = @transform_4, window_bounds = array<i64: 64, 128>}, {pipeline_mode = #tpu.pipeline_mode<synchronous>, transform_indices = @transform_5, window_bounds = array<i64: 1, 128>}, {pipeline_mode = #tpu.pipeline_mode<synchronous>, transform_indices = @transform_6, window_bounds = array<i64: 128, 64>}, {pipeline_mode = #tpu.pipeline_mode<synchronous>, transform_indices = @transform_7, window_bounds = array<i64: 128, 64>}, {pipeline_mode = #tpu.pipeline_mode<synchronous>, transform_indices = @transform_8, window_bounds = array<i64: 128, 64>}, {pipeline_mode = #tpu.pipeline_mode<synchronous>, transform_indices = @transform_9, window_bounds = array<i64: 64, 64>}, {pipeline_mode = #tpu.pipeline_mode<synchronous>, transform_indices = @transform_10, window_bounds = array<i64: 64, 64>}, {pipeline_mode = #tpu.pipeline_mode<synchronous>, transform_indices = @transform_11, window_bounds = array<i64: 64, 64>}, {pipeline_mode = #tpu.pipeline_mode<synchronous>, transform_indices = @transform_12, window_bounds = array<i64: 1, 64>}, {pipeline_mode = #tpu.pipeline_mode<synchronous>, transform_indices = @transform_13, window_bounds = array<i64: 1, 64>}, {pipeline_mode = #tpu.pipeline_mode<synchronous>, transform_indices = @transform_14, window_bounds = array<i64: 1, 64>}, {pipeline_mode = #tpu.pipeline_mode<synchronous>, transform_indices = @transform_15, window_bounds = array<i64: 1, 64>}, {pipeline_mode = #tpu.pipeline_mode<synchronous>, transform_indices = @transform_16, window_bounds = array<i64: 1, 64>}, {pipeline_mode = #tpu.pipeline_mode<synchronous>, transform_indices = @transform_17, window_bounds = array<i64: 1, 64>}, {transform_indices = @transform_18, window_bounds = array<i64: 1024, 80>}]} {
    %get3A = arith.constant 0 : index
    %get3A_0 = arith.constant 0 : index
    %get3A_1 = vector.load %arg1[%get3A, %get3A_0] : memref<1024x80xf32, #tpu.memory_space<vmem>>, vector<1024x64xf32>
    %get3A_2 = arith.constant 0 : index
    %get3A_3 = arith.constant 0 : index
    %get3A_4 = vector.load %arg2[%get3A_2, %get3A_3] : memref<1024x80xf32, #tpu.memory_space<vmem>>, vector<1024x64xf32>
    %get3A_5 = arith.constant 0 : index
    %get3A_6 = arith.constant 64 : index
    %get3A_7 = vector.load %arg3[%get3A_5, %get3A_6] : memref<1024x80xf32, #tpu.memory_space<vmem>>, vector<1024x1xf32>
    %get3A_8 = arith.constant 0 : index
    %get3A_9 = arith.constant 0 : index
    %get3A_10 = vector.load %arg4[%get3A_8, %get3A_9] : memref<64x128xf32, #tpu.memory_space<vmem>>, vector<64x128xf32>
    %dot_general3A = arith.constant dense<0.000000e+00> : vector<1024x128xf32>
    %dot_general3A_11 = tpu.matmul %get3A_4, %get3A_10, %dot_general3A {dimension_numbers = #tpu.dot_dimension_numbers<[1], [0], [0], [1], [0, 0, 1, 1], [], []>, transpose_lhs_hint = false} : vector<1024x64xf32>, vector<64x128xf32>, vector<1024x128xf32> -> vector<1024x128xf32>
    %get3A_12 = arith.constant 0 : index
    %get3A_13 = arith.constant 0 : index
    %get3A_14 = vector.load %arg5[%get3A_12, %get3A_13] : memref<64x128xf32, #tpu.memory_space<vmem>>, vector<64x128xf32>
    %dot_general3A_15 = arith.constant dense<0.000000e+00> : vector<1024x128xf32>
    %dot_general3A_16 = tpu.matmul %get3A_1, %get3A_14, %dot_general3A_15 {dimension_numbers = #tpu.dot_dimension_numbers<[1], [0], [0], [1], [0, 0, 1, 1], [], []>, transpose_lhs_hint = false} : vector<1024x64xf32>, vector<64x128xf32>, vector<1024x128xf32> -> vector<1024x128xf32>
    %get3A_17 = arith.constant 0 : index
    %get3A_18 = arith.constant 0 : index
    %get3A_19 = vector.load %arg6[%get3A_17, %get3A_18] : memref<1x128xf32, #tpu.memory_space<vmem>>, vector<1x128xf32>
    %add3A = vector.broadcast %get3A_19 : vector<1x128xf32> to vector<1024x128xf32>
    %add3A_20 = arith.addf %dot_general3A_16, %add3A : vector<1024x128xf32>
    %mul3A = vector.broadcast %get3A_7 : vector<1024x1xf32> to vector<1024x128xf32>
    %mul3A_21 = arith.mulf %mul3A, %add3A_20 : vector<1024x128xf32>
    %add3A_22 = arith.addf %dot_general3A_11, %mul3A_21 : vector<1024x128xf32>
    %get3A_23 = arith.constant 0 : index
    %get3A_24 = arith.constant 0 : index
    %get3A_25 = vector.load %arg7[%get3A_23, %get3A_24] : memref<128x64xf32, #tpu.memory_space<vmem>>, vector<128x64xf32>
    %dot_general3A_26 = arith.constant dense<0.000000e+00> : vector<1024x64xf32>
    %dot_general3A_27 = tpu.matmul %add3A_22, %get3A_25, %dot_general3A_26 {dimension_numbers = #tpu.dot_dimension_numbers<[1], [0], [0], [1], [0, 0, 1, 1], [], []>, transpose_lhs_hint = false} : vector<1024x128xf32>, vector<128x64xf32>, vector<1024x64xf32> -> vector<1024x64xf32>
    %get3A_28 = arith.constant 0 : index
    %get3A_29 = arith.constant 0 : index
    %get3A_30 = vector.load %arg13[%get3A_28, %get3A_29] : memref<1x64xf32, #tpu.memory_space<vmem>>, vector<1x64xf32>
    %add3A_31 = vector.broadcast %get3A_30 : vector<1x64xf32> to vector<1024x64xf32>
    %add3A_32 = arith.addf %dot_general3A_27, %add3A_31 : vector<1024x64xf32>
    %get3A_33 = arith.constant 0 : index
    %get3A_34 = arith.constant 0 : index
    %get3A_35 = vector.load %arg8[%get3A_33, %get3A_34] : memref<128x64xf32, #tpu.memory_space<vmem>>, vector<128x64xf32>
    %dot_general3A_36 = arith.constant dense<0.000000e+00> : vector<1024x64xf32>
    %dot_general3A_37 = tpu.matmul %add3A_22, %get3A_35, %dot_general3A_36 {dimension_numbers = #tpu.dot_dimension_numbers<[1], [0], [0], [1], [0, 0, 1, 1], [], []>, transpose_lhs_hint = false} : vector<1024x128xf32>, vector<128x64xf32>, vector<1024x64xf32> -> vector<1024x64xf32>
    %get3A_38 = arith.constant 0 : index
    %get3A_39 = arith.constant 0 : index
    %get3A_40 = vector.load %arg14[%get3A_38, %get3A_39] : memref<1x64xf32, #tpu.memory_space<vmem>>, vector<1x64xf32>
    %add3A_41 = vector.broadcast %get3A_40 : vector<1x64xf32> to vector<1024x64xf32>
    %add3A_42 = arith.addf %dot_general3A_37, %add3A_41 : vector<1024x64xf32>
    %get3A_43 = arith.constant 0 : index
    %get3A_44 = arith.constant 0 : index
    %get3A_45 = vector.load %arg9[%get3A_43, %get3A_44] : memref<128x64xf32, #tpu.memory_space<vmem>>, vector<128x64xf32>
    %dot_general3A_46 = arith.constant dense<0.000000e+00> : vector<1024x64xf32>
    %dot_general3A_47 = tpu.matmul %add3A_22, %get3A_45, %dot_general3A_46 {dimension_numbers = #tpu.dot_dimension_numbers<[1], [0], [0], [1], [0, 0, 1, 1], [], []>, transpose_lhs_hint = false} : vector<1024x128xf32>, vector<128x64xf32>, vector<1024x64xf32> -> vector<1024x64xf32>
    %get3A_48 = arith.constant 0 : index
    %get3A_49 = arith.constant 0 : index
    %get3A_50 = vector.load %arg15[%get3A_48, %get3A_49] : memref<1x64xf32, #tpu.memory_space<vmem>>, vector<1x64xf32>
    %add3A_51 = vector.broadcast %get3A_50 : vector<1x64xf32> to vector<1024x64xf32>
    %add3A_52 = arith.addf %dot_general3A_47, %add3A_51 : vector<1024x64xf32>
    %get3A_53 = arith.constant 0 : index
    %get3A_54 = arith.constant 0 : index
    %get3A_55 = vector.load %arg10[%get3A_53, %get3A_54] : memref<64x64xf32, #tpu.memory_space<vmem>>, vector<64x64xf32>
    %dot_general3A_56 = arith.constant dense<0.000000e+00> : vector<1024x64xf32>
    %dot_general3A_57 = tpu.matmul %get3A_1, %get3A_55, %dot_general3A_56 {dimension_numbers = #tpu.dot_dimension_numbers<[1], [0], [0], [1], [0, 0, 1, 1], [], []>, transpose_lhs_hint = false} : vector<1024x64xf32>, vector<64x64xf32>, vector<1024x64xf32> -> vector<1024x64xf32>
    %get3A_58 = arith.constant 0 : index
    %get3A_59 = arith.constant 0 : index
    %get3A_60 = vector.load %arg16[%get3A_58, %get3A_59] : memref<1x64xf32, #tpu.memory_space<vmem>>, vector<1x64xf32>
    %add3A_61 = vector.broadcast %get3A_60 : vector<1x64xf32> to vector<1024x64xf32>
    %add3A_62 = arith.addf %dot_general3A_57, %add3A_61 : vector<1024x64xf32>
    %get3A_63 = arith.constant 0 : index
    %get3A_64 = arith.constant 0 : index
    %get3A_65 = vector.load %arg11[%get3A_63, %get3A_64] : memref<64x64xf32, #tpu.memory_space<vmem>>, vector<64x64xf32>
    %dot_general3A_66 = arith.constant dense<0.000000e+00> : vector<1024x64xf32>
    %dot_general3A_67 = tpu.matmul %get3A_1, %get3A_65, %dot_general3A_66 {dimension_numbers = #tpu.dot_dimension_numbers<[1], [0], [0], [1], [0, 0, 1, 1], [], []>, transpose_lhs_hint = false} : vector<1024x64xf32>, vector<64x64xf32>, vector<1024x64xf32> -> vector<1024x64xf32>
    %get3A_68 = arith.constant 0 : index
    %get3A_69 = arith.constant 0 : index
    %get3A_70 = vector.load %arg17[%get3A_68, %get3A_69] : memref<1x64xf32, #tpu.memory_space<vmem>>, vector<1x64xf32>
    %add3A_71 = vector.broadcast %get3A_70 : vector<1x64xf32> to vector<1024x64xf32>
    %add3A_72 = arith.addf %dot_general3A_67, %add3A_71 : vector<1024x64xf32>
    %get3A_73 = arith.constant 0 : index
    %get3A_74 = arith.constant 0 : index
    %get3A_75 = vector.load %arg12[%get3A_73, %get3A_74] : memref<64x64xf32, #tpu.memory_space<vmem>>, vector<64x64xf32>
    %dot_general3A_76 = arith.constant dense<0.000000e+00> : vector<1024x64xf32>
    %dot_general3A_77 = tpu.matmul %get3A_1, %get3A_75, %dot_general3A_76 {dimension_numbers = #tpu.dot_dimension_numbers<[1], [0], [0], [1], [0, 0, 1, 1], [], []>, transpose_lhs_hint = false} : vector<1024x64xf32>, vector<64x64xf32>, vector<1024x64xf32> -> vector<1024x64xf32>
    %get3A_78 = arith.constant 0 : index
    %get3A_79 = arith.constant 0 : index
    %get3A_80 = vector.load %arg18[%get3A_78, %get3A_79] : memref<1x64xf32, #tpu.memory_space<vmem>>, vector<1x64xf32>
    %add3A_81 = vector.broadcast %get3A_80 : vector<1x64xf32> to vector<1024x64xf32>
    %add3A_82 = arith.addf %dot_general3A_77, %add3A_81 : vector<1024x64xf32>
    %add3A_83 = arith.addf %add3A_32, %add3A_62 : vector<1024x64xf32>
    %logistic3A = arith.negf %add3A_83 : vector<1024x64xf32>
    %logistic3A_84 = math.exp %logistic3A : vector<1024x64xf32>
    %logistic3A_85 = arith.constant 1.000000e+00 : f32
    %logistic3A_86 = vector.broadcast %logistic3A_85 : f32 to vector<1024x64xf32>
    %logistic3A_87 = arith.addf %logistic3A_86, %logistic3A_84 : vector<1024x64xf32>
    %logistic3A_88 = arith.divf %logistic3A_86, %logistic3A_87 : vector<1024x64xf32>
    %add3A_89 = arith.addf %add3A_42, %add3A_72 : vector<1024x64xf32>
    %logistic3A_90 = arith.negf %add3A_89 : vector<1024x64xf32>
    %logistic3A_91 = math.exp %logistic3A_90 : vector<1024x64xf32>
    %logistic3A_92 = arith.constant 1.000000e+00 : f32
    %logistic3A_93 = vector.broadcast %logistic3A_92 : f32 to vector<1024x64xf32>
    %logistic3A_94 = arith.addf %logistic3A_93, %logistic3A_91 : vector<1024x64xf32>
    %logistic3A_95 = arith.divf %logistic3A_93, %logistic3A_94 : vector<1024x64xf32>
    %mul3A_96 = arith.mulf %logistic3A_88, %add3A_82 : vector<1024x64xf32>
    %add3A_97 = arith.addf %add3A_52, %mul3A_96 : vector<1024x64xf32>
    %tanh3A = math.tanh %add3A_97 : vector<1024x64xf32>
    %sub3A = arith.constant 1.000000e+00 : f32
    %sub3A_98 = vector.broadcast %sub3A : f32 to vector<1024x64xf32>
    %sub3A_99 = arith.subf %sub3A_98, %logistic3A_95 : vector<1024x64xf32>
    %mul3A_100 = arith.mulf %sub3A_99, %tanh3A : vector<1024x64xf32>
    %mul3A_101 = arith.mulf %logistic3A_95, %get3A_1 : vector<1024x64xf32>
    %add3A_102 = arith.addf %mul3A_100, %mul3A_101 : vector<1024x64xf32>
    %broadcast_in_dim3A = arith.constant 1.000000e+00 : f32
    %broadcast_in_dim3A_103 = vector.broadcast %broadcast_in_dim3A : f32 to vector<1024x1xf32>
    %broadcast_in_dim3A_104 = arith.constant 0.000000e+00 : f32
    %broadcast_in_dim3A_105 = vector.broadcast %broadcast_in_dim3A_104 : f32 to vector<1024x15xf32>
    %concatenate3A = tpu.concatenate %add3A_102, %broadcast_in_dim3A_103, %broadcast_in_dim3A_105 in 1 : vector<1024x64xf32>, vector<1024x1xf32>, vector<1024x15xf32> -> vector<1024x80xf32>
    %swap3A = arith.constant 0 : index
    %swap3A_106 = arith.constant 0 : index
    %swap3A_107 = vector.load %arg19[%swap3A, %swap3A_106] : memref<1024x80xf32, #tpu.memory_space<vmem>>, vector<1024x80xf32>
    tpu.vector_store %arg19[%swap3A, %swap3A_106], %concatenate3A {strides = array<i32>} : memref<1024x80xf32, #tpu.memory_space<vmem>>, vector<1024x80xf32>,
    return
  }
  func.func @transform_0(%arg0: i32) -> (i32, i32) {
    %c0_i32 = arith.constant 0 : i32
    %c0_i32_0 = arith.constant 0 : i32
    return %arg0, %c0_i32 : i32, i32
  }
  func.func @transform_1(%arg0: i32) -> (i32, i32) {
    %c0_i32 = arith.constant 0 : i32
    %c0_i32_0 = arith.constant 0 : i32
    return %arg0, %c0_i32 : i32, i32
  }
  func.func @transform_2(%arg0: i32) -> (i32, i32) {
    %c0_i32 = arith.constant 0 : i32
    %c0_i32_0 = arith.constant 0 : i32
    return %arg0, %c0_i32 : i32, i32
  }
  func.func @transform_3(%arg0: i32) -> (i32, i32) {
    %c0_i32 = arith.constant 0 : i32
    %c0_i32_0 = arith.constant 0 : i32
    %c0_i32_1 = arith.constant 0 : i32
    return %c0_i32, %c0_i32_0 : i32, i32
  }
  func.func @transform_4(%arg0: i32) -> (i32, i32) {
    %c0_i32 = arith.constant 0 : i32
    %c0_i32_0 = arith.constant 0 : i32
    %c0_i32_1 = arith.constant 0 : i32
    return %c0_i32, %c0_i32_0 : i32, i32
  }
  func.func @transform_5(%arg0: i32) -> (i32, i32) {
    %c0_i32 = arith.constant 0 : i32
    %c0_i32_0 = arith.constant 0 : i32
    %c0_i32_1 = arith.constant 0 : i32
    return %c0_i32, %c0_i32_0 : i32, i32
  }
  func.func @transform_6(%arg0: i32) -> (i32, i32) {
    %c0_i32 = arith.constant 0 : i32
    %c0_i32_0 = arith.constant 0 : i32
    %c0_i32_1 = arith.constant 0 : i32
    return %c0_i32, %c0_i32_0 : i32, i32
  }
  func.func @transform_7(%arg0: i32) -> (i32, i32) {
    %c0_i32 = arith.constant 0 : i32
    %c0_i32_0 = arith.constant 0 : i32
    %c0_i32_1 = arith.constant 0 : i32
    return %c0_i32, %c0_i32_0 : i32, i32
  }
  func.func @transform_8(%arg0: i32) -> (i32, i32) {
    %c0_i32 = arith.constant 0 : i32
    %c0_i32_0 = arith.constant 0 : i32
    %c0_i32_1 = arith.constant 0 : i32
    return %c0_i32, %c0_i32_0 : i32, i32
  }
  func.func @transform_9(%arg0: i32) -> (i32, i32) {
    %c0_i32 = arith.constant 0 : i32
    %c0_i32_0 = arith.constant 0 : i32
    %c0_i32_1 = arith.constant 0 : i32
    return %c0_i32, %c0_i32_0 : i32, i32
  }
  func.func @transform_10(%arg0: i32) -> (i32, i32) {
    %c0_i32 = arith.constant 0 : i32
    %c0_i32_0 = arith.constant 0 : i32
    %c0_i32_1 = arith.constant 0 : i32
    return %c0_i32, %c0_i32_0 : i32, i32
  }
  func.func @transform_11(%arg0: i32) -> (i32, i32) {
    %c0_i32 = arith.constant 0 : i32
    %c0_i32_0 = arith.constant 0 : i32
    %c0_i32_1 = arith.constant 0 : i32
    return %c0_i32, %c0_i32_0 : i32, i32
  }
  func.func @transform_12(%arg0: i32) -> (i32, i32) {
    %c0_i32 = arith.constant 0 : i32
    %c0_i32_0 = arith.constant 0 : i32
    %c0_i32_1 = arith.constant 0 : i32
    return %c0_i32, %c0_i32_0 : i32, i32
  }
  func.func @transform_13(%arg0: i32) -> (i32, i32) {
    %c0_i32 = arith.constant 0 : i32
    %c0_i32_0 = arith.constant 0 : i32
    %c0_i32_1 = arith.constant 0 : i32
    return %c0_i32, %c0_i32_0 : i32, i32
  }
  func.func @transform_14(%arg0: i32) -> (i32, i32) {
    %c0_i32 = arith.constant 0 : i32
    %c0_i32_0 = arith.constant 0 : i32
    %c0_i32_1 = arith.constant 0 : i32
    return %c0_i32, %c0_i32_0 : i32, i32
  }
  func.func @transform_15(%arg0: i32) -> (i32, i32) {
    %c0_i32 = arith.constant 0 : i32
    %c0_i32_0 = arith.constant 0 : i32
    %c0_i32_1 = arith.constant 0 : i32
    return %c0_i32, %c0_i32_0 : i32, i32
  }
  func.func @transform_16(%arg0: i32) -> (i32, i32) {
    %c0_i32 = arith.constant 0 : i32
    %c0_i32_0 = arith.constant 0 : i32
    %c0_i32_1 = arith.constant 0 : i32
    return %c0_i32, %c0_i32_0 : i32, i32
  }
  func.func @transform_17(%arg0: i32) -> (i32, i32) {
    %c0_i32 = arith.constant 0 : i32
    %c0_i32_0 = arith.constant 0 : i32
    %c0_i32_1 = arith.constant 0 : i32
    return %c0_i32, %c0_i32_0 : i32, i32
  }
  func.func @transform_18(%arg0: i32) -> (i32, i32) {
    %c0_i32 = arith.constant 0 : i32
    %c0_i32_0 = arith.constant 0 : i32
    return %arg0, %c0_i32 : i32, i32
  }
}

</mosaic_0001>

<sc_bundles>
// kernel: kernel.11.cloned.1.call-start
scs
__scs_entry_jumppad:
0x0: {  	(pc) =	sbr.rel $0x88, $3  }
0x1: {  	(tag) =	ssettag $0x0;
	lr =	simm.s32 $0x1  }
0x2: {  	[smem:$0x3F93] =	sst lr;
	_ =	strace $0xD0000000  }
0x3: {  	_ = 	snop  }
0x4: {  	_ = 	snop  }
0x5: {  	_ = 	snop  }
0x6: {  	_ = 	snop  }
0x7: {  	_ = 	snop  }
__scs_overlays_trampoline_lowered:
0x8: {  	[smem:$0x3FA2] =	sst s0  }
0x9: {  	[smem:$0x3FA3] =	sst s1  }
0xa: {  	[smem:$0x3FA4] =	sst s2  }
0xb: {  	[smem:$0x3FA5] =	sst s3  }
0xc: {  	[smem:$0x3FA6] =	sst s4  }
0xd: {  	[smem:$0x3FA7] =	sst s5  }
0xe: {  	[smem:$0x3FA8] =	sst s6  }
0xf: {  	[smem:$0x3FA9] =	sst s7  }
0x10: {  	[smem:$0x3FAA] =	sst s8  }
0x11: {  	[smem:$0x3FAB] =	sst s9;
	s0 =	simm.s32 @!p0 $0x0  }
0x12: {  	s1 =	sld [smem:$0x3F91];
	s0 =	simm.s32 @p0 $0x1  }
0x13: {  	[smem:$0x3FAC] =	sst s0;
	s0 =	simm.s32 @!p1 $0x0  }
0x14: {  	s2 =	sld [smem:$0x3F90];
	s0 =	simm.s32 @p1 $0x1  }
0x15: {  	[smem:$0x3FAD] =	sst s0;
	s0 =	simm.s32 @!p2 $0x0  }
0x16: {  	s3 =	sld [smem:$0x3FDB];
	s0 =	simm.s32 @p2 $0x1  }
0x17: {  	s4 =	simm.s32 $0x1BF5;
	[smem:$0x3FAF] =	sst s0  }
0x18: {  	s0 =	sld [smem:$0x3F92];
	_ =	swait.ge [sflag:s4], $0x0  }
0x19: {  	s7 =	sld [smem:$0x3F93]  }
0x1a: {  	s8 =	sadd.s32 $0xFFFFE003, lr  }
0x1b: {  	s9 =	sadd.s32 $0xFFFFFEF7, lr;
	s5 =	simm.s32 $0xFFFFFFFF;
	p2 =	slt.u32 s8, $0xFFFFF086  }
0x1c: {  	p1 =	slt.u32 s9, $0xF7A;
	s5 =	simm.s32 @!p2 $0x0  }
0x1d: {  	s5 =	simm.s32 @p1 $0x1;
	p0 =	seq.s32 s7, s2  }
0x1e: {  	s7 =	smul.u32 @!p0 $0xF7A, s2;
	p2 =	seq.s32 @!p0 s5, $0x0  }
0x1f: {  	s9 =	smul.u32 $0xF7A, s1;
	s8 =	simm.s32 @!p0 $0x1BF5;
	p2 =	por !p2, p0  }
0x20: {  	[sflag:s8] =	ssyncset.s32 @!p0 $0xFFFFF086;
	s6 =	sadd.s32 @!p0 s3, s7;
	s7 =	simm.s32 @!p0 $0x108  }
0x21: {  	s3 =	sadd.s32 s3, s9;
	s6 =	sadd.s32 @!p0 $0x88, s6;
	s7 =	simm.s32 @p2 $0x1082  }
0x22: {  	[simem:s7], [sflag:s8] =	dma.local @!p0 [hbm:s6], $0xF7A  }
0x23: {  	s9 =	sor.u32 $0xD0000000, s2;
	s6 =	simm.s32 $0x108;
	_ =	swait.ge @!p0 [sflag:s8], $0x0  }
0x24: {  	s3 =	sadd.s32 $0x88, s3;
	s6 =	simm.s32 @!p1 $0x1082;
	[sflag:s4] =	ssyncset.s32 $0xFFFFF086  }
0x25: {  	[simem:s6], [sflag:s4] =	dma.local [hbm:s3], $0xF7A  }
0x26: {  	[smem:$0x3F93] =	sst s1;
	(tag) =	ssettag s2;
	_ =	strace s9  }
0x27: {  	s1 =	sld [smem:$0x3FA3]  }
0x28: {  	s2 =	sld [smem:$0x3FA4]  }
0x29: {  	s4 =	sld [smem:$0x3FA6]  }
0x2a: {  	p0 =	seq.s32 s5, $0x0;
	s5 =	sld [smem:$0x3FA7]  }
0x2b: {  	s6 =	sld [smem:$0x3FA8]  }
0x2c: {  	s7 =	sld [smem:$0x3FA9]  }
0x2d: {  	s3 =	simm.s32 $0x108;
	s8 =	sld [smem:$0x3FAA]  }
0x2e: {  	s3 =	simm.s32 @!p0 $0x1082;
	s9 =	sld [smem:$0x3FAB]  }
0x2f: {  	lr =	sadd.s32 s0, s3;
	s0 =	sld [smem:$0x3FA2]  }
0x30: {  	s3 =	sld [smem:$0x3FA5]  }
0x31: {  	[smem:$0x3FAE] =	sst s10  }
0x32: {  	s10 =	sld [smem:$0x3FAC];
	_ =	sdelay $0x3  }
0x33: {  	p0 =	seq.s32 s10, $0x1;
	s10 =	sld [smem:$0x3FAE];
	_ =	sdelay $0x3  }
0x34: {  	[smem:$0x3FAE] =	sst s10  }
0x35: {  	s10 =	sld [smem:$0x3FAD];
	_ =	sdelay $0x3  }
0x36: {  	p1 =	seq.s32 s10, $0x1;
	s10 =	sld [smem:$0x3FAE];
	_ =	sdelay $0x3  }
0x37: {  	[smem:$0x3FAE] =	sst s10  }
0x38: {  	s10 =	sld [smem:$0x3FAF]  }
0x39: {  	_ = 	snop;
	(pc) =	sbr.ind lr, $3  }
0x3a: {  	_ = 	snop  }
0x3b: {  	_ = 	snop  }
0x3c: {  	p2 =	seq.s32 s10, $0x1;
	s10 =	sld [smem:$0x3FAE]  }
0x3d: {  	_ =	shalt  }
0x3e: {  	_ =	shalt  }
0x3f: {  	_ =	shalt  }
0x40: {  	_ =	shalt  }
0x41: {  	_ =	shalt  }
0x42: {  	_ =	shalt  }
0x43: {  	_ =	shalt  }
0x44: {  	_ =	shalt  }
0x45: {  	_ =	shalt  }
0x46: {  	_ =	shalt  }
0x47: {  	_ =	shalt  }
0x48: {  	_ =	shalt  }
0x49: {  	_ =	shalt  }
0x4a: {  	_ =	shalt  }
0x4b: {  	_ =	shalt  }
0x4c: {  	_ =	shalt  }
0x4d: {  	_ =	shalt  }
0x4e: {  	_ =	shalt  }
0x4f: {  	_ =	shalt  }
0x50: {  	_ =	shalt  }
0x51: {  	_ =	shalt  }
0x52: {  	_ =	shalt  }
0x53: {  	_ =	shalt  }
0x54: {  	_ =	shalt  }
0x55: {  	_ =	shalt  }
0x56: {  	_ =	shalt  }
0x57: {  	_ =	shalt  }
0x58: {  	_ =	shalt  }
0x59: {  	_ =	shalt  }
0x5a: {  	_ =	shalt  }
0x5b: {  	_ =	shalt  }
0x5c: {  	_ =	shalt  }
0x5d: {  	_ =	shalt  }
0x5e: {  	_ =	shalt  }
0x5f: {  	_ =	shalt  }
0x60: {  	_ =	shalt  }
0x61: {  	_ =	shalt  }
0x62: {  	_ =	shalt  }
0x63: {  	_ =	shalt  }
0x64: {  	_ =	shalt  }
0x65: {  	_ =	shalt  }
0x66: {  	_ =	shalt  }
0x67: {  	_ =	shalt  }
0x68: {  	_ =	shalt  }
0x69: {  	_ =	shalt  }
0x6a: {  	_ =	shalt  }
0x6b: {  	_ =	shalt  }
0x6c: {  	_ =	shalt  }
0x6d: {  	_ =	shalt  }
0x6e: {  	_ =	shalt  }
0x6f: {  	_ =	shalt  }
0x70: {  	_ =	shalt  }
0x71: {  	_ =	shalt  }
0x72: {  	_ =	shalt  }
0x73: {  	_ =	shalt  }
0x74: {  	_ =	shalt  }
0x75: {  	_ =	shalt  }
0x76: {  	_ =	shalt  }
0x77: {  	_ =	shalt  }
0x78: {  	_ =	shalt  }
0x79: {  	_ =	shalt  }
0x7a: {  	_ =	shalt  }
0x7b: {  	_ =	shalt  }
0x7c: {  	_ =	shalt  }
0x7d: {  	_ =	shalt  }
0x7e: {  	_ =	shalt  }
0x7f: {  	_ =	shalt  }
0x80: {  	_ =	shalt  }
0x81: {  	_ =	shalt  }
0x82: {  	_ =	shalt  }
0x83: {  	_ =	shalt  }
0x84: {  	_ =	shalt  }
0x85: {  	_ =	shalt  }
0x86: {  	_ =	shalt  }
0x87: {  	_ =	shalt  }
.Lfunc_end0:
.L_simem_size_0:
called_computation.1_lowered:
.L_overlay_start_0:
0x88: {  	s2 =	sld [smem:$0x3FD9]  }
0x89: {  	s3 =	sld [smem:$0x3FFE];
	_ =	sdelay $0x1  }
0x8a: {  	s1 =	srdreg.scid  }
0x8b: {  	s0 =	sand.u32 $0x1, s1  }
0x8c: {  	s17 =	sshll.u32 s0, $0xA;
	s2 =	sadd.s32 s3, s2  }
0x8d: {  	s2 =	sadd.s32 s2, s17  }
0x8e: {  	[smem:$0x3FBA] =	sst s2  }
0x8f: {  	_ = 	snop  }
0x90: {  	s2 =	sld [smem:$0x3FD0];
	(tm) =	ssettm $0x1  }
0x91: {  	s18 =	sld [smem:$0x3FFB];
	_ =	sdelay $0x3  }
0x92: {  	_ =	strace s18  }
0x93: {  	s3 =	sld [smem:$0x3FFC];
	_ =	sdelay $0x3  }
0x94: {  	_ =	strace s3  }
0x95: {  	s3 =	sld [smem:$0x3FFD];
	_ =	sdelay $0x3  }
0x96: {  	_ =	strace s3  }
0x97: {  	_ =	strace $0x8FFFFFFF  }
0x98: {  	s19 =	sld [smem:$0x3FDB];
	_ =	sdelay $0x1  }
0x99: {  	s4 =	simm.s32 $_scs_section_size  }
0x9a: {  	s5 =	simm.s32 $_size__tile_overlayer_lowered;
	s6 =	simm.s32 $_tile_overlayer_lowered  }
0x9b: {  	s22 =	simm.s32 $0x1BFF;
	s21 =	sshll.u32 s6, $0x1;
	s3 =	sadd.s32 s4, s19  }
0x9c: {  	s7 =	simm.s32 $0x0;
	s20 =	sshll.u32 s5, $0x1;
	s5 =	sadd.s32 s21, s3  }
0x9d: {  	[timem:s7], [sflag:s22] =	dma.local [hbm:s5], s20  }
0x9e: {  	_ =	swait.ge [sflag:s22], s20  }
0x9f: {  	s4 =	ssub.s32 $0x0, s20;
	[sflag:s22] =	ssyncset.done $0x0  }
0xa0: {  	[sflag:s22] =	ssyncadd.s32 s4;
	_ =	sdelay $0x1  }
0xa1: {  	s23 =	simm.s32 $0x1B8B  }
0xa2: {  	_ =	swait.ge [sflag:s23], $0x1  }
0xa3: {  	[sflag:s23] =	ssyncset.done $0x0  }
0xa4: {  	s25 =	simm.s32 $0x1B8E;
	s24 =	sld [smem:$0x3FFE];
	[sflag:s23] =	ssyncadd.s32 $0xFFFFFFFF  }
0xa5: {  	s26 =	simm.s32 $execute0_lowered;
	[smem:$0x3FD2] =	sst s25  }
0xa6: {  	s5 =	sshll.u32 s26, $0x1;
	_ =	strace $0x80000049;
	[dreg:$0x1] =	wrdreg $0xFFFFFFFF  }
0xa7: {  	s28 =	simm.s32 $_size_execute0_lowered;
	s3 =	sadd.s32 s3, s5;
	[dreg:$0x0] =	wrdreg $0x0  }
0xa8: {  	s5 =	sshll.u32 s28, $0x1;
	[dreg:$0x2] =	wrdreg s3  }
0xa9: {  	[dreg:$0x3] =	wrdreg s5  }
0xaa: {  	[dreg:$0x4] =	wrdreg $0xC0  }
0xab: {  	_ =	task [dreg:s7], $0x5FFFF  }
0xac: {  	[dreg:$0x1] =	wrdreg $0xFFFFFFFF  }
0xad: {  	[dreg:$0x0] =	wrdreg $0x60  }
0xae: {  	[dreg:$0x2] =	wrdreg s2  }
0xaf: {  	[dreg:$0x3] =	wrdreg s24  }
0xb0: {  	[dreg:$0x4] =	wrdreg $0x54000  }
0xb1: {  	[dreg:$0x5] =	wrdreg $0x9  }
0xb2: {  	_ =	task.clear_ibuf [dreg:s7], $0x6FFFF;
	_ =	strace $0x90000049  }
0xb3: {  	s29 =	simm.s32 $0x9;
	_ =	strace $0x8000004B  }
0xb4: {  	_ =	swait.ge [sflag:s29], $0x1  }
0xb5: {  	[sflag:s29] =	ssyncadd.s32 $0xFFFFFFFF  }
0xb6: {  	_ =	strace $0x9000004B  }
0xb7: {  	_ =	sfence  }
0xb8: {  	s30 =	sld [smem:$0x0];
	_ =	sdelay $0x2  }
0xb9: {  	s31 =	sshll.u32 s1, $0xD;
	s1 =	sshrl.u32 s1, $0x2  }
0xba: {  	s3 =	sand.u32 $0x4000, s31;
	s1 =	sadd.s32 s1, s30  }
0xbb: {  	s0 =	sor.u32 s3, s0;
	s1 =	sshll.u32 s1, $0x11  }
0xbc: {  	s0 =	sor.u32 s1, s0  }
0xbd: {  	s0 =	sadd.s32 $0x8F2B, s0  }
0xbe: {  	[sflag:s0] =	ssyncadd.remote.s32 $0x1  }
0xbf: {  	_ =	sfence.sel $0xFFFF  }
0xc0: {  	[dreg:$0x0] =	wrdreg $0xFFFFFFFF;
	(pc) =	sbr.abs _section_cstart, $3  }
0xc1: {  	[dreg:$0x1] =	wrdreg $0xFFFFFFFF  }
0xc2: {  	_ =	task.clear_ibuf [dreg:s7], $0x2FFFF;
	_ =	strace $0x9FFFFFFF  }
0xc3: {  	(tm) =	ssettm $0x7FFFFFFF  }
tec
execute0_lowered:
.L_overlay_start_1:
0x0: {  	(tag) =	ssettag $0x1  }
0x1: {  	s1 =	rddreg [dreg:$0x0]  }
0x2: {  	s0 =	rddreg [dreg:$0x1]  }
0x3: {  	s3 =	rddreg [dreg:$0x2];
	s4 =	simm.s32 $0x0;
	s10 =	stileid.u32  }
0x4: {  	s6 =	srdreg.scid;
	s28 =	simm.s32 $0x300;
	s29 =	simm.s32 $0x3  }
0x5: {  	s30 =	simm.s32 $0x80;
	s31 =	simm.s32 $0x4;
	s15 =	simm.s32 $0x180  }
0x6: {  	s16 =	simm.s32 $0x6;
	[smem:$0x7FF] =	sst s4;
	s2 =	smul.u32 $0x1480, s10  }
0x7: {  	s5 =	sadd.s32 $0x6C00, s0;
	s6 =	sand.u32 $0x1, s6;
	s7 =	smul.u32 $0x32000, s10  }
0x8: {  	s8 =	sadd.s32 $0x48C00, s0;
	s14 =	smul.u32 $0xC800, s10;
	_ =	strace $0x8000004A  }
0x9: {  	[dreg:$0x4] =	wrdreg s8;
	s18 =	ssub.s32 $0x2, s6;
	p0 =	seq.s32 s6, $0x1  }
0xa: {  	s6 =	simm.s32 $0x1;
	s2 =	sadd.s32 s2, s0;
	s9 =	sshrl.u32 s18, $0x1  }
0xb: {  	s7 =	sshrl.u32 s7, $0x2;
	s0 =	sadd.s32 $0x61C00, s0;
	s8 =	sadd.s32 s14, s3  }
0xc: {  	s17 =	sshrl.u32 s14, $0x3;
	s14 =	simm.s32 $0x2;
	[dreg:$0x5] =	wrdreg s0  }
0xd: {  	s19 =	ssub.s32 s18, s9;
	s7 =	sadd.s32 s7, s3;
	s13 =	sadd.s32 $0x34400, s2  }
0xe: {  	s22 =	sadd.s32 $0x34420, s2;
	s23 =	sadd.s32 $0x34440, s2;
	s24 =	sadd.s32 $0x34460, s2  }
0xf: {  	s18 =	sadd.s32 $0x1FC00, s2;
	s25 =	sadd.s32 $0x1FC20, s2;
	[dreg:$0x8] =	wrdreg s22  }
0x10: {  	s26 =	sadd.s32 $0x1FC40, s2;
	s2 =	sadd.s32 $0x1FC60, s2;
	[dreg:$0x9] =	wrdreg s23  }
0x11: {  	s0 =	simm.s32 $0x2C00;
	s20 =	sadd.s32 $0x2800, s7;
	[dreg:$0xa] =	wrdreg s24  }
0x12: {  	s21 =	sadd.s32 $0x5000, s7;
	s11 =	sadd.s32 $0x7800, s7;
	[dreg:$0xb] =	wrdreg s25  }
.Ltmp0:
0x13: {  	s12 =	sadd.s32 $0xA000, s7;
	[dreg:$0xc] =	wrdreg s26;
	(pc) =	sbr.rel .LBB2_1-.Ltmp0, $4  }
0x14: {  	[dreg:$0xd] =	wrdreg s2;
	s22 =	smax.u32 s19, $0x1;
	s23 =	simm.s32 $0x400  }
0x15: {  	s24 =	simm.s32 $0x7;
	s25 =	simm.s32 $0x100;
	s26 =	simm.s32 $0x200  }
0x16: {  	s7 =	simm.s32 $0x5;
	s19 =	simm.s32 $0x280;
	[dreg:$0x6] =	wrdreg s20  }
0x17: {  	v0 =	vimm.f32 $0.0e+00;
	[dreg:$0x7] =	wrdreg s21;
	s20 =	simm.s32 $0x380;
	s21 =	simm.s32 $0x0  }
.LBB2_6:
0x18: {  	[tilespmem:s0], [sflag:$0x2] =	stream.indirect.gather [hbm4b:s1+s30], $0x50, s25, s30, $0xb8;
	[tilespmem:$0x11C00] =	vst v63  }
0x19: {  	s2 =	rddreg [dreg:$0x4]  }
.LBB2_10:
0x1a: {  	_ =	swait.ge [sflag:s6], $0x2800  }
0x1b: {  	[sflag:s6] =	ssyncset.done $0x0  }
0x1c: {  	[sflag:s6] =	ssyncadd.s32 $0xFFFFD800  }
0x1d: {  	_ =	swait.ge [sflag:s14], $0x2800  }
0x1e: {  	[sflag:s14] =	ssyncset.done $0x0  }
0x1f: {  	[sflag:s14] =	ssyncadd.s32 $0xFFFFD800  }
0x20: {  	_ =	swait.ge [sflag:s7], $0x100  }
0x21: {  	[sflag:s7] =	ssyncset.done $0x0  }
0x22: {  	[sflag:s7] =	ssyncadd.s32 $0xFFFFFF00  }
0x23: {  	s2 =	sadd.s32 s2, s17;
	s9 =	stileid.u32;
	_ =	swait.ge [sflag:s16], $0x100  }
0x24: {  	s10 =	sshrl.u32 s8, $0x3;
	s21 =	sadd.s32 $0x1, s21;
	[sflag:s16] =	ssyncset.done $0x0  }
0x25: {  	s9 =	sshll.u32 s9, $0x6;
	p1 =	sne.s32 s21, s22;
	[sflag:s16] =	ssyncadd.s32 $0xFFFFFF00  }
.Ltmp1:
0x26: {  	s9 =	sor.u32 $0x1C07, s9;
	[bflag:$0x0] =	sbarrier.arrive $0xFFFF;
	(pc) =	sbr.rel @!p1 .LBB2_11-.Ltmp1, $4  }
0x27: {  	[hbm:s2], [sflag:s9] =	dma.local [spmem:s10], $0x1900  }
0x28: {  	_ =	swait.ge [sflag:s24], $0x1900  }
0x29: {  	[sflag:s24] =	ssyncset.done $0x0  }
0x2a: {  	[sflag:s24] =	ssyncadd.s32 $0xFFFFE700  }
.LBB2_1:
0x2b: {  	s9 =	simm.s32 $0x140;
	s2 =	simm.s32 $0x0  }
.LBB2_2:
0x2c: {  	p1 =	sne.s32 s9, $0x9EC0;
	[tilespmem:s2+$0x440] =	vst v0;
	s10 =	smov.u32 s9;
	s9 =	sadd.s32 $0x140, s9  }
.Ltmp2:
0x2d: {  	[tilespmem:s2+$0x430] =	vst v0;
	(pc) =	sbr.rel @p1 .LBB2_2-.Ltmp2, $4  }
0x2e: {  	[tilespmem:s2+$0x420] =	vst v0  }
0x2f: {  	[tilespmem:s2+$0x400] =	vst v0  }
0x30: {  	[tilespmem:s2+$0x410] =	vst v0  }
0x31: {  	s2 =	sshra.s32 s10, $0x2  }
0x32: {  	[tilespmem:s2+$0x440] =	vst v0  }
0x33: {  	[tilespmem:s2+$0x430] =	vst v0  }
0x34: {  	[tilespmem:s2+$0x420] =	vst v0  }
0x35: {  	[tilespmem:s2+$0x400] =	vst v0  }
0x36: {  	[tilespmem:s2+$0x410] =	vst v0  }
0x37: {  	[spmem:s8] =	stream.linear.scatter [tilespmem:s23], [sflag:$0x7], $0x2800, $0x38;
	[tilespmem:$0x11C00] =	vst v63  }
0x38: {  	_ =	swait.ge [sflag:s24], $0x2800  }
0x39: {  	[sflag:s24] =	ssyncset.done $0x0  }
0x3a: {  	s9 =	rddreg [dreg:$0x6];
	[sflag:s24] =	ssyncadd.s32 $0xFFFFD800  }
0x3b: {  	[spmem:s9] =	stream.linear.scatter [tilespmem:s23], [sflag:$0x7], $0x2800, $0x38;
	[tilespmem:$0x11C00] =	vst v63  }
0x3c: {  	_ =	swait.ge [sflag:s24], $0x2800  }
0x3d: {  	[sflag:s24] =	ssyncset.done $0x0  }
0x3e: {  	s10 =	rddreg [dreg:$0x7];
	[sflag:s24] =	ssyncadd.s32 $0xFFFFD800  }
0x3f: {  	[spmem:s10] =	stream.linear.scatter [tilespmem:s23], [sflag:$0x7], $0x2800, $0x38;
	[tilespmem:$0x11C00] =	vst v63  }
0x40: {  	_ =	swait.ge [sflag:s24], $0x2800  }
0x41: {  	[sflag:s24] =	ssyncset.done $0x0  }
0x42: {  	[sflag:s24] =	ssyncadd.s32 $0xFFFFD800  }
0x43: {  	[spmem:s11] =	stream.linear.scatter [tilespmem:s23], [sflag:$0x7], $0x2800, $0x38;
	[tilespmem:$0x11C00] =	vst v63  }
0x44: {  	_ =	swait.ge [sflag:s24], $0x2800  }
0x45: {  	[sflag:s24] =	ssyncset.done $0x0  }
0x46: {  	[sflag:s24] =	ssyncadd.s32 $0xFFFFD800  }
0x47: {  	[spmem:s12] =	stream.linear.scatter [tilespmem:s23], [sflag:$0x7], $0x2800, $0x38;
	[tilespmem:$0x11C00] =	vst v63  }
.Ltmp3:
0x48: {  	_ =	swait.ge [sflag:s24], $0x2800;
	(pc) =	sbr.rel @!p0 .LBB2_4-.Ltmp3, $3  }
0x49: {  	[sflag:s24] =	ssyncset.done $0x0  }
0x4a: {  	[sflag:s24] =	ssyncadd.s32 $0xFFFFD800  }
0x4b: {  	[bflag:$0x0] =	sbarrier.arrive $0xFFFF;
	_ =	sdelay $0x1  }
0x4c: {  	[tilespmem:s4], [sflag:$0x3] =	stream.linear.gather [hbm4b:s18+s4], $0x100, $0x38;
	[tilespmem:$0x11C00] =	vst v63  }
0x4d: {  	s2 =	rddreg [dreg:$0xb]  }
0x4e: {  	[tilespmem:s25], [sflag:$0x4] =	stream.linear.gather [hbm4b:s2+s4], $0x100, $0x38;
	[tilespmem:$0x11C00] =	vst v63  }
0x4f: {  	s10 =	rddreg [dreg:$0xc]  }
0x50: {  	[tilespmem:s26], [sflag:$0x5] =	stream.linear.gather [hbm4b:s10+s4], $0x100, $0x38;
	[tilespmem:$0x11C00] =	vst v63  }
0x51: {  	s9 =	rddreg [dreg:$0xd]  }
0x52: {  	[tilespmem:s28], [sflag:$0x6] =	stream.linear.gather [hbm4b:s9+s4], $0x100, $0x38;
	[tilespmem:$0x11C00] =	vst v63  }
0x53: {  	_ =	swait.ge [sflag:s29], $0x100  }
0x54: {  	[sflag:s29] =	ssyncset.done $0x0  }
0x55: {  	[sflag:s29] =	ssyncadd.s32 $0xFFFFFF00  }
0x56: {  	[tilespmem:s23], [sflag:$0x1] =	stream.indirect.gather [hbm4b:s5+s30], $0x50, s4, s30, $0xb8;
	[tilespmem:$0x11C00] =	vst v63  }
0x57: {  	_ =	swait.ge [sflag:s31], $0x100  }
0x58: {  	[sflag:s31] =	ssyncset.done $0x0  }
0x59: {  	[sflag:s31] =	ssyncadd.s32 $0xFFFFFF00  }
0x5a: {  	[tilespmem:s0], [sflag:$0x2] =	stream.indirect.gather [hbm4b:s5+s30], $0x50, s25, s30, $0xb8;
	[tilespmem:$0x11C00] =	vst v63  }
0x5b: {  	_ =	swait.ge [sflag:s6], $0x2800  }
0x5c: {  	[sflag:s6] =	ssyncset.done $0x0  }
0x5d: {  	[sflag:s6] =	ssyncadd.s32 $0xFFFFD800  }
0x5e: {  	[spmem:s3] =	stream.indirect.scatter.add.f32 [tilespmem:s23], [sflag:$0x7], $0x50, s30, s30, $0xb8;
	[tilespmem:$0x11C00] =	vst v63  }
0x5f: {  	_ =	swait.ge [sflag:s24], $0x2800  }
0x60: {  	s2 =	sadd.s32 $0xFFFFEC00, s18;
	[sflag:s24] =	ssyncset.done $0x0  }
0x61: {  	s9 =	sadd.s32 $0x1480, s2;
	[sflag:s24] =	ssyncadd.s32 $0xFFFFD800  }
0x62: {  	[tilespmem:s4], [sflag:$0x3] =	stream.linear.gather [hbm4b:s9+s4], $0x100, $0x38;
	[tilespmem:$0x11C00] =	vst v63  }
0x63: {  	_ =	swait.ge [sflag:s7], $0x100  }
0x64: {  	[sflag:s7] =	ssyncset.done $0x0  }
0x65: {  	[sflag:s7] =	ssyncadd.s32 $0xFFFFFF00  }
0x66: {  	[tilespmem:s23], [sflag:$0x1] =	stream.indirect.gather [hbm4b:s5+s30], $0x50, s26, s30, $0xb8;
	[tilespmem:$0x11C00] =	vst v63  }
0x67: {  	_ =	swait.ge [sflag:s14], $0x2800  }
0x68: {  	[sflag:s14] =	ssyncset.done $0x0  }
0x69: {  	[sflag:s14] =	ssyncadd.s32 $0xFFFFD800  }
0x6a: {  	[spmem:s3] =	stream.indirect.scatter.add.f32 [tilespmem:s0], [sflag:$0x7], $0x50, s15, s30, $0xb8;
	[tilespmem:$0x11C00] =	vst v63  }
0x6b: {  	_ =	swait.ge [sflag:s24], $0x2800  }
0x6c: {  	[sflag:s24] =	ssyncset.done $0x0  }
0x6d: {  	s10 =	sadd.s32 $0x14A0, s2;
	[sflag:s24] =	ssyncadd.s32 $0xFFFFD800  }
0x6e: {  	[tilespmem:s25], [sflag:$0x4] =	stream.linear.gather [hbm4b:s10+s4], $0x100, $0x38;
	[tilespmem:$0x11C00] =	vst v63  }
0x6f: {  	_ =	swait.ge [sflag:s16], $0x100  }
0x70: {  	[sflag:s16] =	ssyncset.done $0x0  }
0x71: {  	[sflag:s16] =	ssyncadd.s32 $0xFFFFFF00  }
0x72: {  	[tilespmem:s0], [sflag:$0x2] =	stream.indirect.gather [hbm4b:s5+s30], $0x50, s28, s30, $0xb8;
	[tilespmem:$0x11C00] =	vst v63  }
0x73: {  	_ =	swait.ge [sflag:s6], $0x2800  }
0x74: {  	[sflag:s6] =	ssyncset.done $0x0  }
0x75: {  	[sflag:s6] =	ssyncadd.s32 $0xFFFFD800  }
0x76: {  	[spmem:s3] =	stream.indirect.scatter.add.f32 [tilespmem:s23], [sflag:$0x7], $0x50, s19, s30, $0xb8;
	[tilespmem:$0x11C00] =	vst v63  }
0x77: {  	_ =	swait.ge [sflag:s24], $0x2800  }
0x78: {  	[sflag:s24] =	ssyncset.done $0x0  }
0x79: {  	s10 =	sadd.s32 $0x14C0, s2;
	[sflag:s24] =	ssyncadd.s32 $0xFFFFD800  }
0x7a: {  	[tilespmem:s26], [sflag:$0x5] =	stream.linear.gather [hbm4b:s10+s4], $0x100, $0x38;
	[tilespmem:$0x11C00] =	vst v63  }
0x7b: {  	_ =	swait.ge [sflag:s29], $0x100  }
0x7c: {  	[sflag:s29] =	ssyncset.done $0x0  }
0x7d: {  	[sflag:s29] =	ssyncadd.s32 $0xFFFFFF00  }
0x7e: {  	[tilespmem:s23], [sflag:$0x1] =	stream.indirect.gather [hbm4b:s5+s30], $0x50, s4, s30, $0xb8;
	[tilespmem:$0x11C00] =	vst v63  }
0x7f: {  	_ =	swait.ge [sflag:s14], $0x2800  }
0x80: {  	[sflag:s14] =	ssyncset.done $0x0  }
0x81: {  	[sflag:s14] =	ssyncadd.s32 $0xFFFFD800  }
0x82: {  	[spmem:s3] =	stream.indirect.scatter.add.f32 [tilespmem:s0], [sflag:$0x7], $0x50, s20, s30, $0xb8;
	[tilespmem:$0x11C00] =	vst v63  }
0x83: {  	_ =	swait.ge [sflag:s24], $0x2800  }
0x84: {  	[sflag:s24] =	ssyncset.done $0x0  }
0x85: {  	s2 =	sadd.s32 $0x14E0, s2;
	[sflag:s24] =	ssyncadd.s32 $0xFFFFD800  }
0x86: {  	[tilespmem:s28], [sflag:$0x6] =	stream.linear.gather [hbm4b:s2+s4], $0x100, $0x38;
	[tilespmem:$0x11C00] =	vst v63  }
0x87: {  	_ =	swait.ge [sflag:s31], $0x100  }
0x88: {  	[sflag:s31] =	ssyncset.done $0x0  }
0x89: {  	s2 =	simm.s32 $0xFFFFEC80;
	[sflag:s31] =	ssyncadd.s32 $0xFFFFFF00  }
.LBB2_8:
0x8a: {  	[tilespmem:s0], [sflag:$0x2] =	stream.indirect.gather [hbm4b:s5+s30], $0x50, s25, s30, $0xb8;
	[tilespmem:$0x11C00] =	vst v63  }
0x8b: {  	s9 =	smov.u32 s2  }
0x8c: {  	p1 =	sne.s32 s2, $0xFFFFFF80;
	s2 =	sadd.s32 $0x80, s2;
	_ =	swait.ge [sflag:s6], $0x2800  }
0x8d: {  	[sflag:s6] =	ssyncset.done $0x0  }
0x8e: {  	[sflag:s6] =	ssyncadd.s32 $0xFFFFD800  }
0x8f: {  	[spmem:s3] =	stream.indirect.scatter.add.f32 [tilespmem:s23], [sflag:$0x7], $0x50, s30, s30, $0xb8;
	[tilespmem:$0x11C00] =	vst v63  }
0x90: {  	_ =	swait.ge [sflag:s24], $0x2800  }
0x91: {  	s9 =	sadd.s32 s9, s18;
	[sflag:s24] =	ssyncset.done $0x0  }
0x92: {  	s10 =	sadd.s32 $0x1480, s9;
	[sflag:s24] =	ssyncadd.s32 $0xFFFFD800  }
0x93: {  	[tilespmem:s4], [sflag:$0x3] =	stream.linear.gather [hbm4b:s10+s4], $0x100, $0x38;
	[tilespmem:$0x11C00] =	vst v63  }
0x94: {  	_ =	swait.ge [sflag:s7], $0x100  }
0x95: {  	[sflag:s7] =	ssyncset.done $0x0  }
0x96: {  	[sflag:s7] =	ssyncadd.s32 $0xFFFFFF00  }
0x97: {  	[tilespmem:s23], [sflag:$0x1] =	stream.indirect.gather [hbm4b:s5+s30], $0x50, s26, s30, $0xb8;
	[tilespmem:$0x11C00] =	vst v63  }
0x98: {  	_ =	swait.ge [sflag:s14], $0x2800  }
0x99: {  	[sflag:s14] =	ssyncset.done $0x0  }
0x9a: {  	[sflag:s14] =	ssyncadd.s32 $0xFFFFD800  }
0x9b: {  	[spmem:s3] =	stream.indirect.scatter.add.f32 [tilespmem:s0], [sflag:$0x7], $0x50, s15, s30, $0xb8;
	[tilespmem:$0x11C00] =	vst v63  }
0x9c: {  	_ =	swait.ge [sflag:s24], $0x2800  }
0x9d: {  	[sflag:s24] =	ssyncset.done $0x0  }
0x9e: {  	s10 =	sadd.s32 $0x14A0, s9;
	[sflag:s24] =	ssyncadd.s32 $0xFFFFD800  }
0x9f: {  	[tilespmem:s25], [sflag:$0x4] =	stream.linear.gather [hbm4b:s10+s4], $0x100, $0x38;
	[tilespmem:$0x11C00] =	vst v63  }
0xa0: {  	_ =	swait.ge [sflag:s16], $0x100  }
0xa1: {  	[sflag:s16] =	ssyncset.done $0x0  }
0xa2: {  	[sflag:s16] =	ssyncadd.s32 $0xFFFFFF00  }
0xa3: {  	[tilespmem:s0], [sflag:$0x2] =	stream.indirect.gather [hbm4b:s5+s30], $0x50, s28, s30, $0xb8;
	[tilespmem:$0x11C00] =	vst v63  }
0xa4: {  	_ =	swait.ge [sflag:s6], $0x2800  }
0xa5: {  	[sflag:s6] =	ssyncset.done $0x0  }
0xa6: {  	[sflag:s6] =	ssyncadd.s32 $0xFFFFD800  }
0xa7: {  	[spmem:s3] =	stream.indirect.scatter.add.f32 [tilespmem:s23], [sflag:$0x7], $0x50, s19, s30, $0xb8;
	[tilespmem:$0x11C00] =	vst v63  }
0xa8: {  	_ =	swait.ge [sflag:s24], $0x2800  }
0xa9: {  	[sflag:s24] =	ssyncset.done $0x0  }
0xaa: {  	s10 =	sadd.s32 $0x14C0, s9;
	[sflag:s24] =	ssyncadd.s32 $0xFFFFD800  }
0xab: {  	[tilespmem:s26], [sflag:$0x5] =	stream.linear.gather [hbm4b:s10+s4], $0x100, $0x38;
	[tilespmem:$0x11C00] =	vst v63  }
0xac: {  	_ =	swait.ge [sflag:s29], $0x100  }
0xad: {  	[sflag:s29] =	ssyncset.done $0x0  }
0xae: {  	[sflag:s29] =	ssyncadd.s32 $0xFFFFFF00  }
0xaf: {  	[tilespmem:s23], [sflag:$0x1] =	stream.indirect.gather [hbm4b:s5+s30], $0x50, s4, s30, $0xb8;
	[tilespmem:$0x11C00] =	vst v63  }
0xb0: {  	_ =	swait.ge [sflag:s14], $0x2800  }
0xb1: {  	[sflag:s14] =	ssyncset.done $0x0  }
0xb2: {  	[sflag:s14] =	ssyncadd.s32 $0xFFFFD800  }
0xb3: {  	[spmem:s3] =	stream.indirect.scatter.add.f32 [tilespmem:s0], [sflag:$0x7], $0x50, s20, s30, $0xb8;
	[tilespmem:$0x11C00] =	vst v63  }
0xb4: {  	_ =	swait.ge [sflag:s24], $0x2800  }
0xb5: {  	[sflag:s24] =	ssyncset.done $0x0  }
.Ltmp4:
0xb6: {  	s9 =	sadd.s32 $0x14E0, s9;
	[sflag:s24] =	ssyncadd.s32 $0xFFFFD800;
	(pc) =	sbr.rel @p1 .LBB2_8-.Ltmp4, $4  }
0xb7: {  	[tilespmem:s28], [sflag:$0x6] =	stream.linear.gather [hbm4b:s9+s4], $0x100, $0x38;
	[tilespmem:$0x11C00] =	vst v63  }
0xb8: {  	_ =	swait.ge [sflag:s31], $0x100  }
0xb9: {  	[sflag:s31] =	ssyncset.done $0x0  }
0xba: {  	[sflag:s31] =	ssyncadd.s32 $0xFFFFFF00  }
.Ltmp5:
0xbb: {  	(pc) =	sbr.rel .LBB2_10-.Ltmp5, $3  }
0xbc: {  	_ =	sdelay $0x1  }
0xbd: {  	[tilespmem:s0], [sflag:$0x2] =	stream.indirect.gather [hbm4b:s5+s30], $0x50, s25, s30, $0xb8;
	[tilespmem:$0x11C00] =	vst v63  }
0xbe: {  	s2 =	rddreg [dreg:$0x5]  }
.LBB2_4:
0xbf: {  	[tilespmem:s4], [sflag:$0x3] =	stream.linear.gather [hbm4b:s13+s4], $0x100, $0x38;
	[tilespmem:$0x11C00] =	vst v63  }
0xc0: {  	s2 =	rddreg [dreg:$0x8]  }
0xc1: {  	[tilespmem:s25], [sflag:$0x4] =	stream.linear.gather [hbm4b:s2+s4], $0x100, $0x38;
	[tilespmem:$0x11C00] =	vst v63  }
0xc2: {  	s10 =	rddreg [dreg:$0x9]  }
0xc3: {  	[tilespmem:s26], [sflag:$0x5] =	stream.linear.gather [hbm4b:s10+s4], $0x100, $0x38;
	[tilespmem:$0x11C00] =	vst v63  }
0xc4: {  	s9 =	rddreg [dreg:$0xa]  }
0xc5: {  	[tilespmem:s28], [sflag:$0x6] =	stream.linear.gather [hbm4b:s9+s4], $0x100, $0x38;
	[tilespmem:$0x11C00] =	vst v63  }
0xc6: {  	_ =	swait.ge [sflag:s29], $0x100  }
0xc7: {  	[sflag:s29] =	ssyncset.done $0x0  }
0xc8: {  	[sflag:s29] =	ssyncadd.s32 $0xFFFFFF00  }
0xc9: {  	[tilespmem:s23], [sflag:$0x1] =	stream.indirect.gather [hbm4b:s1+s30], $0x50, s4, s30, $0xb8;
	[tilespmem:$0x11C00] =	vst v63  }
0xca: {  	_ =	swait.ge [sflag:s31], $0x100  }
0xcb: {  	[sflag:s31] =	ssyncset.done $0x0  }
0xcc: {  	[sflag:s31] =	ssyncadd.s32 $0xFFFFFF00  }
0xcd: {  	[tilespmem:s0], [sflag:$0x2] =	stream.indirect.gather [hbm4b:s1+s30], $0x50, s25, s30, $0xb8;
	[tilespmem:$0x11C00] =	vst v63  }
0xce: {  	_ =	swait.ge [sflag:s6], $0x2800  }
0xcf: {  	[sflag:s6] =	ssyncset.done $0x0  }
0xd0: {  	[sflag:s6] =	ssyncadd.s32 $0xFFFFD800  }
0xd1: {  	[spmem:s3] =	stream.indirect.scatter.add.f32 [tilespmem:s23], [sflag:$0x7], $0x50, s30, s30, $0xb8;
	[tilespmem:$0x11C00] =	vst v63  }
0xd2: {  	_ =	swait.ge [sflag:s24], $0x2800  }
0xd3: {  	s2 =	sadd.s32 $0xFFFFEC00, s13;
	[sflag:s24] =	ssyncset.done $0x0  }
0xd4: {  	s9 =	sadd.s32 $0x1480, s2;
	[sflag:s24] =	ssyncadd.s32 $0xFFFFD800  }
0xd5: {  	[tilespmem:s4], [sflag:$0x3] =	stream.linear.gather [hbm4b:s9+s4], $0x100, $0x38;
	[tilespmem:$0x11C00] =	vst v63  }
0xd6: {  	_ =	swait.ge [sflag:s7], $0x100  }
0xd7: {  	[sflag:s7] =	ssyncset.done $0x0  }
0xd8: {  	[sflag:s7] =	ssyncadd.s32 $0xFFFFFF00  }
0xd9: {  	[tilespmem:s23], [sflag:$0x1] =	stream.indirect.gather [hbm4b:s1+s30], $0x50, s26, s30, $0xb8;
	[tilespmem:$0x11C00] =	vst v63  }
0xda: {  	_ =	swait.ge [sflag:s14], $0x2800  }
0xdb: {  	[sflag:s14] =	ssyncset.done $0x0  }
0xdc: {  	[sflag:s14] =	ssyncadd.s32 $0xFFFFD800  }
0xdd: {  	[spmem:s3] =	stream.indirect.scatter.add.f32 [tilespmem:s0], [sflag:$0x7], $0x50, s15, s30, $0xb8;
	[tilespmem:$0x11C00] =	vst v63  }
0xde: {  	_ =	swait.ge [sflag:s24], $0x2800  }
0xdf: {  	[sflag:s24] =	ssyncset.done $0x0  }
0xe0: {  	s10 =	sadd.s32 $0x14A0, s2;
	[sflag:s24] =	ssyncadd.s32 $0xFFFFD800  }
0xe1: {  	[tilespmem:s25], [sflag:$0x4] =	stream.linear.gather [hbm4b:s10+s4], $0x100, $0x38;
	[tilespmem:$0x11C00] =	vst v63  }
0xe2: {  	_ =	swait.ge [sflag:s16], $0x100  }
0xe3: {  	[sflag:s16] =	ssyncset.done $0x0  }
0xe4: {  	[sflag:s16] =	ssyncadd.s32 $0xFFFFFF00  }
0xe5: {  	[tilespmem:s0], [sflag:$0x2] =	stream.indirect.gather [hbm4b:s1+s30], $0x50, s28, s30, $0xb8;
	[tilespmem:$0x11C00] =	vst v63  }
0xe6: {  	_ =	swait.ge [sflag:s6], $0x2800  }
0xe7: {  	[sflag:s6] =	ssyncset.done $0x0  }
0xe8: {  	[sflag:s6] =	ssyncadd.s32 $0xFFFFD800  }
0xe9: {  	[spmem:s3] =	stream.indirect.scatter.add.f32 [tilespmem:s23], [sflag:$0x7], $0x50, s19, s30, $0xb8;
	[tilespmem:$0x11C00] =	vst v63  }
0xea: {  	_ =	swait.ge [sflag:s24], $0x2800  }
0xeb: {  	[sflag:s24] =	ssyncset.done $0x0  }
0xec: {  	s10 =	sadd.s32 $0x14C0, s2;
	[sflag:s24] =	ssyncadd.s32 $0xFFFFD800  }
0xed: {  	[tilespmem:s26], [sflag:$0x5] =	stream.linear.gather [hbm4b:s10+s4], $0x100, $0x38;
	[tilespmem:$0x11C00] =	vst v63  }
0xee: {  	_ =	swait.ge [sflag:s29], $0x100  }
0xef: {  	[sflag:s29] =	ssyncset.done $0x0  }
0xf0: {  	[sflag:s29] =	ssyncadd.s32 $0xFFFFFF00  }
0xf1: {  	[tilespmem:s23], [sflag:$0x1] =	stream.indirect.gather [hbm4b:s1+s30], $0x50, s4, s30, $0xb8;
	[tilespmem:$0x11C00] =	vst v63  }
0xf2: {  	_ =	swait.ge [sflag:s14], $0x2800  }
0xf3: {  	[sflag:s14] =	ssyncset.done $0x0  }
0xf4: {  	[sflag:s14] =	ssyncadd.s32 $0xFFFFD800  }
0xf5: {  	[spmem:s3] =	stream.indirect.scatter.add.f32 [tilespmem:s0], [sflag:$0x7], $0x50, s20, s30, $0xb8;
	[tilespmem:$0x11C00] =	vst v63  }
0xf6: {  	_ =	swait.ge [sflag:s24], $0x2800  }
0xf7: {  	[sflag:s24] =	ssyncset.done $0x0  }
0xf8: {  	s2 =	sadd.s32 $0x14E0, s2;
	[sflag:s24] =	ssyncadd.s32 $0xFFFFD800  }
0xf9: {  	[tilespmem:s28], [sflag:$0x6] =	stream.linear.gather [hbm4b:s2+s4], $0x100, $0x38;
	[tilespmem:$0x11C00] =	vst v63  }
0xfa: {  	_ =	swait.ge [sflag:s31], $0x100  }
0xfb: {  	[sflag:s31] =	ssyncset.done $0x0  }
0xfc: {  	s2 =	simm.s32 $0xFFFFEC80;
	[sflag:s31] =	ssyncadd.s32 $0xFFFFFF00  }
.LBB2_5:
0xfd: {  	[tilespmem:s0], [sflag:$0x2] =	stream.indirect.gather [hbm4b:s1+s30], $0x50, s25, s30, $0xb8;
	[tilespmem:$0x11C00] =	vst v63  }
0xfe: {  	s9 =	smov.u32 s2  }
0xff: {  	p1 =	seq.s32 s2, $0xFFFFFF80;
	s2 =	sadd.s32 $0x80, s2;
	_ =	swait.ge [sflag:s6], $0x2800  }
0x100: {  	[sflag:s6] =	ssyncset.done $0x0  }
0x101: {  	[sflag:s6] =	ssyncadd.s32 $0xFFFFD800  }
0x102: {  	[spmem:s3] =	stream.indirect.scatter.add.f32 [tilespmem:s23], [sflag:$0x7], $0x50, s30, s30, $0xb8;
	[tilespmem:$0x11C00] =	vst v63  }
0x103: {  	_ =	swait.ge [sflag:s24], $0x2800  }
0x104: {  	s9 =	sadd.s32 s9, s13;
	[sflag:s24] =	ssyncset.done $0x0  }
0x105: {  	s10 =	sadd.s32 $0x1480, s9;
	[sflag:s24] =	ssyncadd.s32 $0xFFFFD800  }
0x106: {  	[tilespmem:s4], [sflag:$0x3] =	stream.linear.gather [hbm4b:s10+s4], $0x100, $0x38;
	[tilespmem:$0x11C00] =	vst v63  }
0x107: {  	_ =	swait.ge [sflag:s7], $0x100  }
0x108: {  	[sflag:s7] =	ssyncset.done $0x0  }
0x109: {  	[sflag:s7] =	ssyncadd.s32 $0xFFFFFF00  }
0x10a: {  	[tilespmem:s23], [sflag:$0x1] =	stream.indirect.gather [hbm4b:s1+s30], $0x50, s26, s30, $0xb8;
	[tilespmem:$0x11C00] =	vst v63  }
0x10b: {  	_ =	swait.ge [sflag:s14], $0x2800  }
0x10c: {  	[sflag:s14] =	ssyncset.done $0x0  }
0x10d: {  	[sflag:s14] =	ssyncadd.s32 $0xFFFFD800  }
0x10e: {  	[spmem:s3] =	stream.indirect.scatter.add.f32 [tilespmem:s0], [sflag:$0x7], $0x50, s15, s30, $0xb8;
	[tilespmem:$0x11C00] =	vst v63  }
0x10f: {  	_ =	swait.ge [sflag:s24], $0x2800  }
0x110: {  	[sflag:s24] =	ssyncset.done $0x0  }
0x111: {  	s10 =	sadd.s32 $0x14A0, s9;
	[sflag:s24] =	ssyncadd.s32 $0xFFFFD800  }
0x112: {  	[tilespmem:s25], [sflag:$0x4] =	stream.linear.gather [hbm4b:s10+s4], $0x100, $0x38;
	[tilespmem:$0x11C00] =	vst v63  }
0x113: {  	_ =	swait.ge [sflag:s16], $0x100  }
0x114: {  	[sflag:s16] =	ssyncset.done $0x0  }
0x115: {  	[sflag:s16] =	ssyncadd.s32 $0xFFFFFF00  }
0x116: {  	[tilespmem:s0], [sflag:$0x2] =	stream.indirect.gather [hbm4b:s1+s30], $0x50, s28, s30, $0xb8;
	[tilespmem:$0x11C00] =	vst v63  }
0x117: {  	_ =	swait.ge [sflag:s6], $0x2800  }
0x118: {  	[sflag:s6] =	ssyncset.done $0x0  }
0x119: {  	[sflag:s6] =	ssyncadd.s32 $0xFFFFD800  }
0x11a: {  	[spmem:s3] =	stream.indirect.scatter.add.f32 [tilespmem:s23], [sflag:$0x7], $0x50, s19, s30, $0xb8;
	[tilespmem:$0x11C00] =	vst v63  }
0x11b: {  	_ =	swait.ge [sflag:s24], $0x2800  }
0x11c: {  	[sflag:s24] =	ssyncset.done $0x0  }
0x11d: {  	s10 =	sadd.s32 $0x14C0, s9;
	[sflag:s24] =	ssyncadd.s32 $0xFFFFD800  }
0x11e: {  	[tilespmem:s26], [sflag:$0x5] =	stream.linear.gather [hbm4b:s10+s4], $0x100, $0x38;
	[tilespmem:$0x11C00] =	vst v63  }
0x11f: {  	_ =	swait.ge [sflag:s29], $0x100  }
0x120: {  	[sflag:s29] =	ssyncset.done $0x0  }
0x121: {  	[sflag:s29] =	ssyncadd.s32 $0xFFFFFF00  }
0x122: {  	[tilespmem:s23], [sflag:$0x1] =	stream.indirect.gather [hbm4b:s1+s30], $0x50, s4, s30, $0xb8;
	[tilespmem:$0x11C00] =	vst v63  }
0x123: {  	_ =	swait.ge [sflag:s14], $0x2800  }
0x124: {  	[sflag:s14] =	ssyncset.done $0x0  }
0x125: {  	[sflag:s14] =	ssyncadd.s32 $0xFFFFD800  }
0x126: {  	[spmem:s3] =	stream.indirect.scatter.add.f32 [tilespmem:s0], [sflag:$0x7], $0x50, s20, s30, $0xb8;
	[tilespmem:$0x11C00] =	vst v63  }
0x127: {  	_ =	swait.ge [sflag:s24], $0x2800  }
0x128: {  	[sflag:s24] =	ssyncset.done $0x0  }
.Ltmp6:
0x129: {  	s9 =	sadd.s32 $0x14E0, s9;
	[sflag:s24] =	ssyncadd.s32 $0xFFFFD800;
	(pc) =	sbr.rel @!p1 .LBB2_5-.Ltmp6, $4  }
0x12a: {  	[tilespmem:s28], [sflag:$0x6] =	stream.linear.gather [hbm4b:s9+s4], $0x100, $0x38;
	[tilespmem:$0x11C00] =	vst v63  }
0x12b: {  	_ =	swait.ge [sflag:s31], $0x100  }
0x12c: {  	[sflag:s31] =	ssyncset.done $0x0  }
0x12d: {  	[sflag:s31] =	ssyncadd.s32 $0xFFFFFF00  }
.Ltmp7:
0x12e: {  	_ = 	snop;
	(pc) =	sbr.rel .LBB2_6-.Ltmp7, $1  }
0x12f: {  	_ =	sdelay $0x3  }
.LBB2_11:
0x130: {  	_ =	sfence.sel $0x180000  }
0x131: {  	[bflag:$0x0] =	sbarrier.arrive $0xFFFF  }
0x132: {  	_ =	strace $0x9000004A  }
0x133: {  	s0 =	stileid.u32;
	[bflag:$0x2] =	sbarrier.arrive $0xFFFF  }
0x134: {  	p0 =	sne.s32 s0, $0x0;
	s0 =	rddreg [dreg:$0x3]  }
0x135: {  	s0 =	sadd.s32 @!p0 $0x100000, s0  }
0x136: {  	[sflag:s0] =	ssyncadd.tile.s32 @!p0 $0x1;
	_ =	shalt  }
.Lfunc_end2:
_tile_overlayer_lowered:
.L_overlay_start_2:
0x137: {  	(tag) =	ssettag $0x2  }
0x138: {  	s0 =	rddreg [dreg:$0x0];
	s2 =	stileid.u32  }
0x139: {  	s1 =	rddreg [dreg:$0x1];
	p0 =	sne.s32 s2, $0x0  }
0x13a: {  	s3 =	rddreg [dreg:$0x2];
	[bflag:$0x3] =	sbarrier.arrive $0xFFFF;
	s2 =	simm.s32 @!p0 $0x1C07  }
0x13b: {  	[timem:s3], [sflag:s2] =	dma.local @!p0 [hbm:s0], s1  }
0x13c: {  	s0 =	simm.s32 @!p0 $0x7  }
0x13d: {  	_ =	swait.ge @!p0 [sflag:s0], s1  }
0x13e: {  	s1 =	ssub.s32 @!p0 $0x0, s1;
	[sflag:s0] =	ssyncset.done @!p0 $0x0  }
0x13f: {  	[sflag:s0] =	ssyncadd.s32 @!p0 s1  }
0x140: {  	[bflag:$0x3] =	sbarrier.arrive $0xFFFF  }
0x141: {  	_ =	shalt  }

// kernel: kernel.8.cloned.1.call-start
scs
__scs_entry_jumppad:
0x0: {  	(pc) =	sbr.rel $0x88, $3  }
0x1: {  	(tag) =	ssettag $0x0;
	lr =	simm.s32 $0x1  }
0x2: {  	[smem:$0x3F93] =	sst lr;
	_ =	strace $0xD0000000  }
0x3: {  	_ = 	snop  }
0x4: {  	_ = 	snop  }
0x5: {  	_ = 	snop  }
0x6: {  	_ = 	snop  }
0x7: {  	_ = 	snop  }
__scs_overlays_trampoline_lowered:
0x8: {  	[smem:$0x3FA2] =	sst s0  }
0x9: {  	[smem:$0x3FA3] =	sst s1  }
0xa: {  	[smem:$0x3FA4] =	sst s2  }
0xb: {  	[smem:$0x3FA5] =	sst s3  }
0xc: {  	[smem:$0x3FA6] =	sst s4  }
0xd: {  	[smem:$0x3FA7] =	sst s5  }
0xe: {  	[smem:$0x3FA8] =	sst s6  }
0xf: {  	[smem:$0x3FA9] =	sst s7  }
0x10: {  	[smem:$0x3FAA] =	sst s8  }
0x11: {  	[smem:$0x3FAB] =	sst s9;
	s0 =	simm.s32 @!p0 $0x0  }
0x12: {  	s1 =	sld [smem:$0x3F91];
	s0 =	simm.s32 @p0 $0x1  }
0x13: {  	[smem:$0x3FAC] =	sst s0;
	s0 =	simm.s32 @!p1 $0x0  }
0x14: {  	s2 =	sld [smem:$0x3F90];
	s0 =	simm.s32 @p1 $0x1  }
0x15: {  	[smem:$0x3FAD] =	sst s0;
	s0 =	simm.s32 @!p2 $0x0  }
0x16: {  	s3 =	sld [smem:$0x3FDB];
	s0 =	simm.s32 @p2 $0x1  }
0x17: {  	s4 =	simm.s32 $0x1BF5;
	[smem:$0x3FAF] =	sst s0  }
0x18: {  	s0 =	sld [smem:$0x3F92];
	_ =	swait.ge [sflag:s4], $0x0  }
0x19: {  	s7 =	sld [smem:$0x3F93]  }
0x1a: {  	s8 =	sadd.s32 $0xFFFFE003, lr  }
0x1b: {  	s9 =	sadd.s32 $0xFFFFFEF7, lr;
	s5 =	simm.s32 $0xFFFFFFFF;
	p2 =	slt.u32 s8, $0xFFFFF086  }
0x1c: {  	p1 =	slt.u32 s9, $0xF7A;
	s5 =	simm.s32 @!p2 $0x0  }
0x1d: {  	s5 =	simm.s32 @p1 $0x1;
	p0 =	seq.s32 s7, s2  }
0x1e: {  	s7 =	smul.u32 @!p0 $0xF7A, s2;
	p2 =	seq.s32 @!p0 s5, $0x0  }
0x1f: {  	s9 =	smul.u32 $0xF7A, s1;
	s8 =	simm.s32 @!p0 $0x1BF5;
	p2 =	por !p2, p0  }
0x20: {  	[sflag:s8] =	ssyncset.s32 @!p0 $0xFFFFF086;
	s6 =	sadd.s32 @!p0 s3, s7;
	s7 =	simm.s32 @!p0 $0x108  }
0x21: {  	s3 =	sadd.s32 s3, s9;
	s6 =	sadd.s32 @!p0 $0x88, s6;
	s7 =	simm.s32 @p2 $0x1082  }
0x22: {  	[simem:s7], [sflag:s8] =	dma.local @!p0 [hbm:s6], $0xF7A  }
0x23: {  	s9 =	sor.u32 $0xD0000000, s2;
	s6 =	simm.s32 $0x108;
	_ =	swait.ge @!p0 [sflag:s8], $0x0  }
0x24: {  	s3 =	sadd.s32 $0x88, s3;
	s6 =	simm.s32 @!p1 $0x1082;
	[sflag:s4] =	ssyncset.s32 $0xFFFFF086  }
0x25: {  	[simem:s6], [sflag:s4] =	dma.local [hbm:s3], $0xF7A  }
0x26: {  	[smem:$0x3F93] =	sst s1;
	(tag) =	ssettag s2;
	_ =	strace s9  }
0x27: {  	s1 =	sld [smem:$0x3FA3]  }
0x28: {  	s2 =	sld [smem:$0x3FA4]  }
0x29: {  	s4 =	sld [smem:$0x3FA6]  }
0x2a: {  	p0 =	seq.s32 s5, $0x0;
	s5 =	sld [smem:$0x3FA7]  }
0x2b: {  	s6 =	sld [smem:$0x3FA8]  }
0x2c: {  	s7 =	sld [smem:$0x3FA9]  }
0x2d: {  	s3 =	simm.s32 $0x108;
	s8 =	sld [smem:$0x3FAA]  }
0x2e: {  	s3 =	simm.s32 @!p0 $0x1082;
	s9 =	sld [smem:$0x3FAB]  }
0x2f: {  	lr =	sadd.s32 s0, s3;
	s0 =	sld [smem:$0x3FA2]  }
0x30: {  	s3 =	sld [smem:$0x3FA5]  }
0x31: {  	[smem:$0x3FAE] =	sst s10  }
0x32: {  	s10 =	sld [smem:$0x3FAC];
	_ =	sdelay $0x3  }
0x33: {  	p0 =	seq.s32 s10, $0x1;
	s10 =	sld [smem:$0x3FAE];
	_ =	sdelay $0x3  }
0x34: {  	[smem:$0x3FAE] =	sst s10  }
0x35: {  	s10 =	sld [smem:$0x3FAD];
	_ =	sdelay $0x3  }
0x36: {  	p1 =	seq.s32 s10, $0x1;
	s10 =	sld [smem:$0x3FAE];
	_ =	sdelay $0x3  }
0x37: {  	[smem:$0x3FAE] =	sst s10  }
0x38: {  	s10 =	sld [smem:$0x3FAF]  }
0x39: {  	_ = 	snop;
	(pc) =	sbr.ind lr, $3  }
0x3a: {  	_ = 	snop  }
0x3b: {  	_ = 	snop  }
0x3c: {  	p2 =	seq.s32 s10, $0x1;
	s10 =	sld [smem:$0x3FAE]  }
0x3d: {  	_ =	shalt  }
0x3e: {  	_ =	shalt  }
0x3f: {  	_ =	shalt  }
0x40: {  	_ =	shalt  }
0x41: {  	_ =	shalt  }
0x42: {  	_ =	shalt  }
0x43: {  	_ =	shalt  }
0x44: {  	_ =	shalt  }
0x45: {  	_ =	shalt  }
0x46: {  	_ =	shalt  }
0x47: {  	_ =	shalt  }
0x48: {  	_ =	shalt  }
0x49: {  	_ =	shalt  }
0x4a: {  	_ =	shalt  }
0x4b: {  	_ =	shalt  }
0x4c: {  	_ =	shalt  }
0x4d: {  	_ =	shalt  }
0x4e: {  	_ =	shalt  }
0x4f: {  	_ =	shalt  }
0x50: {  	_ =	shalt  }
0x51: {  	_ =	shalt  }
0x52: {  	_ =	shalt  }
0x53: {  	_ =	shalt  }
0x54: {  	_ =	shalt  }
0x55: {  	_ =	shalt  }
0x56: {  	_ =	shalt  }
0x57: {  	_ =	shalt  }
0x58: {  	_ =	shalt  }
0x59: {  	_ =	shalt  }
0x5a: {  	_ =	shalt  }
0x5b: {  	_ =	shalt  }
0x5c: {  	_ =	shalt  }
0x5d: {  	_ =	shalt  }
0x5e: {  	_ =	shalt  }
0x5f: {  	_ =	shalt  }
0x60: {  	_ =	shalt  }
0x61: {  	_ =	shalt  }
0x62: {  	_ =	shalt  }
0x63: {  	_ =	shalt  }
0x64: {  	_ =	shalt  }
0x65: {  	_ =	shalt  }
0x66: {  	_ =	shalt  }
0x67: {  	_ =	shalt  }
0x68: {  	_ =	shalt  }
0x69: {  	_ =	shalt  }
0x6a: {  	_ =	shalt  }
0x6b: {  	_ =	shalt  }
0x6c: {  	_ =	shalt  }
0x6d: {  	_ =	shalt  }
0x6e: {  	_ =	shalt  }
0x6f: {  	_ =	shalt  }
0x70: {  	_ =	shalt  }
0x71: {  	_ =	shalt  }
0x72: {  	_ =	shalt  }
0x73: {  	_ =	shalt  }
0x74: {  	_ =	shalt  }
0x75: {  	_ =	shalt  }
0x76: {  	_ =	shalt  }
0x77: {  	_ =	shalt  }
0x78: {  	_ =	shalt  }
0x79: {  	_ =	shalt  }
0x7a: {  	_ =	shalt  }
0x7b: {  	_ =	shalt  }
0x7c: {  	_ =	shalt  }
0x7d: {  	_ =	shalt  }
0x7e: {  	_ =	shalt  }
0x7f: {  	_ =	shalt  }
0x80: {  	_ =	shalt  }
0x81: {  	_ =	shalt  }
0x82: {  	_ =	shalt  }
0x83: {  	_ =	shalt  }
0x84: {  	_ =	shalt  }
0x85: {  	_ =	shalt  }
0x86: {  	_ =	shalt  }
0x87: {  	_ =	shalt  }
.Lfunc_end0:
.L_simem_size_0:
called_computation_lowered:
.L_overlay_start_0:
0x88: {  	s2 =	sld [smem:$0x3FD9]  }
0x89: {  	s3 =	sld [smem:$0x3FFE];
	_ =	sdelay $0x1  }
0x8a: {  	s1 =	srdreg.scid  }
0x8b: {  	s0 =	sand.u32 $0x1, s1  }
0x8c: {  	s17 =	sshll.u32 s0, $0xA;
	s2 =	sadd.s32 s3, s2  }
0x8d: {  	s2 =	sadd.s32 s2, s17  }
0x8e: {  	[smem:$0x3FBA] =	sst s2  }
0x8f: {  	_ = 	snop  }
0x90: {  	s2 =	sld [smem:$0x3FD0];
	(tm) =	ssettm $0x1  }
0x91: {  	s18 =	sld [smem:$0x3FFB];
	_ =	sdelay $0x3  }
0x92: {  	_ =	strace s18  }
0x93: {  	s3 =	sld [smem:$0x3FFC];
	_ =	sdelay $0x3  }
0x94: {  	_ =	strace s3  }
0x95: {  	s3 =	sld [smem:$0x3FFD];
	_ =	sdelay $0x3  }
0x96: {  	_ =	strace s3  }
0x97: {  	_ =	strace $0x8FFFFFFF  }
0x98: {  	s19 =	sld [smem:$0x3FDB];
	_ =	sdelay $0x1  }
0x99: {  	s4 =	simm.s32 $_scs_section_size  }
0x9a: {  	s5 =	simm.s32 $_size__tile_overlayer_lowered;
	s6 =	simm.s32 $_tile_overlayer_lowered  }
0x9b: {  	s22 =	simm.s32 $0x1BFF;
	s21 =	sshll.u32 s6, $0x1;
	s3 =	sadd.s32 s4, s19  }
0x9c: {  	s7 =	simm.s32 $0x0;
	s20 =	sshll.u32 s5, $0x1;
	s5 =	sadd.s32 s21, s3  }
0x9d: {  	[timem:s7], [sflag:s22] =	dma.local [hbm:s5], s20  }
0x9e: {  	_ =	swait.ge [sflag:s22], s20  }
0x9f: {  	s4 =	ssub.s32 $0x0, s20;
	[sflag:s22] =	ssyncset.done $0x0  }
0xa0: {  	[sflag:s22] =	ssyncadd.s32 s4;
	_ =	sdelay $0x1  }
0xa1: {  	s23 =	simm.s32 $0x1B8B  }
0xa2: {  	_ =	swait.ge [sflag:s23], $0x1  }
0xa3: {  	[sflag:s23] =	ssyncset.done $0x0  }
0xa4: {  	s25 =	simm.s32 $0x1B8E;
	s24 =	sld [smem:$0x3FFE];
	[sflag:s23] =	ssyncadd.s32 $0xFFFFFFFF  }
0xa5: {  	s26 =	simm.s32 $execute0_lowered;
	[smem:$0x3FD2] =	sst s25  }
0xa6: {  	s5 =	sshll.u32 s26, $0x1;
	_ =	strace $0x80000046;
	[dreg:$0x1] =	wrdreg $0xFFFFFFFF  }
0xa7: {  	s28 =	simm.s32 $_size_execute0_lowered;
	s3 =	sadd.s32 s3, s5;
	[dreg:$0x0] =	wrdreg $0x0  }
0xa8: {  	s5 =	sshll.u32 s28, $0x1;
	[dreg:$0x2] =	wrdreg s3  }
0xa9: {  	[dreg:$0x3] =	wrdreg s5  }
0xaa: {  	[dreg:$0x4] =	wrdreg $0xC0  }
0xab: {  	_ =	task [dreg:s7], $0x5FFFF  }
0xac: {  	[dreg:$0x1] =	wrdreg $0xFFFFFFFF  }
0xad: {  	[dreg:$0x0] =	wrdreg $0x60  }
0xae: {  	[dreg:$0x2] =	wrdreg s2  }
0xaf: {  	[dreg:$0x3] =	wrdreg s24  }
0xb0: {  	[dreg:$0x4] =	wrdreg $0x54000  }
0xb1: {  	[dreg:$0x5] =	wrdreg $0x9  }
0xb2: {  	_ =	task.clear_ibuf [dreg:s7], $0x6FFFF;
	_ =	strace $0x90000046  }
0xb3: {  	s29 =	simm.s32 $0x9;
	_ =	strace $0x80000048  }
0xb4: {  	_ =	swait.ge [sflag:s29], $0x1  }
0xb5: {  	[sflag:s29] =	ssyncadd.s32 $0xFFFFFFFF  }
0xb6: {  	_ =	strace $0x90000048  }
0xb7: {  	_ =	sfence  }
0xb8: {  	s30 =	sld [smem:$0x0];
	_ =	sdelay $0x2  }
0xb9: {  	s31 =	sshll.u32 s1, $0xD;
	s1 =	sshrl.u32 s1, $0x2  }
0xba: {  	s3 =	sand.u32 $0x4000, s31;
	s1 =	sadd.s32 s1, s30  }
0xbb: {  	s0 =	sor.u32 s3, s0;
	s1 =	sshll.u32 s1, $0x11  }
0xbc: {  	s0 =	sor.u32 s1, s0  }
0xbd: {  	s0 =	sadd.s32 $0x8F2B, s0  }
0xbe: {  	[sflag:s0] =	ssyncadd.remote.s32 $0x1  }
0xbf: {  	_ =	sfence.sel $0xFFFF  }
0xc0: {  	[dreg:$0x0] =	wrdreg $0xFFFFFFFF;
	(pc) =	sbr.abs _section_cstart, $3  }
0xc1: {  	[dreg:$0x1] =	wrdreg $0xFFFFFFFF  }
0xc2: {  	_ =	task.clear_ibuf [dreg:s7], $0x2FFFF;
	_ =	strace $0x9FFFFFFF  }
0xc3: {  	(tm) =	ssettm $0x7FFFFFFF  }
tec
execute0_lowered:
.L_overlay_start_1:
0x0: {  	(tag) =	ssettag $0x1  }
0x1: {  	s1 =	rddreg [dreg:$0x0]  }
0x2: {  	s0 =	rddreg [dreg:$0x1]  }
0x3: {  	s3 =	rddreg [dreg:$0x2];
	s4 =	simm.s32 $0x0;
	s10 =	stileid.u32  }
0x4: {  	s6 =	srdreg.scid;
	s28 =	simm.s32 $0x300;
	s29 =	simm.s32 $0x3  }
0x5: {  	s30 =	simm.s32 $0x80;
	s31 =	simm.s32 $0x4;
	s15 =	simm.s32 $0x180  }
0x6: {  	s16 =	simm.s32 $0x6;
	[smem:$0x7FF] =	sst s4;
	s2 =	smul.u32 $0x1480, s10  }
0x7: {  	s5 =	sadd.s32 $0x6C00, s0;
	s6 =	sand.u32 $0x1, s6;
	s7 =	smul.u32 $0x32000, s10  }
0x8: {  	s8 =	sadd.s32 $0x48C00, s0;
	s14 =	smul.u32 $0xC800, s10;
	_ =	strace $0x80000047  }
0x9: {  	[dreg:$0x4] =	wrdreg s8;
	s18 =	ssub.s32 $0x2, s6;
	p0 =	seq.s32 s6, $0x1  }
0xa: {  	s6 =	simm.s32 $0x1;
	s2 =	sadd.s32 s2, s0;
	s9 =	sshrl.u32 s18, $0x1  }
0xb: {  	s7 =	sshrl.u32 s7, $0x2;
	s0 =	sadd.s32 $0x61C00, s0;
	s8 =	sadd.s32 s14, s3  }
0xc: {  	s17 =	sshrl.u32 s14, $0x3;
	s14 =	simm.s32 $0x2;
	[dreg:$0x5] =	wrdreg s0  }
0xd: {  	s19 =	ssub.s32 s18, s9;
	s7 =	sadd.s32 s7, s3;
	s13 =	sadd.s32 $0x34400, s2  }
0xe: {  	s22 =	sadd.s32 $0x34420, s2;
	s23 =	sadd.s32 $0x34440, s2;
	s24 =	sadd.s32 $0x34460, s2  }
0xf: {  	s18 =	sadd.s32 $0x1FC00, s2;
	s25 =	sadd.s32 $0x1FC20, s2;
	[dreg:$0x8] =	wrdreg s22  }
0x10: {  	s26 =	sadd.s32 $0x1FC40, s2;
	s2 =	sadd.s32 $0x1FC60, s2;
	[dreg:$0x9] =	wrdreg s23  }
0x11: {  	s0 =	simm.s32 $0x2C00;
	s20 =	sadd.s32 $0x2800, s7;
	[dreg:$0xa] =	wrdreg s24  }
0x12: {  	s21 =	sadd.s32 $0x5000, s7;
	s11 =	sadd.s32 $0x7800, s7;
	[dreg:$0xb] =	wrdreg s25  }
.Ltmp0:
0x13: {  	s12 =	sadd.s32 $0xA000, s7;
	[dreg:$0xc] =	wrdreg s26;
	(pc) =	sbr.rel .LBB2_1-.Ltmp0, $4  }
0x14: {  	[dreg:$0xd] =	wrdreg s2;
	s22 =	smax.u32 s19, $0x1;
	s23 =	simm.s32 $0x400  }
0x15: {  	s24 =	simm.s32 $0x7;
	s25 =	simm.s32 $0x100;
	s26 =	simm.s32 $0x200  }
0x16: {  	s7 =	simm.s32 $0x5;
	s19 =	simm.s32 $0x280;
	[dreg:$0x6] =	wrdreg s20  }
0x17: {  	v0 =	vimm.f32 $0.0e+00;
	[dreg:$0x7] =	wrdreg s21;
	s20 =	simm.s32 $0x380;
	s21 =	simm.s32 $0x0  }
.LBB2_6:
0x18: {  	[tilespmem:s0], [sflag:$0x2] =	stream.indirect.gather [hbm4b:s1+s30], $0x50, s25, s30, $0xb8;
	[tilespmem:$0x11C00] =	vst v63  }
0x19: {  	s2 =	rddreg [dreg:$0x4]  }
.LBB2_10:
0x1a: {  	_ =	swait.ge [sflag:s6], $0x2800  }
0x1b: {  	[sflag:s6] =	ssyncset.done $0x0  }
0x1c: {  	[sflag:s6] =	ssyncadd.s32 $0xFFFFD800  }
0x1d: {  	_ =	swait.ge [sflag:s14], $0x2800  }
0x1e: {  	[sflag:s14] =	ssyncset.done $0x0  }
0x1f: {  	[sflag:s14] =	ssyncadd.s32 $0xFFFFD800  }
0x20: {  	_ =	swait.ge [sflag:s7], $0x100  }
0x21: {  	[sflag:s7] =	ssyncset.done $0x0  }
0x22: {  	[sflag:s7] =	ssyncadd.s32 $0xFFFFFF00  }
0x23: {  	s2 =	sadd.s32 s2, s17;
	s9 =	stileid.u32;
	_ =	swait.ge [sflag:s16], $0x100  }
0x24: {  	s10 =	sshrl.u32 s8, $0x3;
	s21 =	sadd.s32 $0x1, s21;
	[sflag:s16] =	ssyncset.done $0x0  }
0x25: {  	s9 =	sshll.u32 s9, $0x6;
	p1 =	sne.s32 s21, s22;
	[sflag:s16] =	ssyncadd.s32 $0xFFFFFF00  }
.Ltmp1:
0x26: {  	s9 =	sor.u32 $0x1C07, s9;
	[bflag:$0x0] =	sbarrier.arrive $0xFFFF;
	(pc) =	sbr.rel @!p1 .LBB2_11-.Ltmp1, $4  }
0x27: {  	[hbm:s2], [sflag:s9] =	dma.local [spmem:s10], $0x1900  }
0x28: {  	_ =	swait.ge [sflag:s24], $0x1900  }
0x29: {  	[sflag:s24] =	ssyncset.done $0x0  }
0x2a: {  	[sflag:s24] =	ssyncadd.s32 $0xFFFFE700  }
.LBB2_1:
0x2b: {  	s9 =	simm.s32 $0x140;
	s2 =	simm.s32 $0x0  }
.LBB2_2:
0x2c: {  	p1 =	sne.s32 s9, $0x9EC0;
	[tilespmem:s2+$0x440] =	vst v0;
	s10 =	smov.u32 s9;
	s9 =	sadd.s32 $0x140, s9  }
.Ltmp2:
0x2d: {  	[tilespmem:s2+$0x430] =	vst v0;
	(pc) =	sbr.rel @p1 .LBB2_2-.Ltmp2, $4  }
0x2e: {  	[tilespmem:s2+$0x420] =	vst v0  }
0x2f: {  	[tilespmem:s2+$0x400] =	vst v0  }
0x30: {  	[tilespmem:s2+$0x410] =	vst v0  }
0x31: {  	s2 =	sshra.s32 s10, $0x2  }
0x32: {  	[tilespmem:s2+$0x440] =	vst v0  }
0x33: {  	[tilespmem:s2+$0x430] =	vst v0  }
0x34: {  	[tilespmem:s2+$0x420] =	vst v0  }
0x35: {  	[tilespmem:s2+$0x400] =	vst v0  }
0x36: {  	[tilespmem:s2+$0x410] =	vst v0  }
0x37: {  	[spmem:s8] =	stream.linear.scatter [tilespmem:s23], [sflag:$0x7], $0x2800, $0x38;
	[tilespmem:$0x11C00] =	vst v63  }
0x38: {  	_ =	swait.ge [sflag:s24], $0x2800  }
0x39: {  	[sflag:s24] =	ssyncset.done $0x0  }
0x3a: {  	s9 =	rddreg [dreg:$0x6];
	[sflag:s24] =	ssyncadd.s32 $0xFFFFD800  }
0x3b: {  	[spmem:s9] =	stream.linear.scatter [tilespmem:s23], [sflag:$0x7], $0x2800, $0x38;
	[tilespmem:$0x11C00] =	vst v63  }
0x3c: {  	_ =	swait.ge [sflag:s24], $0x2800  }
0x3d: {  	[sflag:s24] =	ssyncset.done $0x0  }
0x3e: {  	s10 =	rddreg [dreg:$0x7];
	[sflag:s24] =	ssyncadd.s32 $0xFFFFD800  }
0x3f: {  	[spmem:s10] =	stream.linear.scatter [tilespmem:s23], [sflag:$0x7], $0x2800, $0x38;
	[tilespmem:$0x11C00] =	vst v63  }
0x40: {  	_ =	swait.ge [sflag:s24], $0x2800  }
0x41: {  	[sflag:s24] =	ssyncset.done $0x0  }
0x42: {  	[sflag:s24] =	ssyncadd.s32 $0xFFFFD800  }
0x43: {  	[spmem:s11] =	stream.linear.scatter [tilespmem:s23], [sflag:$0x7], $0x2800, $0x38;
	[tilespmem:$0x11C00] =	vst v63  }
0x44: {  	_ =	swait.ge [sflag:s24], $0x2800  }
0x45: {  	[sflag:s24] =	ssyncset.done $0x0  }
0x46: {  	[sflag:s24] =	ssyncadd.s32 $0xFFFFD800  }
0x47: {  	[spmem:s12] =	stream.linear.scatter [tilespmem:s23], [sflag:$0x7], $0x2800, $0x38;
	[tilespmem:$0x11C00] =	vst v63  }
.Ltmp3:
0x48: {  	_ =	swait.ge [sflag:s24], $0x2800;
	(pc) =	sbr.rel @!p0 .LBB2_4-.Ltmp3, $3  }
0x49: {  	[sflag:s24] =	ssyncset.done $0x0  }
0x4a: {  	[sflag:s24] =	ssyncadd.s32 $0xFFFFD800  }
0x4b: {  	[bflag:$0x0] =	sbarrier.arrive $0xFFFF;
	_ =	sdelay $0x1  }
0x4c: {  	[tilespmem:s4], [sflag:$0x3] =	stream.linear.gather [hbm4b:s18+s4], $0x100, $0x38;
	[tilespmem:$0x11C00] =	vst v63  }
0x4d: {  	s2 =	rddreg [dreg:$0xb]  }
0x4e: {  	[tilespmem:s25], [sflag:$0x4] =	stream.linear.gather [hbm4b:s2+s4], $0x100, $0x38;
	[tilespmem:$0x11C00] =	vst v63  }
0x4f: {  	s10 =	rddreg [dreg:$0xc]  }
0x50: {  	[tilespmem:s26], [sflag:$0x5] =	stream.linear.gather [hbm4b:s10+s4], $0x100, $0x38;
	[tilespmem:$0x11C00] =	vst v63  }
0x51: {  	s9 =	rddreg [dreg:$0xd]  }
0x52: {  	[tilespmem:s28], [sflag:$0x6] =	stream.linear.gather [hbm4b:s9+s4], $0x100, $0x38;
	[tilespmem:$0x11C00] =	vst v63  }
0x53: {  	_ =	swait.ge [sflag:s29], $0x100  }
0x54: {  	[sflag:s29] =	ssyncset.done $0x0  }
0x55: {  	[sflag:s29] =	ssyncadd.s32 $0xFFFFFF00  }
0x56: {  	[tilespmem:s23], [sflag:$0x1] =	stream.indirect.gather [hbm4b:s5+s30], $0x50, s4, s30, $0xb8;
	[tilespmem:$0x11C00] =	vst v63  }
0x57: {  	_ =	swait.ge [sflag:s31], $0x100  }
0x58: {  	[sflag:s31] =	ssyncset.done $0x0  }
0x59: {  	[sflag:s31] =	ssyncadd.s32 $0xFFFFFF00  }
0x5a: {  	[tilespmem:s0], [sflag:$0x2] =	stream.indirect.gather [hbm4b:s5+s30], $0x50, s25, s30, $0xb8;
	[tilespmem:$0x11C00] =	vst v63  }
0x5b: {  	_ =	swait.ge [sflag:s6], $0x2800  }
0x5c: {  	[sflag:s6] =	ssyncset.done $0x0  }
0x5d: {  	[sflag:s6] =	ssyncadd.s32 $0xFFFFD800  }
0x5e: {  	[spmem:s3] =	stream.indirect.scatter.add.f32 [tilespmem:s23], [sflag:$0x7], $0x50, s30, s30, $0xb8;
	[tilespmem:$0x11C00] =	vst v63  }
0x5f: {  	_ =	swait.ge [sflag:s24], $0x2800  }
0x60: {  	s2 =	sadd.s32 $0xFFFFEC00, s18;
	[sflag:s24] =	ssyncset.done $0x0  }
0x61: {  	s9 =	sadd.s32 $0x1480, s2;
	[sflag:s24] =	ssyncadd.s32 $0xFFFFD800  }
0x62: {  	[tilespmem:s4], [sflag:$0x3] =	stream.linear.gather [hbm4b:s9+s4], $0x100, $0x38;
	[tilespmem:$0x11C00] =	vst v63  }
0x63: {  	_ =	swait.ge [sflag:s7], $0x100  }
0x64: {  	[sflag:s7] =	ssyncset.done $0x0  }
0x65: {  	[sflag:s7] =	ssyncadd.s32 $0xFFFFFF00  }
0x66: {  	[tilespmem:s23], [sflag:$0x1] =	stream.indirect.gather [hbm4b:s5+s30], $0x50, s26, s30, $0xb8;
	[tilespmem:$0x11C00] =	vst v63  }
0x67: {  	_ =	swait.ge [sflag:s14], $0x2800  }
0x68: {  	[sflag:s14] =	ssyncset.done $0x0  }
0x69: {  	[sflag:s14] =	ssyncadd.s32 $0xFFFFD800  }
0x6a: {  	[spmem:s3] =	stream.indirect.scatter.add.f32 [tilespmem:s0], [sflag:$0x7], $0x50, s15, s30, $0xb8;
	[tilespmem:$0x11C00] =	vst v63  }
0x6b: {  	_ =	swait.ge [sflag:s24], $0x2800  }
0x6c: {  	[sflag:s24] =	ssyncset.done $0x0  }
0x6d: {  	s10 =	sadd.s32 $0x14A0, s2;
	[sflag:s24] =	ssyncadd.s32 $0xFFFFD800  }
0x6e: {  	[tilespmem:s25], [sflag:$0x4] =	stream.linear.gather [hbm4b:s10+s4], $0x100, $0x38;
	[tilespmem:$0x11C00] =	vst v63  }
0x6f: {  	_ =	swait.ge [sflag:s16], $0x100  }
0x70: {  	[sflag:s16] =	ssyncset.done $0x0  }
0x71: {  	[sflag:s16] =	ssyncadd.s32 $0xFFFFFF00  }
0x72: {  	[tilespmem:s0], [sflag:$0x2] =	stream.indirect.gather [hbm4b:s5+s30], $0x50, s28, s30, $0xb8;
	[tilespmem:$0x11C00] =	vst v63  }
0x73: {  	_ =	swait.ge [sflag:s6], $0x2800  }
0x74: {  	[sflag:s6] =	ssyncset.done $0x0  }
0x75: {  	[sflag:s6] =	ssyncadd.s32 $0xFFFFD800  }
0x76: {  	[spmem:s3] =	stream.indirect.scatter.add.f32 [tilespmem:s23], [sflag:$0x7], $0x50, s19, s30, $0xb8;
	[tilespmem:$0x11C00] =	vst v63  }
0x77: {  	_ =	swait.ge [sflag:s24], $0x2800  }
0x78: {  	[sflag:s24] =	ssyncset.done $0x0  }
0x79: {  	s10 =	sadd.s32 $0x14C0, s2;
	[sflag:s24] =	ssyncadd.s32 $0xFFFFD800  }
0x7a: {  	[tilespmem:s26], [sflag:$0x5] =	stream.linear.gather [hbm4b:s10+s4], $0x100, $0x38;
	[tilespmem:$0x11C00] =	vst v63  }
0x7b: {  	_ =	swait.ge [sflag:s29], $0x100  }
0x7c: {  	[sflag:s29] =	ssyncset.done $0x0  }
0x7d: {  	[sflag:s29] =	ssyncadd.s32 $0xFFFFFF00  }
0x7e: {  	[tilespmem:s23], [sflag:$0x1] =	stream.indirect.gather [hbm4b:s5+s30], $0x50, s4, s30, $0xb8;
	[tilespmem:$0x11C00] =	vst v63  }
0x7f: {  	_ =	swait.ge [sflag:s14], $0x2800  }
0x80: {  	[sflag:s14] =	ssyncset.done $0x0  }
0x81: {  	[sflag:s14] =	ssyncadd.s32 $0xFFFFD800  }
0x82: {  	[spmem:s3] =	stream.indirect.scatter.add.f32 [tilespmem:s0], [sflag:$0x7], $0x50, s20, s30, $0xb8;
	[tilespmem:$0x11C00] =	vst v63  }
0x83: {  	_ =	swait.ge [sflag:s24], $0x2800  }
0x84: {  	[sflag:s24] =	ssyncset.done $0x0  }
0x85: {  	s2 =	sadd.s32 $0x14E0, s2;
	[sflag:s24] =	ssyncadd.s32 $0xFFFFD800  }
0x86: {  	[tilespmem:s28], [sflag:$0x6] =	stream.linear.gather [hbm4b:s2+s4], $0x100, $0x38;
	[tilespmem:$0x11C00] =	vst v63  }
0x87: {  	_ =	swait.ge [sflag:s31], $0x100  }
0x88: {  	[sflag:s31] =	ssyncset.done $0x0  }
0x89: {  	s2 =	simm.s32 $0xFFFFEC80;
	[sflag:s31] =	ssyncadd.s32 $0xFFFFFF00  }
.LBB2_8:
0x8a: {  	[tilespmem:s0], [sflag:$0x2] =	stream.indirect.gather [hbm4b:s5+s30], $0x50, s25, s30, $0xb8;
	[tilespmem:$0x11C00] =	vst v63  }
0x8b: {  	s9 =	smov.u32 s2  }
0x8c: {  	p1 =	sne.s32 s2, $0xFFFFFF80;
	s2 =	sadd.s32 $0x80, s2;
	_ =	swait.ge [sflag:s6], $0x2800  }
0x8d: {  	[sflag:s6] =	ssyncset.done $0x0  }
0x8e: {  	[sflag:s6] =	ssyncadd.s32 $0xFFFFD800  }
0x8f: {  	[spmem:s3] =	stream.indirect.scatter.add.f32 [tilespmem:s23], [sflag:$0x7], $0x50, s30, s30, $0xb8;
	[tilespmem:$0x11C00] =	vst v63  }
0x90: {  	_ =	swait.ge [sflag:s24], $0x2800  }
0x91: {  	s9 =	sadd.s32 s9, s18;
	[sflag:s24] =	ssyncset.done $0x0  }
0x92: {  	s10 =	sadd.s32 $0x1480, s9;
	[sflag:s24] =	ssyncadd.s32 $0xFFFFD800  }
0x93: {  	[tilespmem:s4], [sflag:$0x3] =	stream.linear.gather [hbm4b:s10+s4], $0x100, $0x38;
	[tilespmem:$0x11C00] =	vst v63  }
0x94: {  	_ =	swait.ge [sflag:s7], $0x100  }
0x95: {  	[sflag:s7] =	ssyncset.done $0x0  }
0x96: {  	[sflag:s7] =	ssyncadd.s32 $0xFFFFFF00  }
0x97: {  	[tilespmem:s23], [sflag:$0x1] =	stream.indirect.gather [hbm4b:s5+s30], $0x50, s26, s30, $0xb8;
	[tilespmem:$0x11C00] =	vst v63  }
0x98: {  	_ =	swait.ge [sflag:s14], $0x2800  }
0x99: {  	[sflag:s14] =	ssyncset.done $0x0  }
0x9a: {  	[sflag:s14] =	ssyncadd.s32 $0xFFFFD800  }
0x9b: {  	[spmem:s3] =	stream.indirect.scatter.add.f32 [tilespmem:s0], [sflag:$0x7], $0x50, s15, s30, $0xb8;
	[tilespmem:$0x11C00] =	vst v63  }
0x9c: {  	_ =	swait.ge [sflag:s24], $0x2800  }
0x9d: {  	[sflag:s24] =	ssyncset.done $0x0  }
0x9e: {  	s10 =	sadd.s32 $0x14A0, s9;
	[sflag:s24] =	ssyncadd.s32 $0xFFFFD800  }
0x9f: {  	[tilespmem:s25], [sflag:$0x4] =	stream.linear.gather [hbm4b:s10+s4], $0x100, $0x38;
	[tilespmem:$0x11C00] =	vst v63  }
0xa0: {  	_ =	swait.ge [sflag:s16], $0x100  }
0xa1: {  	[sflag:s16] =	ssyncset.done $0x0  }
0xa2: {  	[sflag:s16] =	ssyncadd.s32 $0xFFFFFF00  }
0xa3: {  	[tilespmem:s0], [sflag:$0x2] =	stream.indirect.gather [hbm4b:s5+s30], $0x50, s28, s30, $0xb8;
	[tilespmem:$0x11C00] =	vst v63  }
0xa4: {  	_ =	swait.ge [sflag:s6], $0x2800  }
0xa5: {  	[sflag:s6] =	ssyncset.done $0x0  }
0xa6: {  	[sflag:s6] =	ssyncadd.s32 $0xFFFFD800  }
0xa7: {  	[spmem:s3] =	stream.indirect.scatter.add.f32 [tilespmem:s23], [sflag:$0x7], $0x50, s19, s30, $0xb8;
	[tilespmem:$0x11C00] =	vst v63  }
0xa8: {  	_ =	swait.ge [sflag:s24], $0x2800  }
0xa9: {  	[sflag:s24] =	ssyncset.done $0x0  }
0xaa: {  	s10 =	sadd.s32 $0x14C0, s9;
	[sflag:s24] =	ssyncadd.s32 $0xFFFFD800  }
0xab: {  	[tilespmem:s26], [sflag:$0x5] =	stream.linear.gather [hbm4b:s10+s4], $0x100, $0x38;
	[tilespmem:$0x11C00] =	vst v63  }
0xac: {  	_ =	swait.ge [sflag:s29], $0x100  }
0xad: {  	[sflag:s29] =	ssyncset.done $0x0  }
0xae: {  	[sflag:s29] =	ssyncadd.s32 $0xFFFFFF00  }
0xaf: {  	[tilespmem:s23], [sflag:$0x1] =	stream.indirect.gather [hbm4b:s5+s30], $0x50, s4, s30, $0xb8;
	[tilespmem:$0x11C00] =	vst v63  }
0xb0: {  	_ =	swait.ge [sflag:s14], $0x2800  }
0xb1: {  	[sflag:s14] =	ssyncset.done $0x0  }
0xb2: {  	[sflag:s14] =	ssyncadd.s32 $0xFFFFD800  }
0xb3: {  	[spmem:s3] =	stream.indirect.scatter.add.f32 [tilespmem:s0], [sflag:$0x7], $0x50, s20, s30, $0xb8;
	[tilespmem:$0x11C00] =	vst v63  }
0xb4: {  	_ =	swait.ge [sflag:s24], $0x2800  }
0xb5: {  	[sflag:s24] =	ssyncset.done $0x0  }
.Ltmp4:
0xb6: {  	s9 =	sadd.s32 $0x14E0, s9;
	[sflag:s24] =	ssyncadd.s32 $0xFFFFD800;
	(pc) =	sbr.rel @p1 .LBB2_8-.Ltmp4, $4  }
0xb7: {  	[tilespmem:s28], [sflag:$0x6] =	stream.linear.gather [hbm4b:s9+s4], $0x100, $0x38;
	[tilespmem:$0x11C00] =	vst v63  }
0xb8: {  	_ =	swait.ge [sflag:s31], $0x100  }
0xb9: {  	[sflag:s31] =	ssyncset.done $0x0  }
0xba: {  	[sflag:s31] =	ssyncadd.s32 $0xFFFFFF00  }
.Ltmp5:
0xbb: {  	(pc) =	sbr.rel .LBB2_10-.Ltmp5, $3  }
0xbc: {  	_ =	sdelay $0x1  }
0xbd: {  	[tilespmem:s0], [sflag:$0x2] =	stream.indirect.gather [hbm4b:s5+s30], $0x50, s25, s30, $0xb8;
	[tilespmem:$0x11C00] =	vst v63  }
0xbe: {  	s2 =	rddreg [dreg:$0x5]  }
.LBB2_4:
0xbf: {  	[tilespmem:s4], [sflag:$0x3] =	stream.linear.gather [hbm4b:s13+s4], $0x100, $0x38;
	[tilespmem:$0x11C00] =	vst v63  }
0xc0: {  	s2 =	rddreg [dreg:$0x8]  }
0xc1: {  	[tilespmem:s25], [sflag:$0x4] =	stream.linear.gather [hbm4b:s2+s4], $0x100, $0x38;
	[tilespmem:$0x11C00] =	vst v63  }
0xc2: {  	s10 =	rddreg [dreg:$0x9]  }
0xc3: {  	[tilespmem:s26], [sflag:$0x5] =	stream.linear.gather [hbm4b:s10+s4], $0x100, $0x38;
	[tilespmem:$0x11C00] =	vst v63  }
0xc4: {  	s9 =	rddreg [dreg:$0xa]  }
0xc5: {  	[tilespmem:s28], [sflag:$0x6] =	stream.linear.gather [hbm4b:s9+s4], $0x100, $0x38;
	[tilespmem:$0x11C00] =	vst v63  }
0xc6: {  	_ =	swait.ge [sflag:s29], $0x100  }
0xc7: {  	[sflag:s29] =	ssyncset.done $0x0  }
0xc8: {  	[sflag:s29] =	ssyncadd.s32 $0xFFFFFF00  }
0xc9: {  	[tilespmem:s23], [sflag:$0x1] =	stream.indirect.gather [hbm4b:s1+s30], $0x50, s4, s30, $0xb8;
	[tilespmem:$0x11C00] =	vst v63  }
0xca: {  	_ =	swait.ge [sflag:s31], $0x100  }
0xcb: {  	[sflag:s31] =	ssyncset.done $0x0  }
0xcc: {  	[sflag:s31] =	ssyncadd.s32 $0xFFFFFF00  }
0xcd: {  	[tilespmem:s0], [sflag:$0x2] =	stream.indirect.gather [hbm4b:s1+s30], $0x50, s25, s30, $0xb8;
	[tilespmem:$0x11C00] =	vst v63  }
0xce: {  	_ =	swait.ge [sflag:s6], $0x2800  }
0xcf: {  	[sflag:s6] =	ssyncset.done $0x0  }
0xd0: {  	[sflag:s6] =	ssyncadd.s32 $0xFFFFD800  }
0xd1: {  	[spmem:s3] =	stream.indirect.scatter.add.f32 [tilespmem:s23], [sflag:$0x7], $0x50, s30, s30, $0xb8;
	[tilespmem:$0x11C00] =	vst v63  }
0xd2: {  	_ =	swait.ge [sflag:s24], $0x2800  }
0xd3: {  	s2 =	sadd.s32 $0xFFFFEC00, s13;
	[sflag:s24] =	ssyncset.done $0x0  }
0xd4: {  	s9 =	sadd.s32 $0x1480, s2;
	[sflag:s24] =	ssyncadd.s32 $0xFFFFD800  }
0xd5: {  	[tilespmem:s4], [sflag:$0x3] =	stream.linear.gather [hbm4b:s9+s4], $0x100, $0x38;
	[tilespmem:$0x11C00] =	vst v63  }
0xd6: {  	_ =	swait.ge [sflag:s7], $0x100  }
0xd7: {  	[sflag:s7] =	ssyncset.done $0x0  }
0xd8: {  	[sflag:s7] =	ssyncadd.s32 $0xFFFFFF00  }
0xd9: {  	[tilespmem:s23], [sflag:$0x1] =	stream.indirect.gather [hbm4b:s1+s30], $0x50, s26, s30, $0xb8;
	[tilespmem:$0x11C00] =	vst v63  }
0xda: {  	_ =	swait.ge [sflag:s14], $0x2800  }
0xdb: {  	[sflag:s14] =	ssyncset.done $0x0  }
0xdc: {  	[sflag:s14] =	ssyncadd.s32 $0xFFFFD800  }
0xdd: {  	[spmem:s3] =	stream.indirect.scatter.add.f32 [tilespmem:s0], [sflag:$0x7], $0x50, s15, s30, $0xb8;
	[tilespmem:$0x11C00] =	vst v63  }
0xde: {  	_ =	swait.ge [sflag:s24], $0x2800  }
0xdf: {  	[sflag:s24] =	ssyncset.done $0x0  }
0xe0: {  	s10 =	sadd.s32 $0x14A0, s2;
	[sflag:s24] =	ssyncadd.s32 $0xFFFFD800  }
0xe1: {  	[tilespmem:s25], [sflag:$0x4] =	stream.linear.gather [hbm4b:s10+s4], $0x100, $0x38;
	[tilespmem:$0x11C00] =	vst v63  }
0xe2: {  	_ =	swait.ge [sflag:s16], $0x100  }
0xe3: {  	[sflag:s16] =	ssyncset.done $0x0  }
0xe4: {  	[sflag:s16] =	ssyncadd.s32 $0xFFFFFF00  }
0xe5: {  	[tilespmem:s0], [sflag:$0x2] =	stream.indirect.gather [hbm4b:s1+s30], $0x50, s28, s30, $0xb8;
	[tilespmem:$0x11C00] =	vst v63  }
0xe6: {  	_ =	swait.ge [sflag:s6], $0x2800  }
0xe7: {  	[sflag:s6] =	ssyncset.done $0x0  }
0xe8: {  	[sflag:s6] =	ssyncadd.s32 $0xFFFFD800  }
0xe9: {  	[spmem:s3] =	stream.indirect.scatter.add.f32 [tilespmem:s23], [sflag:$0x7], $0x50, s19, s30, $0xb8;
	[tilespmem:$0x11C00] =	vst v63  }
0xea: {  	_ =	swait.ge [sflag:s24], $0x2800  }
0xeb: {  	[sflag:s24] =	ssyncset.done $0x0  }
0xec: {  	s10 =	sadd.s32 $0x14C0, s2;
	[sflag:s24] =	ssyncadd.s32 $0xFFFFD800  }
0xed: {  	[tilespmem:s26], [sflag:$0x5] =	stream.linear.gather [hbm4b:s10+s4], $0x100, $0x38;
	[tilespmem:$0x11C00] =	vst v63  }
0xee: {  	_ =	swait.ge [sflag:s29], $0x100  }
0xef: {  	[sflag:s29] =	ssyncset.done $0x0  }
0xf0: {  	[sflag:s29] =	ssyncadd.s32 $0xFFFFFF00  }
0xf1: {  	[tilespmem:s23], [sflag:$0x1] =	stream.indirect.gather [hbm4b:s1+s30], $0x50, s4, s30, $0xb8;
	[tilespmem:$0x11C00] =	vst v63  }
0xf2: {  	_ =	swait.ge [sflag:s14], $0x2800  }
0xf3: {  	[sflag:s14] =	ssyncset.done $0x0  }
0xf4: {  	[sflag:s14] =	ssyncadd.s32 $0xFFFFD800  }
0xf5: {  	[spmem:s3] =	stream.indirect.scatter.add.f32 [tilespmem:s0], [sflag:$0x7], $0x50, s20, s30, $0xb8;
	[tilespmem:$0x11C00] =	vst v63  }
0xf6: {  	_ =	swait.ge [sflag:s24], $0x2800  }
0xf7: {  	[sflag:s24] =	ssyncset.done $0x0  }
0xf8: {  	s2 =	sadd.s32 $0x14E0, s2;
	[sflag:s24] =	ssyncadd.s32 $0xFFFFD800  }
0xf9: {  	[tilespmem:s28], [sflag:$0x6] =	stream.linear.gather [hbm4b:s2+s4], $0x100, $0x38;
	[tilespmem:$0x11C00] =	vst v63  }
0xfa: {  	_ =	swait.ge [sflag:s31], $0x100  }
0xfb: {  	[sflag:s31] =	ssyncset.done $0x0  }
0xfc: {  	s2 =	simm.s32 $0xFFFFEC80;
	[sflag:s31] =	ssyncadd.s32 $0xFFFFFF00  }
.LBB2_5:
0xfd: {  	[tilespmem:s0], [sflag:$0x2] =	stream.indirect.gather [hbm4b:s1+s30], $0x50, s25, s30, $0xb8;
	[tilespmem:$0x11C00] =	vst v63  }
0xfe: {  	s9 =	smov.u32 s2  }
0xff: {  	p1 =	seq.s32 s2, $0xFFFFFF80;
	s2 =	sadd.s32 $0x80, s2;
	_ =	swait.ge [sflag:s6], $0x2800  }
0x100: {  	[sflag:s6] =	ssyncset.done $0x0  }
0x101: {  	[sflag:s6] =	ssyncadd.s32 $0xFFFFD800  }
0x102: {  	[spmem:s3] =	stream.indirect.scatter.add.f32 [tilespmem:s23], [sflag:$0x7], $0x50, s30, s30, $0xb8;
	[tilespmem:$0x11C00] =	vst v63  }
0x103: {  	_ =	swait.ge [sflag:s24], $0x2800  }
0x104: {  	s9 =	sadd.s32 s9, s13;
	[sflag:s24] =	ssyncset.done $0x0  }
0x105: {  	s10 =	sadd.s32 $0x1480, s9;
	[sflag:s24] =	ssyncadd.s32 $0xFFFFD800  }
0x106: {  	[tilespmem:s4], [sflag:$0x3] =	stream.linear.gather [hbm4b:s10+s4], $0x100, $0x38;
	[tilespmem:$0x11C00] =	vst v63  }
0x107: {  	_ =	swait.ge [sflag:s7], $0x100  }
0x108: {  	[sflag:s7] =	ssyncset.done $0x0  }
0x109: {  	[sflag:s7] =	ssyncadd.s32 $0xFFFFFF00  }
0x10a: {  	[tilespmem:s23], [sflag:$0x1] =	stream.indirect.gather [hbm4b:s1+s30], $0x50, s26, s30, $0xb8;
	[tilespmem:$0x11C00] =	vst v63  }
0x10b: {  	_ =	swait.ge [sflag:s14], $0x2800  }
0x10c: {  	[sflag:s14] =	ssyncset.done $0x0  }
0x10d: {  	[sflag:s14] =	ssyncadd.s32 $0xFFFFD800  }
0x10e: {  	[spmem:s3] =	stream.indirect.scatter.add.f32 [tilespmem:s0], [sflag:$0x7], $0x50, s15, s30, $0xb8;
	[tilespmem:$0x11C00] =	vst v63  }
0x10f: {  	_ =	swait.ge [sflag:s24], $0x2800  }
0x110: {  	[sflag:s24] =	ssyncset.done $0x0  }
0x111: {  	s10 =	sadd.s32 $0x14A0, s9;
	[sflag:s24] =	ssyncadd.s32 $0xFFFFD800  }
0x112: {  	[tilespmem:s25], [sflag:$0x4] =	stream.linear.gather [hbm4b:s10+s4], $0x100, $0x38;
	[tilespmem:$0x11C00] =	vst v63  }
0x113: {  	_ =	swait.ge [sflag:s16], $0x100  }
0x114: {  	[sflag:s16] =	ssyncset.done $0x0  }
0x115: {  	[sflag:s16] =	ssyncadd.s32 $0xFFFFFF00  }
0x116: {  	[tilespmem:s0], [sflag:$0x2] =	stream.indirect.gather [hbm4b:s1+s30], $0x50, s28, s30, $0xb8;
	[tilespmem:$0x11C00] =	vst v63  }
0x117: {  	_ =	swait.ge [sflag:s6], $0x2800  }
0x118: {  	[sflag:s6] =	ssyncset.done $0x0  }
0x119: {  	[sflag:s6] =	ssyncadd.s32 $0xFFFFD800  }
0x11a: {  	[spmem:s3] =	stream.indirect.scatter.add.f32 [tilespmem:s23], [sflag:$0x7], $0x50, s19, s30, $0xb8;
	[tilespmem:$0x11C00] =	vst v63  }
0x11b: {  	_ =	swait.ge [sflag:s24], $0x2800  }
0x11c: {  	[sflag:s24] =	ssyncset.done $0x0  }
0x11d: {  	s10 =	sadd.s32 $0x14C0, s9;
	[sflag:s24] =	ssyncadd.s32 $0xFFFFD800  }
0x11e: {  	[tilespmem:s26], [sflag:$0x5] =	stream.linear.gather [hbm4b:s10+s4], $0x100, $0x38;
	[tilespmem:$0x11C00] =	vst v63  }
0x11f: {  	_ =	swait.ge [sflag:s29], $0x100  }
0x120: {  	[sflag:s29] =	ssyncset.done $0x0  }
0x121: {  	[sflag:s29] =	ssyncadd.s32 $0xFFFFFF00  }
0x122: {  	[tilespmem:s23], [sflag:$0x1] =	stream.indirect.gather [hbm4b:s1+s30], $0x50, s4, s30, $0xb8;
	[tilespmem:$0x11C00] =	vst v63  }
0x123: {  	_ =	swait.ge [sflag:s14], $0x2800  }
0x124: {  	[sflag:s14] =	ssyncset.done $0x0  }
0x125: {  	[sflag:s14] =	ssyncadd.s32 $0xFFFFD800  }
0x126: {  	[spmem:s3] =	stream.indirect.scatter.add.f32 [tilespmem:s0], [sflag:$0x7], $0x50, s20, s30, $0xb8;
	[tilespmem:$0x11C00] =	vst v63  }
0x127: {  	_ =	swait.ge [sflag:s24], $0x2800  }
0x128: {  	[sflag:s24] =	ssyncset.done $0x0  }
.Ltmp6:
0x129: {  	s9 =	sadd.s32 $0x14E0, s9;
	[sflag:s24] =	ssyncadd.s32 $0xFFFFD800;
	(pc) =	sbr.rel @!p1 .LBB2_5-.Ltmp6, $4  }
0x12a: {  	[tilespmem:s28], [sflag:$0x6] =	stream.linear.gather [hbm4b:s9+s4], $0x100, $0x38;
	[tilespmem:$0x11C00] =	vst v63  }
0x12b: {  	_ =	swait.ge [sflag:s31], $0x100  }
0x12c: {  	[sflag:s31] =	ssyncset.done $0x0  }
0x12d: {  	[sflag:s31] =	ssyncadd.s32 $0xFFFFFF00  }
.Ltmp7:
0x12e: {  	_ = 	snop;
	(pc) =	sbr.rel .LBB2_6-.Ltmp7, $1  }
0x12f: {  	_ =	sdelay $0x3  }
.LBB2_11:
0x130: {  	_ =	sfence.sel $0x180000  }
0x131: {  	[bflag:$0x0] =	sbarrier.arrive $0xFFFF  }
0x132: {  	_ =	strace $0x90000047  }
0x133: {  	s0 =	stileid.u32;
	[bflag:$0x2] =	sbarrier.arrive $0xFFFF  }
0x134: {  	p0 =	sne.s32 s0, $0x0;
	s0 =	rddreg [dreg:$0x3]  }
0x135: {  	s0 =	sadd.s32 @!p0 $0x100000, s0  }
0x136: {  	[sflag:s0] =	ssyncadd.tile.s32 @!p0 $0x1;
	_ =	shalt  }
.Lfunc_end2:
_tile_overlayer_lowered:
.L_overlay_start_2:
0x137: {  	(tag) =	ssettag $0x2  }
0x138: {  	s0 =	rddreg [dreg:$0x0];
	s2 =	stileid.u32  }
0x139: {  	s1 =	rddreg [dreg:$0x1];
	p0 =	sne.s32 s2, $0x0  }
0x13a: {  	s3 =	rddreg [dreg:$0x2];
	[bflag:$0x3] =	sbarrier.arrive $0xFFFF;
	s2 =	simm.s32 @!p0 $0x1C07  }
0x13b: {  	[timem:s3], [sflag:s2] =	dma.local @!p0 [hbm:s0], s1  }
0x13c: {  	s0 =	simm.s32 @!p0 $0x7  }
0x13d: {  	_ =	swait.ge @!p0 [sflag:s0], s1  }
0x13e: {  	s1 =	ssub.s32 @!p0 $0x0, s1;
	[sflag:s0] =	ssyncset.done @!p0 $0x0  }
0x13f: {  	[sflag:s0] =	ssyncadd.s32 @!p0 s1  }
0x140: {  	[bflag:$0x3] =	sbarrier.arrive $0xFFFF  }
0x141: {  	_ =	shalt  }

</sc_bundles>
